<compile_context>
chip_gen: v7x
topology: tpu7x:2x2x1
jax: 0.10.2.dev20260603
libtpu: 0.0.44.dev20260713+nightly
codegen_flags: <defaults>
</compile_context>

<pallas_src>
import functools

import jax
import jax.numpy as jnp
from jax import lax
from jax.experimental import pallas as pl
from jax.experimental.pallas import tpu as pltpu
from jax.experimental.pallas import tpu_sc as plsc

N_NODES = 10000
N_EDGES = 320000
DIM = 128

NC = 2
NS = 16
NW = NC * NS
CH = 128
CPW = 80
PADDED_CHUNKS = NW * CPW + 2
PADDED_E = PADDED_CHUNKS * CH
ROWS_PER_TILE = 624
TAIL_ROWS = N_NODES - NS * ROWS_PER_TILE


def _mm_body(x_ref, w_ref, b_ref, o_ref):
    o_ref[...] = lax.dot_general(
        x_ref[...], w_ref[...], (((1,), (1,)), ((), ())),
        preferred_element_type=jnp.float32) + b_ref[...]


_matmul = pl.pallas_call(
    _mm_body,
    grid=(10,),
    in_specs=[
        pl.BlockSpec((1000, DIM), lambda i: (i, 0)),
        pl.BlockSpec((DIM, DIM), lambda i: (0, 0)),
        pl.BlockSpec((1, DIM), lambda i: (0, 0)),
    ],
    out_specs=pl.BlockSpec((1000, DIM), lambda i: (i, 0)),
    out_shape=jax.ShapeDtypeStruct((N_NODES, DIM), jnp.float32),
)


def _add_body(p_ref, o_ref):
    o_ref[...] = p_ref[0] + p_ref[1]


_combine = pl.pallas_call(
    _add_body,
    grid=(10,),
    in_specs=[pl.BlockSpec((2, 1000, DIM), lambda i: (0, i, 0))],
    out_specs=pl.BlockSpec((1000, DIM), lambda i: (i, 0)),
    out_shape=jax.ShapeDtypeStruct((N_NODES, DIM), jnp.float32),
)


_MESH = plsc.VectorSubcoreMesh(
    core_axis_name="c", subcore_axis_name="s", num_cores=NC, num_subcores=NS)


@functools.partial(
    pl.kernel,
    out_type=jax.ShapeDtypeStruct((NC, N_NODES, DIM), jnp.float32),
    mesh=_MESH,
    compiler_params=pltpu.CompilerParams(needs_layout_passes=False),
    scratch_types=[
        pltpu.VMEM((4, CH), jnp.int32),
        pltpu.VMEM((4, CH), jnp.int32),
        pltpu.VMEM((4, CH), jnp.float32),
        pltpu.VMEM((2, CH, DIM), jnp.float32),
        pltpu.VMEM_SHARED((N_NODES, DIM), jnp.float32),
        pltpu.SemaphoreType.DMA((4,)),
        pltpu.SemaphoreType.DMA((2,)),
    ],
)
def _spmm(h_hbm, row_hbm, col_hbm, vals_hbm, out_hbm,
          col_v, row_v, vals_v, rows_v, acc, isem, gsem):
    cid = lax.axis_index("c")
    sid = lax.axis_index("s")
    wid = sid * NC + cid

    def chunk_base(c):
        return (wid * CPW + c) * CH

    def issue_idx(c, islot):
        base = chunk_base(c)
        pltpu.async_copy(row_hbm.at[pl.ds(base, CH)], row_v.at[islot],
                         isem.at[islot])
        pltpu.async_copy(col_hbm.at[pl.ds(base, CH)], col_v.at[islot],
                         isem.at[islot])
        pltpu.async_copy(vals_hbm.at[pl.ds(base, CH)], vals_v.at[islot],
                         isem.at[islot])

    def wait_idx(islot):
        pltpu.make_async_copy(row_hbm.at[pl.ds(0, CH)], row_v.at[islot],
                              isem.at[islot]).wait()
        pltpu.make_async_copy(col_hbm.at[pl.ds(0, CH)], col_v.at[islot],
                              isem.at[islot]).wait()
        pltpu.make_async_copy(vals_hbm.at[pl.ds(0, CH)], vals_v.at[islot],
                              isem.at[islot]).wait()

    def issue_gather(rslot, islot):
        pltpu.async_copy(h_hbm.at[col_v.at[islot]], rows_v.at[rslot],
                         gsem.at[rslot])

    def wait_gather(rslot):
        pltpu.make_async_copy(h_hbm.at[col_v.at[0]], rows_v.at[rslot],
                              gsem.at[rslot]).wait()

    def scale(rslot, islot):
        @plsc.parallel_loop(0, CH, 1, unroll=8)
        def _scale_body(e):
            valv = plsc.load_gather(vals_v.at[islot],
                                    [jnp.full((16,), e, jnp.int32)])
            for f in range(DIM // 16):
                sl = pl.ds(f * 16, 16)
                rows_v[rslot, e, sl] = rows_v[rslot, e, sl] * valv

    def scatter(rslot, islot):
        pltpu.sync_copy(rows_v.at[rslot], acc.at[row_v.at[islot]], add=True)

    issue_idx(0, 0)
    issue_idx(1, 1)
    wait_idx(0)
    issue_gather(0, 0)

    zv = jnp.zeros((16,), jnp.float32)

    def _zero_body(e, carry):
        for f in range(DIM // 16):
            rows_v[1, e, pl.ds(f * 16, 16)] = zv
        return carry

    lax.fori_loop(0, CH, _zero_body, 0)
    r0 = sid * ROWS_PER_TILE
    for j in range(4):
        pltpu.sync_copy(rows_v.at[1], acc.at[pl.ds(r0 + j * CH, CH)])
    pltpu.sync_copy(rows_v.at[1, pl.ds(0, ROWS_PER_TILE - 4 * CH)],
                    acc.at[pl.ds(r0 + 4 * CH, ROWS_PER_TILE - 4 * CH)])

    @pl.when(sid == NS - 1)
    def _zero_tail():
        pltpu.sync_copy(rows_v.at[1, pl.ds(0, TAIL_ROWS)],
                        acc.at[pl.ds(NS * ROWS_PER_TILE, TAIL_ROWS)])

    plsc.subcore_barrier()

    def _outer(j, carry):
        for k in range(4):
            c = j * 4 + k
            islot, rslot = k, k % 2
            issue_idx(c + 2, (k + 2) % 4)
            wait_idx((k + 1) % 4)
            issue_gather((k + 1) % 2, (k + 1) % 4)
            wait_gather(rslot)
            scale(rslot, islot)
            scatter(rslot, islot)
        return carry

    lax.fori_loop(0, CPW // 4, _outer, 0)

    wait_idx(1)
    wait_gather(0)

    plsc.subcore_barrier()
    pltpu.sync_copy(acc.at[pl.ds(r0, ROWS_PER_TILE)],
                    out_hbm.at[cid, pl.ds(r0, ROWS_PER_TILE)])

    @pl.when(sid == NS - 1)
    def _write_tail():
        pltpu.sync_copy(acc.at[pl.ds(NS * ROWS_PER_TILE, TAIL_ROWS)],
                        out_hbm.at[cid, pl.ds(NS * ROWS_PER_TILE, TAIL_ROWS)])


def kernel(x, adj_indices, adj_values, W, b):
    idx = adj_indices.astype(jnp.int32)
    pad = PADDED_E - N_EDGES
    spread = jnp.arange(pad, dtype=jnp.int32) % N_NODES
    row = jnp.concatenate([idx[0], spread])
    col = jnp.concatenate([idx[1], spread])
    vals = jnp.concatenate([adj_values, jnp.zeros((pad,), jnp.float32)])
    h = _matmul(x, W, b.reshape(1, DIM))
    parts = _spmm(h, row, col, vals)
    return _combine(parts)

# --- scband reference (transcript-rebuilt; emitter-appended) ---
"""Pipeline reference for scband-gcnlayer-78718160601829 (READ-ONLY COPY).

The authoritative reference and input builder live on the scoring server;
editing this copy changes nothing except your own understanding.
"""

import jax, jax.numpy as jnp
import numpy as np

N_NODES = 10000
N_EDGES = 320000
IN_DIM = 128
OUT_DIM = 128


def setup_inputs(seed: int = 0) -> dict:
    key = jax.random.key(seed)
    k1, k2, k3, k4, k5 = jax.random.split(key, 5)
    x = jax.random.normal(k1, (N_NODES, IN_DIM), dtype=jnp.float32)
    adj_indices = jax.random.randint(k2, (2, N_EDGES), 0, N_NODES, dtype=jnp.int64)
    adj_values = jax.random.uniform(k3, (N_EDGES,), dtype=jnp.float32)
    # nn.Linear(in_dim, out_dim): W [out_dim, in_dim], b [out_dim]
    bound = 1.0 / np.sqrt(IN_DIM)
    W = jax.random.uniform(k4, (OUT_DIM, IN_DIM), dtype=jnp.float32, minval=-bound, maxval=bound)
    b = jax.random.uniform(k5, (OUT_DIM,), dtype=jnp.float32, minval=-bound, maxval=bound)
    return {"x": x, "adj_indices": adj_indices, "adj_values": adj_values, "W": W, "b": b}


def reference(x, adj_indices, adj_values, W, b):
    # h = self.linear(x)
    h = x @ W.T + b
    # out = torch.sparse.mm(adj, h): out[row] += val * h[col]
    row = adj_indices[0]
    col = adj_indices[1]
    gathered = adj_values[:, None] * jnp.take(h, col, axis=0)
    out = jnp.zeros((x.shape[0], W.shape[0]), dtype=h.dtype).at[row].add(gathered)
    return out

if __name__ == "__main__":
    import jax
    _d = setup_inputs()
    print(jax.jit(kernel)(*tuple(_d.values())))

</pallas_src>

<mosaic_0001>
#map = affine_map<(d0, d1) -> (0, 0)>
#map1 = affine_map<(d0, d1) -> (0)>
#map2 = affine_map<(d0, d1) -> (0, 0, 0)>
module attributes {stable_mosaic.version = 14 : i64} {
  func.func @_spmm(%arg0: i32, %arg1: i32, %arg2: memref<10000x128xf32, #tpu.memory_space<hbm>>, %arg3: memref<327936xi32, #tpu.memory_space<hbm>>, %arg4: memref<327936xi32, #tpu.memory_space<hbm>>, %arg5: memref<327936xf32, #tpu.memory_space<hbm>>, %arg6: memref<2x10000x128xf32, #tpu.memory_space<hbm>>, %arg7: memref<4x128xi32, #tpu.memory_space<vmem>>, %arg8: memref<4x128xi32, #tpu.memory_space<vmem>>, %arg9: memref<4x128xf32, #tpu.memory_space<vmem>>, %arg10: memref<2x128x128xf32, #tpu.memory_space<vmem>>, %arg11: memref<10000x128xf32, #tpu.memory_space<vmem_shared>>, %arg12: memref<4x!tpu.dma_semaphore, #tpu.memory_space<semaphore_mem>>, %arg13: memref<2x!tpu.dma_semaphore, #tpu.memory_space<semaphore_mem>>) attributes {dimension_semantics = [#tpu.dimension_semantics<core_parallel>, #tpu.dimension_semantics<subcore_parallel>], iteration_bounds = array<i64: 2, 16>, scalar_prefetch = 0 : i64, scratch_operands = 7 : i64, tpu.core_type = #tpu.core_type<sc_vector_subcore>, window_params = [{transform_indices = #map}, {transform_indices = #map1}, {transform_indices = #map1}, {transform_indices = #map1}, {transform_indices = #map2}]} {
    %mul3A = arith.constant 2 : i32
    %mul3A_0 = arith.muli %arg1, %mul3A : i32
    %add3A = arith.addi %mul3A_0, %arg0 : i32
    %mul3A_1 = arith.constant 80 : i32
    %mul3A_2 = arith.muli %add3A, %mul3A_1 : i32
    %add3A_3 = arith.constant 0 : i32
    %add3A_4 = arith.addi %mul3A_2, %add3A_3 : i32
    %mul3A_5 = arith.constant 128 : i32
    %mul3A_6 = arith.muli %add3A_4, %mul3A_5 : i32
    %dma_start3A = arith.constant 0 : i32
    %dma_start3A_7 = arith.constant 0 : i32
    %dma_start3A_8 = arith.constant 0 : i32
    %dma_start3A_9 = tpu.memref_slice %arg8[%dma_start3A, %dma_start3A_8] : memref<4x128xi32, #tpu.memory_space<vmem>> -> memref<1x128xi32, #tpu.memory_space<vmem>>
    %dma_start3A_10 = tpu.memref_squeeze %dma_start3A_9 : memref<1x128xi32, #tpu.memory_space<vmem>> -> memref<128xi32, #tpu.memory_space<vmem>>
    %dma_start3A_11 = tpu.memref_slice %arg3[%mul3A_6] : memref<327936xi32, #tpu.memory_space<hbm>> -> memref<128xi32, #tpu.memory_space<hbm>>
    %dma_start3A_12 = tpu.memref_slice %arg12[%dma_start3A_7] : memref<4x!tpu.dma_semaphore, #tpu.memory_space<semaphore_mem>> -> memref<1x!tpu.dma_semaphore, #tpu.memory_space<semaphore_mem>>
    %dma_start3A_13 = tpu.memref_squeeze %dma_start3A_12 : memref<1x!tpu.dma_semaphore, #tpu.memory_space<semaphore_mem>> -> memref<!tpu.dma_semaphore, #tpu.memory_space<semaphore_mem>>
    %dma_start3A_14 = arith.constant 0 : i32
    %dma_start3A_15 = tpu.memref_slice %arg8[%dma_start3A, %dma_start3A_14] : memref<4x128xi32, #tpu.memory_space<vmem>> -> memref<1x128xi32, #tpu.memory_space<vmem>>
    %dma_start3A_16 = tpu.memref_squeeze %dma_start3A_15 : memref<1x128xi32, #tpu.memory_space<vmem>> -> memref<128xi32, #tpu.memory_space<vmem>>
    %dma_start3A_17 = tpu.memref_slice %arg3[%mul3A_6] : memref<327936xi32, #tpu.memory_space<hbm>> -> memref<128xi32, #tpu.memory_space<hbm>>
    tpu.enqueue_dma source(%dma_start3A_17 : memref<128xi32, #tpu.memory_space<hbm>>) target(%dma_start3A_16 : memref<128xi32, #tpu.memory_space<vmem>>) target_semaphore(%dma_start3A_13 : memref<!tpu.dma_semaphore, #tpu.memory_space<semaphore_mem>>)
    %dma_start3A_18 = arith.constant 0 : i32
    %dma_start3A_19 = arith.constant 0 : i32
    %dma_start3A_20 = arith.constant 0 : i32
    %dma_start3A_21 = tpu.memref_slice %arg7[%dma_start3A_18, %dma_start3A_20] : memref<4x128xi32, #tpu.memory_space<vmem>> -> memref<1x128xi32, #tpu.memory_space<vmem>>
    %dma_start3A_22 = tpu.memref_squeeze %dma_start3A_21 : memref<1x128xi32, #tpu.memory_space<vmem>> -> memref<128xi32, #tpu.memory_space<vmem>>
    %dma_start3A_23 = tpu.memref_slice %arg4[%mul3A_6] : memref<327936xi32, #tpu.memory_space<hbm>> -> memref<128xi32, #tpu.memory_space<hbm>>
    %dma_start3A_24 = tpu.memref_slice %arg12[%dma_start3A_19] : memref<4x!tpu.dma_semaphore, #tpu.memory_space<semaphore_mem>> -> memref<1x!tpu.dma_semaphore, #tpu.memory_space<semaphore_mem>>
    %dma_start3A_25 = tpu.memref_squeeze %dma_start3A_24 : memref<1x!tpu.dma_semaphore, #tpu.memory_space<semaphore_mem>> -> memref<!tpu.dma_semaphore, #tpu.memory_space<semaphore_mem>>
    %dma_start3A_26 = arith.constant 0 : i32
    %dma_start3A_27 = tpu.memref_slice %arg7[%dma_start3A_18, %dma_start3A_26] : memref<4x128xi32, #tpu.memory_space<vmem>> -> memref<1x128xi32, #tpu.memory_space<vmem>>
    %dma_start3A_28 = tpu.memref_squeeze %dma_start3A_27 : memref<1x128xi32, #tpu.memory_space<vmem>> -> memref<128xi32, #tpu.memory_space<vmem>>
    %dma_start3A_29 = tpu.memref_slice %arg4[%mul3A_6] : memref<327936xi32, #tpu.memory_space<hbm>> -> memref<128xi32, #tpu.memory_space<hbm>>
    tpu.enqueue_dma source(%dma_start3A_29 : memref<128xi32, #tpu.memory_space<hbm>>) target(%dma_start3A_28 : memref<128xi32, #tpu.memory_space<vmem>>) target_semaphore(%dma_start3A_25 : memref<!tpu.dma_semaphore, #tpu.memory_space<semaphore_mem>>)
    %dma_start3A_30 = arith.constant 0 : i32
    %dma_start3A_31 = arith.constant 0 : i32
    %dma_start3A_32 = arith.constant 0 : i32
    %dma_start3A_33 = tpu.memref_slice %arg9[%dma_start3A_30, %dma_start3A_32] : memref<4x128xf32, #tpu.memory_space<vmem>> -> memref<1x128xf32, #tpu.memory_space<vmem>>
    %dma_start3A_34 = tpu.memref_squeeze %dma_start3A_33 : memref<1x128xf32, #tpu.memory_space<vmem>> -> memref<128xf32, #tpu.memory_space<vmem>>
    %dma_start3A_35 = tpu.memref_slice %arg5[%mul3A_6] : memref<327936xf32, #tpu.memory_space<hbm>> -> memref<128xf32, #tpu.memory_space<hbm>>
    %dma_start3A_36 = tpu.memref_slice %arg12[%dma_start3A_31] : memref<4x!tpu.dma_semaphore, #tpu.memory_space<semaphore_mem>> -> memref<1x!tpu.dma_semaphore, #tpu.memory_space<semaphore_mem>>
    %dma_start3A_37 = tpu.memref_squeeze %dma_start3A_36 : memref<1x!tpu.dma_semaphore, #tpu.memory_space<semaphore_mem>> -> memref<!tpu.dma_semaphore, #tpu.memory_space<semaphore_mem>>
    %dma_start3A_38 = arith.constant 0 : i32
    %dma_start3A_39 = tpu.memref_slice %arg9[%dma_start3A_30, %dma_start3A_38] : memref<4x128xf32, #tpu.memory_space<vmem>> -> memref<1x128xf32, #tpu.memory_space<vmem>>
    %dma_start3A_40 = tpu.memref_squeeze %dma_start3A_39 : memref<1x128xf32, #tpu.memory_space<vmem>> -> memref<128xf32, #tpu.memory_space<vmem>>
    %dma_start3A_41 = tpu.memref_slice %arg5[%mul3A_6] : memref<327936xf32, #tpu.memory_space<hbm>> -> memref<128xf32, #tpu.memory_space<hbm>>
    tpu.enqueue_dma source(%dma_start3A_41 : memref<128xf32, #tpu.memory_space<hbm>>) target(%dma_start3A_40 : memref<128xf32, #tpu.memory_space<vmem>>) target_semaphore(%dma_start3A_37 : memref<!tpu.dma_semaphore, #tpu.memory_space<semaphore_mem>>)
    %mul3A_42 = arith.constant 80 : i32
    %mul3A_43 = arith.muli %add3A, %mul3A_42 : i32
    %add3A_44 = arith.constant 1 : i32
    %add3A_45 = arith.addi %mul3A_43, %add3A_44 : i32
    %mul3A_46 = arith.constant 128 : i32
    %mul3A_47 = arith.muli %add3A_45, %mul3A_46 : i32
    %dma_start3A_48 = arith.constant 1 : i32
    %dma_start3A_49 = arith.constant 1 : i32
    %dma_start3A_50 = arith.constant 0 : i32
    %dma_start3A_51 = tpu.memref_slice %arg8[%dma_start3A_48, %dma_start3A_50] : memref<4x128xi32, #tpu.memory_space<vmem>> -> memref<1x128xi32, #tpu.memory_space<vmem>>
    %dma_start3A_52 = tpu.memref_squeeze %dma_start3A_51 : memref<1x128xi32, #tpu.memory_space<vmem>> -> memref<128xi32, #tpu.memory_space<vmem>>
    %dma_start3A_53 = tpu.memref_slice %arg3[%mul3A_47] : memref<327936xi32, #tpu.memory_space<hbm>> -> memref<128xi32, #tpu.memory_space<hbm>>
    %dma_start3A_54 = tpu.memref_slice %arg12[%dma_start3A_49] : memref<4x!tpu.dma_semaphore, #tpu.memory_space<semaphore_mem>> -> memref<1x!tpu.dma_semaphore, #tpu.memory_space<semaphore_mem>>
    %dma_start3A_55 = tpu.memref_squeeze %dma_start3A_54 : memref<1x!tpu.dma_semaphore, #tpu.memory_space<semaphore_mem>> -> memref<!tpu.dma_semaphore, #tpu.memory_space<semaphore_mem>>
    %dma_start3A_56 = arith.constant 0 : i32
    %dma_start3A_57 = tpu.memref_slice %arg8[%dma_start3A_48, %dma_start3A_56] : memref<4x128xi32, #tpu.memory_space<vmem>> -> memref<1x128xi32, #tpu.memory_space<vmem>>
    %dma_start3A_58 = tpu.memref_squeeze %dma_start3A_57 : memref<1x128xi32, #tpu.memory_space<vmem>> -> memref<128xi32, #tpu.memory_space<vmem>>
    %dma_start3A_59 = tpu.memref_slice %arg3[%mul3A_47] : memref<327936xi32, #tpu.memory_space<hbm>> -> memref<128xi32, #tpu.memory_space<hbm>>
    tpu.enqueue_dma source(%dma_start3A_59 : memref<128xi32, #tpu.memory_space<hbm>>) target(%dma_start3A_58 : memref<128xi32, #tpu.memory_space<vmem>>) target_semaphore(%dma_start3A_55 : memref<!tpu.dma_semaphore, #tpu.memory_space<semaphore_mem>>)
    %dma_start3A_60 = arith.constant 1 : i32
    %dma_start3A_61 = arith.constant 1 : i32
    %dma_start3A_62 = arith.constant 0 : i32
    %dma_start3A_63 = tpu.memref_slice %arg7[%dma_start3A_60, %dma_start3A_62] : memref<4x128xi32, #tpu.memory_space<vmem>> -> memref<1x128xi32, #tpu.memory_space<vmem>>
    %dma_start3A_64 = tpu.memref_squeeze %dma_start3A_63 : memref<1x128xi32, #tpu.memory_space<vmem>> -> memref<128xi32, #tpu.memory_space<vmem>>
    %dma_start3A_65 = tpu.memref_slice %arg4[%mul3A_47] : memref<327936xi32, #tpu.memory_space<hbm>> -> memref<128xi32, #tpu.memory_space<hbm>>
    %dma_start3A_66 = tpu.memref_slice %arg12[%dma_start3A_61] : memref<4x!tpu.dma_semaphore, #tpu.memory_space<semaphore_mem>> -> memref<1x!tpu.dma_semaphore, #tpu.memory_space<semaphore_mem>>
    %dma_start3A_67 = tpu.memref_squeeze %dma_start3A_66 : memref<1x!tpu.dma_semaphore, #tpu.memory_space<semaphore_mem>> -> memref<!tpu.dma_semaphore, #tpu.memory_space<semaphore_mem>>
    %dma_start3A_68 = arith.constant 0 : i32
    %dma_start3A_69 = tpu.memref_slice %arg7[%dma_start3A_60, %dma_start3A_68] : memref<4x128xi32, #tpu.memory_space<vmem>> -> memref<1x128xi32, #tpu.memory_space<vmem>>
    %dma_start3A_70 = tpu.memref_squeeze %dma_start3A_69 : memref<1x128xi32, #tpu.memory_space<vmem>> -> memref<128xi32, #tpu.memory_space<vmem>>
    %dma_start3A_71 = tpu.memref_slice %arg4[%mul3A_47] : memref<327936xi32, #tpu.memory_space<hbm>> -> memref<128xi32, #tpu.memory_space<hbm>>
    tpu.enqueue_dma source(%dma_start3A_71 : memref<128xi32, #tpu.memory_space<hbm>>) target(%dma_start3A_70 : memref<128xi32, #tpu.memory_space<vmem>>) target_semaphore(%dma_start3A_67 : memref<!tpu.dma_semaphore, #tpu.memory_space<semaphore_mem>>)
    %dma_start3A_72 = arith.constant 1 : i32
    %dma_start3A_73 = arith.constant 1 : i32
    %dma_start3A_74 = arith.constant 0 : i32
    %dma_start3A_75 = tpu.memref_slice %arg9[%dma_start3A_72, %dma_start3A_74] : memref<4x128xf32, #tpu.memory_space<vmem>> -> memref<1x128xf32, #tpu.memory_space<vmem>>
    %dma_start3A_76 = tpu.memref_squeeze %dma_start3A_75 : memref<1x128xf32, #tpu.memory_space<vmem>> -> memref<128xf32, #tpu.memory_space<vmem>>
    %dma_start3A_77 = tpu.memref_slice %arg5[%mul3A_47] : memref<327936xf32, #tpu.memory_space<hbm>> -> memref<128xf32, #tpu.memory_space<hbm>>
    %dma_start3A_78 = tpu.memref_slice %arg12[%dma_start3A_73] : memref<4x!tpu.dma_semaphore, #tpu.memory_space<semaphore_mem>> -> memref<1x!tpu.dma_semaphore, #tpu.memory_space<semaphore_mem>>
    %dma_start3A_79 = tpu.memref_squeeze %dma_start3A_78 : memref<1x!tpu.dma_semaphore, #tpu.memory_space<semaphore_mem>> -> memref<!tpu.dma_semaphore, #tpu.memory_space<semaphore_mem>>
    %dma_start3A_80 = arith.constant 0 : i32
    %dma_start3A_81 = tpu.memref_slice %arg9[%dma_start3A_72, %dma_start3A_80] : memref<4x128xf32, #tpu.memory_space<vmem>> -> memref<1x128xf32, #tpu.memory_space<vmem>>
    %dma_start3A_82 = tpu.memref_squeeze %dma_start3A_81 : memref<1x128xf32, #tpu.memory_space<vmem>> -> memref<128xf32, #tpu.memory_space<vmem>>
    %dma_start3A_83 = tpu.memref_slice %arg5[%mul3A_47] : memref<327936xf32, #tpu.memory_space<hbm>> -> memref<128xf32, #tpu.memory_space<hbm>>
    tpu.enqueue_dma source(%dma_start3A_83 : memref<128xf32, #tpu.memory_space<hbm>>) target(%dma_start3A_82 : memref<128xf32, #tpu.memory_space<vmem>>) target_semaphore(%dma_start3A_79 : memref<!tpu.dma_semaphore, #tpu.memory_space<semaphore_mem>>)
    %dma_wait3A = arith.constant 0 : i32
    %dma_wait3A_84 = arith.constant 0 : i32
    %dma_wait3A_85 = arith.constant 0 : i32
    %dma_wait3A_86 = tpu.memref_slice %arg8[%dma_wait3A, %dma_wait3A_85] : memref<4x128xi32, #tpu.memory_space<vmem>> -> memref<1x128xi32, #tpu.memory_space<vmem>>
    %dma_wait3A_87 = tpu.memref_squeeze %dma_wait3A_86 : memref<1x128xi32, #tpu.memory_space<vmem>> -> memref<128xi32, #tpu.memory_space<vmem>>
    %dma_wait3A_88 = arith.constant 0 : i32
    %dma_wait3A_89 = tpu.memref_slice %arg3[%dma_wait3A_88] : memref<327936xi32, #tpu.memory_space<hbm>> -> memref<128xi32, #tpu.memory_space<hbm>>
    %dma_wait3A_90 = tpu.memref_slice %arg12[%dma_wait3A_84] : memref<4x!tpu.dma_semaphore, #tpu.memory_space<semaphore_mem>> -> memref<1x!tpu.dma_semaphore, #tpu.memory_space<semaphore_mem>>
    %dma_wait3A_91 = tpu.memref_squeeze %dma_wait3A_90 : memref<1x!tpu.dma_semaphore, #tpu.memory_space<semaphore_mem>> -> memref<!tpu.dma_semaphore, #tpu.memory_space<semaphore_mem>>
    %dma_wait3A_92 = arith.constant 0 : i32
    %dma_wait3A_93 = tpu.memref_slice %arg8[%dma_wait3A, %dma_wait3A_92] : memref<4x128xi32, #tpu.memory_space<vmem>> -> memref<1x128xi32, #tpu.memory_space<vmem>>
    %dma_wait3A_94 = tpu.memref_squeeze %dma_wait3A_93 : memref<1x128xi32, #tpu.memory_space<vmem>> -> memref<128xi32, #tpu.memory_space<vmem>>
    %dma_wait3A_95 = arith.constant 0 : i32
    %dma_wait3A_96 = tpu.memref_slice %arg3[%dma_wait3A_95] : memref<327936xi32, #tpu.memory_space<hbm>> -> memref<128xi32, #tpu.memory_space<hbm>>
    tpu.wait_dma2 semaphore(%dma_wait3A_91 : memref<!tpu.dma_semaphore, #tpu.memory_space<semaphore_mem>>) src(%dma_wait3A_96 : memref<128xi32, #tpu.memory_space<hbm>>) dst(%dma_wait3A_94 : memref<128xi32, #tpu.memory_space<vmem>>)
    %dma_wait3A_97 = arith.constant 0 : i32
    %dma_wait3A_98 = arith.constant 0 : i32
    %dma_wait3A_99 = arith.constant 0 : i32
    %dma_wait3A_100 = tpu.memref_slice %arg7[%dma_wait3A_97, %dma_wait3A_99] : memref<4x128xi32, #tpu.memory_space<vmem>> -> memref<1x128xi32, #tpu.memory_space<vmem>>
    %dma_wait3A_101 = tpu.memref_squeeze %dma_wait3A_100 : memref<1x128xi32, #tpu.memory_space<vmem>> -> memref<128xi32, #tpu.memory_space<vmem>>
    %dma_wait3A_102 = arith.constant 0 : i32
    %dma_wait3A_103 = tpu.memref_slice %arg4[%dma_wait3A_102] : memref<327936xi32, #tpu.memory_space<hbm>> -> memref<128xi32, #tpu.memory_space<hbm>>
    %dma_wait3A_104 = tpu.memref_slice %arg12[%dma_wait3A_98] : memref<4x!tpu.dma_semaphore, #tpu.memory_space<semaphore_mem>> -> memref<1x!tpu.dma_semaphore, #tpu.memory_space<semaphore_mem>>
    %dma_wait3A_105 = tpu.memref_squeeze %dma_wait3A_104 : memref<1x!tpu.dma_semaphore, #tpu.memory_space<semaphore_mem>> -> memref<!tpu.dma_semaphore, #tpu.memory_space<semaphore_mem>>
    %dma_wait3A_106 = arith.constant 0 : i32
    %dma_wait3A_107 = tpu.memref_slice %arg7[%dma_wait3A_97, %dma_wait3A_106] : memref<4x128xi32, #tpu.memory_space<vmem>> -> memref<1x128xi32, #tpu.memory_space<vmem>>
    %dma_wait3A_108 = tpu.memref_squeeze %dma_wait3A_107 : memref<1x128xi32, #tpu.memory_space<vmem>> -> memref<128xi32, #tpu.memory_space<vmem>>
    %dma_wait3A_109 = arith.constant 0 : i32
    %dma_wait3A_110 = tpu.memref_slice %arg4[%dma_wait3A_109] : memref<327936xi32, #tpu.memory_space<hbm>> -> memref<128xi32, #tpu.memory_space<hbm>>
    tpu.wait_dma2 semaphore(%dma_wait3A_105 : memref<!tpu.dma_semaphore, #tpu.memory_space<semaphore_mem>>) src(%dma_wait3A_110 : memref<128xi32, #tpu.memory_space<hbm>>) dst(%dma_wait3A_108 : memref<128xi32, #tpu.memory_space<vmem>>)
    %dma_wait3A_111 = arith.constant 0 : i32
    %dma_wait3A_112 = arith.constant 0 : i32
    %dma_wait3A_113 = arith.constant 0 : i32
    %dma_wait3A_114 = tpu.memref_slice %arg9[%dma_wait3A_111, %dma_wait3A_113] : memref<4x128xf32, #tpu.memory_space<vmem>> -> memref<1x128xf32, #tpu.memory_space<vmem>>
    %dma_wait3A_115 = tpu.memref_squeeze %dma_wait3A_114 : memref<1x128xf32, #tpu.memory_space<vmem>> -> memref<128xf32, #tpu.memory_space<vmem>>
    %dma_wait3A_116 = arith.constant 0 : i32
    %dma_wait3A_117 = tpu.memref_slice %arg5[%dma_wait3A_116] : memref<327936xf32, #tpu.memory_space<hbm>> -> memref<128xf32, #tpu.memory_space<hbm>>
    %dma_wait3A_118 = tpu.memref_slice %arg12[%dma_wait3A_112] : memref<4x!tpu.dma_semaphore, #tpu.memory_space<semaphore_mem>> -> memref<1x!tpu.dma_semaphore, #tpu.memory_space<semaphore_mem>>
    %dma_wait3A_119 = tpu.memref_squeeze %dma_wait3A_118 : memref<1x!tpu.dma_semaphore, #tpu.memory_space<semaphore_mem>> -> memref<!tpu.dma_semaphore, #tpu.memory_space<semaphore_mem>>
    %dma_wait3A_120 = arith.constant 0 : i32
    %dma_wait3A_121 = tpu.memref_slice %arg9[%dma_wait3A_111, %dma_wait3A_120] : memref<4x128xf32, #tpu.memory_space<vmem>> -> memref<1x128xf32, #tpu.memory_space<vmem>>
    %dma_wait3A_122 = tpu.memref_squeeze %dma_wait3A_121 : memref<1x128xf32, #tpu.memory_space<vmem>> -> memref<128xf32, #tpu.memory_space<vmem>>
    %dma_wait3A_123 = arith.constant 0 : i32
    %dma_wait3A_124 = tpu.memref_slice %arg5[%dma_wait3A_123] : memref<327936xf32, #tpu.memory_space<hbm>> -> memref<128xf32, #tpu.memory_space<hbm>>
    tpu.wait_dma2 semaphore(%dma_wait3A_119 : memref<!tpu.dma_semaphore, #tpu.memory_space<semaphore_mem>>) src(%dma_wait3A_124 : memref<128xf32, #tpu.memory_space<hbm>>) dst(%dma_wait3A_122 : memref<128xf32, #tpu.memory_space<vmem>>)
    %dma_start3A_125 = arith.constant 0 : i32
    %dma_start3A_126 = arith.constant 0 : i32
    %dma_start3A_127 = arith.constant 0 : i32
    %dma_start3A_128 = arith.constant 0 : i32
    %dma_start3A_129 = arith.constant 0 : i32
    %dma_start3A_130 = tpu.memref_slice %arg10[%dma_start3A_126, %dma_start3A_128, %dma_start3A_129] : memref<2x128x128xf32, #tpu.memory_space<vmem>> -> memref<1x128x128xf32, #tpu.memory_space<vmem>>
    %dma_start3A_131 = tpu.memref_squeeze %dma_start3A_130 : memref<1x128x128xf32, #tpu.memory_space<vmem>> -> memref<128x128xf32, #tpu.memory_space<vmem>>
    %dma_start3A_132 = arith.constant 0 : i32
    %dma_start3A_133 = tpu.memref_slice %arg7[%dma_start3A_125, %dma_start3A_132] : memref<4x128xi32, #tpu.memory_space<vmem>> -> memref<1x128xi32, #tpu.memory_space<vmem>>
    %dma_start3A_134 = tpu.memref_squeeze %dma_start3A_133 : memref<1x128xi32, #tpu.memory_space<vmem>> -> memref<128xi32, #tpu.memory_space<vmem>>
    %dma_start3A_135 = arith.constant 0 : i32
    %dma_start3A_136 = arith.constant 0 : i32
    %dma_start3A_137 = tpu.memref_slice %arg2[%dma_start3A_135, %dma_start3A_136] : memref<10000x128xf32, #tpu.memory_space<hbm>> -> memref<10000x128xf32, #tpu.memory_space<hbm>>
    %dma_start3A_138 = tpu.memref_slice %arg13[%dma_start3A_127] : memref<2x!tpu.dma_semaphore, #tpu.memory_space<semaphore_mem>> -> memref<1x!tpu.dma_semaphore, #tpu.memory_space<semaphore_mem>>
    %dma_start3A_139 = tpu.memref_squeeze %dma_start3A_138 : memref<1x!tpu.dma_semaphore, #tpu.memory_space<semaphore_mem>> -> memref<!tpu.dma_semaphore, #tpu.memory_space<semaphore_mem>>
    tpu.enqueue_indirect_dma source(%dma_start3A_137 : memref<10000x128xf32, #tpu.memory_space<hbm>>) target(%dma_start3A_131 : memref<128x128xf32, #tpu.memory_space<vmem>>) offsets(%dma_start3A_134 : memref<128xi32, #tpu.memory_space<vmem>>) semaphore(%dma_start3A_139 : memref<!tpu.dma_semaphore, #tpu.memory_space<semaphore_mem>>)
    %broadcast_in_dim3A = arith.constant 0.000000e+00 : f32
    %broadcast_in_dim3A_140 = vector.broadcast %broadcast_in_dim3A : f32 to vector<16xf32>
    %scan3A = arith.constant 0 : i32
    %scan3A_141 = arith.constant 0 : i32
    %scan3A_142 = arith.constant 128 : i32
    %scan3A_143 = arith.addi %scan3A_141, %scan3A_142 : i32
    %scan3A_144 = arith.constant 1 : i32
    scf.for %scan3A_233 = %scan3A_141 to %scan3A_143 step %scan3A_144  : i32 {
      %swap3A = arith.constant 1 : i32
      %swap3A_234 = arith.index_cast %swap3A : i32 to index
      %swap3A_235 = arith.index_cast %scan3A_233 : i32 to index
      %swap3A_236 = arith.constant 0 : index
      %swap3A_237 = tpu.vector_load %arg10[%swap3A_234, %swap3A_235, %swap3A_236] {strides = array<i32>} : memref<2x128x128xf32, #tpu.memory_space<vmem>>, vector<16xf32>,
      tpu.vector_store %arg10[%swap3A_234, %swap3A_235, %swap3A_236], %broadcast_in_dim3A_140 {strides = array<i32>} : memref<2x128x128xf32, #tpu.memory_space<vmem>>, vector<16xf32>,
      %swap3A_238 = arith.constant 1 : i32
      %swap3A_239 = arith.index_cast %swap3A_238 : i32 to index
      %swap3A_240 = arith.index_cast %scan3A_233 : i32 to index
      %swap3A_241 = arith.constant 16 : index
      %swap3A_242 = tpu.vector_load %arg10[%swap3A_239, %swap3A_240, %swap3A_241] {strides = array<i32>} : memref<2x128x128xf32, #tpu.memory_space<vmem>>, vector<16xf32>,
      tpu.vector_store %arg10[%swap3A_239, %swap3A_240, %swap3A_241], %broadcast_in_dim3A_140 {strides = array<i32>} : memref<2x128x128xf32, #tpu.memory_space<vmem>>, vector<16xf32>,
      %swap3A_243 = arith.constant 1 : i32
      %swap3A_244 = arith.index_cast %swap3A_243 : i32 to index
      %swap3A_245 = arith.index_cast %scan3A_233 : i32 to index
      %swap3A_246 = arith.constant 32 : index
      %swap3A_247 = tpu.vector_load %arg10[%swap3A_244, %swap3A_245, %swap3A_246] {strides = array<i32>} : memref<2x128x128xf32, #tpu.memory_space<vmem>>, vector<16xf32>,
      tpu.vector_store %arg10[%swap3A_244, %swap3A_245, %swap3A_246], %broadcast_in_dim3A_140 {strides = array<i32>} : memref<2x128x128xf32, #tpu.memory_space<vmem>>, vector<16xf32>,
      %swap3A_248 = arith.constant 1 : i32
      %swap3A_249 = arith.index_cast %swap3A_248 : i32 to index
      %swap3A_250 = arith.index_cast %scan3A_233 : i32 to index
      %swap3A_251 = arith.constant 48 : index
      %swap3A_252 = tpu.vector_load %arg10[%swap3A_249, %swap3A_250, %swap3A_251] {strides = array<i32>} : memref<2x128x128xf32, #tpu.memory_space<vmem>>, vector<16xf32>,
      tpu.vector_store %arg10[%swap3A_249, %swap3A_250, %swap3A_251], %broadcast_in_dim3A_140 {strides = array<i32>} : memref<2x128x128xf32, #tpu.memory_space<vmem>>, vector<16xf32>,
      %swap3A_253 = arith.constant 1 : i32
      %swap3A_254 = arith.index_cast %swap3A_253 : i32 to index
      %swap3A_255 = arith.index_cast %scan3A_233 : i32 to index
      %swap3A_256 = arith.constant 64 : index
      %swap3A_257 = tpu.vector_load %arg10[%swap3A_254, %swap3A_255, %swap3A_256] {strides = array<i32>} : memref<2x128x128xf32, #tpu.memory_space<vmem>>, vector<16xf32>,
      tpu.vector_store %arg10[%swap3A_254, %swap3A_255, %swap3A_256], %broadcast_in_dim3A_140 {strides = array<i32>} : memref<2x128x128xf32, #tpu.memory_space<vmem>>, vector<16xf32>,
      %swap3A_258 = arith.constant 1 : i32
      %swap3A_259 = arith.index_cast %swap3A_258 : i32 to index
      %swap3A_260 = arith.index_cast %scan3A_233 : i32 to index
      %swap3A_261 = arith.constant 80 : index
      %swap3A_262 = tpu.vector_load %arg10[%swap3A_259, %swap3A_260, %swap3A_261] {strides = array<i32>} : memref<2x128x128xf32, #tpu.memory_space<vmem>>, vector<16xf32>,
      tpu.vector_store %arg10[%swap3A_259, %swap3A_260, %swap3A_261], %broadcast_in_dim3A_140 {strides = array<i32>} : memref<2x128x128xf32, #tpu.memory_space<vmem>>, vector<16xf32>,
      %swap3A_263 = arith.constant 1 : i32
      %swap3A_264 = arith.index_cast %swap3A_263 : i32 to index
      %swap3A_265 = arith.index_cast %scan3A_233 : i32 to index
      %swap3A_266 = arith.constant 96 : index
      %swap3A_267 = tpu.vector_load %arg10[%swap3A_264, %swap3A_265, %swap3A_266] {strides = array<i32>} : memref<2x128x128xf32, #tpu.memory_space<vmem>>, vector<16xf32>,
      tpu.vector_store %arg10[%swap3A_264, %swap3A_265, %swap3A_266], %broadcast_in_dim3A_140 {strides = array<i32>} : memref<2x128x128xf32, #tpu.memory_space<vmem>>, vector<16xf32>,
      %swap3A_268 = arith.constant 1 : i32
      %swap3A_269 = arith.index_cast %swap3A_268 : i32 to index
      %swap3A_270 = arith.index_cast %scan3A_233 : i32 to index
      %swap3A_271 = arith.constant 112 : index
      %swap3A_272 = tpu.vector_load %arg10[%swap3A_269, %swap3A_270, %swap3A_271] {strides = array<i32>} : memref<2x128x128xf32, #tpu.memory_space<vmem>>, vector<16xf32>,
      tpu.vector_store %arg10[%swap3A_269, %swap3A_270, %swap3A_271], %broadcast_in_dim3A_140 {strides = array<i32>} : memref<2x128x128xf32, #tpu.memory_space<vmem>>, vector<16xf32>,
    }
    %scan3A_145 = arith.constant 128 : i32
    %mul3A_146 = arith.constant 624 : i32
    %mul3A_147 = arith.muli %arg1, %mul3A_146 : i32
    %add3A_148 = arith.constant 0 : i32
    %add3A_149 = arith.addi %mul3A_147, %add3A_148 : i32
    %run_scoped3A = arith.constant 1 : i32
    "tpu.region"() ({
      %run_scoped3A_233 = tpu.sem_alloc : memref<!tpu.dma_semaphore, #tpu.memory_space<semaphore_mem>>
      %dma_start3A_234 = arith.constant 0 : i32
      %dma_start3A_235 = arith.constant 0 : i32
      %dma_start3A_236 = tpu.memref_slice %arg10[%run_scoped3A, %dma_start3A_234, %dma_start3A_235] : memref<2x128x128xf32, #tpu.memory_space<vmem>> -> memref<1x128x128xf32, #tpu.memory_space<vmem>>
      %dma_start3A_237 = tpu.memref_squeeze %dma_start3A_236 : memref<1x128x128xf32, #tpu.memory_space<vmem>> -> memref<128x128xf32, #tpu.memory_space<vmem>>
      %dma_start3A_238 = arith.constant 0 : i32
      %dma_start3A_239 = tpu.memref_slice %arg11[%add3A_149, %dma_start3A_238] : memref<10000x128xf32, #tpu.memory_space<vmem_shared>> -> memref<128x128xf32, #tpu.memory_space<vmem_shared>>
      %dma_start3A_240 = arith.constant 0 : i32
      %dma_start3A_241 = tpu.memref_slice %arg11[%add3A_149, %dma_start3A_240] : memref<10000x128xf32, #tpu.memory_space<vmem_shared>> -> memref<128x128xf32, #tpu.memory_space<vmem_shared>>
      %dma_start3A_242 = arith.constant 0 : i32
      %dma_start3A_243 = arith.constant 0 : i32
      %dma_start3A_244 = tpu.memref_slice %arg10[%run_scoped3A, %dma_start3A_242, %dma_start3A_243] : memref<2x128x128xf32, #tpu.memory_space<vmem>> -> memref<1x128x128xf32, #tpu.memory_space<vmem>>
      %dma_start3A_245 = tpu.memref_squeeze %dma_start3A_244 : memref<1x128x128xf32, #tpu.memory_space<vmem>> -> memref<128x128xf32, #tpu.memory_space<vmem>>
      tpu.enqueue_dma source(%dma_start3A_245 : memref<128x128xf32, #tpu.memory_space<vmem>>) target(%dma_start3A_241 : memref<128x128xf32, #tpu.memory_space<vmem_shared>>) target_semaphore(%run_scoped3A_233 : memref<!tpu.dma_semaphore, #tpu.memory_space<semaphore_mem>>)
      %dma_wait3A_246 = arith.constant 0 : i32
      %dma_wait3A_247 = arith.constant 0 : i32
      %dma_wait3A_248 = tpu.memref_slice %arg10[%run_scoped3A, %dma_wait3A_246, %dma_wait3A_247] : memref<2x128x128xf32, #tpu.memory_space<vmem>> -> memref<1x128x128xf32, #tpu.memory_space<vmem>>
      %dma_wait3A_249 = tpu.memref_squeeze %dma_wait3A_248 : memref<1x128x128xf32, #tpu.memory_space<vmem>> -> memref<128x128xf32, #tpu.memory_space<vmem>>
      %dma_wait3A_250 = arith.constant 0 : i32
      %dma_wait3A_251 = tpu.memref_slice %arg11[%add3A_149, %dma_wait3A_250] : memref<10000x128xf32, #tpu.memory_space<vmem_shared>> -> memref<128x128xf32, #tpu.memory_space<vmem_shared>>
      %dma_wait3A_252 = arith.constant 0 : i32
      %dma_wait3A_253 = tpu.memref_slice %arg11[%add3A_149, %dma_wait3A_252] : memref<10000x128xf32, #tpu.memory_space<vmem_shared>> -> memref<128x128xf32, #tpu.memory_space<vmem_shared>>
      %dma_wait3A_254 = arith.constant 0 : i32
      %dma_wait3A_255 = arith.constant 0 : i32
      %dma_wait3A_256 = tpu.memref_slice %arg10[%run_scoped3A, %dma_wait3A_254, %dma_wait3A_255] : memref<2x128x128xf32, #tpu.memory_space<vmem>> -> memref<1x128x128xf32, #tpu.memory_space<vmem>>
      %dma_wait3A_257 = tpu.memref_squeeze %dma_wait3A_256 : memref<1x128x128xf32, #tpu.memory_space<vmem>> -> memref<128x128xf32, #tpu.memory_space<vmem>>
      tpu.wait_dma2 semaphore(%run_scoped3A_233 : memref<!tpu.dma_semaphore, #tpu.memory_space<semaphore_mem>>) src(%dma_wait3A_257 : memref<128x128xf32, #tpu.memory_space<vmem>>) dst(%dma_wait3A_253 : memref<128x128xf32, #tpu.memory_space<vmem_shared>>)
      tpu.yield
    }) : () -> ()
    %add3A_150 = arith.constant 128 : i32
    %add3A_151 = arith.addi %mul3A_147, %add3A_150 : i32
    %run_scoped3A_152 = arith.constant 1 : i32
    "tpu.region"() ({
      %run_scoped3A_233 = tpu.sem_alloc : memref<!tpu.dma_semaphore, #tpu.memory_space<semaphore_mem>>
      %dma_start3A_234 = arith.constant 0 : i32
      %dma_start3A_235 = arith.constant 0 : i32
      %dma_start3A_236 = tpu.memref_slice %arg10[%run_scoped3A_152, %dma_start3A_234, %dma_start3A_235] : memref<2x128x128xf32, #tpu.memory_space<vmem>> -> memref<1x128x128xf32, #tpu.memory_space<vmem>>
      %dma_start3A_237 = tpu.memref_squeeze %dma_start3A_236 : memref<1x128x128xf32, #tpu.memory_space<vmem>> -> memref<128x128xf32, #tpu.memory_space<vmem>>
      %dma_start3A_238 = arith.constant 0 : i32
      %dma_start3A_239 = tpu.memref_slice %arg11[%add3A_151, %dma_start3A_238] : memref<10000x128xf32, #tpu.memory_space<vmem_shared>> -> memref<128x128xf32, #tpu.memory_space<vmem_shared>>
      %dma_start3A_240 = arith.constant 0 : i32
      %dma_start3A_241 = tpu.memref_slice %arg11[%add3A_151, %dma_start3A_240] : memref<10000x128xf32, #tpu.memory_space<vmem_shared>> -> memref<128x128xf32, #tpu.memory_space<vmem_shared>>
      %dma_start3A_242 = arith.constant 0 : i32
      %dma_start3A_243 = arith.constant 0 : i32
      %dma_start3A_244 = tpu.memref_slice %arg10[%run_scoped3A_152, %dma_start3A_242, %dma_start3A_243] : memref<2x128x128xf32, #tpu.memory_space<vmem>> -> memref<1x128x128xf32, #tpu.memory_space<vmem>>
      %dma_start3A_245 = tpu.memref_squeeze %dma_start3A_244 : memref<1x128x128xf32, #tpu.memory_space<vmem>> -> memref<128x128xf32, #tpu.memory_space<vmem>>
      tpu.enqueue_dma source(%dma_start3A_245 : memref<128x128xf32, #tpu.memory_space<vmem>>) target(%dma_start3A_241 : memref<128x128xf32, #tpu.memory_space<vmem_shared>>) target_semaphore(%run_scoped3A_233 : memref<!tpu.dma_semaphore, #tpu.memory_space<semaphore_mem>>)
      %dma_wait3A_246 = arith.constant 0 : i32
      %dma_wait3A_247 = arith.constant 0 : i32
      %dma_wait3A_248 = tpu.memref_slice %arg10[%run_scoped3A_152, %dma_wait3A_246, %dma_wait3A_247] : memref<2x128x128xf32, #tpu.memory_space<vmem>> -> memref<1x128x128xf32, #tpu.memory_space<vmem>>
      %dma_wait3A_249 = tpu.memref_squeeze %dma_wait3A_248 : memref<1x128x128xf32, #tpu.memory_space<vmem>> -> memref<128x128xf32, #tpu.memory_space<vmem>>
      %dma_wait3A_250 = arith.constant 0 : i32
      %dma_wait3A_251 = tpu.memref_slice %arg11[%add3A_151, %dma_wait3A_250] : memref<10000x128xf32, #tpu.memory_space<vmem_shared>> -> memref<128x128xf32, #tpu.memory_space<vmem_shared>>
      %dma_wait3A_252 = arith.constant 0 : i32
      %dma_wait3A_253 = tpu.memref_slice %arg11[%add3A_151, %dma_wait3A_252] : memref<10000x128xf32, #tpu.memory_space<vmem_shared>> -> memref<128x128xf32, #tpu.memory_space<vmem_shared>>
      %dma_wait3A_254 = arith.constant 0 : i32
      %dma_wait3A_255 = arith.constant 0 : i32
      %dma_wait3A_256 = tpu.memref_slice %arg10[%run_scoped3A_152, %dma_wait3A_254, %dma_wait3A_255] : memref<2x128x128xf32, #tpu.memory_space<vmem>> -> memref<1x128x128xf32, #tpu.memory_space<vmem>>
      %dma_wait3A_257 = tpu.memref_squeeze %dma_wait3A_256 : memref<1x128x128xf32, #tpu.memory_space<vmem>> -> memref<128x128xf32, #tpu.memory_space<vmem>>
      tpu.wait_dma2 semaphore(%run_scoped3A_233 : memref<!tpu.dma_semaphore, #tpu.memory_space<semaphore_mem>>) src(%dma_wait3A_257 : memref<128x128xf32, #tpu.memory_space<vmem>>) dst(%dma_wait3A_253 : memref<128x128xf32, #tpu.memory_space<vmem_shared>>)
      tpu.yield
    }) : () -> ()
    %add3A_153 = arith.constant 256 : i32
    %add3A_154 = arith.addi %mul3A_147, %add3A_153 : i32
    %run_scoped3A_155 = arith.constant 1 : i32
    "tpu.region"() ({
      %run_scoped3A_233 = tpu.sem_alloc : memref<!tpu.dma_semaphore, #tpu.memory_space<semaphore_mem>>
      %dma_start3A_234 = arith.constant 0 : i32
      %dma_start3A_235 = arith.constant 0 : i32
      %dma_start3A_236 = tpu.memref_slice %arg10[%run_scoped3A_155, %dma_start3A_234, %dma_start3A_235] : memref<2x128x128xf32, #tpu.memory_space<vmem>> -> memref<1x128x128xf32, #tpu.memory_space<vmem>>
      %dma_start3A_237 = tpu.memref_squeeze %dma_start3A_236 : memref<1x128x128xf32, #tpu.memory_space<vmem>> -> memref<128x128xf32, #tpu.memory_space<vmem>>
      %dma_start3A_238 = arith.constant 0 : i32
      %dma_start3A_239 = tpu.memref_slice %arg11[%add3A_154, %dma_start3A_238] : memref<10000x128xf32, #tpu.memory_space<vmem_shared>> -> memref<128x128xf32, #tpu.memory_space<vmem_shared>>
      %dma_start3A_240 = arith.constant 0 : i32
      %dma_start3A_241 = tpu.memref_slice %arg11[%add3A_154, %dma_start3A_240] : memref<10000x128xf32, #tpu.memory_space<vmem_shared>> -> memref<128x128xf32, #tpu.memory_space<vmem_shared>>
      %dma_start3A_242 = arith.constant 0 : i32
      %dma_start3A_243 = arith.constant 0 : i32
      %dma_start3A_244 = tpu.memref_slice %arg10[%run_scoped3A_155, %dma_start3A_242, %dma_start3A_243] : memref<2x128x128xf32, #tpu.memory_space<vmem>> -> memref<1x128x128xf32, #tpu.memory_space<vmem>>
      %dma_start3A_245 = tpu.memref_squeeze %dma_start3A_244 : memref<1x128x128xf32, #tpu.memory_space<vmem>> -> memref<128x128xf32, #tpu.memory_space<vmem>>
      tpu.enqueue_dma source(%dma_start3A_245 : memref<128x128xf32, #tpu.memory_space<vmem>>) target(%dma_start3A_241 : memref<128x128xf32, #tpu.memory_space<vmem_shared>>) target_semaphore(%run_scoped3A_233 : memref<!tpu.dma_semaphore, #tpu.memory_space<semaphore_mem>>)
      %dma_wait3A_246 = arith.constant 0 : i32
      %dma_wait3A_247 = arith.constant 0 : i32
      %dma_wait3A_248 = tpu.memref_slice %arg10[%run_scoped3A_155, %dma_wait3A_246, %dma_wait3A_247] : memref<2x128x128xf32, #tpu.memory_space<vmem>> -> memref<1x128x128xf32, #tpu.memory_space<vmem>>
      %dma_wait3A_249 = tpu.memref_squeeze %dma_wait3A_248 : memref<1x128x128xf32, #tpu.memory_space<vmem>> -> memref<128x128xf32, #tpu.memory_space<vmem>>
      %dma_wait3A_250 = arith.constant 0 : i32
      %dma_wait3A_251 = tpu.memref_slice %arg11[%add3A_154, %dma_wait3A_250] : memref<10000x128xf32, #tpu.memory_space<vmem_shared>> -> memref<128x128xf32, #tpu.memory_space<vmem_shared>>
      %dma_wait3A_252 = arith.constant 0 : i32
      %dma_wait3A_253 = tpu.memref_slice %arg11[%add3A_154, %dma_wait3A_252] : memref<10000x128xf32, #tpu.memory_space<vmem_shared>> -> memref<128x128xf32, #tpu.memory_space<vmem_shared>>
      %dma_wait3A_254 = arith.constant 0 : i32
      %dma_wait3A_255 = arith.constant 0 : i32
      %dma_wait3A_256 = tpu.memref_slice %arg10[%run_scoped3A_155, %dma_wait3A_254, %dma_wait3A_255] : memref<2x128x128xf32, #tpu.memory_space<vmem>> -> memref<1x128x128xf32, #tpu.memory_space<vmem>>
      %dma_wait3A_257 = tpu.memref_squeeze %dma_wait3A_256 : memref<1x128x128xf32, #tpu.memory_space<vmem>> -> memref<128x128xf32, #tpu.memory_space<vmem>>
      tpu.wait_dma2 semaphore(%run_scoped3A_233 : memref<!tpu.dma_semaphore, #tpu.memory_space<semaphore_mem>>) src(%dma_wait3A_257 : memref<128x128xf32, #tpu.memory_space<vmem>>) dst(%dma_wait3A_253 : memref<128x128xf32, #tpu.memory_space<vmem_shared>>)
      tpu.yield
    }) : () -> ()
    %add3A_156 = arith.constant 384 : i32
    %add3A_157 = arith.addi %mul3A_147, %add3A_156 : i32
    %run_scoped3A_158 = arith.constant 1 : i32
    "tpu.region"() ({
      %run_scoped3A_233 = tpu.sem_alloc : memref<!tpu.dma_semaphore, #tpu.memory_space<semaphore_mem>>
      %dma_start3A_234 = arith.constant 0 : i32
      %dma_start3A_235 = arith.constant 0 : i32
      %dma_start3A_236 = tpu.memref_slice %arg10[%run_scoped3A_158, %dma_start3A_234, %dma_start3A_235] : memref<2x128x128xf32, #tpu.memory_space<vmem>> -> memref<1x128x128xf32, #tpu.memory_space<vmem>>
      %dma_start3A_237 = tpu.memref_squeeze %dma_start3A_236 : memref<1x128x128xf32, #tpu.memory_space<vmem>> -> memref<128x128xf32, #tpu.memory_space<vmem>>
      %dma_start3A_238 = arith.constant 0 : i32
      %dma_start3A_239 = tpu.memref_slice %arg11[%add3A_157, %dma_start3A_238] : memref<10000x128xf32, #tpu.memory_space<vmem_shared>> -> memref<128x128xf32, #tpu.memory_space<vmem_shared>>
      %dma_start3A_240 = arith.constant 0 : i32
      %dma_start3A_241 = tpu.memref_slice %arg11[%add3A_157, %dma_start3A_240] : memref<10000x128xf32, #tpu.memory_space<vmem_shared>> -> memref<128x128xf32, #tpu.memory_space<vmem_shared>>
      %dma_start3A_242 = arith.constant 0 : i32
      %dma_start3A_243 = arith.constant 0 : i32
      %dma_start3A_244 = tpu.memref_slice %arg10[%run_scoped3A_158, %dma_start3A_242, %dma_start3A_243] : memref<2x128x128xf32, #tpu.memory_space<vmem>> -> memref<1x128x128xf32, #tpu.memory_space<vmem>>
      %dma_start3A_245 = tpu.memref_squeeze %dma_start3A_244 : memref<1x128x128xf32, #tpu.memory_space<vmem>> -> memref<128x128xf32, #tpu.memory_space<vmem>>
      tpu.enqueue_dma source(%dma_start3A_245 : memref<128x128xf32, #tpu.memory_space<vmem>>) target(%dma_start3A_241 : memref<128x128xf32, #tpu.memory_space<vmem_shared>>) target_semaphore(%run_scoped3A_233 : memref<!tpu.dma_semaphore, #tpu.memory_space<semaphore_mem>>)
      %dma_wait3A_246 = arith.constant 0 : i32
      %dma_wait3A_247 = arith.constant 0 : i32
      %dma_wait3A_248 = tpu.memref_slice %arg10[%run_scoped3A_158, %dma_wait3A_246, %dma_wait3A_247] : memref<2x128x128xf32, #tpu.memory_space<vmem>> -> memref<1x128x128xf32, #tpu.memory_space<vmem>>
      %dma_wait3A_249 = tpu.memref_squeeze %dma_wait3A_248 : memref<1x128x128xf32, #tpu.memory_space<vmem>> -> memref<128x128xf32, #tpu.memory_space<vmem>>
      %dma_wait3A_250 = arith.constant 0 : i32
      %dma_wait3A_251 = tpu.memref_slice %arg11[%add3A_157, %dma_wait3A_250] : memref<10000x128xf32, #tpu.memory_space<vmem_shared>> -> memref<128x128xf32, #tpu.memory_space<vmem_shared>>
      %dma_wait3A_252 = arith.constant 0 : i32
      %dma_wait3A_253 = tpu.memref_slice %arg11[%add3A_157, %dma_wait3A_252] : memref<10000x128xf32, #tpu.memory_space<vmem_shared>> -> memref<128x128xf32, #tpu.memory_space<vmem_shared>>
      %dma_wait3A_254 = arith.constant 0 : i32
      %dma_wait3A_255 = arith.constant 0 : i32
      %dma_wait3A_256 = tpu.memref_slice %arg10[%run_scoped3A_158, %dma_wait3A_254, %dma_wait3A_255] : memref<2x128x128xf32, #tpu.memory_space<vmem>> -> memref<1x128x128xf32, #tpu.memory_space<vmem>>
      %dma_wait3A_257 = tpu.memref_squeeze %dma_wait3A_256 : memref<1x128x128xf32, #tpu.memory_space<vmem>> -> memref<128x128xf32, #tpu.memory_space<vmem>>
      tpu.wait_dma2 semaphore(%run_scoped3A_233 : memref<!tpu.dma_semaphore, #tpu.memory_space<semaphore_mem>>) src(%dma_wait3A_257 : memref<128x128xf32, #tpu.memory_space<vmem>>) dst(%dma_wait3A_253 : memref<128x128xf32, #tpu.memory_space<vmem_shared>>)
      tpu.yield
    }) : () -> ()
    %add3A_159 = arith.constant 512 : i32
    %add3A_160 = arith.addi %mul3A_147, %add3A_159 : i32
    %run_scoped3A_161 = arith.constant 1 : i32
    "tpu.region"() ({
      %run_scoped3A_233 = tpu.sem_alloc : memref<!tpu.dma_semaphore, #tpu.memory_space<semaphore_mem>>
      %dma_start3A_234 = arith.constant 0 : i32
      %dma_start3A_235 = arith.constant 0 : i32
      %dma_start3A_236 = tpu.memref_slice %arg10[%run_scoped3A_161, %dma_start3A_234, %dma_start3A_235] : memref<2x128x128xf32, #tpu.memory_space<vmem>> -> memref<1x112x128xf32, #tpu.memory_space<vmem>>
      %dma_start3A_237 = tpu.memref_squeeze %dma_start3A_236 : memref<1x112x128xf32, #tpu.memory_space<vmem>> -> memref<112x128xf32, #tpu.memory_space<vmem>>
      %dma_start3A_238 = arith.constant 0 : i32
      %dma_start3A_239 = tpu.memref_slice %arg11[%add3A_160, %dma_start3A_238] : memref<10000x128xf32, #tpu.memory_space<vmem_shared>> -> memref<112x128xf32, #tpu.memory_space<vmem_shared>>
      %dma_start3A_240 = arith.constant 0 : i32
      %dma_start3A_241 = tpu.memref_slice %arg11[%add3A_160, %dma_start3A_240] : memref<10000x128xf32, #tpu.memory_space<vmem_shared>> -> memref<112x128xf32, #tpu.memory_space<vmem_shared>>
      %dma_start3A_242 = arith.constant 0 : i32
      %dma_start3A_243 = arith.constant 0 : i32
      %dma_start3A_244 = tpu.memref_slice %arg10[%run_scoped3A_161, %dma_start3A_242, %dma_start3A_243] : memref<2x128x128xf32, #tpu.memory_space<vmem>> -> memref<1x112x128xf32, #tpu.memory_space<vmem>>
      %dma_start3A_245 = tpu.memref_squeeze %dma_start3A_244 : memref<1x112x128xf32, #tpu.memory_space<vmem>> -> memref<112x128xf32, #tpu.memory_space<vmem>>
      tpu.enqueue_dma source(%dma_start3A_245 : memref<112x128xf32, #tpu.memory_space<vmem>>) target(%dma_start3A_241 : memref<112x128xf32, #tpu.memory_space<vmem_shared>>) target_semaphore(%run_scoped3A_233 : memref<!tpu.dma_semaphore, #tpu.memory_space<semaphore_mem>>)
      %dma_wait3A_246 = arith.constant 0 : i32
      %dma_wait3A_247 = arith.constant 0 : i32
      %dma_wait3A_248 = tpu.memref_slice %arg10[%run_scoped3A_161, %dma_wait3A_246, %dma_wait3A_247] : memref<2x128x128xf32, #tpu.memory_space<vmem>> -> memref<1x112x128xf32, #tpu.memory_space<vmem>>
      %dma_wait3A_249 = tpu.memref_squeeze %dma_wait3A_248 : memref<1x112x128xf32, #tpu.memory_space<vmem>> -> memref<112x128xf32, #tpu.memory_space<vmem>>
      %dma_wait3A_250 = arith.constant 0 : i32
      %dma_wait3A_251 = tpu.memref_slice %arg11[%add3A_160, %dma_wait3A_250] : memref<10000x128xf32, #tpu.memory_space<vmem_shared>> -> memref<112x128xf32, #tpu.memory_space<vmem_shared>>
      %dma_wait3A_252 = arith.constant 0 : i32
      %dma_wait3A_253 = tpu.memref_slice %arg11[%add3A_160, %dma_wait3A_252] : memref<10000x128xf32, #tpu.memory_space<vmem_shared>> -> memref<112x128xf32, #tpu.memory_space<vmem_shared>>
      %dma_wait3A_254 = arith.constant 0 : i32
      %dma_wait3A_255 = arith.constant 0 : i32
      %dma_wait3A_256 = tpu.memref_slice %arg10[%run_scoped3A_161, %dma_wait3A_254, %dma_wait3A_255] : memref<2x128x128xf32, #tpu.memory_space<vmem>> -> memref<1x112x128xf32, #tpu.memory_space<vmem>>
      %dma_wait3A_257 = tpu.memref_squeeze %dma_wait3A_256 : memref<1x112x128xf32, #tpu.memory_space<vmem>> -> memref<112x128xf32, #tpu.memory_space<vmem>>
      tpu.wait_dma2 semaphore(%run_scoped3A_233 : memref<!tpu.dma_semaphore, #tpu.memory_space<semaphore_mem>>) src(%dma_wait3A_257 : memref<112x128xf32, #tpu.memory_space<vmem>>) dst(%dma_wait3A_253 : memref<112x128xf32, #tpu.memory_space<vmem_shared>>)
      tpu.yield
    }) : () -> ()
    %eq3A = arith.constant 15 : i32
    %eq3A_162 = arith.cmpi eq, %arg1, %eq3A : i32
    %convert_element_type3A = arith.extui %eq3A_162 : i1 to i32
    %cond3A = arith.constant 0 : i32
    %cond3A_163 = arith.cmpi ne, %convert_element_type3A, %cond3A : i32
    scf.if %cond3A_163 {
      %run_scoped3A_233 = arith.constant 1 : i32
      "tpu.region"() ({
        %run_scoped3A_234 = tpu.sem_alloc : memref<!tpu.dma_semaphore, #tpu.memory_space<semaphore_mem>>
        %dma_start3A_235 = arith.constant 0 : i32
        %dma_start3A_236 = arith.constant 0 : i32
        %dma_start3A_237 = tpu.memref_slice %arg10[%run_scoped3A_233, %dma_start3A_235, %dma_start3A_236] : memref<2x128x128xf32, #tpu.memory_space<vmem>> -> memref<1x16x128xf32, #tpu.memory_space<vmem>>
        %dma_start3A_238 = tpu.memref_squeeze %dma_start3A_237 : memref<1x16x128xf32, #tpu.memory_space<vmem>> -> memref<16x128xf32, #tpu.memory_space<vmem>>
        %dma_start3A_239 = arith.constant 9984 : i32
        %dma_start3A_240 = arith.constant 0 : i32
        %dma_start3A_241 = tpu.memref_slice %arg11[%dma_start3A_239, %dma_start3A_240] : memref<10000x128xf32, #tpu.memory_space<vmem_shared>> -> memref<16x128xf32, #tpu.memory_space<vmem_shared>>
        %dma_start3A_242 = arith.constant 9984 : i32
        %dma_start3A_243 = arith.constant 0 : i32
        %dma_start3A_244 = tpu.memref_slice %arg11[%dma_start3A_242, %dma_start3A_243] : memref<10000x128xf32, #tpu.memory_space<vmem_shared>> -> memref<16x128xf32, #tpu.memory_space<vmem_shared>>
        %dma_start3A_245 = arith.constant 0 : i32
        %dma_start3A_246 = arith.constant 0 : i32
        %dma_start3A_247 = tpu.memref_slice %arg10[%run_scoped3A_233, %dma_start3A_245, %dma_start3A_246] : memref<2x128x128xf32, #tpu.memory_space<vmem>> -> memref<1x16x128xf32, #tpu.memory_space<vmem>>
        %dma_start3A_248 = tpu.memref_squeeze %dma_start3A_247 : memref<1x16x128xf32, #tpu.memory_space<vmem>> -> memref<16x128xf32, #tpu.memory_space<vmem>>
        tpu.enqueue_dma source(%dma_start3A_248 : memref<16x128xf32, #tpu.memory_space<vmem>>) target(%dma_start3A_244 : memref<16x128xf32, #tpu.memory_space<vmem_shared>>) target_semaphore(%run_scoped3A_234 : memref<!tpu.dma_semaphore, #tpu.memory_space<semaphore_mem>>)
        %dma_wait3A_249 = arith.constant 0 : i32
        %dma_wait3A_250 = arith.constant 0 : i32
        %dma_wait3A_251 = tpu.memref_slice %arg10[%run_scoped3A_233, %dma_wait3A_249, %dma_wait3A_250] : memref<2x128x128xf32, #tpu.memory_space<vmem>> -> memref<1x16x128xf32, #tpu.memory_space<vmem>>
        %dma_wait3A_252 = tpu.memref_squeeze %dma_wait3A_251 : memref<1x16x128xf32, #tpu.memory_space<vmem>> -> memref<16x128xf32, #tpu.memory_space<vmem>>
        %dma_wait3A_253 = arith.constant 9984 : i32
        %dma_wait3A_254 = arith.constant 0 : i32
        %dma_wait3A_255 = tpu.memref_slice %arg11[%dma_wait3A_253, %dma_wait3A_254] : memref<10000x128xf32, #tpu.memory_space<vmem_shared>> -> memref<16x128xf32, #tpu.memory_space<vmem_shared>>
        %dma_wait3A_256 = arith.constant 9984 : i32
        %dma_wait3A_257 = arith.constant 0 : i32
        %dma_wait3A_258 = tpu.memref_slice %arg11[%dma_wait3A_256, %dma_wait3A_257] : memref<10000x128xf32, #tpu.memory_space<vmem_shared>> -> memref<16x128xf32, #tpu.memory_space<vmem_shared>>
        %dma_wait3A_259 = arith.constant 0 : i32
        %dma_wait3A_260 = arith.constant 0 : i32
        %dma_wait3A_261 = tpu.memref_slice %arg10[%run_scoped3A_233, %dma_wait3A_259, %dma_wait3A_260] : memref<2x128x128xf32, #tpu.memory_space<vmem>> -> memref<1x16x128xf32, #tpu.memory_space<vmem>>
        %dma_wait3A_262 = tpu.memref_squeeze %dma_wait3A_261 : memref<1x16x128xf32, #tpu.memory_space<vmem>> -> memref<16x128xf32, #tpu.memory_space<vmem>>
        tpu.wait_dma2 semaphore(%run_scoped3A_234 : memref<!tpu.dma_semaphore, #tpu.memory_space<semaphore_mem>>) src(%dma_wait3A_262 : memref<16x128xf32, #tpu.memory_space<vmem>>) dst(%dma_wait3A_258 : memref<16x128xf32, #tpu.memory_space<vmem_shared>>)
        tpu.yield
      }) : () -> ()
    } else {
    }
    %barrier3A = arith.constant 0 : index
    tpu.barrier barrier_id(%barrier3A)
    %scan3A_164 = arith.constant 0 : i32
    %scan3A_165 = arith.constant 0 : i32
    %scan3A_166 = arith.constant 20 : i32
    %scan3A_167 = arith.addi %scan3A_165, %scan3A_166 : i32
    %scan3A_168 = arith.constant 1 : i32
    scf.for %scan3A_233 = %scan3A_165 to %scan3A_167 step %scan3A_168  : i32 {
      %mul3A_234 = arith.constant 4 : i32
      %mul3A_235 = arith.muli %scan3A_233, %mul3A_234 : i32
      %add3A_236 = arith.constant 0 : i32
      %add3A_237 = arith.addi %mul3A_235, %add3A_236 : i32
      %add3A_238 = arith.constant 2 : i32
      %add3A_239 = arith.addi %add3A_237, %add3A_238 : i32
      %mul3A_240 = arith.constant 80 : i32
      %mul3A_241 = arith.muli %add3A, %mul3A_240 : i32
      %add3A_242 = arith.addi %mul3A_241, %add3A_239 : i32
      %mul3A_243 = arith.constant 128 : i32
      %mul3A_244 = arith.muli %add3A_242, %mul3A_243 : i32
      %dma_start3A_245 = arith.constant 2 : i32
      %dma_start3A_246 = arith.constant 2 : i32
      %dma_start3A_247 = arith.constant 0 : i32
      %dma_start3A_248 = tpu.memref_slice %arg8[%dma_start3A_245, %dma_start3A_247] : memref<4x128xi32, #tpu.memory_space<vmem>> -> memref<1x128xi32, #tpu.memory_space<vmem>>
      %dma_start3A_249 = tpu.memref_squeeze %dma_start3A_248 : memref<1x128xi32, #tpu.memory_space<vmem>> -> memref<128xi32, #tpu.memory_space<vmem>>
      %dma_start3A_250 = tpu.memref_slice %arg3[%mul3A_244] : memref<327936xi32, #tpu.memory_space<hbm>> -> memref<128xi32, #tpu.memory_space<hbm>>
      %dma_start3A_251 = tpu.memref_slice %arg12[%dma_start3A_246] : memref<4x!tpu.dma_semaphore, #tpu.memory_space<semaphore_mem>> -> memref<1x!tpu.dma_semaphore, #tpu.memory_space<semaphore_mem>>
      %dma_start3A_252 = tpu.memref_squeeze %dma_start3A_251 : memref<1x!tpu.dma_semaphore, #tpu.memory_space<semaphore_mem>> -> memref<!tpu.dma_semaphore, #tpu.memory_space<semaphore_mem>>
      %dma_start3A_253 = arith.constant 0 : i32
      %dma_start3A_254 = tpu.memref_slice %arg8[%dma_start3A_245, %dma_start3A_253] : memref<4x128xi32, #tpu.memory_space<vmem>> -> memref<1x128xi32, #tpu.memory_space<vmem>>
      %dma_start3A_255 = tpu.memref_squeeze %dma_start3A_254 : memref<1x128xi32, #tpu.memory_space<vmem>> -> memref<128xi32, #tpu.memory_space<vmem>>
      %dma_start3A_256 = tpu.memref_slice %arg3[%mul3A_244] : memref<327936xi32, #tpu.memory_space<hbm>> -> memref<128xi32, #tpu.memory_space<hbm>>
      tpu.enqueue_dma source(%dma_start3A_256 : memref<128xi32, #tpu.memory_space<hbm>>) target(%dma_start3A_255 : memref<128xi32, #tpu.memory_space<vmem>>) target_semaphore(%dma_start3A_252 : memref<!tpu.dma_semaphore, #tpu.memory_space<semaphore_mem>>)
      %dma_start3A_257 = arith.constant 2 : i32
      %dma_start3A_258 = arith.constant 2 : i32
      %dma_start3A_259 = arith.constant 0 : i32
      %dma_start3A_260 = tpu.memref_slice %arg7[%dma_start3A_257, %dma_start3A_259] : memref<4x128xi32, #tpu.memory_space<vmem>> -> memref<1x128xi32, #tpu.memory_space<vmem>>
      %dma_start3A_261 = tpu.memref_squeeze %dma_start3A_260 : memref<1x128xi32, #tpu.memory_space<vmem>> -> memref<128xi32, #tpu.memory_space<vmem>>
      %dma_start3A_262 = tpu.memref_slice %arg4[%mul3A_244] : memref<327936xi32, #tpu.memory_space<hbm>> -> memref<128xi32, #tpu.memory_space<hbm>>
      %dma_start3A_263 = tpu.memref_slice %arg12[%dma_start3A_258] : memref<4x!tpu.dma_semaphore, #tpu.memory_space<semaphore_mem>> -> memref<1x!tpu.dma_semaphore, #tpu.memory_space<semaphore_mem>>
      %dma_start3A_264 = tpu.memref_squeeze %dma_start3A_263 : memref<1x!tpu.dma_semaphore, #tpu.memory_space<semaphore_mem>> -> memref<!tpu.dma_semaphore, #tpu.memory_space<semaphore_mem>>
      %dma_start3A_265 = arith.constant 0 : i32
      %dma_start3A_266 = tpu.memref_slice %arg7[%dma_start3A_257, %dma_start3A_265] : memref<4x128xi32, #tpu.memory_space<vmem>> -> memref<1x128xi32, #tpu.memory_space<vmem>>
      %dma_start3A_267 = tpu.memref_squeeze %dma_start3A_266 : memref<1x128xi32, #tpu.memory_space<vmem>> -> memref<128xi32, #tpu.memory_space<vmem>>
      %dma_start3A_268 = tpu.memref_slice %arg4[%mul3A_244] : memref<327936xi32, #tpu.memory_space<hbm>> -> memref<128xi32, #tpu.memory_space<hbm>>
      tpu.enqueue_dma source(%dma_start3A_268 : memref<128xi32, #tpu.memory_space<hbm>>) target(%dma_start3A_267 : memref<128xi32, #tpu.memory_space<vmem>>) target_semaphore(%dma_start3A_264 : memref<!tpu.dma_semaphore, #tpu.memory_space<semaphore_mem>>)
      %dma_start3A_269 = arith.constant 2 : i32
      %dma_start3A_270 = arith.constant 2 : i32
      %dma_start3A_271 = arith.constant 0 : i32
      %dma_start3A_272 = tpu.memref_slice %arg9[%dma_start3A_269, %dma_start3A_271] : memref<4x128xf32, #tpu.memory_space<vmem>> -> memref<1x128xf32, #tpu.memory_space<vmem>>
      %dma_start3A_273 = tpu.memref_squeeze %dma_start3A_272 : memref<1x128xf32, #tpu.memory_space<vmem>> -> memref<128xf32, #tpu.memory_space<vmem>>
      %dma_start3A_274 = tpu.memref_slice %arg5[%mul3A_244] : memref<327936xf32, #tpu.memory_space<hbm>> -> memref<128xf32, #tpu.memory_space<hbm>>
      %dma_start3A_275 = tpu.memref_slice %arg12[%dma_start3A_270] : memref<4x!tpu.dma_semaphore, #tpu.memory_space<semaphore_mem>> -> memref<1x!tpu.dma_semaphore, #tpu.memory_space<semaphore_mem>>
      %dma_start3A_276 = tpu.memref_squeeze %dma_start3A_275 : memref<1x!tpu.dma_semaphore, #tpu.memory_space<semaphore_mem>> -> memref<!tpu.dma_semaphore, #tpu.memory_space<semaphore_mem>>
      %dma_start3A_277 = arith.constant 0 : i32
      %dma_start3A_278 = tpu.memref_slice %arg9[%dma_start3A_269, %dma_start3A_277] : memref<4x128xf32, #tpu.memory_space<vmem>> -> memref<1x128xf32, #tpu.memory_space<vmem>>
      %dma_start3A_279 = tpu.memref_squeeze %dma_start3A_278 : memref<1x128xf32, #tpu.memory_space<vmem>> -> memref<128xf32, #tpu.memory_space<vmem>>
      %dma_start3A_280 = tpu.memref_slice %arg5[%mul3A_244] : memref<327936xf32, #tpu.memory_space<hbm>> -> memref<128xf32, #tpu.memory_space<hbm>>
      tpu.enqueue_dma source(%dma_start3A_280 : memref<128xf32, #tpu.memory_space<hbm>>) target(%dma_start3A_279 : memref<128xf32, #tpu.memory_space<vmem>>) target_semaphore(%dma_start3A_276 : memref<!tpu.dma_semaphore, #tpu.memory_space<semaphore_mem>>)
      %dma_wait3A_281 = arith.constant 1 : i32
      %dma_wait3A_282 = arith.constant 1 : i32
      %dma_wait3A_283 = arith.constant 0 : i32
      %dma_wait3A_284 = tpu.memref_slice %arg8[%dma_wait3A_281, %dma_wait3A_283] : memref<4x128xi32, #tpu.memory_space<vmem>> -> memref<1x128xi32, #tpu.memory_space<vmem>>
      %dma_wait3A_285 = tpu.memref_squeeze %dma_wait3A_284 : memref<1x128xi32, #tpu.memory_space<vmem>> -> memref<128xi32, #tpu.memory_space<vmem>>
      %dma_wait3A_286 = arith.constant 0 : i32
      %dma_wait3A_287 = tpu.memref_slice %arg3[%dma_wait3A_286] : memref<327936xi32, #tpu.memory_space<hbm>> -> memref<128xi32, #tpu.memory_space<hbm>>
      %dma_wait3A_288 = tpu.memref_slice %arg12[%dma_wait3A_282] : memref<4x!tpu.dma_semaphore, #tpu.memory_space<semaphore_mem>> -> memref<1x!tpu.dma_semaphore, #tpu.memory_space<semaphore_mem>>
      %dma_wait3A_289 = tpu.memref_squeeze %dma_wait3A_288 : memref<1x!tpu.dma_semaphore, #tpu.memory_space<semaphore_mem>> -> memref<!tpu.dma_semaphore, #tpu.memory_space<semaphore_mem>>
      %dma_wait3A_290 = arith.constant 0 : i32
      %dma_wait3A_291 = tpu.memref_slice %arg8[%dma_wait3A_281, %dma_wait3A_290] : memref<4x128xi32, #tpu.memory_space<vmem>> -> memref<1x128xi32, #tpu.memory_space<vmem>>
      %dma_wait3A_292 = tpu.memref_squeeze %dma_wait3A_291 : memref<1x128xi32, #tpu.memory_space<vmem>> -> memref<128xi32, #tpu.memory_space<vmem>>
      %dma_wait3A_293 = arith.constant 0 : i32
      %dma_wait3A_294 = tpu.memref_slice %arg3[%dma_wait3A_293] : memref<327936xi32, #tpu.memory_space<hbm>> -> memref<128xi32, #tpu.memory_space<hbm>>
      tpu.wait_dma2 semaphore(%dma_wait3A_289 : memref<!tpu.dma_semaphore, #tpu.memory_space<semaphore_mem>>) src(%dma_wait3A_294 : memref<128xi32, #tpu.memory_space<hbm>>) dst(%dma_wait3A_292 : memref<128xi32, #tpu.memory_space<vmem>>)
      %dma_wait3A_295 = arith.constant 1 : i32
      %dma_wait3A_296 = arith.constant 1 : i32
      %dma_wait3A_297 = arith.constant 0 : i32
      %dma_wait3A_298 = tpu.memref_slice %arg7[%dma_wait3A_295, %dma_wait3A_297] : memref<4x128xi32, #tpu.memory_space<vmem>> -> memref<1x128xi32, #tpu.memory_space<vmem>>
      %dma_wait3A_299 = tpu.memref_squeeze %dma_wait3A_298 : memref<1x128xi32, #tpu.memory_space<vmem>> -> memref<128xi32, #tpu.memory_space<vmem>>
      %dma_wait3A_300 = arith.constant 0 : i32
      %dma_wait3A_301 = tpu.memref_slice %arg4[%dma_wait3A_300] : memref<327936xi32, #tpu.memory_space<hbm>> -> memref<128xi32, #tpu.memory_space<hbm>>
      %dma_wait3A_302 = tpu.memref_slice %arg12[%dma_wait3A_296] : memref<4x!tpu.dma_semaphore, #tpu.memory_space<semaphore_mem>> -> memref<1x!tpu.dma_semaphore, #tpu.memory_space<semaphore_mem>>
      %dma_wait3A_303 = tpu.memref_squeeze %dma_wait3A_302 : memref<1x!tpu.dma_semaphore, #tpu.memory_space<semaphore_mem>> -> memref<!tpu.dma_semaphore, #tpu.memory_space<semaphore_mem>>
      %dma_wait3A_304 = arith.constant 0 : i32
      %dma_wait3A_305 = tpu.memref_slice %arg7[%dma_wait3A_295, %dma_wait3A_304] : memref<4x128xi32, #tpu.memory_space<vmem>> -> memref<1x128xi32, #tpu.memory_space<vmem>>
      %dma_wait3A_306 = tpu.memref_squeeze %dma_wait3A_305 : memref<1x128xi32, #tpu.memory_space<vmem>> -> memref<128xi32, #tpu.memory_space<vmem>>
      %dma_wait3A_307 = arith.constant 0 : i32
      %dma_wait3A_308 = tpu.memref_slice %arg4[%dma_wait3A_307] : memref<327936xi32, #tpu.memory_space<hbm>> -> memref<128xi32, #tpu.memory_space<hbm>>
      tpu.wait_dma2 semaphore(%dma_wait3A_303 : memref<!tpu.dma_semaphore, #tpu.memory_space<semaphore_mem>>) src(%dma_wait3A_308 : memref<128xi32, #tpu.memory_space<hbm>>) dst(%dma_wait3A_306 : memref<128xi32, #tpu.memory_space<vmem>>)
      %dma_wait3A_309 = arith.constant 1 : i32
      %dma_wait3A_310 = arith.constant 1 : i32
      %dma_wait3A_311 = arith.constant 0 : i32
      %dma_wait3A_312 = tpu.memref_slice %arg9[%dma_wait3A_309, %dma_wait3A_311] : memref<4x128xf32, #tpu.memory_space<vmem>> -> memref<1x128xf32, #tpu.memory_space<vmem>>
      %dma_wait3A_313 = tpu.memref_squeeze %dma_wait3A_312 : memref<1x128xf32, #tpu.memory_space<vmem>> -> memref<128xf32, #tpu.memory_space<vmem>>
      %dma_wait3A_314 = arith.constant 0 : i32
      %dma_wait3A_315 = tpu.memref_slice %arg5[%dma_wait3A_314] : memref<327936xf32, #tpu.memory_space<hbm>> -> memref<128xf32, #tpu.memory_space<hbm>>
      %dma_wait3A_316 = tpu.memref_slice %arg12[%dma_wait3A_310] : memref<4x!tpu.dma_semaphore, #tpu.memory_space<semaphore_mem>> -> memref<1x!tpu.dma_semaphore, #tpu.memory_space<semaphore_mem>>
      %dma_wait3A_317 = tpu.memref_squeeze %dma_wait3A_316 : memref<1x!tpu.dma_semaphore, #tpu.memory_space<semaphore_mem>> -> memref<!tpu.dma_semaphore, #tpu.memory_space<semaphore_mem>>
      %dma_wait3A_318 = arith.constant 0 : i32
      %dma_wait3A_319 = tpu.memref_slice %arg9[%dma_wait3A_309, %dma_wait3A_318] : memref<4x128xf32, #tpu.memory_space<vmem>> -> memref<1x128xf32, #tpu.memory_space<vmem>>
      %dma_wait3A_320 = tpu.memref_squeeze %dma_wait3A_319 : memref<1x128xf32, #tpu.memory_space<vmem>> -> memref<128xf32, #tpu.memory_space<vmem>>
      %dma_wait3A_321 = arith.constant 0 : i32
      %dma_wait3A_322 = tpu.memref_slice %arg5[%dma_wait3A_321] : memref<327936xf32, #tpu.memory_space<hbm>> -> memref<128xf32, #tpu.memory_space<hbm>>
      tpu.wait_dma2 semaphore(%dma_wait3A_317 : memref<!tpu.dma_semaphore, #tpu.memory_space<semaphore_mem>>) src(%dma_wait3A_322 : memref<128xf32, #tpu.memory_space<hbm>>) dst(%dma_wait3A_320 : memref<128xf32, #tpu.memory_space<vmem>>)
      %dma_start3A_323 = arith.constant 1 : i32
      %dma_start3A_324 = arith.constant 1 : i32
      %dma_start3A_325 = arith.constant 1 : i32
      %dma_start3A_326 = arith.constant 0 : i32
      %dma_start3A_327 = arith.constant 0 : i32
      %dma_start3A_328 = tpu.memref_slice %arg10[%dma_start3A_324, %dma_start3A_326, %dma_start3A_327] : memref<2x128x128xf32, #tpu.memory_space<vmem>> -> memref<1x128x128xf32, #tpu.memory_space<vmem>>
      %dma_start3A_329 = tpu.memref_squeeze %dma_start3A_328 : memref<1x128x128xf32, #tpu.memory_space<vmem>> -> memref<128x128xf32, #tpu.memory_space<vmem>>
      %dma_start3A_330 = arith.constant 0 : i32
      %dma_start3A_331 = tpu.memref_slice %arg7[%dma_start3A_323, %dma_start3A_330] : memref<4x128xi32, #tpu.memory_space<vmem>> -> memref<1x128xi32, #tpu.memory_space<vmem>>
      %dma_start3A_332 = tpu.memref_squeeze %dma_start3A_331 : memref<1x128xi32, #tpu.memory_space<vmem>> -> memref<128xi32, #tpu.memory_space<vmem>>
      %dma_start3A_333 = arith.constant 0 : i32
      %dma_start3A_334 = arith.constant 0 : i32
      %dma_start3A_335 = tpu.memref_slice %arg2[%dma_start3A_333, %dma_start3A_334] : memref<10000x128xf32, #tpu.memory_space<hbm>> -> memref<10000x128xf32, #tpu.memory_space<hbm>>
      %dma_start3A_336 = tpu.memref_slice %arg13[%dma_start3A_325] : memref<2x!tpu.dma_semaphore, #tpu.memory_space<semaphore_mem>> -> memref<1x!tpu.dma_semaphore, #tpu.memory_space<semaphore_mem>>
      %dma_start3A_337 = tpu.memref_squeeze %dma_start3A_336 : memref<1x!tpu.dma_semaphore, #tpu.memory_space<semaphore_mem>> -> memref<!tpu.dma_semaphore, #tpu.memory_space<semaphore_mem>>
      tpu.enqueue_indirect_dma source(%dma_start3A_335 : memref<10000x128xf32, #tpu.memory_space<hbm>>) target(%dma_start3A_329 : memref<128x128xf32, #tpu.memory_space<vmem>>) offsets(%dma_start3A_332 : memref<128xi32, #tpu.memory_space<vmem>>) semaphore(%dma_start3A_337 : memref<!tpu.dma_semaphore, #tpu.memory_space<semaphore_mem>>)
      %dma_wait3A_338 = arith.constant 0 : i32
      %dma_wait3A_339 = arith.constant 0 : i32
      %dma_wait3A_340 = arith.constant 0 : i32
      %dma_wait3A_341 = arith.constant 0 : i32
      %dma_wait3A_342 = arith.constant 0 : i32
      %dma_wait3A_343 = tpu.memref_slice %arg10[%dma_wait3A_339, %dma_wait3A_341, %dma_wait3A_342] : memref<2x128x128xf32, #tpu.memory_space<vmem>> -> memref<1x128x128xf32, #tpu.memory_space<vmem>>
      %dma_wait3A_344 = tpu.memref_squeeze %dma_wait3A_343 : memref<1x128x128xf32, #tpu.memory_space<vmem>> -> memref<128x128xf32, #tpu.memory_space<vmem>>
      %dma_wait3A_345 = arith.constant 0 : i32
      %dma_wait3A_346 = tpu.memref_slice %arg7[%dma_wait3A_338, %dma_wait3A_345] : memref<4x128xi32, #tpu.memory_space<vmem>> -> memref<1x128xi32, #tpu.memory_space<vmem>>
      %dma_wait3A_347 = tpu.memref_squeeze %dma_wait3A_346 : memref<1x128xi32, #tpu.memory_space<vmem>> -> memref<128xi32, #tpu.memory_space<vmem>>
      %dma_wait3A_348 = arith.constant 0 : i32
      %dma_wait3A_349 = arith.constant 0 : i32
      %dma_wait3A_350 = tpu.memref_slice %arg2[%dma_wait3A_348, %dma_wait3A_349] : memref<10000x128xf32, #tpu.memory_space<hbm>> -> memref<10000x128xf32, #tpu.memory_space<hbm>>
      %dma_wait3A_351 = tpu.memref_slice %arg13[%dma_wait3A_340] : memref<2x!tpu.dma_semaphore, #tpu.memory_space<semaphore_mem>> -> memref<1x!tpu.dma_semaphore, #tpu.memory_space<semaphore_mem>>
      %dma_wait3A_352 = tpu.memref_squeeze %dma_wait3A_351 : memref<1x!tpu.dma_semaphore, #tpu.memory_space<semaphore_mem>> -> memref<!tpu.dma_semaphore, #tpu.memory_space<semaphore_mem>>
      tpu.wait_indirect_dma semaphore(%dma_wait3A_352 : memref<!tpu.dma_semaphore, #tpu.memory_space<semaphore_mem>>) src(%dma_wait3A_350 : memref<10000x128xf32, #tpu.memory_space<hbm>>) dst(%dma_wait3A_344 : memref<128x128xf32, #tpu.memory_space<vmem>>)
      %parallel_loop3A = arith.constant 0 : i32
      %parallel_loop3A_353 = arith.constant 128 : i32
      %parallel_loop3A_354 = arith.constant 1 : i32
      scf.for %parallel_loop3A_729 = %parallel_loop3A to %parallel_loop3A_353 step %parallel_loop3A_354  : i32 {
        %parallel_loop3A_730 = vector.broadcast %parallel_loop3A_729 : i32 to vector<16xi32>
        %parallel_loop3A_731 = arith.constant 0 : i32
        %parallel_loop3A_732 = arith.constant 0 : i32
        %parallel_loop3A_733 = tpu.memref_slice %arg9[%parallel_loop3A_731, %parallel_loop3A_732] : memref<4x128xf32, #tpu.memory_space<vmem>> -> memref<1x128xf32, #tpu.memory_space<vmem>>
        %parallel_loop3A_734 = tpu.memref_squeeze %parallel_loop3A_733 : memref<1x128xf32, #tpu.memory_space<vmem>> -> memref<128xf32, #tpu.memory_space<vmem>>
        %parallel_loop3A_735 = tpu.vector_load_idx %parallel_loop3A_734[%parallel_loop3A_730] : memref<128xf32, #tpu.memory_space<vmem>>[vector<16xi32>], vector<16xf32>,
        %parallel_loop3A_736 = arith.constant 0 : i32
        %parallel_loop3A_737 = arith.index_cast %parallel_loop3A_736 : i32 to index
        %parallel_loop3A_738 = arith.index_cast %parallel_loop3A_729 : i32 to index
        %parallel_loop3A_739 = arith.constant 0 : index
        %parallel_loop3A_740 = tpu.vector_load %arg10[%parallel_loop3A_737, %parallel_loop3A_738, %parallel_loop3A_739] {strides = array<i32>} : memref<2x128x128xf32, #tpu.memory_space<vmem>>, vector<16xf32>,
        %parallel_loop3A_741 = arith.mulf %parallel_loop3A_740, %parallel_loop3A_735 : vector<16xf32>
        %parallel_loop3A_742 = arith.constant 0 : i32
        %parallel_loop3A_743 = arith.index_cast %parallel_loop3A_742 : i32 to index
        %parallel_loop3A_744 = arith.index_cast %parallel_loop3A_729 : i32 to index
        %parallel_loop3A_745 = arith.constant 0 : index
        %parallel_loop3A_746 = tpu.vector_load %arg10[%parallel_loop3A_743, %parallel_loop3A_744, %parallel_loop3A_745] {strides = array<i32>} : memref<2x128x128xf32, #tpu.memory_space<vmem>>, vector<16xf32>,
        tpu.vector_store %arg10[%parallel_loop3A_743, %parallel_loop3A_744, %parallel_loop3A_745], %parallel_loop3A_741 {strides = array<i32>} : memref<2x128x128xf32, #tpu.memory_space<vmem>>, vector<16xf32>,
        %parallel_loop3A_747 = arith.constant 0 : i32
        %parallel_loop3A_748 = arith.index_cast %parallel_loop3A_747 : i32 to index
        %parallel_loop3A_749 = arith.index_cast %parallel_loop3A_729 : i32 to index
        %parallel_loop3A_750 = arith.constant 16 : index
        %parallel_loop3A_751 = tpu.vector_load %arg10[%parallel_loop3A_748, %parallel_loop3A_749, %parallel_loop3A_750] {strides = array<i32>} : memref<2x128x128xf32, #tpu.memory_space<vmem>>, vector<16xf32>,
        %parallel_loop3A_752 = arith.mulf %parallel_loop3A_751, %parallel_loop3A_735 : vector<16xf32>
        %parallel_loop3A_753 = arith.constant 0 : i32
        %parallel_loop3A_754 = arith.index_cast %parallel_loop3A_753 : i32 to index
        %parallel_loop3A_755 = arith.index_cast %parallel_loop3A_729 : i32 to index
        %parallel_loop3A_756 = arith.constant 16 : index
        %parallel_loop3A_757 = tpu.vector_load %arg10[%parallel_loop3A_754, %parallel_loop3A_755, %parallel_loop3A_756] {strides = array<i32>} : memref<2x128x128xf32, #tpu.memory_space<vmem>>, vector<16xf32>,
        tpu.vector_store %arg10[%parallel_loop3A_754, %parallel_loop3A_755, %parallel_loop3A_756], %parallel_loop3A_752 {strides = array<i32>} : memref<2x128x128xf32, #tpu.memory_space<vmem>>, vector<16xf32>,
        %parallel_loop3A_758 = arith.constant 0 : i32
        %parallel_loop3A_759 = arith.index_cast %parallel_loop3A_758 : i32 to index
        %parallel_loop3A_760 = arith.index_cast %parallel_loop3A_729 : i32 to index
        %parallel_loop3A_761 = arith.constant 32 : index
        %parallel_loop3A_762 = tpu.vector_load %arg10[%parallel_loop3A_759, %parallel_loop3A_760, %parallel_loop3A_761] {strides = array<i32>} : memref<2x128x128xf32, #tpu.memory_space<vmem>>, vector<16xf32>,
        %parallel_loop3A_763 = arith.mulf %parallel_loop3A_762, %parallel_loop3A_735 : vector<16xf32>
        %parallel_loop3A_764 = arith.constant 0 : i32
        %parallel_loop3A_765 = arith.index_cast %parallel_loop3A_764 : i32 to index
        %parallel_loop3A_766 = arith.index_cast %parallel_loop3A_729 : i32 to index
        %parallel_loop3A_767 = arith.constant 32 : index
        %parallel_loop3A_768 = tpu.vector_load %arg10[%parallel_loop3A_765, %parallel_loop3A_766, %parallel_loop3A_767] {strides = array<i32>} : memref<2x128x128xf32, #tpu.memory_space<vmem>>, vector<16xf32>,
        tpu.vector_store %arg10[%parallel_loop3A_765, %parallel_loop3A_766, %parallel_loop3A_767], %parallel_loop3A_763 {strides = array<i32>} : memref<2x128x128xf32, #tpu.memory_space<vmem>>, vector<16xf32>,
        %parallel_loop3A_769 = arith.constant 0 : i32
        %parallel_loop3A_770 = arith.index_cast %parallel_loop3A_769 : i32 to index
        %parallel_loop3A_771 = arith.index_cast %parallel_loop3A_729 : i32 to index
        %parallel_loop3A_772 = arith.constant 48 : index
        %parallel_loop3A_773 = tpu.vector_load %arg10[%parallel_loop3A_770, %parallel_loop3A_771, %parallel_loop3A_772] {strides = array<i32>} : memref<2x128x128xf32, #tpu.memory_space<vmem>>, vector<16xf32>,
        %parallel_loop3A_774 = arith.mulf %parallel_loop3A_773, %parallel_loop3A_735 : vector<16xf32>
        %parallel_loop3A_775 = arith.constant 0 : i32
        %parallel_loop3A_776 = arith.index_cast %parallel_loop3A_775 : i32 to index
        %parallel_loop3A_777 = arith.index_cast %parallel_loop3A_729 : i32 to index
        %parallel_loop3A_778 = arith.constant 48 : index
        %parallel_loop3A_779 = tpu.vector_load %arg10[%parallel_loop3A_776, %parallel_loop3A_777, %parallel_loop3A_778] {strides = array<i32>} : memref<2x128x128xf32, #tpu.memory_space<vmem>>, vector<16xf32>,
        tpu.vector_store %arg10[%parallel_loop3A_776, %parallel_loop3A_777, %parallel_loop3A_778], %parallel_loop3A_774 {strides = array<i32>} : memref<2x128x128xf32, #tpu.memory_space<vmem>>, vector<16xf32>,
        %parallel_loop3A_780 = arith.constant 0 : i32
        %parallel_loop3A_781 = arith.index_cast %parallel_loop3A_780 : i32 to index
        %parallel_loop3A_782 = arith.index_cast %parallel_loop3A_729 : i32 to index
        %parallel_loop3A_783 = arith.constant 64 : index
        %parallel_loop3A_784 = tpu.vector_load %arg10[%parallel_loop3A_781, %parallel_loop3A_782, %parallel_loop3A_783] {strides = array<i32>} : memref<2x128x128xf32, #tpu.memory_space<vmem>>, vector<16xf32>,
        %parallel_loop3A_785 = arith.mulf %parallel_loop3A_784, %parallel_loop3A_735 : vector<16xf32>
        %parallel_loop3A_786 = arith.constant 0 : i32
        %parallel_loop3A_787 = arith.index_cast %parallel_loop3A_786 : i32 to index
        %parallel_loop3A_788 = arith.index_cast %parallel_loop3A_729 : i32 to index
        %parallel_loop3A_789 = arith.constant 64 : index
        %parallel_loop3A_790 = tpu.vector_load %arg10[%parallel_loop3A_787, %parallel_loop3A_788, %parallel_loop3A_789] {strides = array<i32>} : memref<2x128x128xf32, #tpu.memory_space<vmem>>, vector<16xf32>,
        tpu.vector_store %arg10[%parallel_loop3A_787, %parallel_loop3A_788, %parallel_loop3A_789], %parallel_loop3A_785 {strides = array<i32>} : memref<2x128x128xf32, #tpu.memory_space<vmem>>, vector<16xf32>,
        %parallel_loop3A_791 = arith.constant 0 : i32
        %parallel_loop3A_792 = arith.index_cast %parallel_loop3A_791 : i32 to index
        %parallel_loop3A_793 = arith.index_cast %parallel_loop3A_729 : i32 to index
        %parallel_loop3A_794 = arith.constant 80 : index
        %parallel_loop3A_795 = tpu.vector_load %arg10[%parallel_loop3A_792, %parallel_loop3A_793, %parallel_loop3A_794] {strides = array<i32>} : memref<2x128x128xf32, #tpu.memory_space<vmem>>, vector<16xf32>,
        %parallel_loop3A_796 = arith.mulf %parallel_loop3A_795, %parallel_loop3A_735 : vector<16xf32>
        %parallel_loop3A_797 = arith.constant 0 : i32
        %parallel_loop3A_798 = arith.index_cast %parallel_loop3A_797 : i32 to index
        %parallel_loop3A_799 = arith.index_cast %parallel_loop3A_729 : i32 to index
        %parallel_loop3A_800 = arith.constant 80 : index
        %parallel_loop3A_801 = tpu.vector_load %arg10[%parallel_loop3A_798, %parallel_loop3A_799, %parallel_loop3A_800] {strides = array<i32>} : memref<2x128x128xf32, #tpu.memory_space<vmem>>, vector<16xf32>,
        tpu.vector_store %arg10[%parallel_loop3A_798, %parallel_loop3A_799, %parallel_loop3A_800], %parallel_loop3A_796 {strides = array<i32>} : memref<2x128x128xf32, #tpu.memory_space<vmem>>, vector<16xf32>,
        %parallel_loop3A_802 = arith.constant 0 : i32
        %parallel_loop3A_803 = arith.index_cast %parallel_loop3A_802 : i32 to index
        %parallel_loop3A_804 = arith.index_cast %parallel_loop3A_729 : i32 to index
        %parallel_loop3A_805 = arith.constant 96 : index
        %parallel_loop3A_806 = tpu.vector_load %arg10[%parallel_loop3A_803, %parallel_loop3A_804, %parallel_loop3A_805] {strides = array<i32>} : memref<2x128x128xf32, #tpu.memory_space<vmem>>, vector<16xf32>,
        %parallel_loop3A_807 = arith.mulf %parallel_loop3A_806, %parallel_loop3A_735 : vector<16xf32>
        %parallel_loop3A_808 = arith.constant 0 : i32
        %parallel_loop3A_809 = arith.index_cast %parallel_loop3A_808 : i32 to index
        %parallel_loop3A_810 = arith.index_cast %parallel_loop3A_729 : i32 to index
        %parallel_loop3A_811 = arith.constant 96 : index
        %parallel_loop3A_812 = tpu.vector_load %arg10[%parallel_loop3A_809, %parallel_loop3A_810, %parallel_loop3A_811] {strides = array<i32>} : memref<2x128x128xf32, #tpu.memory_space<vmem>>, vector<16xf32>,
        tpu.vector_store %arg10[%parallel_loop3A_809, %parallel_loop3A_810, %parallel_loop3A_811], %parallel_loop3A_807 {strides = array<i32>} : memref<2x128x128xf32, #tpu.memory_space<vmem>>, vector<16xf32>,
        %parallel_loop3A_813 = arith.constant 0 : i32
        %parallel_loop3A_814 = arith.index_cast %parallel_loop3A_813 : i32 to index
        %parallel_loop3A_815 = arith.index_cast %parallel_loop3A_729 : i32 to index
        %parallel_loop3A_816 = arith.constant 112 : index
        %parallel_loop3A_817 = tpu.vector_load %arg10[%parallel_loop3A_814, %parallel_loop3A_815, %parallel_loop3A_816] {strides = array<i32>} : memref<2x128x128xf32, #tpu.memory_space<vmem>>, vector<16xf32>,
        %parallel_loop3A_818 = arith.mulf %parallel_loop3A_817, %parallel_loop3A_735 : vector<16xf32>
        %parallel_loop3A_819 = arith.constant 0 : i32
        %parallel_loop3A_820 = arith.index_cast %parallel_loop3A_819 : i32 to index
        %parallel_loop3A_821 = arith.index_cast %parallel_loop3A_729 : i32 to index
        %parallel_loop3A_822 = arith.constant 112 : index
        %parallel_loop3A_823 = tpu.vector_load %arg10[%parallel_loop3A_820, %parallel_loop3A_821, %parallel_loop3A_822] {strides = array<i32>} : memref<2x128x128xf32, #tpu.memory_space<vmem>>, vector<16xf32>,
        tpu.vector_store %arg10[%parallel_loop3A_820, %parallel_loop3A_821, %parallel_loop3A_822], %parallel_loop3A_818 {strides = array<i32>} : memref<2x128x128xf32, #tpu.memory_space<vmem>>, vector<16xf32>,
      } {sc.loop_unroll_factor = 8 : i64, sc.parallel_access}
      %run_scoped3A_355 = arith.constant 0 : i32
      %run_scoped3A_356 = arith.constant 0 : i32
      "tpu.region"() ({
        %run_scoped3A_729 = tpu.sem_alloc : memref<!tpu.dma_semaphore, #tpu.memory_space<semaphore_mem>>
        %dma_start3A_730 = arith.constant 0 : i32
        %dma_start3A_731 = arith.constant 0 : i32
        %dma_start3A_732 = tpu.memref_slice %arg10[%run_scoped3A_355, %dma_start3A_730, %dma_start3A_731] : memref<2x128x128xf32, #tpu.memory_space<vmem>> -> memref<1x128x128xf32, #tpu.memory_space<vmem>>
        %dma_start3A_733 = tpu.memref_squeeze %dma_start3A_732 : memref<1x128x128xf32, #tpu.memory_space<vmem>> -> memref<128x128xf32, #tpu.memory_space<vmem>>
        %dma_start3A_734 = arith.constant 0 : i32
        %dma_start3A_735 = tpu.memref_slice %arg8[%run_scoped3A_356, %dma_start3A_734] : memref<4x128xi32, #tpu.memory_space<vmem>> -> memref<1x128xi32, #tpu.memory_space<vmem>>
        %dma_start3A_736 = tpu.memref_squeeze %dma_start3A_735 : memref<1x128xi32, #tpu.memory_space<vmem>> -> memref<128xi32, #tpu.memory_space<vmem>>
        %dma_start3A_737 = arith.constant 0 : i32
        %dma_start3A_738 = arith.constant 0 : i32
        %dma_start3A_739 = tpu.memref_slice %arg11[%dma_start3A_737, %dma_start3A_738] : memref<10000x128xf32, #tpu.memory_space<vmem_shared>> -> memref<10000x128xf32, #tpu.memory_space<vmem_shared>>
        tpu.enqueue_indirect_dma source(%dma_start3A_733 : memref<128x128xf32, #tpu.memory_space<vmem>>) target(%dma_start3A_739 : memref<10000x128xf32, #tpu.memory_space<vmem_shared>>) offsets(%dma_start3A_736 : memref<128xi32, #tpu.memory_space<vmem>>) semaphore(%run_scoped3A_729 : memref<!tpu.dma_semaphore, #tpu.memory_space<semaphore_mem>>) {add = true}
        %dma_wait3A_740 = arith.constant 0 : i32
        %dma_wait3A_741 = arith.constant 0 : i32
        %dma_wait3A_742 = tpu.memref_slice %arg10[%run_scoped3A_355, %dma_wait3A_740, %dma_wait3A_741] : memref<2x128x128xf32, #tpu.memory_space<vmem>> -> memref<1x128x128xf32, #tpu.memory_space<vmem>>
        %dma_wait3A_743 = tpu.memref_squeeze %dma_wait3A_742 : memref<1x128x128xf32, #tpu.memory_space<vmem>> -> memref<128x128xf32, #tpu.memory_space<vmem>>
        %dma_wait3A_744 = arith.constant 0 : i32
        %dma_wait3A_745 = tpu.memref_slice %arg8[%run_scoped3A_356, %dma_wait3A_744] : memref<4x128xi32, #tpu.memory_space<vmem>> -> memref<1x128xi32, #tpu.memory_space<vmem>>
        %dma_wait3A_746 = tpu.memref_squeeze %dma_wait3A_745 : memref<1x128xi32, #tpu.memory_space<vmem>> -> memref<128xi32, #tpu.memory_space<vmem>>
        %dma_wait3A_747 = arith.constant 0 : i32
        %dma_wait3A_748 = arith.constant 0 : i32
        %dma_wait3A_749 = tpu.memref_slice %arg11[%dma_wait3A_747, %dma_wait3A_748] : memref<10000x128xf32, #tpu.memory_space<vmem_shared>> -> memref<10000x128xf32, #tpu.memory_space<vmem_shared>>
        tpu.wait_indirect_dma semaphore(%run_scoped3A_729 : memref<!tpu.dma_semaphore, #tpu.memory_space<semaphore_mem>>) src(%dma_wait3A_743 : memref<128x128xf32, #tpu.memory_space<vmem>>) dst(%dma_wait3A_749 : memref<10000x128xf32, #tpu.memory_space<vmem_shared>>)
        tpu.yield
      }) : () -> ()
      %mul3A_357 = arith.constant 4 : i32
      %mul3A_358 = arith.muli %scan3A_233, %mul3A_357 : i32
      %add3A_359 = arith.constant 1 : i32
      %add3A_360 = arith.addi %mul3A_358, %add3A_359 : i32
      %add3A_361 = arith.constant 2 : i32
      %add3A_362 = arith.addi %add3A_360, %add3A_361 : i32
      %mul3A_363 = arith.constant 80 : i32
      %mul3A_364 = arith.muli %add3A, %mul3A_363 : i32
      %add3A_365 = arith.addi %mul3A_364, %add3A_362 : i32
      %mul3A_366 = arith.constant 128 : i32
      %mul3A_367 = arith.muli %add3A_365, %mul3A_366 : i32
      %dma_start3A_368 = arith.constant 3 : i32
      %dma_start3A_369 = arith.constant 3 : i32
      %dma_start3A_370 = arith.constant 0 : i32
      %dma_start3A_371 = tpu.memref_slice %arg8[%dma_start3A_368, %dma_start3A_370] : memref<4x128xi32, #tpu.memory_space<vmem>> -> memref<1x128xi32, #tpu.memory_space<vmem>>
      %dma_start3A_372 = tpu.memref_squeeze %dma_start3A_371 : memref<1x128xi32, #tpu.memory_space<vmem>> -> memref<128xi32, #tpu.memory_space<vmem>>
      %dma_start3A_373 = tpu.memref_slice %arg3[%mul3A_367] : memref<327936xi32, #tpu.memory_space<hbm>> -> memref<128xi32, #tpu.memory_space<hbm>>
      %dma_start3A_374 = tpu.memref_slice %arg12[%dma_start3A_369] : memref<4x!tpu.dma_semaphore, #tpu.memory_space<semaphore_mem>> -> memref<1x!tpu.dma_semaphore, #tpu.memory_space<semaphore_mem>>
      %dma_start3A_375 = tpu.memref_squeeze %dma_start3A_374 : memref<1x!tpu.dma_semaphore, #tpu.memory_space<semaphore_mem>> -> memref<!tpu.dma_semaphore, #tpu.memory_space<semaphore_mem>>
      %dma_start3A_376 = arith.constant 0 : i32
      %dma_start3A_377 = tpu.memref_slice %arg8[%dma_start3A_368, %dma_start3A_376] : memref<4x128xi32, #tpu.memory_space<vmem>> -> memref<1x128xi32, #tpu.memory_space<vmem>>
      %dma_start3A_378 = tpu.memref_squeeze %dma_start3A_377 : memref<1x128xi32, #tpu.memory_space<vmem>> -> memref<128xi32, #tpu.memory_space<vmem>>
      %dma_start3A_379 = tpu.memref_slice %arg3[%mul3A_367] : memref<327936xi32, #tpu.memory_space<hbm>> -> memref<128xi32, #tpu.memory_space<hbm>>
      tpu.enqueue_dma source(%dma_start3A_379 : memref<128xi32, #tpu.memory_space<hbm>>) target(%dma_start3A_378 : memref<128xi32, #tpu.memory_space<vmem>>) target_semaphore(%dma_start3A_375 : memref<!tpu.dma_semaphore, #tpu.memory_space<semaphore_mem>>)
      %dma_start3A_380 = arith.constant 3 : i32
      %dma_start3A_381 = arith.constant 3 : i32
      %dma_start3A_382 = arith.constant 0 : i32
      %dma_start3A_383 = tpu.memref_slice %arg7[%dma_start3A_380, %dma_start3A_382] : memref<4x128xi32, #tpu.memory_space<vmem>> -> memref<1x128xi32, #tpu.memory_space<vmem>>
      %dma_start3A_384 = tpu.memref_squeeze %dma_start3A_383 : memref<1x128xi32, #tpu.memory_space<vmem>> -> memref<128xi32, #tpu.memory_space<vmem>>
      %dma_start3A_385 = tpu.memref_slice %arg4[%mul3A_367] : memref<327936xi32, #tpu.memory_space<hbm>> -> memref<128xi32, #tpu.memory_space<hbm>>
      %dma_start3A_386 = tpu.memref_slice %arg12[%dma_start3A_381] : memref<4x!tpu.dma_semaphore, #tpu.memory_space<semaphore_mem>> -> memref<1x!tpu.dma_semaphore, #tpu.memory_space<semaphore_mem>>
      %dma_start3A_387 = tpu.memref_squeeze %dma_start3A_386 : memref<1x!tpu.dma_semaphore, #tpu.memory_space<semaphore_mem>> -> memref<!tpu.dma_semaphore, #tpu.memory_space<semaphore_mem>>
      %dma_start3A_388 = arith.constant 0 : i32
      %dma_start3A_389 = tpu.memref_slice %arg7[%dma_start3A_380, %dma_start3A_388] : memref<4x128xi32, #tpu.memory_space<vmem>> -> memref<1x128xi32, #tpu.memory_space<vmem>>
      %dma_start3A_390 = tpu.memref_squeeze %dma_start3A_389 : memref<1x128xi32, #tpu.memory_space<vmem>> -> memref<128xi32, #tpu.memory_space<vmem>>
      %dma_start3A_391 = tpu.memref_slice %arg4[%mul3A_367] : memref<327936xi32, #tpu.memory_space<hbm>> -> memref<128xi32, #tpu.memory_space<hbm>>
      tpu.enqueue_dma source(%dma_start3A_391 : memref<128xi32, #tpu.memory_space<hbm>>) target(%dma_start3A_390 : memref<128xi32, #tpu.memory_space<vmem>>) target_semaphore(%dma_start3A_387 : memref<!tpu.dma_semaphore, #tpu.memory_space<semaphore_mem>>)
      %dma_start3A_392 = arith.constant 3 : i32
      %dma_start3A_393 = arith.constant 3 : i32
      %dma_start3A_394 = arith.constant 0 : i32
      %dma_start3A_395 = tpu.memref_slice %arg9[%dma_start3A_392, %dma_start3A_394] : memref<4x128xf32, #tpu.memory_space<vmem>> -> memref<1x128xf32, #tpu.memory_space<vmem>>
      %dma_start3A_396 = tpu.memref_squeeze %dma_start3A_395 : memref<1x128xf32, #tpu.memory_space<vmem>> -> memref<128xf32, #tpu.memory_space<vmem>>
      %dma_start3A_397 = tpu.memref_slice %arg5[%mul3A_367] : memref<327936xf32, #tpu.memory_space<hbm>> -> memref<128xf32, #tpu.memory_space<hbm>>
      %dma_start3A_398 = tpu.memref_slice %arg12[%dma_start3A_393] : memref<4x!tpu.dma_semaphore, #tpu.memory_space<semaphore_mem>> -> memref<1x!tpu.dma_semaphore, #tpu.memory_space<semaphore_mem>>
      %dma_start3A_399 = tpu.memref_squeeze %dma_start3A_398 : memref<1x!tpu.dma_semaphore, #tpu.memory_space<semaphore_mem>> -> memref<!tpu.dma_semaphore, #tpu.memory_space<semaphore_mem>>
      %dma_start3A_400 = arith.constant 0 : i32
      %dma_start3A_401 = tpu.memref_slice %arg9[%dma_start3A_392, %dma_start3A_400] : memref<4x128xf32, #tpu.memory_space<vmem>> -> memref<1x128xf32, #tpu.memory_space<vmem>>
      %dma_start3A_402 = tpu.memref_squeeze %dma_start3A_401 : memref<1x128xf32, #tpu.memory_space<vmem>> -> memref<128xf32, #tpu.memory_space<vmem>>
      %dma_start3A_403 = tpu.memref_slice %arg5[%mul3A_367] : memref<327936xf32, #tpu.memory_space<hbm>> -> memref<128xf32, #tpu.memory_space<hbm>>
      tpu.enqueue_dma source(%dma_start3A_403 : memref<128xf32, #tpu.memory_space<hbm>>) target(%dma_start3A_402 : memref<128xf32, #tpu.memory_space<vmem>>) target_semaphore(%dma_start3A_399 : memref<!tpu.dma_semaphore, #tpu.memory_space<semaphore_mem>>)
      %dma_wait3A_404 = arith.constant 2 : i32
      %dma_wait3A_405 = arith.constant 2 : i32
      %dma_wait3A_406 = arith.constant 0 : i32
      %dma_wait3A_407 = tpu.memref_slice %arg8[%dma_wait3A_404, %dma_wait3A_406] : memref<4x128xi32, #tpu.memory_space<vmem>> -> memref<1x128xi32, #tpu.memory_space<vmem>>
      %dma_wait3A_408 = tpu.memref_squeeze %dma_wait3A_407 : memref<1x128xi32, #tpu.memory_space<vmem>> -> memref<128xi32, #tpu.memory_space<vmem>>
      %dma_wait3A_409 = arith.constant 0 : i32
      %dma_wait3A_410 = tpu.memref_slice %arg3[%dma_wait3A_409] : memref<327936xi32, #tpu.memory_space<hbm>> -> memref<128xi32, #tpu.memory_space<hbm>>
      %dma_wait3A_411 = tpu.memref_slice %arg12[%dma_wait3A_405] : memref<4x!tpu.dma_semaphore, #tpu.memory_space<semaphore_mem>> -> memref<1x!tpu.dma_semaphore, #tpu.memory_space<semaphore_mem>>
      %dma_wait3A_412 = tpu.memref_squeeze %dma_wait3A_411 : memref<1x!tpu.dma_semaphore, #tpu.memory_space<semaphore_mem>> -> memref<!tpu.dma_semaphore, #tpu.memory_space<semaphore_mem>>
      %dma_wait3A_413 = arith.constant 0 : i32
      %dma_wait3A_414 = tpu.memref_slice %arg8[%dma_wait3A_404, %dma_wait3A_413] : memref<4x128xi32, #tpu.memory_space<vmem>> -> memref<1x128xi32, #tpu.memory_space<vmem>>
      %dma_wait3A_415 = tpu.memref_squeeze %dma_wait3A_414 : memref<1x128xi32, #tpu.memory_space<vmem>> -> memref<128xi32, #tpu.memory_space<vmem>>
      %dma_wait3A_416 = arith.constant 0 : i32
      %dma_wait3A_417 = tpu.memref_slice %arg3[%dma_wait3A_416] : memref<327936xi32, #tpu.memory_space<hbm>> -> memref<128xi32, #tpu.memory_space<hbm>>
      tpu.wait_dma2 semaphore(%dma_wait3A_412 : memref<!tpu.dma_semaphore, #tpu.memory_space<semaphore_mem>>) src(%dma_wait3A_417 : memref<128xi32, #tpu.memory_space<hbm>>) dst(%dma_wait3A_415 : memref<128xi32, #tpu.memory_space<vmem>>)
      %dma_wait3A_418 = arith.constant 2 : i32
      %dma_wait3A_419 = arith.constant 2 : i32
      %dma_wait3A_420 = arith.constant 0 : i32
      %dma_wait3A_421 = tpu.memref_slice %arg7[%dma_wait3A_418, %dma_wait3A_420] : memref<4x128xi32, #tpu.memory_space<vmem>> -> memref<1x128xi32, #tpu.memory_space<vmem>>
      %dma_wait3A_422 = tpu.memref_squeeze %dma_wait3A_421 : memref<1x128xi32, #tpu.memory_space<vmem>> -> memref<128xi32, #tpu.memory_space<vmem>>
      %dma_wait3A_423 = arith.constant 0 : i32
      %dma_wait3A_424 = tpu.memref_slice %arg4[%dma_wait3A_423] : memref<327936xi32, #tpu.memory_space<hbm>> -> memref<128xi32, #tpu.memory_space<hbm>>
      %dma_wait3A_425 = tpu.memref_slice %arg12[%dma_wait3A_419] : memref<4x!tpu.dma_semaphore, #tpu.memory_space<semaphore_mem>> -> memref<1x!tpu.dma_semaphore, #tpu.memory_space<semaphore_mem>>
      %dma_wait3A_426 = tpu.memref_squeeze %dma_wait3A_425 : memref<1x!tpu.dma_semaphore, #tpu.memory_space<semaphore_mem>> -> memref<!tpu.dma_semaphore, #tpu.memory_space<semaphore_mem>>
      %dma_wait3A_427 = arith.constant 0 : i32
      %dma_wait3A_428 = tpu.memref_slice %arg7[%dma_wait3A_418, %dma_wait3A_427] : memref<4x128xi32, #tpu.memory_space<vmem>> -> memref<1x128xi32, #tpu.memory_space<vmem>>
      %dma_wait3A_429 = tpu.memref_squeeze %dma_wait3A_428 : memref<1x128xi32, #tpu.memory_space<vmem>> -> memref<128xi32, #tpu.memory_space<vmem>>
      %dma_wait3A_430 = arith.constant 0 : i32
      %dma_wait3A_431 = tpu.memref_slice %arg4[%dma_wait3A_430] : memref<327936xi32, #tpu.memory_space<hbm>> -> memref<128xi32, #tpu.memory_space<hbm>>
      tpu.wait_dma2 semaphore(%dma_wait3A_426 : memref<!tpu.dma_semaphore, #tpu.memory_space<semaphore_mem>>) src(%dma_wait3A_431 : memref<128xi32, #tpu.memory_space<hbm>>) dst(%dma_wait3A_429 : memref<128xi32, #tpu.memory_space<vmem>>)
      %dma_wait3A_432 = arith.constant 2 : i32
      %dma_wait3A_433 = arith.constant 2 : i32
      %dma_wait3A_434 = arith.constant 0 : i32
      %dma_wait3A_435 = tpu.memref_slice %arg9[%dma_wait3A_432, %dma_wait3A_434] : memref<4x128xf32, #tpu.memory_space<vmem>> -> memref<1x128xf32, #tpu.memory_space<vmem>>
      %dma_wait3A_436 = tpu.memref_squeeze %dma_wait3A_435 : memref<1x128xf32, #tpu.memory_space<vmem>> -> memref<128xf32, #tpu.memory_space<vmem>>
      %dma_wait3A_437 = arith.constant 0 : i32
      %dma_wait3A_438 = tpu.memref_slice %arg5[%dma_wait3A_437] : memref<327936xf32, #tpu.memory_space<hbm>> -> memref<128xf32, #tpu.memory_space<hbm>>
      %dma_wait3A_439 = tpu.memref_slice %arg12[%dma_wait3A_433] : memref<4x!tpu.dma_semaphore, #tpu.memory_space<semaphore_mem>> -> memref<1x!tpu.dma_semaphore, #tpu.memory_space<semaphore_mem>>
      %dma_wait3A_440 = tpu.memref_squeeze %dma_wait3A_439 : memref<1x!tpu.dma_semaphore, #tpu.memory_space<semaphore_mem>> -> memref<!tpu.dma_semaphore, #tpu.memory_space<semaphore_mem>>
      %dma_wait3A_441 = arith.constant 0 : i32
      %dma_wait3A_442 = tpu.memref_slice %arg9[%dma_wait3A_432, %dma_wait3A_441] : memref<4x128xf32, #tpu.memory_space<vmem>> -> memref<1x128xf32, #tpu.memory_space<vmem>>
      %dma_wait3A_443 = tpu.memref_squeeze %dma_wait3A_442 : memref<1x128xf32, #tpu.memory_space<vmem>> -> memref<128xf32, #tpu.memory_space<vmem>>
      %dma_wait3A_444 = arith.constant 0 : i32
      %dma_wait3A_445 = tpu.memref_slice %arg5[%dma_wait3A_444] : memref<327936xf32, #tpu.memory_space<hbm>> -> memref<128xf32, #tpu.memory_space<hbm>>
      tpu.wait_dma2 semaphore(%dma_wait3A_440 : memref<!tpu.dma_semaphore, #tpu.memory_space<semaphore_mem>>) src(%dma_wait3A_445 : memref<128xf32, #tpu.memory_space<hbm>>) dst(%dma_wait3A_443 : memref<128xf32, #tpu.memory_space<vmem>>)
      %dma_start3A_446 = arith.constant 2 : i32
      %dma_start3A_447 = arith.constant 0 : i32
      %dma_start3A_448 = arith.constant 0 : i32
      %dma_start3A_449 = arith.constant 0 : i32
      %dma_start3A_450 = arith.constant 0 : i32
      %dma_start3A_451 = tpu.memref_slice %arg10[%dma_start3A_447, %dma_start3A_449, %dma_start3A_450] : memref<2x128x128xf32, #tpu.memory_space<vmem>> -> memref<1x128x128xf32, #tpu.memory_space<vmem>>
      %dma_start3A_452 = tpu.memref_squeeze %dma_start3A_451 : memref<1x128x128xf32, #tpu.memory_space<vmem>> -> memref<128x128xf32, #tpu.memory_space<vmem>>
      %dma_start3A_453 = arith.constant 0 : i32
      %dma_start3A_454 = tpu.memref_slice %arg7[%dma_start3A_446, %dma_start3A_453] : memref<4x128xi32, #tpu.memory_space<vmem>> -> memref<1x128xi32, #tpu.memory_space<vmem>>
      %dma_start3A_455 = tpu.memref_squeeze %dma_start3A_454 : memref<1x128xi32, #tpu.memory_space<vmem>> -> memref<128xi32, #tpu.memory_space<vmem>>
      %dma_start3A_456 = arith.constant 0 : i32
      %dma_start3A_457 = arith.constant 0 : i32
      %dma_start3A_458 = tpu.memref_slice %arg2[%dma_start3A_456, %dma_start3A_457] : memref<10000x128xf32, #tpu.memory_space<hbm>> -> memref<10000x128xf32, #tpu.memory_space<hbm>>
      %dma_start3A_459 = tpu.memref_slice %arg13[%dma_start3A_448] : memref<2x!tpu.dma_semaphore, #tpu.memory_space<semaphore_mem>> -> memref<1x!tpu.dma_semaphore, #tpu.memory_space<semaphore_mem>>
      %dma_start3A_460 = tpu.memref_squeeze %dma_start3A_459 : memref<1x!tpu.dma_semaphore, #tpu.memory_space<semaphore_mem>> -> memref<!tpu.dma_semaphore, #tpu.memory_space<semaphore_mem>>
      tpu.enqueue_indirect_dma source(%dma_start3A_458 : memref<10000x128xf32, #tpu.memory_space<hbm>>) target(%dma_start3A_452 : memref<128x128xf32, #tpu.memory_space<vmem>>) offsets(%dma_start3A_455 : memref<128xi32, #tpu.memory_space<vmem>>) semaphore(%dma_start3A_460 : memref<!tpu.dma_semaphore, #tpu.memory_space<semaphore_mem>>)
      %dma_wait3A_461 = arith.constant 0 : i32
      %dma_wait3A_462 = arith.constant 1 : i32
      %dma_wait3A_463 = arith.constant 1 : i32
      %dma_wait3A_464 = arith.constant 0 : i32
      %dma_wait3A_465 = arith.constant 0 : i32
      %dma_wait3A_466 = tpu.memref_slice %arg10[%dma_wait3A_462, %dma_wait3A_464, %dma_wait3A_465] : memref<2x128x128xf32, #tpu.memory_space<vmem>> -> memref<1x128x128xf32, #tpu.memory_space<vmem>>
      %dma_wait3A_467 = tpu.memref_squeeze %dma_wait3A_466 : memref<1x128x128xf32, #tpu.memory_space<vmem>> -> memref<128x128xf32, #tpu.memory_space<vmem>>
      %dma_wait3A_468 = arith.constant 0 : i32
      %dma_wait3A_469 = tpu.memref_slice %arg7[%dma_wait3A_461, %dma_wait3A_468] : memref<4x128xi32, #tpu.memory_space<vmem>> -> memref<1x128xi32, #tpu.memory_space<vmem>>
      %dma_wait3A_470 = tpu.memref_squeeze %dma_wait3A_469 : memref<1x128xi32, #tpu.memory_space<vmem>> -> memref<128xi32, #tpu.memory_space<vmem>>
      %dma_wait3A_471 = arith.constant 0 : i32
      %dma_wait3A_472 = arith.constant 0 : i32
      %dma_wait3A_473 = tpu.memref_slice %arg2[%dma_wait3A_471, %dma_wait3A_472] : memref<10000x128xf32, #tpu.memory_space<hbm>> -> memref<10000x128xf32, #tpu.memory_space<hbm>>
      %dma_wait3A_474 = tpu.memref_slice %arg13[%dma_wait3A_463] : memref<2x!tpu.dma_semaphore, #tpu.memory_space<semaphore_mem>> -> memref<1x!tpu.dma_semaphore, #tpu.memory_space<semaphore_mem>>
      %dma_wait3A_475 = tpu.memref_squeeze %dma_wait3A_474 : memref<1x!tpu.dma_semaphore, #tpu.memory_space<semaphore_mem>> -> memref<!tpu.dma_semaphore, #tpu.memory_space<semaphore_mem>>
      tpu.wait_indirect_dma semaphore(%dma_wait3A_475 : memref<!tpu.dma_semaphore, #tpu.memory_space<semaphore_mem>>) src(%dma_wait3A_473 : memref<10000x128xf32, #tpu.memory_space<hbm>>) dst(%dma_wait3A_467 : memref<128x128xf32, #tpu.memory_space<vmem>>)
      %parallel_loop3A_476 = arith.constant 0 : i32
      %parallel_loop3A_477 = arith.constant 128 : i32
      %parallel_loop3A_478 = arith.constant 1 : i32
      scf.for %parallel_loop3A_729 = %parallel_loop3A_476 to %parallel_loop3A_477 step %parallel_loop3A_478  : i32 {
        %parallel_loop3A_730 = vector.broadcast %parallel_loop3A_729 : i32 to vector<16xi32>
        %parallel_loop3A_731 = arith.constant 1 : i32
        %parallel_loop3A_732 = arith.constant 0 : i32
        %parallel_loop3A_733 = tpu.memref_slice %arg9[%parallel_loop3A_731, %parallel_loop3A_732] : memref<4x128xf32, #tpu.memory_space<vmem>> -> memref<1x128xf32, #tpu.memory_space<vmem>>
        %parallel_loop3A_734 = tpu.memref_squeeze %parallel_loop3A_733 : memref<1x128xf32, #tpu.memory_space<vmem>> -> memref<128xf32, #tpu.memory_space<vmem>>
        %parallel_loop3A_735 = tpu.vector_load_idx %parallel_loop3A_734[%parallel_loop3A_730] : memref<128xf32, #tpu.memory_space<vmem>>[vector<16xi32>], vector<16xf32>,
        %parallel_loop3A_736 = arith.constant 1 : i32
        %parallel_loop3A_737 = arith.index_cast %parallel_loop3A_736 : i32 to index
        %parallel_loop3A_738 = arith.index_cast %parallel_loop3A_729 : i32 to index
        %parallel_loop3A_739 = arith.constant 0 : index
        %parallel_loop3A_740 = tpu.vector_load %arg10[%parallel_loop3A_737, %parallel_loop3A_738, %parallel_loop3A_739] {strides = array<i32>} : memref<2x128x128xf32, #tpu.memory_space<vmem>>, vector<16xf32>,
        %parallel_loop3A_741 = arith.mulf %parallel_loop3A_740, %parallel_loop3A_735 : vector<16xf32>
        %parallel_loop3A_742 = arith.constant 1 : i32
        %parallel_loop3A_743 = arith.index_cast %parallel_loop3A_742 : i32 to index
        %parallel_loop3A_744 = arith.index_cast %parallel_loop3A_729 : i32 to index
        %parallel_loop3A_745 = arith.constant 0 : index
        %parallel_loop3A_746 = tpu.vector_load %arg10[%parallel_loop3A_743, %parallel_loop3A_744, %parallel_loop3A_745] {strides = array<i32>} : memref<2x128x128xf32, #tpu.memory_space<vmem>>, vector<16xf32>,
        tpu.vector_store %arg10[%parallel_loop3A_743, %parallel_loop3A_744, %parallel_loop3A_745], %parallel_loop3A_741 {strides = array<i32>} : memref<2x128x128xf32, #tpu.memory_space<vmem>>, vector<16xf32>,
        %parallel_loop3A_747 = arith.constant 1 : i32
        %parallel_loop3A_748 = arith.index_cast %parallel_loop3A_747 : i32 to index
        %parallel_loop3A_749 = arith.index_cast %parallel_loop3A_729 : i32 to index
        %parallel_loop3A_750 = arith.constant 16 : index
        %parallel_loop3A_751 = tpu.vector_load %arg10[%parallel_loop3A_748, %parallel_loop3A_749, %parallel_loop3A_750] {strides = array<i32>} : memref<2x128x128xf32, #tpu.memory_space<vmem>>, vector<16xf32>,
        %parallel_loop3A_752 = arith.mulf %parallel_loop3A_751, %parallel_loop3A_735 : vector<16xf32>
        %parallel_loop3A_753 = arith.constant 1 : i32
        %parallel_loop3A_754 = arith.index_cast %parallel_loop3A_753 : i32 to index
        %parallel_loop3A_755 = arith.index_cast %parallel_loop3A_729 : i32 to index
        %parallel_loop3A_756 = arith.constant 16 : index
        %parallel_loop3A_757 = tpu.vector_load %arg10[%parallel_loop3A_754, %parallel_loop3A_755, %parallel_loop3A_756] {strides = array<i32>} : memref<2x128x128xf32, #tpu.memory_space<vmem>>, vector<16xf32>,
        tpu.vector_store %arg10[%parallel_loop3A_754, %parallel_loop3A_755, %parallel_loop3A_756], %parallel_loop3A_752 {strides = array<i32>} : memref<2x128x128xf32, #tpu.memory_space<vmem>>, vector<16xf32>,
        %parallel_loop3A_758 = arith.constant 1 : i32
        %parallel_loop3A_759 = arith.index_cast %parallel_loop3A_758 : i32 to index
        %parallel_loop3A_760 = arith.index_cast %parallel_loop3A_729 : i32 to index
        %parallel_loop3A_761 = arith.constant 32 : index
        %parallel_loop3A_762 = tpu.vector_load %arg10[%parallel_loop3A_759, %parallel_loop3A_760, %parallel_loop3A_761] {strides = array<i32>} : memref<2x128x128xf32, #tpu.memory_space<vmem>>, vector<16xf32>,
        %parallel_loop3A_763 = arith.mulf %parallel_loop3A_762, %parallel_loop3A_735 : vector<16xf32>
        %parallel_loop3A_764 = arith.constant 1 : i32
        %parallel_loop3A_765 = arith.index_cast %parallel_loop3A_764 : i32 to index
        %parallel_loop3A_766 = arith.index_cast %parallel_loop3A_729 : i32 to index
        %parallel_loop3A_767 = arith.constant 32 : index
        %parallel_loop3A_768 = tpu.vector_load %arg10[%parallel_loop3A_765, %parallel_loop3A_766, %parallel_loop3A_767] {strides = array<i32>} : memref<2x128x128xf32, #tpu.memory_space<vmem>>, vector<16xf32>,
        tpu.vector_store %arg10[%parallel_loop3A_765, %parallel_loop3A_766, %parallel_loop3A_767], %parallel_loop3A_763 {strides = array<i32>} : memref<2x128x128xf32, #tpu.memory_space<vmem>>, vector<16xf32>,
        %parallel_loop3A_769 = arith.constant 1 : i32
        %parallel_loop3A_770 = arith.index_cast %parallel_loop3A_769 : i32 to index
        %parallel_loop3A_771 = arith.index_cast %parallel_loop3A_729 : i32 to index
        %parallel_loop3A_772 = arith.constant 48 : index
        %parallel_loop3A_773 = tpu.vector_load %arg10[%parallel_loop3A_770, %parallel_loop3A_771, %parallel_loop3A_772] {strides = array<i32>} : memref<2x128x128xf32, #tpu.memory_space<vmem>>, vector<16xf32>,
        %parallel_loop3A_774 = arith.mulf %parallel_loop3A_773, %parallel_loop3A_735 : vector<16xf32>
        %parallel_loop3A_775 = arith.constant 1 : i32
        %parallel_loop3A_776 = arith.index_cast %parallel_loop3A_775 : i32 to index
        %parallel_loop3A_777 = arith.index_cast %parallel_loop3A_729 : i32 to index
        %parallel_loop3A_778 = arith.constant 48 : index
        %parallel_loop3A_779 = tpu.vector_load %arg10[%parallel_loop3A_776, %parallel_loop3A_777, %parallel_loop3A_778] {strides = array<i32>} : memref<2x128x128xf32, #tpu.memory_space<vmem>>, vector<16xf32>,
        tpu.vector_store %arg10[%parallel_loop3A_776, %parallel_loop3A_777, %parallel_loop3A_778], %parallel_loop3A_774 {strides = array<i32>} : memref<2x128x128xf32, #tpu.memory_space<vmem>>, vector<16xf32>,
        %parallel_loop3A_780 = arith.constant 1 : i32
        %parallel_loop3A_781 = arith.index_cast %parallel_loop3A_780 : i32 to index
        %parallel_loop3A_782 = arith.index_cast %parallel_loop3A_729 : i32 to index
        %parallel_loop3A_783 = arith.constant 64 : index
        %parallel_loop3A_784 = tpu.vector_load %arg10[%parallel_loop3A_781, %parallel_loop3A_782, %parallel_loop3A_783] {strides = array<i32>} : memref<2x128x128xf32, #tpu.memory_space<vmem>>, vector<16xf32>,
        %parallel_loop3A_785 = arith.mulf %parallel_loop3A_784, %parallel_loop3A_735 : vector<16xf32>
        %parallel_loop3A_786 = arith.constant 1 : i32
        %parallel_loop3A_787 = arith.index_cast %parallel_loop3A_786 : i32 to index
        %parallel_loop3A_788 = arith.index_cast %parallel_loop3A_729 : i32 to index
        %parallel_loop3A_789 = arith.constant 64 : index
        %parallel_loop3A_790 = tpu.vector_load %arg10[%parallel_loop3A_787, %parallel_loop3A_788, %parallel_loop3A_789] {strides = array<i32>} : memref<2x128x128xf32, #tpu.memory_space<vmem>>, vector<16xf32>,
        tpu.vector_store %arg10[%parallel_loop3A_787, %parallel_loop3A_788, %parallel_loop3A_789], %parallel_loop3A_785 {strides = array<i32>} : memref<2x128x128xf32, #tpu.memory_space<vmem>>, vector<16xf32>,
        %parallel_loop3A_791 = arith.constant 1 : i32
        %parallel_loop3A_792 = arith.index_cast %parallel_loop3A_791 : i32 to index
        %parallel_loop3A_793 = arith.index_cast %parallel_loop3A_729 : i32 to index
        %parallel_loop3A_794 = arith.constant 80 : index
        %parallel_loop3A_795 = tpu.vector_load %arg10[%parallel_loop3A_792, %parallel_loop3A_793, %parallel_loop3A_794] {strides = array<i32>} : memref<2x128x128xf32, #tpu.memory_space<vmem>>, vector<16xf32>,
        %parallel_loop3A_796 = arith.mulf %parallel_loop3A_795, %parallel_loop3A_735 : vector<16xf32>
        %parallel_loop3A_797 = arith.constant 1 : i32
        %parallel_loop3A_798 = arith.index_cast %parallel_loop3A_797 : i32 to index
        %parallel_loop3A_799 = arith.index_cast %parallel_loop3A_729 : i32 to index
        %parallel_loop3A_800 = arith.constant 80 : index
        %parallel_loop3A_801 = tpu.vector_load %arg10[%parallel_loop3A_798, %parallel_loop3A_799, %parallel_loop3A_800] {strides = array<i32>} : memref<2x128x128xf32, #tpu.memory_space<vmem>>, vector<16xf32>,
        tpu.vector_store %arg10[%parallel_loop3A_798, %parallel_loop3A_799, %parallel_loop3A_800], %parallel_loop3A_796 {strides = array<i32>} : memref<2x128x128xf32, #tpu.memory_space<vmem>>, vector<16xf32>,
        %parallel_loop3A_802 = arith.constant 1 : i32
        %parallel_loop3A_803 = arith.index_cast %parallel_loop3A_802 : i32 to index
        %parallel_loop3A_804 = arith.index_cast %parallel_loop3A_729 : i32 to index
        %parallel_loop3A_805 = arith.constant 96 : index
        %parallel_loop3A_806 = tpu.vector_load %arg10[%parallel_loop3A_803, %parallel_loop3A_804, %parallel_loop3A_805] {strides = array<i32>} : memref<2x128x128xf32, #tpu.memory_space<vmem>>, vector<16xf32>,
        %parallel_loop3A_807 = arith.mulf %parallel_loop3A_806, %parallel_loop3A_735 : vector<16xf32>
        %parallel_loop3A_808 = arith.constant 1 : i32
        %parallel_loop3A_809 = arith.index_cast %parallel_loop3A_808 : i32 to index
        %parallel_loop3A_810 = arith.index_cast %parallel_loop3A_729 : i32 to index
        %parallel_loop3A_811 = arith.constant 96 : index
        %parallel_loop3A_812 = tpu.vector_load %arg10[%parallel_loop3A_809, %parallel_loop3A_810, %parallel_loop3A_811] {strides = array<i32>} : memref<2x128x128xf32, #tpu.memory_space<vmem>>, vector<16xf32>,
        tpu.vector_store %arg10[%parallel_loop3A_809, %parallel_loop3A_810, %parallel_loop3A_811], %parallel_loop3A_807 {strides = array<i32>} : memref<2x128x128xf32, #tpu.memory_space<vmem>>, vector<16xf32>,
        %parallel_loop3A_813 = arith.constant 1 : i32
        %parallel_loop3A_814 = arith.index_cast %parallel_loop3A_813 : i32 to index
        %parallel_loop3A_815 = arith.index_cast %parallel_loop3A_729 : i32 to index
        %parallel_loop3A_816 = arith.constant 112 : index
        %parallel_loop3A_817 = tpu.vector_load %arg10[%parallel_loop3A_814, %parallel_loop3A_815, %parallel_loop3A_816] {strides = array<i32>} : memref<2x128x128xf32, #tpu.memory_space<vmem>>, vector<16xf32>,
        %parallel_loop3A_818 = arith.mulf %parallel_loop3A_817, %parallel_loop3A_735 : vector<16xf32>
        %parallel_loop3A_819 = arith.constant 1 : i32
        %parallel_loop3A_820 = arith.index_cast %parallel_loop3A_819 : i32 to index
        %parallel_loop3A_821 = arith.index_cast %parallel_loop3A_729 : i32 to index
        %parallel_loop3A_822 = arith.constant 112 : index
        %parallel_loop3A_823 = tpu.vector_load %arg10[%parallel_loop3A_820, %parallel_loop3A_821, %parallel_loop3A_822] {strides = array<i32>} : memref<2x128x128xf32, #tpu.memory_space<vmem>>, vector<16xf32>,
        tpu.vector_store %arg10[%parallel_loop3A_820, %parallel_loop3A_821, %parallel_loop3A_822], %parallel_loop3A_818 {strides = array<i32>} : memref<2x128x128xf32, #tpu.memory_space<vmem>>, vector<16xf32>,
      } {sc.loop_unroll_factor = 8 : i64, sc.parallel_access}
      %run_scoped3A_479 = arith.constant 1 : i32
      %run_scoped3A_480 = arith.constant 1 : i32
      "tpu.region"() ({
        %run_scoped3A_729 = tpu.sem_alloc : memref<!tpu.dma_semaphore, #tpu.memory_space<semaphore_mem>>
        %dma_start3A_730 = arith.constant 0 : i32
        %dma_start3A_731 = arith.constant 0 : i32
        %dma_start3A_732 = tpu.memref_slice %arg10[%run_scoped3A_479, %dma_start3A_730, %dma_start3A_731] : memref<2x128x128xf32, #tpu.memory_space<vmem>> -> memref<1x128x128xf32, #tpu.memory_space<vmem>>
        %dma_start3A_733 = tpu.memref_squeeze %dma_start3A_732 : memref<1x128x128xf32, #tpu.memory_space<vmem>> -> memref<128x128xf32, #tpu.memory_space<vmem>>
        %dma_start3A_734 = arith.constant 0 : i32
        %dma_start3A_735 = tpu.memref_slice %arg8[%run_scoped3A_480, %dma_start3A_734] : memref<4x128xi32, #tpu.memory_space<vmem>> -> memref<1x128xi32, #tpu.memory_space<vmem>>
        %dma_start3A_736 = tpu.memref_squeeze %dma_start3A_735 : memref<1x128xi32, #tpu.memory_space<vmem>> -> memref<128xi32, #tpu.memory_space<vmem>>
        %dma_start3A_737 = arith.constant 0 : i32
        %dma_start3A_738 = arith.constant 0 : i32
        %dma_start3A_739 = tpu.memref_slice %arg11[%dma_start3A_737, %dma_start3A_738] : memref<10000x128xf32, #tpu.memory_space<vmem_shared>> -> memref<10000x128xf32, #tpu.memory_space<vmem_shared>>
        tpu.enqueue_indirect_dma source(%dma_start3A_733 : memref<128x128xf32, #tpu.memory_space<vmem>>) target(%dma_start3A_739 : memref<10000x128xf32, #tpu.memory_space<vmem_shared>>) offsets(%dma_start3A_736 : memref<128xi32, #tpu.memory_space<vmem>>) semaphore(%run_scoped3A_729 : memref<!tpu.dma_semaphore, #tpu.memory_space<semaphore_mem>>) {add = true}
        %dma_wait3A_740 = arith.constant 0 : i32
        %dma_wait3A_741 = arith.constant 0 : i32
        %dma_wait3A_742 = tpu.memref_slice %arg10[%run_scoped3A_479, %dma_wait3A_740, %dma_wait3A_741] : memref<2x128x128xf32, #tpu.memory_space<vmem>> -> memref<1x128x128xf32, #tpu.memory_space<vmem>>
        %dma_wait3A_743 = tpu.memref_squeeze %dma_wait3A_742 : memref<1x128x128xf32, #tpu.memory_space<vmem>> -> memref<128x128xf32, #tpu.memory_space<vmem>>
        %dma_wait3A_744 = arith.constant 0 : i32
        %dma_wait3A_745 = tpu.memref_slice %arg8[%run_scoped3A_480, %dma_wait3A_744] : memref<4x128xi32, #tpu.memory_space<vmem>> -> memref<1x128xi32, #tpu.memory_space<vmem>>
        %dma_wait3A_746 = tpu.memref_squeeze %dma_wait3A_745 : memref<1x128xi32, #tpu.memory_space<vmem>> -> memref<128xi32, #tpu.memory_space<vmem>>
        %dma_wait3A_747 = arith.constant 0 : i32
        %dma_wait3A_748 = arith.constant 0 : i32
        %dma_wait3A_749 = tpu.memref_slice %arg11[%dma_wait3A_747, %dma_wait3A_748] : memref<10000x128xf32, #tpu.memory_space<vmem_shared>> -> memref<10000x128xf32, #tpu.memory_space<vmem_shared>>
        tpu.wait_indirect_dma semaphore(%run_scoped3A_729 : memref<!tpu.dma_semaphore, #tpu.memory_space<semaphore_mem>>) src(%dma_wait3A_743 : memref<128x128xf32, #tpu.memory_space<vmem>>) dst(%dma_wait3A_749 : memref<10000x128xf32, #tpu.memory_space<vmem_shared>>)
        tpu.yield
      }) : () -> ()
      %mul3A_481 = arith.constant 4 : i32
      %mul3A_482 = arith.muli %scan3A_233, %mul3A_481 : i32
      %add3A_483 = arith.constant 2 : i32
      %add3A_484 = arith.addi %mul3A_482, %add3A_483 : i32
      %add3A_485 = arith.constant 2 : i32
      %add3A_486 = arith.addi %add3A_484, %add3A_485 : i32
      %mul3A_487 = arith.constant 80 : i32
      %mul3A_488 = arith.muli %add3A, %mul3A_487 : i32
      %add3A_489 = arith.addi %mul3A_488, %add3A_486 : i32
      %mul3A_490 = arith.constant 128 : i32
      %mul3A_491 = arith.muli %add3A_489, %mul3A_490 : i32
      %dma_start3A_492 = arith.constant 0 : i32
      %dma_start3A_493 = arith.constant 0 : i32
      %dma_start3A_494 = arith.constant 0 : i32
      %dma_start3A_495 = tpu.memref_slice %arg8[%dma_start3A_492, %dma_start3A_494] : memref<4x128xi32, #tpu.memory_space<vmem>> -> memref<1x128xi32, #tpu.memory_space<vmem>>
      %dma_start3A_496 = tpu.memref_squeeze %dma_start3A_495 : memref<1x128xi32, #tpu.memory_space<vmem>> -> memref<128xi32, #tpu.memory_space<vmem>>
      %dma_start3A_497 = tpu.memref_slice %arg3[%mul3A_491] : memref<327936xi32, #tpu.memory_space<hbm>> -> memref<128xi32, #tpu.memory_space<hbm>>
      %dma_start3A_498 = tpu.memref_slice %arg12[%dma_start3A_493] : memref<4x!tpu.dma_semaphore, #tpu.memory_space<semaphore_mem>> -> memref<1x!tpu.dma_semaphore, #tpu.memory_space<semaphore_mem>>
      %dma_start3A_499 = tpu.memref_squeeze %dma_start3A_498 : memref<1x!tpu.dma_semaphore, #tpu.memory_space<semaphore_mem>> -> memref<!tpu.dma_semaphore, #tpu.memory_space<semaphore_mem>>
      %dma_start3A_500 = arith.constant 0 : i32
      %dma_start3A_501 = tpu.memref_slice %arg8[%dma_start3A_492, %dma_start3A_500] : memref<4x128xi32, #tpu.memory_space<vmem>> -> memref<1x128xi32, #tpu.memory_space<vmem>>
      %dma_start3A_502 = tpu.memref_squeeze %dma_start3A_501 : memref<1x128xi32, #tpu.memory_space<vmem>> -> memref<128xi32, #tpu.memory_space<vmem>>
      %dma_start3A_503 = tpu.memref_slice %arg3[%mul3A_491] : memref<327936xi32, #tpu.memory_space<hbm>> -> memref<128xi32, #tpu.memory_space<hbm>>
      tpu.enqueue_dma source(%dma_start3A_503 : memref<128xi32, #tpu.memory_space<hbm>>) target(%dma_start3A_502 : memref<128xi32, #tpu.memory_space<vmem>>) target_semaphore(%dma_start3A_499 : memref<!tpu.dma_semaphore, #tpu.memory_space<semaphore_mem>>)
      %dma_start3A_504 = arith.constant 0 : i32
      %dma_start3A_505 = arith.constant 0 : i32
      %dma_start3A_506 = arith.constant 0 : i32
      %dma_start3A_507 = tpu.memref_slice %arg7[%dma_start3A_504, %dma_start3A_506] : memref<4x128xi32, #tpu.memory_space<vmem>> -> memref<1x128xi32, #tpu.memory_space<vmem>>
      %dma_start3A_508 = tpu.memref_squeeze %dma_start3A_507 : memref<1x128xi32, #tpu.memory_space<vmem>> -> memref<128xi32, #tpu.memory_space<vmem>>
      %dma_start3A_509 = tpu.memref_slice %arg4[%mul3A_491] : memref<327936xi32, #tpu.memory_space<hbm>> -> memref<128xi32, #tpu.memory_space<hbm>>
      %dma_start3A_510 = tpu.memref_slice %arg12[%dma_start3A_505] : memref<4x!tpu.dma_semaphore, #tpu.memory_space<semaphore_mem>> -> memref<1x!tpu.dma_semaphore, #tpu.memory_space<semaphore_mem>>
      %dma_start3A_511 = tpu.memref_squeeze %dma_start3A_510 : memref<1x!tpu.dma_semaphore, #tpu.memory_space<semaphore_mem>> -> memref<!tpu.dma_semaphore, #tpu.memory_space<semaphore_mem>>
      %dma_start3A_512 = arith.constant 0 : i32
      %dma_start3A_513 = tpu.memref_slice %arg7[%dma_start3A_504, %dma_start3A_512] : memref<4x128xi32, #tpu.memory_space<vmem>> -> memref<1x128xi32, #tpu.memory_space<vmem>>
      %dma_start3A_514 = tpu.memref_squeeze %dma_start3A_513 : memref<1x128xi32, #tpu.memory_space<vmem>> -> memref<128xi32, #tpu.memory_space<vmem>>
      %dma_start3A_515 = tpu.memref_slice %arg4[%mul3A_491] : memref<327936xi32, #tpu.memory_space<hbm>> -> memref<128xi32, #tpu.memory_space<hbm>>
      tpu.enqueue_dma source(%dma_start3A_515 : memref<128xi32, #tpu.memory_space<hbm>>) target(%dma_start3A_514 : memref<128xi32, #tpu.memory_space<vmem>>) target_semaphore(%dma_start3A_511 : memref<!tpu.dma_semaphore, #tpu.memory_space<semaphore_mem>>)
      %dma_start3A_516 = arith.constant 0 : i32
      %dma_start3A_517 = arith.constant 0 : i32
      %dma_start3A_518 = arith.constant 0 : i32
      %dma_start3A_519 = tpu.memref_slice %arg9[%dma_start3A_516, %dma_start3A_518] : memref<4x128xf32, #tpu.memory_space<vmem>> -> memref<1x128xf32, #tpu.memory_space<vmem>>
      %dma_start3A_520 = tpu.memref_squeeze %dma_start3A_519 : memref<1x128xf32, #tpu.memory_space<vmem>> -> memref<128xf32, #tpu.memory_space<vmem>>
      %dma_start3A_521 = tpu.memref_slice %arg5[%mul3A_491] : memref<327936xf32, #tpu.memory_space<hbm>> -> memref<128xf32, #tpu.memory_space<hbm>>
      %dma_start3A_522 = tpu.memref_slice %arg12[%dma_start3A_517] : memref<4x!tpu.dma_semaphore, #tpu.memory_space<semaphore_mem>> -> memref<1x!tpu.dma_semaphore, #tpu.memory_space<semaphore_mem>>
      %dma_start3A_523 = tpu.memref_squeeze %dma_start3A_522 : memref<1x!tpu.dma_semaphore, #tpu.memory_space<semaphore_mem>> -> memref<!tpu.dma_semaphore, #tpu.memory_space<semaphore_mem>>
      %dma_start3A_524 = arith.constant 0 : i32
      %dma_start3A_525 = tpu.memref_slice %arg9[%dma_start3A_516, %dma_start3A_524] : memref<4x128xf32, #tpu.memory_space<vmem>> -> memref<1x128xf32, #tpu.memory_space<vmem>>
      %dma_start3A_526 = tpu.memref_squeeze %dma_start3A_525 : memref<1x128xf32, #tpu.memory_space<vmem>> -> memref<128xf32, #tpu.memory_space<vmem>>
      %dma_start3A_527 = tpu.memref_slice %arg5[%mul3A_491] : memref<327936xf32, #tpu.memory_space<hbm>> -> memref<128xf32, #tpu.memory_space<hbm>>
      tpu.enqueue_dma source(%dma_start3A_527 : memref<128xf32, #tpu.memory_space<hbm>>) target(%dma_start3A_526 : memref<128xf32, #tpu.memory_space<vmem>>) target_semaphore(%dma_start3A_523 : memref<!tpu.dma_semaphore, #tpu.memory_space<semaphore_mem>>)
      %dma_wait3A_528 = arith.constant 3 : i32
      %dma_wait3A_529 = arith.constant 3 : i32
      %dma_wait3A_530 = arith.constant 0 : i32
      %dma_wait3A_531 = tpu.memref_slice %arg8[%dma_wait3A_528, %dma_wait3A_530] : memref<4x128xi32, #tpu.memory_space<vmem>> -> memref<1x128xi32, #tpu.memory_space<vmem>>
      %dma_wait3A_532 = tpu.memref_squeeze %dma_wait3A_531 : memref<1x128xi32, #tpu.memory_space<vmem>> -> memref<128xi32, #tpu.memory_space<vmem>>
      %dma_wait3A_533 = arith.constant 0 : i32
      %dma_wait3A_534 = tpu.memref_slice %arg3[%dma_wait3A_533] : memref<327936xi32, #tpu.memory_space<hbm>> -> memref<128xi32, #tpu.memory_space<hbm>>
      %dma_wait3A_535 = tpu.memref_slice %arg12[%dma_wait3A_529] : memref<4x!tpu.dma_semaphore, #tpu.memory_space<semaphore_mem>> -> memref<1x!tpu.dma_semaphore, #tpu.memory_space<semaphore_mem>>
      %dma_wait3A_536 = tpu.memref_squeeze %dma_wait3A_535 : memref<1x!tpu.dma_semaphore, #tpu.memory_space<semaphore_mem>> -> memref<!tpu.dma_semaphore, #tpu.memory_space<semaphore_mem>>
      %dma_wait3A_537 = arith.constant 0 : i32
      %dma_wait3A_538 = tpu.memref_slice %arg8[%dma_wait3A_528, %dma_wait3A_537] : memref<4x128xi32, #tpu.memory_space<vmem>> -> memref<1x128xi32, #tpu.memory_space<vmem>>
      %dma_wait3A_539 = tpu.memref_squeeze %dma_wait3A_538 : memref<1x128xi32, #tpu.memory_space<vmem>> -> memref<128xi32, #tpu.memory_space<vmem>>
      %dma_wait3A_540 = arith.constant 0 : i32
      %dma_wait3A_541 = tpu.memref_slice %arg3[%dma_wait3A_540] : memref<327936xi32, #tpu.memory_space<hbm>> -> memref<128xi32, #tpu.memory_space<hbm>>
      tpu.wait_dma2 semaphore(%dma_wait3A_536 : memref<!tpu.dma_semaphore, #tpu.memory_space<semaphore_mem>>) src(%dma_wait3A_541 : memref<128xi32, #tpu.memory_space<hbm>>) dst(%dma_wait3A_539 : memref<128xi32, #tpu.memory_space<vmem>>)
      %dma_wait3A_542 = arith.constant 3 : i32
      %dma_wait3A_543 = arith.constant 3 : i32
      %dma_wait3A_544 = arith.constant 0 : i32
      %dma_wait3A_545 = tpu.memref_slice %arg7[%dma_wait3A_542, %dma_wait3A_544] : memref<4x128xi32, #tpu.memory_space<vmem>> -> memref<1x128xi32, #tpu.memory_space<vmem>>
      %dma_wait3A_546 = tpu.memref_squeeze %dma_wait3A_545 : memref<1x128xi32, #tpu.memory_space<vmem>> -> memref<128xi32, #tpu.memory_space<vmem>>
      %dma_wait3A_547 = arith.constant 0 : i32
      %dma_wait3A_548 = tpu.memref_slice %arg4[%dma_wait3A_547] : memref<327936xi32, #tpu.memory_space<hbm>> -> memref<128xi32, #tpu.memory_space<hbm>>
      %dma_wait3A_549 = tpu.memref_slice %arg12[%dma_wait3A_543] : memref<4x!tpu.dma_semaphore, #tpu.memory_space<semaphore_mem>> -> memref<1x!tpu.dma_semaphore, #tpu.memory_space<semaphore_mem>>
      %dma_wait3A_550 = tpu.memref_squeeze %dma_wait3A_549 : memref<1x!tpu.dma_semaphore, #tpu.memory_space<semaphore_mem>> -> memref<!tpu.dma_semaphore, #tpu.memory_space<semaphore_mem>>
      %dma_wait3A_551 = arith.constant 0 : i32
      %dma_wait3A_552 = tpu.memref_slice %arg7[%dma_wait3A_542, %dma_wait3A_551] : memref<4x128xi32, #tpu.memory_space<vmem>> -> memref<1x128xi32, #tpu.memory_space<vmem>>
      %dma_wait3A_553 = tpu.memref_squeeze %dma_wait3A_552 : memref<1x128xi32, #tpu.memory_space<vmem>> -> memref<128xi32, #tpu.memory_space<vmem>>
      %dma_wait3A_554 = arith.constant 0 : i32
      %dma_wait3A_555 = tpu.memref_slice %arg4[%dma_wait3A_554] : memref<327936xi32, #tpu.memory_space<hbm>> -> memref<128xi32, #tpu.memory_space<hbm>>
      tpu.wait_dma2 semaphore(%dma_wait3A_550 : memref<!tpu.dma_semaphore, #tpu.memory_space<semaphore_mem>>) src(%dma_wait3A_555 : memref<128xi32, #tpu.memory_space<hbm>>) dst(%dma_wait3A_553 : memref<128xi32, #tpu.memory_space<vmem>>)
      %dma_wait3A_556 = arith.constant 3 : i32
      %dma_wait3A_557 = arith.constant 3 : i32
      %dma_wait3A_558 = arith.constant 0 : i32
      %dma_wait3A_559 = tpu.memref_slice %arg9[%dma_wait3A_556, %dma_wait3A_558] : memref<4x128xf32, #tpu.memory_space<vmem>> -> memref<1x128xf32, #tpu.memory_space<vmem>>
      %dma_wait3A_560 = tpu.memref_squeeze %dma_wait3A_559 : memref<1x128xf32, #tpu.memory_space<vmem>> -> memref<128xf32, #tpu.memory_space<vmem>>
      %dma_wait3A_561 = arith.constant 0 : i32
      %dma_wait3A_562 = tpu.memref_slice %arg5[%dma_wait3A_561] : memref<327936xf32, #tpu.memory_space<hbm>> -> memref<128xf32, #tpu.memory_space<hbm>>
      %dma_wait3A_563 = tpu.memref_slice %arg12[%dma_wait3A_557] : memref<4x!tpu.dma_semaphore, #tpu.memory_space<semaphore_mem>> -> memref<1x!tpu.dma_semaphore, #tpu.memory_space<semaphore_mem>>
      %dma_wait3A_564 = tpu.memref_squeeze %dma_wait3A_563 : memref<1x!tpu.dma_semaphore, #tpu.memory_space<semaphore_mem>> -> memref<!tpu.dma_semaphore, #tpu.memory_space<semaphore_mem>>
      %dma_wait3A_565 = arith.constant 0 : i32
      %dma_wait3A_566 = tpu.memref_slice %arg9[%dma_wait3A_556, %dma_wait3A_565] : memref<4x128xf32, #tpu.memory_space<vmem>> -> memref<1x128xf32, #tpu.memory_space<vmem>>
      %dma_wait3A_567 = tpu.memref_squeeze %dma_wait3A_566 : memref<1x128xf32, #tpu.memory_space<vmem>> -> memref<128xf32, #tpu.memory_space<vmem>>
      %dma_wait3A_568 = arith.constant 0 : i32
      %dma_wait3A_569 = tpu.memref_slice %arg5[%dma_wait3A_568] : memref<327936xf32, #tpu.memory_space<hbm>> -> memref<128xf32, #tpu.memory_space<hbm>>
      tpu.wait_dma2 semaphore(%dma_wait3A_564 : memref<!tpu.dma_semaphore, #tpu.memory_space<semaphore_mem>>) src(%dma_wait3A_569 : memref<128xf32, #tpu.memory_space<hbm>>) dst(%dma_wait3A_567 : memref<128xf32, #tpu.memory_space<vmem>>)
      %dma_start3A_570 = arith.constant 3 : i32
      %dma_start3A_571 = arith.constant 1 : i32
      %dma_start3A_572 = arith.constant 1 : i32
      %dma_start3A_573 = arith.constant 0 : i32
      %dma_start3A_574 = arith.constant 0 : i32
      %dma_start3A_575 = tpu.memref_slice %arg10[%dma_start3A_571, %dma_start3A_573, %dma_start3A_574] : memref<2x128x128xf32, #tpu.memory_space<vmem>> -> memref<1x128x128xf32, #tpu.memory_space<vmem>>
      %dma_start3A_576 = tpu.memref_squeeze %dma_start3A_575 : memref<1x128x128xf32, #tpu.memory_space<vmem>> -> memref<128x128xf32, #tpu.memory_space<vmem>>
      %dma_start3A_577 = arith.constant 0 : i32
      %dma_start3A_578 = tpu.memref_slice %arg7[%dma_start3A_570, %dma_start3A_577] : memref<4x128xi32, #tpu.memory_space<vmem>> -> memref<1x128xi32, #tpu.memory_space<vmem>>
      %dma_start3A_579 = tpu.memref_squeeze %dma_start3A_578 : memref<1x128xi32, #tpu.memory_space<vmem>> -> memref<128xi32, #tpu.memory_space<vmem>>
      %dma_start3A_580 = arith.constant 0 : i32
      %dma_start3A_581 = arith.constant 0 : i32
      %dma_start3A_582 = tpu.memref_slice %arg2[%dma_start3A_580, %dma_start3A_581] : memref<10000x128xf32, #tpu.memory_space<hbm>> -> memref<10000x128xf32, #tpu.memory_space<hbm>>
      %dma_start3A_583 = tpu.memref_slice %arg13[%dma_start3A_572] : memref<2x!tpu.dma_semaphore, #tpu.memory_space<semaphore_mem>> -> memref<1x!tpu.dma_semaphore, #tpu.memory_space<semaphore_mem>>
      %dma_start3A_584 = tpu.memref_squeeze %dma_start3A_583 : memref<1x!tpu.dma_semaphore, #tpu.memory_space<semaphore_mem>> -> memref<!tpu.dma_semaphore, #tpu.memory_space<semaphore_mem>>
      tpu.enqueue_indirect_dma source(%dma_start3A_582 : memref<10000x128xf32, #tpu.memory_space<hbm>>) target(%dma_start3A_576 : memref<128x128xf32, #tpu.memory_space<vmem>>) offsets(%dma_start3A_579 : memref<128xi32, #tpu.memory_space<vmem>>) semaphore(%dma_start3A_584 : memref<!tpu.dma_semaphore, #tpu.memory_space<semaphore_mem>>)
      %dma_wait3A_585 = arith.constant 0 : i32
      %dma_wait3A_586 = arith.constant 0 : i32
      %dma_wait3A_587 = arith.constant 0 : i32
      %dma_wait3A_588 = arith.constant 0 : i32
      %dma_wait3A_589 = arith.constant 0 : i32
      %dma_wait3A_590 = tpu.memref_slice %arg10[%dma_wait3A_586, %dma_wait3A_588, %dma_wait3A_589] : memref<2x128x128xf32, #tpu.memory_space<vmem>> -> memref<1x128x128xf32, #tpu.memory_space<vmem>>
      %dma_wait3A_591 = tpu.memref_squeeze %dma_wait3A_590 : memref<1x128x128xf32, #tpu.memory_space<vmem>> -> memref<128x128xf32, #tpu.memory_space<vmem>>
      %dma_wait3A_592 = arith.constant 0 : i32
      %dma_wait3A_593 = tpu.memref_slice %arg7[%dma_wait3A_585, %dma_wait3A_592] : memref<4x128xi32, #tpu.memory_space<vmem>> -> memref<1x128xi32, #tpu.memory_space<vmem>>
      %dma_wait3A_594 = tpu.memref_squeeze %dma_wait3A_593 : memref<1x128xi32, #tpu.memory_space<vmem>> -> memref<128xi32, #tpu.memory_space<vmem>>
      %dma_wait3A_595 = arith.constant 0 : i32
      %dma_wait3A_596 = arith.constant 0 : i32
      %dma_wait3A_597 = tpu.memref_slice %arg2[%dma_wait3A_595, %dma_wait3A_596] : memref<10000x128xf32, #tpu.memory_space<hbm>> -> memref<10000x128xf32, #tpu.memory_space<hbm>>
      %dma_wait3A_598 = tpu.memref_slice %arg13[%dma_wait3A_587] : memref<2x!tpu.dma_semaphore, #tpu.memory_space<semaphore_mem>> -> memref<1x!tpu.dma_semaphore, #tpu.memory_space<semaphore_mem>>
      %dma_wait3A_599 = tpu.memref_squeeze %dma_wait3A_598 : memref<1x!tpu.dma_semaphore, #tpu.memory_space<semaphore_mem>> -> memref<!tpu.dma_semaphore, #tpu.memory_space<semaphore_mem>>
      tpu.wait_indirect_dma semaphore(%dma_wait3A_599 : memref<!tpu.dma_semaphore, #tpu.memory_space<semaphore_mem>>) src(%dma_wait3A_597 : memref<10000x128xf32, #tpu.memory_space<hbm>>) dst(%dma_wait3A_591 : memref<128x128xf32, #tpu.memory_space<vmem>>)
      %parallel_loop3A_600 = arith.constant 0 : i32
      %parallel_loop3A_601 = arith.constant 128 : i32
      %parallel_loop3A_602 = arith.constant 1 : i32
      scf.for %parallel_loop3A_729 = %parallel_loop3A_600 to %parallel_loop3A_601 step %parallel_loop3A_602  : i32 {
        %parallel_loop3A_730 = vector.broadcast %parallel_loop3A_729 : i32 to vector<16xi32>
        %parallel_loop3A_731 = arith.constant 2 : i32
        %parallel_loop3A_732 = arith.constant 0 : i32
        %parallel_loop3A_733 = tpu.memref_slice %arg9[%parallel_loop3A_731, %parallel_loop3A_732] : memref<4x128xf32, #tpu.memory_space<vmem>> -> memref<1x128xf32, #tpu.memory_space<vmem>>
        %parallel_loop3A_734 = tpu.memref_squeeze %parallel_loop3A_733 : memref<1x128xf32, #tpu.memory_space<vmem>> -> memref<128xf32, #tpu.memory_space<vmem>>
        %parallel_loop3A_735 = tpu.vector_load_idx %parallel_loop3A_734[%parallel_loop3A_730] : memref<128xf32, #tpu.memory_space<vmem>>[vector<16xi32>], vector<16xf32>,
        %parallel_loop3A_736 = arith.constant 0 : i32
        %parallel_loop3A_737 = arith.index_cast %parallel_loop3A_736 : i32 to index
        %parallel_loop3A_738 = arith.index_cast %parallel_loop3A_729 : i32 to index
        %parallel_loop3A_739 = arith.constant 0 : index
        %parallel_loop3A_740 = tpu.vector_load %arg10[%parallel_loop3A_737, %parallel_loop3A_738, %parallel_loop3A_739] {strides = array<i32>} : memref<2x128x128xf32, #tpu.memory_space<vmem>>, vector<16xf32>,
        %parallel_loop3A_741 = arith.mulf %parallel_loop3A_740, %parallel_loop3A_735 : vector<16xf32>
        %parallel_loop3A_742 = arith.constant 0 : i32
        %parallel_loop3A_743 = arith.index_cast %parallel_loop3A_742 : i32 to index
        %parallel_loop3A_744 = arith.index_cast %parallel_loop3A_729 : i32 to index
        %parallel_loop3A_745 = arith.constant 0 : index
        %parallel_loop3A_746 = tpu.vector_load %arg10[%parallel_loop3A_743, %parallel_loop3A_744, %parallel_loop3A_745] {strides = array<i32>} : memref<2x128x128xf32, #tpu.memory_space<vmem>>, vector<16xf32>,
        tpu.vector_store %arg10[%parallel_loop3A_743, %parallel_loop3A_744, %parallel_loop3A_745], %parallel_loop3A_741 {strides = array<i32>} : memref<2x128x128xf32, #tpu.memory_space<vmem>>, vector<16xf32>,
        %parallel_loop3A_747 = arith.constant 0 : i32
        %parallel_loop3A_748 = arith.index_cast %parallel_loop3A_747 : i32 to index
        %parallel_loop3A_749 = arith.index_cast %parallel_loop3A_729 : i32 to index
        %parallel_loop3A_750 = arith.constant 16 : index
        %parallel_loop3A_751 = tpu.vector_load %arg10[%parallel_loop3A_748, %parallel_loop3A_749, %parallel_loop3A_750] {strides = array<i32>} : memref<2x128x128xf32, #tpu.memory_space<vmem>>, vector<16xf32>,
        %parallel_loop3A_752 = arith.mulf %parallel_loop3A_751, %parallel_loop3A_735 : vector<16xf32>
        %parallel_loop3A_753 = arith.constant 0 : i32
        %parallel_loop3A_754 = arith.index_cast %parallel_loop3A_753 : i32 to index
        %parallel_loop3A_755 = arith.index_cast %parallel_loop3A_729 : i32 to index
        %parallel_loop3A_756 = arith.constant 16 : index
        %parallel_loop3A_757 = tpu.vector_load %arg10[%parallel_loop3A_754, %parallel_loop3A_755, %parallel_loop3A_756] {strides = array<i32>} : memref<2x128x128xf32, #tpu.memory_space<vmem>>, vector<16xf32>,
        tpu.vector_store %arg10[%parallel_loop3A_754, %parallel_loop3A_755, %parallel_loop3A_756], %parallel_loop3A_752 {strides = array<i32>} : memref<2x128x128xf32, #tpu.memory_space<vmem>>, vector<16xf32>,
        %parallel_loop3A_758 = arith.constant 0 : i32
        %parallel_loop3A_759 = arith.index_cast %parallel_loop3A_758 : i32 to index
        %parallel_loop3A_760 = arith.index_cast %parallel_loop3A_729 : i32 to index
        %parallel_loop3A_761 = arith.constant 32 : index
        %parallel_loop3A_762 = tpu.vector_load %arg10[%parallel_loop3A_759, %parallel_loop3A_760, %parallel_loop3A_761] {strides = array<i32>} : memref<2x128x128xf32, #tpu.memory_space<vmem>>, vector<16xf32>,
        %parallel_loop3A_763 = arith.mulf %parallel_loop3A_762, %parallel_loop3A_735 : vector<16xf32>
        %parallel_loop3A_764 = arith.constant 0 : i32
        %parallel_loop3A_765 = arith.index_cast %parallel_loop3A_764 : i32 to index
        %parallel_loop3A_766 = arith.index_cast %parallel_loop3A_729 : i32 to index
        %parallel_loop3A_767 = arith.constant 32 : index
        %parallel_loop3A_768 = tpu.vector_load %arg10[%parallel_loop3A_765, %parallel_loop3A_766, %parallel_loop3A_767] {strides = array<i32>} : memref<2x128x128xf32, #tpu.memory_space<vmem>>, vector<16xf32>,
        tpu.vector_store %arg10[%parallel_loop3A_765, %parallel_loop3A_766, %parallel_loop3A_767], %parallel_loop3A_763 {strides = array<i32>} : memref<2x128x128xf32, #tpu.memory_space<vmem>>, vector<16xf32>,
        %parallel_loop3A_769 = arith.constant 0 : i32
        %parallel_loop3A_770 = arith.index_cast %parallel_loop3A_769 : i32 to index
        %parallel_loop3A_771 = arith.index_cast %parallel_loop3A_729 : i32 to index
        %parallel_loop3A_772 = arith.constant 48 : index
        %parallel_loop3A_773 = tpu.vector_load %arg10[%parallel_loop3A_770, %parallel_loop3A_771, %parallel_loop3A_772] {strides = array<i32>} : memref<2x128x128xf32, #tpu.memory_space<vmem>>, vector<16xf32>,
        %parallel_loop3A_774 = arith.mulf %parallel_loop3A_773, %parallel_loop3A_735 : vector<16xf32>
        %parallel_loop3A_775 = arith.constant 0 : i32
        %parallel_loop3A_776 = arith.index_cast %parallel_loop3A_775 : i32 to index
        %parallel_loop3A_777 = arith.index_cast %parallel_loop3A_729 : i32 to index
        %parallel_loop3A_778 = arith.constant 48 : index
        %parallel_loop3A_779 = tpu.vector_load %arg10[%parallel_loop3A_776, %parallel_loop3A_777, %parallel_loop3A_778] {strides = array<i32>} : memref<2x128x128xf32, #tpu.memory_space<vmem>>, vector<16xf32>,
        tpu.vector_store %arg10[%parallel_loop3A_776, %parallel_loop3A_777, %parallel_loop3A_778], %parallel_loop3A_774 {strides = array<i32>} : memref<2x128x128xf32, #tpu.memory_space<vmem>>, vector<16xf32>,
        %parallel_loop3A_780 = arith.constant 0 : i32
        %parallel_loop3A_781 = arith.index_cast %parallel_loop3A_780 : i32 to index
        %parallel_loop3A_782 = arith.index_cast %parallel_loop3A_729 : i32 to index
        %parallel_loop3A_783 = arith.constant 64 : index
        %parallel_loop3A_784 = tpu.vector_load %arg10[%parallel_loop3A_781, %parallel_loop3A_782, %parallel_loop3A_783] {strides = array<i32>} : memref<2x128x128xf32, #tpu.memory_space<vmem>>, vector<16xf32>,
        %parallel_loop3A_785 = arith.mulf %parallel_loop3A_784, %parallel_loop3A_735 : vector<16xf32>
        %parallel_loop3A_786 = arith.constant 0 : i32
        %parallel_loop3A_787 = arith.index_cast %parallel_loop3A_786 : i32 to index
        %parallel_loop3A_788 = arith.index_cast %parallel_loop3A_729 : i32 to index
        %parallel_loop3A_789 = arith.constant 64 : index
        %parallel_loop3A_790 = tpu.vector_load %arg10[%parallel_loop3A_787, %parallel_loop3A_788, %parallel_loop3A_789] {strides = array<i32>} : memref<2x128x128xf32, #tpu.memory_space<vmem>>, vector<16xf32>,
        tpu.vector_store %arg10[%parallel_loop3A_787, %parallel_loop3A_788, %parallel_loop3A_789], %parallel_loop3A_785 {strides = array<i32>} : memref<2x128x128xf32, #tpu.memory_space<vmem>>, vector<16xf32>,
        %parallel_loop3A_791 = arith.constant 0 : i32
        %parallel_loop3A_792 = arith.index_cast %parallel_loop3A_791 : i32 to index
        %parallel_loop3A_793 = arith.index_cast %parallel_loop3A_729 : i32 to index
        %parallel_loop3A_794 = arith.constant 80 : index
        %parallel_loop3A_795 = tpu.vector_load %arg10[%parallel_loop3A_792, %parallel_loop3A_793, %parallel_loop3A_794] {strides = array<i32>} : memref<2x128x128xf32, #tpu.memory_space<vmem>>, vector<16xf32>,
        %parallel_loop3A_796 = arith.mulf %parallel_loop3A_795, %parallel_loop3A_735 : vector<16xf32>
        %parallel_loop3A_797 = arith.constant 0 : i32
        %parallel_loop3A_798 = arith.index_cast %parallel_loop3A_797 : i32 to index
        %parallel_loop3A_799 = arith.index_cast %parallel_loop3A_729 : i32 to index
        %parallel_loop3A_800 = arith.constant 80 : index
        %parallel_loop3A_801 = tpu.vector_load %arg10[%parallel_loop3A_798, %parallel_loop3A_799, %parallel_loop3A_800] {strides = array<i32>} : memref<2x128x128xf32, #tpu.memory_space<vmem>>, vector<16xf32>,
        tpu.vector_store %arg10[%parallel_loop3A_798, %parallel_loop3A_799, %parallel_loop3A_800], %parallel_loop3A_796 {strides = array<i32>} : memref<2x128x128xf32, #tpu.memory_space<vmem>>, vector<16xf32>,
        %parallel_loop3A_802 = arith.constant 0 : i32
        %parallel_loop3A_803 = arith.index_cast %parallel_loop3A_802 : i32 to index
        %parallel_loop3A_804 = arith.index_cast %parallel_loop3A_729 : i32 to index
        %parallel_loop3A_805 = arith.constant 96 : index
        %parallel_loop3A_806 = tpu.vector_load %arg10[%parallel_loop3A_803, %parallel_loop3A_804, %parallel_loop3A_805] {strides = array<i32>} : memref<2x128x128xf32, #tpu.memory_space<vmem>>, vector<16xf32>,
        %parallel_loop3A_807 = arith.mulf %parallel_loop3A_806, %parallel_loop3A_735 : vector<16xf32>
        %parallel_loop3A_808 = arith.constant 0 : i32
        %parallel_loop3A_809 = arith.index_cast %parallel_loop3A_808 : i32 to index
        %parallel_loop3A_810 = arith.index_cast %parallel_loop3A_729 : i32 to index
        %parallel_loop3A_811 = arith.constant 96 : index
        %parallel_loop3A_812 = tpu.vector_load %arg10[%parallel_loop3A_809, %parallel_loop3A_810, %parallel_loop3A_811] {strides = array<i32>} : memref<2x128x128xf32, #tpu.memory_space<vmem>>, vector<16xf32>,
        tpu.vector_store %arg10[%parallel_loop3A_809, %parallel_loop3A_810, %parallel_loop3A_811], %parallel_loop3A_807 {strides = array<i32>} : memref<2x128x128xf32, #tpu.memory_space<vmem>>, vector<16xf32>,
        %parallel_loop3A_813 = arith.constant 0 : i32
        %parallel_loop3A_814 = arith.index_cast %parallel_loop3A_813 : i32 to index
        %parallel_loop3A_815 = arith.index_cast %parallel_loop3A_729 : i32 to index
        %parallel_loop3A_816 = arith.constant 112 : index
        %parallel_loop3A_817 = tpu.vector_load %arg10[%parallel_loop3A_814, %parallel_loop3A_815, %parallel_loop3A_816] {strides = array<i32>} : memref<2x128x128xf32, #tpu.memory_space<vmem>>, vector<16xf32>,
        %parallel_loop3A_818 = arith.mulf %parallel_loop3A_817, %parallel_loop3A_735 : vector<16xf32>
        %parallel_loop3A_819 = arith.constant 0 : i32
        %parallel_loop3A_820 = arith.index_cast %parallel_loop3A_819 : i32 to index
        %parallel_loop3A_821 = arith.index_cast %parallel_loop3A_729 : i32 to index
        %parallel_loop3A_822 = arith.constant 112 : index
        %parallel_loop3A_823 = tpu.vector_load %arg10[%parallel_loop3A_820, %parallel_loop3A_821, %parallel_loop3A_822] {strides = array<i32>} : memref<2x128x128xf32, #tpu.memory_space<vmem>>, vector<16xf32>,
        tpu.vector_store %arg10[%parallel_loop3A_820, %parallel_loop3A_821, %parallel_loop3A_822], %parallel_loop3A_818 {strides = array<i32>} : memref<2x128x128xf32, #tpu.memory_space<vmem>>, vector<16xf32>,
      } {sc.loop_unroll_factor = 8 : i64, sc.parallel_access}
      %run_scoped3A_603 = arith.constant 0 : i32
      %run_scoped3A_604 = arith.constant 2 : i32
      "tpu.region"() ({
        %run_scoped3A_729 = tpu.sem_alloc : memref<!tpu.dma_semaphore, #tpu.memory_space<semaphore_mem>>
        %dma_start3A_730 = arith.constant 0 : i32
        %dma_start3A_731 = arith.constant 0 : i32
        %dma_start3A_732 = tpu.memref_slice %arg10[%run_scoped3A_603, %dma_start3A_730, %dma_start3A_731] : memref<2x128x128xf32, #tpu.memory_space<vmem>> -> memref<1x128x128xf32, #tpu.memory_space<vmem>>
        %dma_start3A_733 = tpu.memref_squeeze %dma_start3A_732 : memref<1x128x128xf32, #tpu.memory_space<vmem>> -> memref<128x128xf32, #tpu.memory_space<vmem>>
        %dma_start3A_734 = arith.constant 0 : i32
        %dma_start3A_735 = tpu.memref_slice %arg8[%run_scoped3A_604, %dma_start3A_734] : memref<4x128xi32, #tpu.memory_space<vmem>> -> memref<1x128xi32, #tpu.memory_space<vmem>>
        %dma_start3A_736 = tpu.memref_squeeze %dma_start3A_735 : memref<1x128xi32, #tpu.memory_space<vmem>> -> memref<128xi32, #tpu.memory_space<vmem>>
        %dma_start3A_737 = arith.constant 0 : i32
        %dma_start3A_738 = arith.constant 0 : i32
        %dma_start3A_739 = tpu.memref_slice %arg11[%dma_start3A_737, %dma_start3A_738] : memref<10000x128xf32, #tpu.memory_space<vmem_shared>> -> memref<10000x128xf32, #tpu.memory_space<vmem_shared>>
        tpu.enqueue_indirect_dma source(%dma_start3A_733 : memref<128x128xf32, #tpu.memory_space<vmem>>) target(%dma_start3A_739 : memref<10000x128xf32, #tpu.memory_space<vmem_shared>>) offsets(%dma_start3A_736 : memref<128xi32, #tpu.memory_space<vmem>>) semaphore(%run_scoped3A_729 : memref<!tpu.dma_semaphore, #tpu.memory_space<semaphore_mem>>) {add = true}
        %dma_wait3A_740 = arith.constant 0 : i32
        %dma_wait3A_741 = arith.constant 0 : i32
        %dma_wait3A_742 = tpu.memref_slice %arg10[%run_scoped3A_603, %dma_wait3A_740, %dma_wait3A_741] : memref<2x128x128xf32, #tpu.memory_space<vmem>> -> memref<1x128x128xf32, #tpu.memory_space<vmem>>
        %dma_wait3A_743 = tpu.memref_squeeze %dma_wait3A_742 : memref<1x128x128xf32, #tpu.memory_space<vmem>> -> memref<128x128xf32, #tpu.memory_space<vmem>>
        %dma_wait3A_744 = arith.constant 0 : i32
        %dma_wait3A_745 = tpu.memref_slice %arg8[%run_scoped3A_604, %dma_wait3A_744] : memref<4x128xi32, #tpu.memory_space<vmem>> -> memref<1x128xi32, #tpu.memory_space<vmem>>
        %dma_wait3A_746 = tpu.memref_squeeze %dma_wait3A_745 : memref<1x128xi32, #tpu.memory_space<vmem>> -> memref<128xi32, #tpu.memory_space<vmem>>
        %dma_wait3A_747 = arith.constant 0 : i32
        %dma_wait3A_748 = arith.constant 0 : i32
        %dma_wait3A_749 = tpu.memref_slice %arg11[%dma_wait3A_747, %dma_wait3A_748] : memref<10000x128xf32, #tpu.memory_space<vmem_shared>> -> memref<10000x128xf32, #tpu.memory_space<vmem_shared>>
        tpu.wait_indirect_dma semaphore(%run_scoped3A_729 : memref<!tpu.dma_semaphore, #tpu.memory_space<semaphore_mem>>) src(%dma_wait3A_743 : memref<128x128xf32, #tpu.memory_space<vmem>>) dst(%dma_wait3A_749 : memref<10000x128xf32, #tpu.memory_space<vmem_shared>>)
        tpu.yield
      }) : () -> ()
      %mul3A_605 = arith.constant 4 : i32
      %mul3A_606 = arith.muli %scan3A_233, %mul3A_605 : i32
      %add3A_607 = arith.constant 3 : i32
      %add3A_608 = arith.addi %mul3A_606, %add3A_607 : i32
      %add3A_609 = arith.constant 2 : i32
      %add3A_610 = arith.addi %add3A_608, %add3A_609 : i32
      %mul3A_611 = arith.constant 80 : i32
      %mul3A_612 = arith.muli %add3A, %mul3A_611 : i32
      %add3A_613 = arith.addi %mul3A_612, %add3A_610 : i32
      %mul3A_614 = arith.constant 128 : i32
      %mul3A_615 = arith.muli %add3A_613, %mul3A_614 : i32
      %dma_start3A_616 = arith.constant 1 : i32
      %dma_start3A_617 = arith.constant 1 : i32
      %dma_start3A_618 = arith.constant 0 : i32
      %dma_start3A_619 = tpu.memref_slice %arg8[%dma_start3A_616, %dma_start3A_618] : memref<4x128xi32, #tpu.memory_space<vmem>> -> memref<1x128xi32, #tpu.memory_space<vmem>>
      %dma_start3A_620 = tpu.memref_squeeze %dma_start3A_619 : memref<1x128xi32, #tpu.memory_space<vmem>> -> memref<128xi32, #tpu.memory_space<vmem>>
      %dma_start3A_621 = tpu.memref_slice %arg3[%mul3A_615] : memref<327936xi32, #tpu.memory_space<hbm>> -> memref<128xi32, #tpu.memory_space<hbm>>
      %dma_start3A_622 = tpu.memref_slice %arg12[%dma_start3A_617] : memref<4x!tpu.dma_semaphore, #tpu.memory_space<semaphore_mem>> -> memref<1x!tpu.dma_semaphore, #tpu.memory_space<semaphore_mem>>
      %dma_start3A_623 = tpu.memref_squeeze %dma_start3A_622 : memref<1x!tpu.dma_semaphore, #tpu.memory_space<semaphore_mem>> -> memref<!tpu.dma_semaphore, #tpu.memory_space<semaphore_mem>>
      %dma_start3A_624 = arith.constant 0 : i32
      %dma_start3A_625 = tpu.memref_slice %arg8[%dma_start3A_616, %dma_start3A_624] : memref<4x128xi32, #tpu.memory_space<vmem>> -> memref<1x128xi32, #tpu.memory_space<vmem>>
      %dma_start3A_626 = tpu.memref_squeeze %dma_start3A_625 : memref<1x128xi32, #tpu.memory_space<vmem>> -> memref<128xi32, #tpu.memory_space<vmem>>
      %dma_start3A_627 = tpu.memref_slice %arg3[%mul3A_615] : memref<327936xi32, #tpu.memory_space<hbm>> -> memref<128xi32, #tpu.memory_space<hbm>>
      tpu.enqueue_dma source(%dma_start3A_627 : memref<128xi32, #tpu.memory_space<hbm>>) target(%dma_start3A_626 : memref<128xi32, #tpu.memory_space<vmem>>) target_semaphore(%dma_start3A_623 : memref<!tpu.dma_semaphore, #tpu.memory_space<semaphore_mem>>)
      %dma_start3A_628 = arith.constant 1 : i32
      %dma_start3A_629 = arith.constant 1 : i32
      %dma_start3A_630 = arith.constant 0 : i32
      %dma_start3A_631 = tpu.memref_slice %arg7[%dma_start3A_628, %dma_start3A_630] : memref<4x128xi32, #tpu.memory_space<vmem>> -> memref<1x128xi32, #tpu.memory_space<vmem>>
      %dma_start3A_632 = tpu.memref_squeeze %dma_start3A_631 : memref<1x128xi32, #tpu.memory_space<vmem>> -> memref<128xi32, #tpu.memory_space<vmem>>
      %dma_start3A_633 = tpu.memref_slice %arg4[%mul3A_615] : memref<327936xi32, #tpu.memory_space<hbm>> -> memref<128xi32, #tpu.memory_space<hbm>>
      %dma_start3A_634 = tpu.memref_slice %arg12[%dma_start3A_629] : memref<4x!tpu.dma_semaphore, #tpu.memory_space<semaphore_mem>> -> memref<1x!tpu.dma_semaphore, #tpu.memory_space<semaphore_mem>>
      %dma_start3A_635 = tpu.memref_squeeze %dma_start3A_634 : memref<1x!tpu.dma_semaphore, #tpu.memory_space<semaphore_mem>> -> memref<!tpu.dma_semaphore, #tpu.memory_space<semaphore_mem>>
      %dma_start3A_636 = arith.constant 0 : i32
      %dma_start3A_637 = tpu.memref_slice %arg7[%dma_start3A_628, %dma_start3A_636] : memref<4x128xi32, #tpu.memory_space<vmem>> -> memref<1x128xi32, #tpu.memory_space<vmem>>
      %dma_start3A_638 = tpu.memref_squeeze %dma_start3A_637 : memref<1x128xi32, #tpu.memory_space<vmem>> -> memref<128xi32, #tpu.memory_space<vmem>>
      %dma_start3A_639 = tpu.memref_slice %arg4[%mul3A_615] : memref<327936xi32, #tpu.memory_space<hbm>> -> memref<128xi32, #tpu.memory_space<hbm>>
      tpu.enqueue_dma source(%dma_start3A_639 : memref<128xi32, #tpu.memory_space<hbm>>) target(%dma_start3A_638 : memref<128xi32, #tpu.memory_space<vmem>>) target_semaphore(%dma_start3A_635 : memref<!tpu.dma_semaphore, #tpu.memory_space<semaphore_mem>>)
      %dma_start3A_640 = arith.constant 1 : i32
      %dma_start3A_641 = arith.constant 1 : i32
      %dma_start3A_642 = arith.constant 0 : i32
      %dma_start3A_643 = tpu.memref_slice %arg9[%dma_start3A_640, %dma_start3A_642] : memref<4x128xf32, #tpu.memory_space<vmem>> -> memref<1x128xf32, #tpu.memory_space<vmem>>
      %dma_start3A_644 = tpu.memref_squeeze %dma_start3A_643 : memref<1x128xf32, #tpu.memory_space<vmem>> -> memref<128xf32, #tpu.memory_space<vmem>>
      %dma_start3A_645 = tpu.memref_slice %arg5[%mul3A_615] : memref<327936xf32, #tpu.memory_space<hbm>> -> memref<128xf32, #tpu.memory_space<hbm>>
      %dma_start3A_646 = tpu.memref_slice %arg12[%dma_start3A_641] : memref<4x!tpu.dma_semaphore, #tpu.memory_space<semaphore_mem>> -> memref<1x!tpu.dma_semaphore, #tpu.memory_space<semaphore_mem>>
      %dma_start3A_647 = tpu.memref_squeeze %dma_start3A_646 : memref<1x!tpu.dma_semaphore, #tpu.memory_space<semaphore_mem>> -> memref<!tpu.dma_semaphore, #tpu.memory_space<semaphore_mem>>
      %dma_start3A_648 = arith.constant 0 : i32
      %dma_start3A_649 = tpu.memref_slice %arg9[%dma_start3A_640, %dma_start3A_648] : memref<4x128xf32, #tpu.memory_space<vmem>> -> memref<1x128xf32, #tpu.memory_space<vmem>>
      %dma_start3A_650 = tpu.memref_squeeze %dma_start3A_649 : memref<1x128xf32, #tpu.memory_space<vmem>> -> memref<128xf32, #tpu.memory_space<vmem>>
      %dma_start3A_651 = tpu.memref_slice %arg5[%mul3A_615] : memref<327936xf32, #tpu.memory_space<hbm>> -> memref<128xf32, #tpu.memory_space<hbm>>
      tpu.enqueue_dma source(%dma_start3A_651 : memref<128xf32, #tpu.memory_space<hbm>>) target(%dma_start3A_650 : memref<128xf32, #tpu.memory_space<vmem>>) target_semaphore(%dma_start3A_647 : memref<!tpu.dma_semaphore, #tpu.memory_space<semaphore_mem>>)
      %dma_wait3A_652 = arith.constant 0 : i32
      %dma_wait3A_653 = arith.constant 0 : i32
      %dma_wait3A_654 = arith.constant 0 : i32
      %dma_wait3A_655 = tpu.memref_slice %arg8[%dma_wait3A_652, %dma_wait3A_654] : memref<4x128xi32, #tpu.memory_space<vmem>> -> memref<1x128xi32, #tpu.memory_space<vmem>>
      %dma_wait3A_656 = tpu.memref_squeeze %dma_wait3A_655 : memref<1x128xi32, #tpu.memory_space<vmem>> -> memref<128xi32, #tpu.memory_space<vmem>>
      %dma_wait3A_657 = arith.constant 0 : i32
      %dma_wait3A_658 = tpu.memref_slice %arg3[%dma_wait3A_657] : memref<327936xi32, #tpu.memory_space<hbm>> -> memref<128xi32, #tpu.memory_space<hbm>>
      %dma_wait3A_659 = tpu.memref_slice %arg12[%dma_wait3A_653] : memref<4x!tpu.dma_semaphore, #tpu.memory_space<semaphore_mem>> -> memref<1x!tpu.dma_semaphore, #tpu.memory_space<semaphore_mem>>
      %dma_wait3A_660 = tpu.memref_squeeze %dma_wait3A_659 : memref<1x!tpu.dma_semaphore, #tpu.memory_space<semaphore_mem>> -> memref<!tpu.dma_semaphore, #tpu.memory_space<semaphore_mem>>
      %dma_wait3A_661 = arith.constant 0 : i32
      %dma_wait3A_662 = tpu.memref_slice %arg8[%dma_wait3A_652, %dma_wait3A_661] : memref<4x128xi32, #tpu.memory_space<vmem>> -> memref<1x128xi32, #tpu.memory_space<vmem>>
      %dma_wait3A_663 = tpu.memref_squeeze %dma_wait3A_662 : memref<1x128xi32, #tpu.memory_space<vmem>> -> memref<128xi32, #tpu.memory_space<vmem>>
      %dma_wait3A_664 = arith.constant 0 : i32
      %dma_wait3A_665 = tpu.memref_slice %arg3[%dma_wait3A_664] : memref<327936xi32, #tpu.memory_space<hbm>> -> memref<128xi32, #tpu.memory_space<hbm>>
      tpu.wait_dma2 semaphore(%dma_wait3A_660 : memref<!tpu.dma_semaphore, #tpu.memory_space<semaphore_mem>>) src(%dma_wait3A_665 : memref<128xi32, #tpu.memory_space<hbm>>) dst(%dma_wait3A_663 : memref<128xi32, #tpu.memory_space<vmem>>)
      %dma_wait3A_666 = arith.constant 0 : i32
      %dma_wait3A_667 = arith.constant 0 : i32
      %dma_wait3A_668 = arith.constant 0 : i32
      %dma_wait3A_669 = tpu.memref_slice %arg7[%dma_wait3A_666, %dma_wait3A_668] : memref<4x128xi32, #tpu.memory_space<vmem>> -> memref<1x128xi32, #tpu.memory_space<vmem>>
      %dma_wait3A_670 = tpu.memref_squeeze %dma_wait3A_669 : memref<1x128xi32, #tpu.memory_space<vmem>> -> memref<128xi32, #tpu.memory_space<vmem>>
      %dma_wait3A_671 = arith.constant 0 : i32
      %dma_wait3A_672 = tpu.memref_slice %arg4[%dma_wait3A_671] : memref<327936xi32, #tpu.memory_space<hbm>> -> memref<128xi32, #tpu.memory_space<hbm>>
      %dma_wait3A_673 = tpu.memref_slice %arg12[%dma_wait3A_667] : memref<4x!tpu.dma_semaphore, #tpu.memory_space<semaphore_mem>> -> memref<1x!tpu.dma_semaphore, #tpu.memory_space<semaphore_mem>>
      %dma_wait3A_674 = tpu.memref_squeeze %dma_wait3A_673 : memref<1x!tpu.dma_semaphore, #tpu.memory_space<semaphore_mem>> -> memref<!tpu.dma_semaphore, #tpu.memory_space<semaphore_mem>>
      %dma_wait3A_675 = arith.constant 0 : i32
      %dma_wait3A_676 = tpu.memref_slice %arg7[%dma_wait3A_666, %dma_wait3A_675] : memref<4x128xi32, #tpu.memory_space<vmem>> -> memref<1x128xi32, #tpu.memory_space<vmem>>
      %dma_wait3A_677 = tpu.memref_squeeze %dma_wait3A_676 : memref<1x128xi32, #tpu.memory_space<vmem>> -> memref<128xi32, #tpu.memory_space<vmem>>
      %dma_wait3A_678 = arith.constant 0 : i32
      %dma_wait3A_679 = tpu.memref_slice %arg4[%dma_wait3A_678] : memref<327936xi32, #tpu.memory_space<hbm>> -> memref<128xi32, #tpu.memory_space<hbm>>
      tpu.wait_dma2 semaphore(%dma_wait3A_674 : memref<!tpu.dma_semaphore, #tpu.memory_space<semaphore_mem>>) src(%dma_wait3A_679 : memref<128xi32, #tpu.memory_space<hbm>>) dst(%dma_wait3A_677 : memref<128xi32, #tpu.memory_space<vmem>>)
      %dma_wait3A_680 = arith.constant 0 : i32
      %dma_wait3A_681 = arith.constant 0 : i32
      %dma_wait3A_682 = arith.constant 0 : i32
      %dma_wait3A_683 = tpu.memref_slice %arg9[%dma_wait3A_680, %dma_wait3A_682] : memref<4x128xf32, #tpu.memory_space<vmem>> -> memref<1x128xf32, #tpu.memory_space<vmem>>
      %dma_wait3A_684 = tpu.memref_squeeze %dma_wait3A_683 : memref<1x128xf32, #tpu.memory_space<vmem>> -> memref<128xf32, #tpu.memory_space<vmem>>
      %dma_wait3A_685 = arith.constant 0 : i32
      %dma_wait3A_686 = tpu.memref_slice %arg5[%dma_wait3A_685] : memref<327936xf32, #tpu.memory_space<hbm>> -> memref<128xf32, #tpu.memory_space<hbm>>
      %dma_wait3A_687 = tpu.memref_slice %arg12[%dma_wait3A_681] : memref<4x!tpu.dma_semaphore, #tpu.memory_space<semaphore_mem>> -> memref<1x!tpu.dma_semaphore, #tpu.memory_space<semaphore_mem>>
      %dma_wait3A_688 = tpu.memref_squeeze %dma_wait3A_687 : memref<1x!tpu.dma_semaphore, #tpu.memory_space<semaphore_mem>> -> memref<!tpu.dma_semaphore, #tpu.memory_space<semaphore_mem>>
      %dma_wait3A_689 = arith.constant 0 : i32
      %dma_wait3A_690 = tpu.memref_slice %arg9[%dma_wait3A_680, %dma_wait3A_689] : memref<4x128xf32, #tpu.memory_space<vmem>> -> memref<1x128xf32, #tpu.memory_space<vmem>>
      %dma_wait3A_691 = tpu.memref_squeeze %dma_wait3A_690 : memref<1x128xf32, #tpu.memory_space<vmem>> -> memref<128xf32, #tpu.memory_space<vmem>>
      %dma_wait3A_692 = arith.constant 0 : i32
      %dma_wait3A_693 = tpu.memref_slice %arg5[%dma_wait3A_692] : memref<327936xf32, #tpu.memory_space<hbm>> -> memref<128xf32, #tpu.memory_space<hbm>>
      tpu.wait_dma2 semaphore(%dma_wait3A_688 : memref<!tpu.dma_semaphore, #tpu.memory_space<semaphore_mem>>) src(%dma_wait3A_693 : memref<128xf32, #tpu.memory_space<hbm>>) dst(%dma_wait3A_691 : memref<128xf32, #tpu.memory_space<vmem>>)
      %dma_start3A_694 = arith.constant 0 : i32
      %dma_start3A_695 = arith.constant 0 : i32
      %dma_start3A_696 = arith.constant 0 : i32
      %dma_start3A_697 = arith.constant 0 : i32
      %dma_start3A_698 = arith.constant 0 : i32
      %dma_start3A_699 = tpu.memref_slice %arg10[%dma_start3A_695, %dma_start3A_697, %dma_start3A_698] : memref<2x128x128xf32, #tpu.memory_space<vmem>> -> memref<1x128x128xf32, #tpu.memory_space<vmem>>
      %dma_start3A_700 = tpu.memref_squeeze %dma_start3A_699 : memref<1x128x128xf32, #tpu.memory_space<vmem>> -> memref<128x128xf32, #tpu.memory_space<vmem>>
      %dma_start3A_701 = arith.constant 0 : i32
      %dma_start3A_702 = tpu.memref_slice %arg7[%dma_start3A_694, %dma_start3A_701] : memref<4x128xi32, #tpu.memory_space<vmem>> -> memref<1x128xi32, #tpu.memory_space<vmem>>
      %dma_start3A_703 = tpu.memref_squeeze %dma_start3A_702 : memref<1x128xi32, #tpu.memory_space<vmem>> -> memref<128xi32, #tpu.memory_space<vmem>>
      %dma_start3A_704 = arith.constant 0 : i32
      %dma_start3A_705 = arith.constant 0 : i32
      %dma_start3A_706 = tpu.memref_slice %arg2[%dma_start3A_704, %dma_start3A_705] : memref<10000x128xf32, #tpu.memory_space<hbm>> -> memref<10000x128xf32, #tpu.memory_space<hbm>>
      %dma_start3A_707 = tpu.memref_slice %arg13[%dma_start3A_696] : memref<2x!tpu.dma_semaphore, #tpu.memory_space<semaphore_mem>> -> memref<1x!tpu.dma_semaphore, #tpu.memory_space<semaphore_mem>>
      %dma_start3A_708 = tpu.memref_squeeze %dma_start3A_707 : memref<1x!tpu.dma_semaphore, #tpu.memory_space<semaphore_mem>> -> memref<!tpu.dma_semaphore, #tpu.memory_space<semaphore_mem>>
      tpu.enqueue_indirect_dma source(%dma_start3A_706 : memref<10000x128xf32, #tpu.memory_space<hbm>>) target(%dma_start3A_700 : memref<128x128xf32, #tpu.memory_space<vmem>>) offsets(%dma_start3A_703 : memref<128xi32, #tpu.memory_space<vmem>>) semaphore(%dma_start3A_708 : memref<!tpu.dma_semaphore, #tpu.memory_space<semaphore_mem>>)
      %dma_wait3A_709 = arith.constant 0 : i32
      %dma_wait3A_710 = arith.constant 1 : i32
      %dma_wait3A_711 = arith.constant 1 : i32
      %dma_wait3A_712 = arith.constant 0 : i32
      %dma_wait3A_713 = arith.constant 0 : i32
      %dma_wait3A_714 = tpu.memref_slice %arg10[%dma_wait3A_710, %dma_wait3A_712, %dma_wait3A_713] : memref<2x128x128xf32, #tpu.memory_space<vmem>> -> memref<1x128x128xf32, #tpu.memory_space<vmem>>
      %dma_wait3A_715 = tpu.memref_squeeze %dma_wait3A_714 : memref<1x128x128xf32, #tpu.memory_space<vmem>> -> memref<128x128xf32, #tpu.memory_space<vmem>>
      %dma_wait3A_716 = arith.constant 0 : i32
      %dma_wait3A_717 = tpu.memref_slice %arg7[%dma_wait3A_709, %dma_wait3A_716] : memref<4x128xi32, #tpu.memory_space<vmem>> -> memref<1x128xi32, #tpu.memory_space<vmem>>
      %dma_wait3A_718 = tpu.memref_squeeze %dma_wait3A_717 : memref<1x128xi32, #tpu.memory_space<vmem>> -> memref<128xi32, #tpu.memory_space<vmem>>
      %dma_wait3A_719 = arith.constant 0 : i32
      %dma_wait3A_720 = arith.constant 0 : i32
      %dma_wait3A_721 = tpu.memref_slice %arg2[%dma_wait3A_719, %dma_wait3A_720] : memref<10000x128xf32, #tpu.memory_space<hbm>> -> memref<10000x128xf32, #tpu.memory_space<hbm>>
      %dma_wait3A_722 = tpu.memref_slice %arg13[%dma_wait3A_711] : memref<2x!tpu.dma_semaphore, #tpu.memory_space<semaphore_mem>> -> memref<1x!tpu.dma_semaphore, #tpu.memory_space<semaphore_mem>>
      %dma_wait3A_723 = tpu.memref_squeeze %dma_wait3A_722 : memref<1x!tpu.dma_semaphore, #tpu.memory_space<semaphore_mem>> -> memref<!tpu.dma_semaphore, #tpu.memory_space<semaphore_mem>>
      tpu.wait_indirect_dma semaphore(%dma_wait3A_723 : memref<!tpu.dma_semaphore, #tpu.memory_space<semaphore_mem>>) src(%dma_wait3A_721 : memref<10000x128xf32, #tpu.memory_space<hbm>>) dst(%dma_wait3A_715 : memref<128x128xf32, #tpu.memory_space<vmem>>)
      %parallel_loop3A_724 = arith.constant 0 : i32
      %parallel_loop3A_725 = arith.constant 128 : i32
      %parallel_loop3A_726 = arith.constant 1 : i32
      scf.for %parallel_loop3A_729 = %parallel_loop3A_724 to %parallel_loop3A_725 step %parallel_loop3A_726  : i32 {
        %parallel_loop3A_730 = vector.broadcast %parallel_loop3A_729 : i32 to vector<16xi32>
        %parallel_loop3A_731 = arith.constant 3 : i32
        %parallel_loop3A_732 = arith.constant 0 : i32
        %parallel_loop3A_733 = tpu.memref_slice %arg9[%parallel_loop3A_731, %parallel_loop3A_732] : memref<4x128xf32, #tpu.memory_space<vmem>> -> memref<1x128xf32, #tpu.memory_space<vmem>>
        %parallel_loop3A_734 = tpu.memref_squeeze %parallel_loop3A_733 : memref<1x128xf32, #tpu.memory_space<vmem>> -> memref<128xf32, #tpu.memory_space<vmem>>
        %parallel_loop3A_735 = tpu.vector_load_idx %parallel_loop3A_734[%parallel_loop3A_730] : memref<128xf32, #tpu.memory_space<vmem>>[vector<16xi32>], vector<16xf32>,
        %parallel_loop3A_736 = arith.constant 1 : i32
        %parallel_loop3A_737 = arith.index_cast %parallel_loop3A_736 : i32 to index
        %parallel_loop3A_738 = arith.index_cast %parallel_loop3A_729 : i32 to index
        %parallel_loop3A_739 = arith.constant 0 : index
        %parallel_loop3A_740 = tpu.vector_load %arg10[%parallel_loop3A_737, %parallel_loop3A_738, %parallel_loop3A_739] {strides = array<i32>} : memref<2x128x128xf32, #tpu.memory_space<vmem>>, vector<16xf32>,
        %parallel_loop3A_741 = arith.mulf %parallel_loop3A_740, %parallel_loop3A_735 : vector<16xf32>
        %parallel_loop3A_742 = arith.constant 1 : i32
        %parallel_loop3A_743 = arith.index_cast %parallel_loop3A_742 : i32 to index
        %parallel_loop3A_744 = arith.index_cast %parallel_loop3A_729 : i32 to index
        %parallel_loop3A_745 = arith.constant 0 : index
        %parallel_loop3A_746 = tpu.vector_load %arg10[%parallel_loop3A_743, %parallel_loop3A_744, %parallel_loop3A_745] {strides = array<i32>} : memref<2x128x128xf32, #tpu.memory_space<vmem>>, vector<16xf32>,
        tpu.vector_store %arg10[%parallel_loop3A_743, %parallel_loop3A_744, %parallel_loop3A_745], %parallel_loop3A_741 {strides = array<i32>} : memref<2x128x128xf32, #tpu.memory_space<vmem>>, vector<16xf32>,
        %parallel_loop3A_747 = arith.constant 1 : i32
        %parallel_loop3A_748 = arith.index_cast %parallel_loop3A_747 : i32 to index
        %parallel_loop3A_749 = arith.index_cast %parallel_loop3A_729 : i32 to index
        %parallel_loop3A_750 = arith.constant 16 : index
        %parallel_loop3A_751 = tpu.vector_load %arg10[%parallel_loop3A_748, %parallel_loop3A_749, %parallel_loop3A_750] {strides = array<i32>} : memref<2x128x128xf32, #tpu.memory_space<vmem>>, vector<16xf32>,
        %parallel_loop3A_752 = arith.mulf %parallel_loop3A_751, %parallel_loop3A_735 : vector<16xf32>
        %parallel_loop3A_753 = arith.constant 1 : i32
        %parallel_loop3A_754 = arith.index_cast %parallel_loop3A_753 : i32 to index
        %parallel_loop3A_755 = arith.index_cast %parallel_loop3A_729 : i32 to index
        %parallel_loop3A_756 = arith.constant 16 : index
        %parallel_loop3A_757 = tpu.vector_load %arg10[%parallel_loop3A_754, %parallel_loop3A_755, %parallel_loop3A_756] {strides = array<i32>} : memref<2x128x128xf32, #tpu.memory_space<vmem>>, vector<16xf32>,
        tpu.vector_store %arg10[%parallel_loop3A_754, %parallel_loop3A_755, %parallel_loop3A_756], %parallel_loop3A_752 {strides = array<i32>} : memref<2x128x128xf32, #tpu.memory_space<vmem>>, vector<16xf32>,
        %parallel_loop3A_758 = arith.constant 1 : i32
        %parallel_loop3A_759 = arith.index_cast %parallel_loop3A_758 : i32 to index
        %parallel_loop3A_760 = arith.index_cast %parallel_loop3A_729 : i32 to index
        %parallel_loop3A_761 = arith.constant 32 : index
        %parallel_loop3A_762 = tpu.vector_load %arg10[%parallel_loop3A_759, %parallel_loop3A_760, %parallel_loop3A_761] {strides = array<i32>} : memref<2x128x128xf32, #tpu.memory_space<vmem>>, vector<16xf32>,
        %parallel_loop3A_763 = arith.mulf %parallel_loop3A_762, %parallel_loop3A_735 : vector<16xf32>
        %parallel_loop3A_764 = arith.constant 1 : i32
        %parallel_loop3A_765 = arith.index_cast %parallel_loop3A_764 : i32 to index
        %parallel_loop3A_766 = arith.index_cast %parallel_loop3A_729 : i32 to index
        %parallel_loop3A_767 = arith.constant 32 : index
        %parallel_loop3A_768 = tpu.vector_load %arg10[%parallel_loop3A_765, %parallel_loop3A_766, %parallel_loop3A_767] {strides = array<i32>} : memref<2x128x128xf32, #tpu.memory_space<vmem>>, vector<16xf32>,
        tpu.vector_store %arg10[%parallel_loop3A_765, %parallel_loop3A_766, %parallel_loop3A_767], %parallel_loop3A_763 {strides = array<i32>} : memref<2x128x128xf32, #tpu.memory_space<vmem>>, vector<16xf32>,
        %parallel_loop3A_769 = arith.constant 1 : i32
        %parallel_loop3A_770 = arith.index_cast %parallel_loop3A_769 : i32 to index
        %parallel_loop3A_771 = arith.index_cast %parallel_loop3A_729 : i32 to index
        %parallel_loop3A_772 = arith.constant 48 : index
        %parallel_loop3A_773 = tpu.vector_load %arg10[%parallel_loop3A_770, %parallel_loop3A_771, %parallel_loop3A_772] {strides = array<i32>} : memref<2x128x128xf32, #tpu.memory_space<vmem>>, vector<16xf32>,
        %parallel_loop3A_774 = arith.mulf %parallel_loop3A_773, %parallel_loop3A_735 : vector<16xf32>
        %parallel_loop3A_775 = arith.constant 1 : i32
        %parallel_loop3A_776 = arith.index_cast %parallel_loop3A_775 : i32 to index
        %parallel_loop3A_777 = arith.index_cast %parallel_loop3A_729 : i32 to index
        %parallel_loop3A_778 = arith.constant 48 : index
        %parallel_loop3A_779 = tpu.vector_load %arg10[%parallel_loop3A_776, %parallel_loop3A_777, %parallel_loop3A_778] {strides = array<i32>} : memref<2x128x128xf32, #tpu.memory_space<vmem>>, vector<16xf32>,
        tpu.vector_store %arg10[%parallel_loop3A_776, %parallel_loop3A_777, %parallel_loop3A_778], %parallel_loop3A_774 {strides = array<i32>} : memref<2x128x128xf32, #tpu.memory_space<vmem>>, vector<16xf32>,
        %parallel_loop3A_780 = arith.constant 1 : i32
        %parallel_loop3A_781 = arith.index_cast %parallel_loop3A_780 : i32 to index
        %parallel_loop3A_782 = arith.index_cast %parallel_loop3A_729 : i32 to index
        %parallel_loop3A_783 = arith.constant 64 : index
        %parallel_loop3A_784 = tpu.vector_load %arg10[%parallel_loop3A_781, %parallel_loop3A_782, %parallel_loop3A_783] {strides = array<i32>} : memref<2x128x128xf32, #tpu.memory_space<vmem>>, vector<16xf32>,
        %parallel_loop3A_785 = arith.mulf %parallel_loop3A_784, %parallel_loop3A_735 : vector<16xf32>
        %parallel_loop3A_786 = arith.constant 1 : i32
        %parallel_loop3A_787 = arith.index_cast %parallel_loop3A_786 : i32 to index
        %parallel_loop3A_788 = arith.index_cast %parallel_loop3A_729 : i32 to index
        %parallel_loop3A_789 = arith.constant 64 : index
        %parallel_loop3A_790 = tpu.vector_load %arg10[%parallel_loop3A_787, %parallel_loop3A_788, %parallel_loop3A_789] {strides = array<i32>} : memref<2x128x128xf32, #tpu.memory_space<vmem>>, vector<16xf32>,
        tpu.vector_store %arg10[%parallel_loop3A_787, %parallel_loop3A_788, %parallel_loop3A_789], %parallel_loop3A_785 {strides = array<i32>} : memref<2x128x128xf32, #tpu.memory_space<vmem>>, vector<16xf32>,
        %parallel_loop3A_791 = arith.constant 1 : i32
        %parallel_loop3A_792 = arith.index_cast %parallel_loop3A_791 : i32 to index
        %parallel_loop3A_793 = arith.index_cast %parallel_loop3A_729 : i32 to index
        %parallel_loop3A_794 = arith.constant 80 : index
        %parallel_loop3A_795 = tpu.vector_load %arg10[%parallel_loop3A_792, %parallel_loop3A_793, %parallel_loop3A_794] {strides = array<i32>} : memref<2x128x128xf32, #tpu.memory_space<vmem>>, vector<16xf32>,
        %parallel_loop3A_796 = arith.mulf %parallel_loop3A_795, %parallel_loop3A_735 : vector<16xf32>
        %parallel_loop3A_797 = arith.constant 1 : i32
        %parallel_loop3A_798 = arith.index_cast %parallel_loop3A_797 : i32 to index
        %parallel_loop3A_799 = arith.index_cast %parallel_loop3A_729 : i32 to index
        %parallel_loop3A_800 = arith.constant 80 : index
        %parallel_loop3A_801 = tpu.vector_load %arg10[%parallel_loop3A_798, %parallel_loop3A_799, %parallel_loop3A_800] {strides = array<i32>} : memref<2x128x128xf32, #tpu.memory_space<vmem>>, vector<16xf32>,
        tpu.vector_store %arg10[%parallel_loop3A_798, %parallel_loop3A_799, %parallel_loop3A_800], %parallel_loop3A_796 {strides = array<i32>} : memref<2x128x128xf32, #tpu.memory_space<vmem>>, vector<16xf32>,
        %parallel_loop3A_802 = arith.constant 1 : i32
        %parallel_loop3A_803 = arith.index_cast %parallel_loop3A_802 : i32 to index
        %parallel_loop3A_804 = arith.index_cast %parallel_loop3A_729 : i32 to index
        %parallel_loop3A_805 = arith.constant 96 : index
        %parallel_loop3A_806 = tpu.vector_load %arg10[%parallel_loop3A_803, %parallel_loop3A_804, %parallel_loop3A_805] {strides = array<i32>} : memref<2x128x128xf32, #tpu.memory_space<vmem>>, vector<16xf32>,
        %parallel_loop3A_807 = arith.mulf %parallel_loop3A_806, %parallel_loop3A_735 : vector<16xf32>
        %parallel_loop3A_808 = arith.constant 1 : i32
        %parallel_loop3A_809 = arith.index_cast %parallel_loop3A_808 : i32 to index
        %parallel_loop3A_810 = arith.index_cast %parallel_loop3A_729 : i32 to index
        %parallel_loop3A_811 = arith.constant 96 : index
        %parallel_loop3A_812 = tpu.vector_load %arg10[%parallel_loop3A_809, %parallel_loop3A_810, %parallel_loop3A_811] {strides = array<i32>} : memref<2x128x128xf32, #tpu.memory_space<vmem>>, vector<16xf32>,
        tpu.vector_store %arg10[%parallel_loop3A_809, %parallel_loop3A_810, %parallel_loop3A_811], %parallel_loop3A_807 {strides = array<i32>} : memref<2x128x128xf32, #tpu.memory_space<vmem>>, vector<16xf32>,
        %parallel_loop3A_813 = arith.constant 1 : i32
        %parallel_loop3A_814 = arith.index_cast %parallel_loop3A_813 : i32 to index
        %parallel_loop3A_815 = arith.index_cast %parallel_loop3A_729 : i32 to index
        %parallel_loop3A_816 = arith.constant 112 : index
        %parallel_loop3A_817 = tpu.vector_load %arg10[%parallel_loop3A_814, %parallel_loop3A_815, %parallel_loop3A_816] {strides = array<i32>} : memref<2x128x128xf32, #tpu.memory_space<vmem>>, vector<16xf32>,
        %parallel_loop3A_818 = arith.mulf %parallel_loop3A_817, %parallel_loop3A_735 : vector<16xf32>
        %parallel_loop3A_819 = arith.constant 1 : i32
        %parallel_loop3A_820 = arith.index_cast %parallel_loop3A_819 : i32 to index
        %parallel_loop3A_821 = arith.index_cast %parallel_loop3A_729 : i32 to index
        %parallel_loop3A_822 = arith.constant 112 : index
        %parallel_loop3A_823 = tpu.vector_load %arg10[%parallel_loop3A_820, %parallel_loop3A_821, %parallel_loop3A_822] {strides = array<i32>} : memref<2x128x128xf32, #tpu.memory_space<vmem>>, vector<16xf32>,
        tpu.vector_store %arg10[%parallel_loop3A_820, %parallel_loop3A_821, %parallel_loop3A_822], %parallel_loop3A_818 {strides = array<i32>} : memref<2x128x128xf32, #tpu.memory_space<vmem>>, vector<16xf32>,
      } {sc.loop_unroll_factor = 8 : i64, sc.parallel_access}
      %run_scoped3A_727 = arith.constant 1 : i32
      %run_scoped3A_728 = arith.constant 3 : i32
      "tpu.region"() ({
        %run_scoped3A_729 = tpu.sem_alloc : memref<!tpu.dma_semaphore, #tpu.memory_space<semaphore_mem>>
        %dma_start3A_730 = arith.constant 0 : i32
        %dma_start3A_731 = arith.constant 0 : i32
        %dma_start3A_732 = tpu.memref_slice %arg10[%run_scoped3A_727, %dma_start3A_730, %dma_start3A_731] : memref<2x128x128xf32, #tpu.memory_space<vmem>> -> memref<1x128x128xf32, #tpu.memory_space<vmem>>
        %dma_start3A_733 = tpu.memref_squeeze %dma_start3A_732 : memref<1x128x128xf32, #tpu.memory_space<vmem>> -> memref<128x128xf32, #tpu.memory_space<vmem>>
        %dma_start3A_734 = arith.constant 0 : i32
        %dma_start3A_735 = tpu.memref_slice %arg8[%run_scoped3A_728, %dma_start3A_734] : memref<4x128xi32, #tpu.memory_space<vmem>> -> memref<1x128xi32, #tpu.memory_space<vmem>>
        %dma_start3A_736 = tpu.memref_squeeze %dma_start3A_735 : memref<1x128xi32, #tpu.memory_space<vmem>> -> memref<128xi32, #tpu.memory_space<vmem>>
        %dma_start3A_737 = arith.constant 0 : i32
        %dma_start3A_738 = arith.constant 0 : i32
        %dma_start3A_739 = tpu.memref_slice %arg11[%dma_start3A_737, %dma_start3A_738] : memref<10000x128xf32, #tpu.memory_space<vmem_shared>> -> memref<10000x128xf32, #tpu.memory_space<vmem_shared>>
        tpu.enqueue_indirect_dma source(%dma_start3A_733 : memref<128x128xf32, #tpu.memory_space<vmem>>) target(%dma_start3A_739 : memref<10000x128xf32, #tpu.memory_space<vmem_shared>>) offsets(%dma_start3A_736 : memref<128xi32, #tpu.memory_space<vmem>>) semaphore(%run_scoped3A_729 : memref<!tpu.dma_semaphore, #tpu.memory_space<semaphore_mem>>) {add = true}
        %dma_wait3A_740 = arith.constant 0 : i32
        %dma_wait3A_741 = arith.constant 0 : i32
        %dma_wait3A_742 = tpu.memref_slice %arg10[%run_scoped3A_727, %dma_wait3A_740, %dma_wait3A_741] : memref<2x128x128xf32, #tpu.memory_space<vmem>> -> memref<1x128x128xf32, #tpu.memory_space<vmem>>
        %dma_wait3A_743 = tpu.memref_squeeze %dma_wait3A_742 : memref<1x128x128xf32, #tpu.memory_space<vmem>> -> memref<128x128xf32, #tpu.memory_space<vmem>>
        %dma_wait3A_744 = arith.constant 0 : i32
        %dma_wait3A_745 = tpu.memref_slice %arg8[%run_scoped3A_728, %dma_wait3A_744] : memref<4x128xi32, #tpu.memory_space<vmem>> -> memref<1x128xi32, #tpu.memory_space<vmem>>
        %dma_wait3A_746 = tpu.memref_squeeze %dma_wait3A_745 : memref<1x128xi32, #tpu.memory_space<vmem>> -> memref<128xi32, #tpu.memory_space<vmem>>
        %dma_wait3A_747 = arith.constant 0 : i32
        %dma_wait3A_748 = arith.constant 0 : i32
        %dma_wait3A_749 = tpu.memref_slice %arg11[%dma_wait3A_747, %dma_wait3A_748] : memref<10000x128xf32, #tpu.memory_space<vmem_shared>> -> memref<10000x128xf32, #tpu.memory_space<vmem_shared>>
        tpu.wait_indirect_dma semaphore(%run_scoped3A_729 : memref<!tpu.dma_semaphore, #tpu.memory_space<semaphore_mem>>) src(%dma_wait3A_743 : memref<128x128xf32, #tpu.memory_space<vmem>>) dst(%dma_wait3A_749 : memref<10000x128xf32, #tpu.memory_space<vmem_shared>>)
        tpu.yield
      }) : () -> ()
    }
    %scan3A_169 = arith.constant 20 : i32
    %dma_wait3A_170 = arith.constant 1 : i32
    %dma_wait3A_171 = arith.constant 1 : i32
    %dma_wait3A_172 = arith.constant 0 : i32
    %dma_wait3A_173 = tpu.memref_slice %arg8[%dma_wait3A_170, %dma_wait3A_172] : memref<4x128xi32, #tpu.memory_space<vmem>> -> memref<1x128xi32, #tpu.memory_space<vmem>>
    %dma_wait3A_174 = tpu.memref_squeeze %dma_wait3A_173 : memref<1x128xi32, #tpu.memory_space<vmem>> -> memref<128xi32, #tpu.memory_space<vmem>>
    %dma_wait3A_175 = arith.constant 0 : i32
    %dma_wait3A_176 = tpu.memref_slice %arg3[%dma_wait3A_175] : memref<327936xi32, #tpu.memory_space<hbm>> -> memref<128xi32, #tpu.memory_space<hbm>>
    %dma_wait3A_177 = tpu.memref_slice %arg12[%dma_wait3A_171] : memref<4x!tpu.dma_semaphore, #tpu.memory_space<semaphore_mem>> -> memref<1x!tpu.dma_semaphore, #tpu.memory_space<semaphore_mem>>
    %dma_wait3A_178 = tpu.memref_squeeze %dma_wait3A_177 : memref<1x!tpu.dma_semaphore, #tpu.memory_space<semaphore_mem>> -> memref<!tpu.dma_semaphore, #tpu.memory_space<semaphore_mem>>
    %dma_wait3A_179 = arith.constant 0 : i32
    %dma_wait3A_180 = tpu.memref_slice %arg8[%dma_wait3A_170, %dma_wait3A_179] : memref<4x128xi32, #tpu.memory_space<vmem>> -> memref<1x128xi32, #tpu.memory_space<vmem>>
    %dma_wait3A_181 = tpu.memref_squeeze %dma_wait3A_180 : memref<1x128xi32, #tpu.memory_space<vmem>> -> memref<128xi32, #tpu.memory_space<vmem>>
    %dma_wait3A_182 = arith.constant 0 : i32
    %dma_wait3A_183 = tpu.memref_slice %arg3[%dma_wait3A_182] : memref<327936xi32, #tpu.memory_space<hbm>> -> memref<128xi32, #tpu.memory_space<hbm>>
    tpu.wait_dma2 semaphore(%dma_wait3A_178 : memref<!tpu.dma_semaphore, #tpu.memory_space<semaphore_mem>>) src(%dma_wait3A_183 : memref<128xi32, #tpu.memory_space<hbm>>) dst(%dma_wait3A_181 : memref<128xi32, #tpu.memory_space<vmem>>)
    %dma_wait3A_184 = arith.constant 1 : i32
    %dma_wait3A_185 = arith.constant 1 : i32
    %dma_wait3A_186 = arith.constant 0 : i32
    %dma_wait3A_187 = tpu.memref_slice %arg7[%dma_wait3A_184, %dma_wait3A_186] : memref<4x128xi32, #tpu.memory_space<vmem>> -> memref<1x128xi32, #tpu.memory_space<vmem>>
    %dma_wait3A_188 = tpu.memref_squeeze %dma_wait3A_187 : memref<1x128xi32, #tpu.memory_space<vmem>> -> memref<128xi32, #tpu.memory_space<vmem>>
    %dma_wait3A_189 = arith.constant 0 : i32
    %dma_wait3A_190 = tpu.memref_slice %arg4[%dma_wait3A_189] : memref<327936xi32, #tpu.memory_space<hbm>> -> memref<128xi32, #tpu.memory_space<hbm>>
    %dma_wait3A_191 = tpu.memref_slice %arg12[%dma_wait3A_185] : memref<4x!tpu.dma_semaphore, #tpu.memory_space<semaphore_mem>> -> memref<1x!tpu.dma_semaphore, #tpu.memory_space<semaphore_mem>>
    %dma_wait3A_192 = tpu.memref_squeeze %dma_wait3A_191 : memref<1x!tpu.dma_semaphore, #tpu.memory_space<semaphore_mem>> -> memref<!tpu.dma_semaphore, #tpu.memory_space<semaphore_mem>>
    %dma_wait3A_193 = arith.constant 0 : i32
    %dma_wait3A_194 = tpu.memref_slice %arg7[%dma_wait3A_184, %dma_wait3A_193] : memref<4x128xi32, #tpu.memory_space<vmem>> -> memref<1x128xi32, #tpu.memory_space<vmem>>
    %dma_wait3A_195 = tpu.memref_squeeze %dma_wait3A_194 : memref<1x128xi32, #tpu.memory_space<vmem>> -> memref<128xi32, #tpu.memory_space<vmem>>
    %dma_wait3A_196 = arith.constant 0 : i32
    %dma_wait3A_197 = tpu.memref_slice %arg4[%dma_wait3A_196] : memref<327936xi32, #tpu.memory_space<hbm>> -> memref<128xi32, #tpu.memory_space<hbm>>
    tpu.wait_dma2 semaphore(%dma_wait3A_192 : memref<!tpu.dma_semaphore, #tpu.memory_space<semaphore_mem>>) src(%dma_wait3A_197 : memref<128xi32, #tpu.memory_space<hbm>>) dst(%dma_wait3A_195 : memref<128xi32, #tpu.memory_space<vmem>>)
    %dma_wait3A_198 = arith.constant 1 : i32
    %dma_wait3A_199 = arith.constant 1 : i32
    %dma_wait3A_200 = arith.constant 0 : i32
    %dma_wait3A_201 = tpu.memref_slice %arg9[%dma_wait3A_198, %dma_wait3A_200] : memref<4x128xf32, #tpu.memory_space<vmem>> -> memref<1x128xf32, #tpu.memory_space<vmem>>
    %dma_wait3A_202 = tpu.memref_squeeze %dma_wait3A_201 : memref<1x128xf32, #tpu.memory_space<vmem>> -> memref<128xf32, #tpu.memory_space<vmem>>
    %dma_wait3A_203 = arith.constant 0 : i32
    %dma_wait3A_204 = tpu.memref_slice %arg5[%dma_wait3A_203] : memref<327936xf32, #tpu.memory_space<hbm>> -> memref<128xf32, #tpu.memory_space<hbm>>
    %dma_wait3A_205 = tpu.memref_slice %arg12[%dma_wait3A_199] : memref<4x!tpu.dma_semaphore, #tpu.memory_space<semaphore_mem>> -> memref<1x!tpu.dma_semaphore, #tpu.memory_space<semaphore_mem>>
    %dma_wait3A_206 = tpu.memref_squeeze %dma_wait3A_205 : memref<1x!tpu.dma_semaphore, #tpu.memory_space<semaphore_mem>> -> memref<!tpu.dma_semaphore, #tpu.memory_space<semaphore_mem>>
    %dma_wait3A_207 = arith.constant 0 : i32
    %dma_wait3A_208 = tpu.memref_slice %arg9[%dma_wait3A_198, %dma_wait3A_207] : memref<4x128xf32, #tpu.memory_space<vmem>> -> memref<1x128xf32, #tpu.memory_space<vmem>>
    %dma_wait3A_209 = tpu.memref_squeeze %dma_wait3A_208 : memref<1x128xf32, #tpu.memory_space<vmem>> -> memref<128xf32, #tpu.memory_space<vmem>>
    %dma_wait3A_210 = arith.constant 0 : i32
    %dma_wait3A_211 = tpu.memref_slice %arg5[%dma_wait3A_210] : memref<327936xf32, #tpu.memory_space<hbm>> -> memref<128xf32, #tpu.memory_space<hbm>>
    tpu.wait_dma2 semaphore(%dma_wait3A_206 : memref<!tpu.dma_semaphore, #tpu.memory_space<semaphore_mem>>) src(%dma_wait3A_211 : memref<128xf32, #tpu.memory_space<hbm>>) dst(%dma_wait3A_209 : memref<128xf32, #tpu.memory_space<vmem>>)
    %dma_wait3A_212 = arith.constant 0 : i32
    %dma_wait3A_213 = arith.constant 0 : i32
    %dma_wait3A_214 = arith.constant 0 : i32
    %dma_wait3A_215 = arith.constant 0 : i32
    %dma_wait3A_216 = arith.constant 0 : i32
    %dma_wait3A_217 = tpu.memref_slice %arg10[%dma_wait3A_213, %dma_wait3A_215, %dma_wait3A_216] : memref<2x128x128xf32, #tpu.memory_space<vmem>> -> memref<1x128x128xf32, #tpu.memory_space<vmem>>
    %dma_wait3A_218 = tpu.memref_squeeze %dma_wait3A_217 : memref<1x128x128xf32, #tpu.memory_space<vmem>> -> memref<128x128xf32, #tpu.memory_space<vmem>>
    %dma_wait3A_219 = arith.constant 0 : i32
    %dma_wait3A_220 = tpu.memref_slice %arg7[%dma_wait3A_212, %dma_wait3A_219] : memref<4x128xi32, #tpu.memory_space<vmem>> -> memref<1x128xi32, #tpu.memory_space<vmem>>
    %dma_wait3A_221 = tpu.memref_squeeze %dma_wait3A_220 : memref<1x128xi32, #tpu.memory_space<vmem>> -> memref<128xi32, #tpu.memory_space<vmem>>
    %dma_wait3A_222 = arith.constant 0 : i32
    %dma_wait3A_223 = arith.constant 0 : i32
    %dma_wait3A_224 = tpu.memref_slice %arg2[%dma_wait3A_222, %dma_wait3A_223] : memref<10000x128xf32, #tpu.memory_space<hbm>> -> memref<10000x128xf32, #tpu.memory_space<hbm>>
    %dma_wait3A_225 = tpu.memref_slice %arg13[%dma_wait3A_214] : memref<2x!tpu.dma_semaphore, #tpu.memory_space<semaphore_mem>> -> memref<1x!tpu.dma_semaphore, #tpu.memory_space<semaphore_mem>>
    %dma_wait3A_226 = tpu.memref_squeeze %dma_wait3A_225 : memref<1x!tpu.dma_semaphore, #tpu.memory_space<semaphore_mem>> -> memref<!tpu.dma_semaphore, #tpu.memory_space<semaphore_mem>>
    tpu.wait_indirect_dma semaphore(%dma_wait3A_226 : memref<!tpu.dma_semaphore, #tpu.memory_space<semaphore_mem>>) src(%dma_wait3A_224 : memref<10000x128xf32, #tpu.memory_space<hbm>>) dst(%dma_wait3A_218 : memref<128x128xf32, #tpu.memory_space<vmem>>)
    %barrier3A_227 = arith.constant 0 : index
    tpu.barrier barrier_id(%barrier3A_227)
    "tpu.region"() ({
      %run_scoped3A_233 = tpu.sem_alloc : memref<!tpu.dma_semaphore, #tpu.memory_space<semaphore_mem>>
      %dma_start3A_234 = arith.constant 0 : i32
      %dma_start3A_235 = tpu.memref_slice %arg6[%arg0, %mul3A_147, %dma_start3A_234] : memref<2x10000x128xf32, #tpu.memory_space<hbm>> -> memref<1x624x128xf32, #tpu.memory_space<hbm>>
      %dma_start3A_236 = tpu.memref_squeeze %dma_start3A_235 : memref<1x624x128xf32, #tpu.memory_space<hbm>> -> memref<624x128xf32, #tpu.memory_space<hbm>>
      %dma_start3A_237 = arith.constant 0 : i32
      %dma_start3A_238 = tpu.memref_slice %arg11[%mul3A_147, %dma_start3A_237] : memref<10000x128xf32, #tpu.memory_space<vmem_shared>> -> memref<624x128xf32, #tpu.memory_space<vmem_shared>>
      tpu.enqueue_dma source(%dma_start3A_238 : memref<624x128xf32, #tpu.memory_space<vmem_shared>>) target(%dma_start3A_236 : memref<624x128xf32, #tpu.memory_space<hbm>>) target_semaphore(%run_scoped3A_233 : memref<!tpu.dma_semaphore, #tpu.memory_space<semaphore_mem>>)
      %dma_wait3A_239 = arith.constant 0 : i32
      %dma_wait3A_240 = tpu.memref_slice %arg6[%arg0, %mul3A_147, %dma_wait3A_239] : memref<2x10000x128xf32, #tpu.memory_space<hbm>> -> memref<1x624x128xf32, #tpu.memory_space<hbm>>
      %dma_wait3A_241 = tpu.memref_squeeze %dma_wait3A_240 : memref<1x624x128xf32, #tpu.memory_space<hbm>> -> memref<624x128xf32, #tpu.memory_space<hbm>>
      %dma_wait3A_242 = arith.constant 0 : i32
      %dma_wait3A_243 = tpu.memref_slice %arg11[%mul3A_147, %dma_wait3A_242] : memref<10000x128xf32, #tpu.memory_space<vmem_shared>> -> memref<624x128xf32, #tpu.memory_space<vmem_shared>>
      tpu.wait_dma2 semaphore(%run_scoped3A_233 : memref<!tpu.dma_semaphore, #tpu.memory_space<semaphore_mem>>) src(%dma_wait3A_243 : memref<624x128xf32, #tpu.memory_space<vmem_shared>>) dst(%dma_wait3A_241 : memref<624x128xf32, #tpu.memory_space<hbm>>)
      tpu.yield
    }) : () -> ()
    %eq3A_228 = arith.constant 15 : i32
    %eq3A_229 = arith.cmpi eq, %arg1, %eq3A_228 : i32
    %convert_element_type3A_230 = arith.extui %eq3A_229 : i1 to i32
    %cond3A_231 = arith.constant 0 : i32
    %cond3A_232 = arith.cmpi ne, %convert_element_type3A_230, %cond3A_231 : i32
    scf.if %cond3A_232 {
      "tpu.region"() ({
        %run_scoped3A_233 = tpu.sem_alloc : memref<!tpu.dma_semaphore, #tpu.memory_space<semaphore_mem>>
        %dma_start3A_234 = arith.constant 9984 : i32
        %dma_start3A_235 = arith.constant 0 : i32
        %dma_start3A_236 = tpu.memref_slice %arg6[%arg0, %dma_start3A_234, %dma_start3A_235] : memref<2x10000x128xf32, #tpu.memory_space<hbm>> -> memref<1x16x128xf32, #tpu.memory_space<hbm>>
        %dma_start3A_237 = tpu.memref_squeeze %dma_start3A_236 : memref<1x16x128xf32, #tpu.memory_space<hbm>> -> memref<16x128xf32, #tpu.memory_space<hbm>>
        %dma_start3A_238 = arith.constant 9984 : i32
        %dma_start3A_239 = arith.constant 0 : i32
        %dma_start3A_240 = tpu.memref_slice %arg11[%dma_start3A_238, %dma_start3A_239] : memref<10000x128xf32, #tpu.memory_space<vmem_shared>> -> memref<16x128xf32, #tpu.memory_space<vmem_shared>>
        tpu.enqueue_dma source(%dma_start3A_240 : memref<16x128xf32, #tpu.memory_space<vmem_shared>>) target(%dma_start3A_237 : memref<16x128xf32, #tpu.memory_space<hbm>>) target_semaphore(%run_scoped3A_233 : memref<!tpu.dma_semaphore, #tpu.memory_space<semaphore_mem>>)
        %dma_wait3A_241 = arith.constant 9984 : i32
        %dma_wait3A_242 = arith.constant 0 : i32
        %dma_wait3A_243 = tpu.memref_slice %arg6[%arg0, %dma_wait3A_241, %dma_wait3A_242] : memref<2x10000x128xf32, #tpu.memory_space<hbm>> -> memref<1x16x128xf32, #tpu.memory_space<hbm>>
        %dma_wait3A_244 = tpu.memref_squeeze %dma_wait3A_243 : memref<1x16x128xf32, #tpu.memory_space<hbm>> -> memref<16x128xf32, #tpu.memory_space<hbm>>
        %dma_wait3A_245 = arith.constant 9984 : i32
        %dma_wait3A_246 = arith.constant 0 : i32
        %dma_wait3A_247 = tpu.memref_slice %arg11[%dma_wait3A_245, %dma_wait3A_246] : memref<10000x128xf32, #tpu.memory_space<vmem_shared>> -> memref<16x128xf32, #tpu.memory_space<vmem_shared>>
        tpu.wait_dma2 semaphore(%run_scoped3A_233 : memref<!tpu.dma_semaphore, #tpu.memory_space<semaphore_mem>>) src(%dma_wait3A_247 : memref<16x128xf32, #tpu.memory_space<vmem_shared>>) dst(%dma_wait3A_244 : memref<16x128xf32, #tpu.memory_space<hbm>>)
        tpu.yield
      }) : () -> ()
    } else {
    }
    return
  }
}

module attributes {stable_mosaic.version = 14 : i64} {
  func.func @_mm_body(%arg0: i32, %arg1: memref<1000x128xf32, #tpu.memory_space<vmem>>, %arg2: memref<128x128xf32, #tpu.memory_space<vmem>>, %arg3: memref<1x128xf32, #tpu.memory_space<vmem>>, %arg4: memref<1000x128xf32, #tpu.memory_space<vmem>>) attributes {dimension_semantics = [#tpu.dimension_semantics<arbitrary>], iteration_bounds = array<i64: 10>, scalar_prefetch = 0 : i64, scratch_operands = 0 : i64, tpu.core_type = #tpu.core_type<tc>, window_params = [{transform_indices = @transform_0, window_bounds = array<i64: 1000, 128>}, {pipeline_mode = #tpu.pipeline_mode<synchronous>, transform_indices = @transform_1, window_bounds = array<i64: 128, 128>}, {pipeline_mode = #tpu.pipeline_mode<synchronous>, transform_indices = @transform_2, window_bounds = array<i64: 1, 128>}, {transform_indices = @transform_3, window_bounds = array<i64: 1000, 128>}]} {
    %get3A = arith.constant 0 : index
    %get3A_0 = arith.constant 0 : index
    %get3A_1 = vector.load %arg1[%get3A, %get3A_0] : memref<1000x128xf32, #tpu.memory_space<vmem>>, vector<1000x128xf32>
    %get3A_2 = arith.constant 0 : index
    %get3A_3 = arith.constant 0 : index
    %get3A_4 = vector.load %arg2[%get3A_2, %get3A_3] : memref<128x128xf32, #tpu.memory_space<vmem>>, vector<128x128xf32>
    %dot_general3A = arith.constant dense<0.000000e+00> : vector<1000x128xf32>
    %dot_general3A_5 = tpu.matmul %get3A_1, %get3A_4, %dot_general3A {dimension_numbers = #tpu.dot_dimension_numbers<[1], [1], [0], [0], [0, 0, 1, 0], [], []>, transpose_lhs_hint = false} : vector<1000x128xf32>, vector<128x128xf32>, vector<1000x128xf32> -> vector<1000x128xf32>
    %get3A_6 = arith.constant 0 : index
    %get3A_7 = arith.constant 0 : index
    %get3A_8 = vector.load %arg3[%get3A_6, %get3A_7] : memref<1x128xf32, #tpu.memory_space<vmem>>, vector<1x128xf32>
    %add3A = vector.broadcast %get3A_8 : vector<1x128xf32> to vector<1000x128xf32>
    %add3A_9 = arith.addf %dot_general3A_5, %add3A : vector<1000x128xf32>
    %swap3A = arith.constant 0 : index
    %swap3A_10 = arith.constant 0 : index
    %swap3A_11 = vector.load %arg4[%swap3A, %swap3A_10] : memref<1000x128xf32, #tpu.memory_space<vmem>>, vector<1000x128xf32>
    tpu.vector_store %arg4[%swap3A, %swap3A_10], %add3A_9 {strides = array<i32>} : memref<1000x128xf32, #tpu.memory_space<vmem>>, vector<1000x128xf32>,
    return
  }
  func.func @transform_0(%arg0: i32) -> (i32, i32) {
    %c0_i32 = arith.constant 0 : i32
    %c0_i32_0 = arith.constant 0 : i32
    return %arg0, %c0_i32 : i32, i32
  }
  func.func @transform_1(%arg0: i32) -> (i32, i32) {
    %c0_i32 = arith.constant 0 : i32
    %c0_i32_0 = arith.constant 0 : i32
    %c0_i32_1 = arith.constant 0 : i32
    return %c0_i32, %c0_i32_0 : i32, i32
  }
  func.func @transform_2(%arg0: i32) -> (i32, i32) {
    %c0_i32 = arith.constant 0 : i32
    %c0_i32_0 = arith.constant 0 : i32
    %c0_i32_1 = arith.constant 0 : i32
    return %c0_i32, %c0_i32_0 : i32, i32
  }
  func.func @transform_3(%arg0: i32) -> (i32, i32) {
    %c0_i32 = arith.constant 0 : i32
    %c0_i32_0 = arith.constant 0 : i32
    return %arg0, %c0_i32 : i32, i32
  }
}

module attributes {stable_mosaic.version = 14 : i64} {
  func.func @_add_body(%arg0: i32, %arg1: memref<2x1000x128xf32, #tpu.memory_space<vmem>>, %arg2: memref<1000x128xf32, #tpu.memory_space<vmem>>) attributes {dimension_semantics = [#tpu.dimension_semantics<arbitrary>], iteration_bounds = array<i64: 10>, scalar_prefetch = 0 : i64, scratch_operands = 0 : i64, tpu.core_type = #tpu.core_type<tc>, window_params = [{transform_indices = @transform_0, window_bounds = array<i64: 2, 1000, 128>}, {transform_indices = @transform_1, window_bounds = array<i64: 1000, 128>}]} {
    %get3A = arith.constant 0 : index
    %get3A_0 = arith.constant 0 : index
    %get3A_1 = arith.constant 0 : index
    %get3A_2 = vector.load %arg1[%get3A, %get3A_0, %get3A_1] : memref<2x1000x128xf32, #tpu.memory_space<vmem>>, vector<1x1000x128xf32>
    %get3A_3 = vector.shape_cast %get3A_2 : vector<1x1000x128xf32> to vector<1000x128xf32>
    %get3A_4 = arith.constant 1 : index
    %get3A_5 = arith.constant 0 : index
    %get3A_6 = arith.constant 0 : index
    %get3A_7 = vector.load %arg1[%get3A_4, %get3A_5, %get3A_6] : memref<2x1000x128xf32, #tpu.memory_space<vmem>>, vector<1x1000x128xf32>
    %get3A_8 = vector.shape_cast %get3A_7 : vector<1x1000x128xf32> to vector<1000x128xf32>
    %add3A = arith.addf %get3A_3, %get3A_8 : vector<1000x128xf32>
    %swap3A = arith.constant 0 : index
    %swap3A_9 = arith.constant 0 : index
    %swap3A_10 = vector.load %arg2[%swap3A, %swap3A_9] : memref<1000x128xf32, #tpu.memory_space<vmem>>, vector<1000x128xf32>
    tpu.vector_store %arg2[%swap3A, %swap3A_9], %add3A {strides = array<i32>} : memref<1000x128xf32, #tpu.memory_space<vmem>>, vector<1000x128xf32>,
    return
  }
  func.func @transform_0(%arg0: i32) -> (i32, i32, i32) {
    %c0_i32 = arith.constant 0 : i32
    %c0_i32_0 = arith.constant 0 : i32
    %c0_i32_1 = arith.constant 0 : i32
    return %c0_i32, %arg0, %c0_i32_0 : i32, i32, i32
  }
  func.func @transform_1(%arg0: i32) -> (i32, i32) {
    %c0_i32 = arith.constant 0 : i32
    %c0_i32_0 = arith.constant 0 : i32
    return %arg0, %c0_i32 : i32, i32
  }
}

</mosaic_0001>

<sc_bundles>
// kernel: kernel.5.cloned.1.call-start
scs
__scs_entry_jumppad:
0x0: {  	(pc) =	sbr.rel $0x88, $3  }
0x1: {  	(tag) =	ssettag $0x0;
	lr =	simm.s32 $0x1  }
0x2: {  	[smem:$0x3F9C] =	sst lr;
	_ =	strace $0xD0000000  }
0x3: {  	_ = 	snop  }
0x4: {  	_ = 	snop  }
0x5: {  	_ = 	snop  }
0x6: {  	_ = 	snop  }
0x7: {  	_ = 	snop  }
__scs_overlays_trampoline_lowered:
0x8: {  	[smem:$0x3FAB] =	sst s0  }
0x9: {  	[smem:$0x3FAC] =	sst s1  }
0xa: {  	[smem:$0x3FAD] =	sst s2  }
0xb: {  	[smem:$0x3FAE] =	sst s3  }
0xc: {  	[smem:$0x3FAF] =	sst s4  }
0xd: {  	[smem:$0x3FB0] =	sst s5  }
0xe: {  	[smem:$0x3FB1] =	sst s6  }
0xf: {  	[smem:$0x3FB2] =	sst s7  }
0x10: {  	[smem:$0x3FB3] =	sst s8  }
0x11: {  	[smem:$0x3FB4] =	sst s9;
	s0 =	simm.s32 @!p0 $0x0  }
0x12: {  	s1 =	sld [smem:$0x3F9A];
	s0 =	simm.s32 @p0 $0x1  }
0x13: {  	[smem:$0x3FB5] =	sst s0;
	s0 =	simm.s32 @!p1 $0x0  }
0x14: {  	s2 =	sld [smem:$0x3F99];
	s0 =	simm.s32 @p1 $0x1  }
0x15: {  	[smem:$0x3FB6] =	sst s0;
	s0 =	simm.s32 @!p2 $0x0  }
0x16: {  	s3 =	sld [smem:$0x3FDB];
	s0 =	simm.s32 @p2 $0x1  }
0x17: {  	s4 =	simm.s32 $0x1BF5;
	[smem:$0x3FB8] =	sst s0  }
0x18: {  	s0 =	sld [smem:$0x3F9B];
	_ =	swait.ge [sflag:s4], $0x0  }
0x19: {  	s7 =	sld [smem:$0x3F9C]  }
0x1a: {  	s8 =	sadd.s32 $0xFFFFE003, lr  }
0x1b: {  	s9 =	sadd.s32 $0xFFFFFEF7, lr;
	s5 =	simm.s32 $0xFFFFFFFF;
	p2 =	slt.u32 s8, $0xFFFFF086  }
0x1c: {  	p1 =	slt.u32 s9, $0xF7A;
	s5 =	simm.s32 @!p2 $0x0  }
0x1d: {  	s5 =	simm.s32 @p1 $0x1;
	p0 =	seq.s32 s7, s2  }
0x1e: {  	s7 =	smul.u32 @!p0 $0xF7A, s2;
	p2 =	seq.s32 @!p0 s5, $0x0  }
0x1f: {  	s9 =	smul.u32 $0xF7A, s1;
	s8 =	simm.s32 @!p0 $0x1BF5;
	p2 =	por !p2, p0  }
0x20: {  	[sflag:s8] =	ssyncset.s32 @!p0 $0xFFFFF086;
	s6 =	sadd.s32 @!p0 s3, s7;
	s7 =	simm.s32 @!p0 $0x108  }
0x21: {  	s3 =	sadd.s32 s3, s9;
	s6 =	sadd.s32 @!p0 $0x88, s6;
	s7 =	simm.s32 @p2 $0x1082  }
0x22: {  	[simem:s7], [sflag:s8] =	dma.local @!p0 [hbm:s6], $0xF7A  }
0x23: {  	s9 =	sor.u32 $0xD0000000, s2;
	s6 =	simm.s32 $0x108;
	_ =	swait.ge @!p0 [sflag:s8], $0x0  }
0x24: {  	s3 =	sadd.s32 $0x88, s3;
	s6 =	simm.s32 @!p1 $0x1082;
	[sflag:s4] =	ssyncset.s32 $0xFFFFF086  }
0x25: {  	[simem:s6], [sflag:s4] =	dma.local [hbm:s3], $0xF7A  }
0x26: {  	[smem:$0x3F9C] =	sst s1;
	(tag) =	ssettag s2;
	_ =	strace s9  }
0x27: {  	s1 =	sld [smem:$0x3FAC]  }
0x28: {  	s2 =	sld [smem:$0x3FAD]  }
0x29: {  	s4 =	sld [smem:$0x3FAF]  }
0x2a: {  	p0 =	seq.s32 s5, $0x0;
	s5 =	sld [smem:$0x3FB0]  }
0x2b: {  	s6 =	sld [smem:$0x3FB1]  }
0x2c: {  	s7 =	sld [smem:$0x3FB2]  }
0x2d: {  	s3 =	simm.s32 $0x108;
	s8 =	sld [smem:$0x3FB3]  }
0x2e: {  	s3 =	simm.s32 @!p0 $0x1082;
	s9 =	sld [smem:$0x3FB4]  }
0x2f: {  	lr =	sadd.s32 s0, s3;
	s0 =	sld [smem:$0x3FAB]  }
0x30: {  	s3 =	sld [smem:$0x3FAE]  }
0x31: {  	[smem:$0x3FB7] =	sst s10  }
0x32: {  	s10 =	sld [smem:$0x3FB5];
	_ =	sdelay $0x3  }
0x33: {  	p0 =	seq.s32 s10, $0x1;
	s10 =	sld [smem:$0x3FB7];
	_ =	sdelay $0x3  }
0x34: {  	[smem:$0x3FB7] =	sst s10  }
0x35: {  	s10 =	sld [smem:$0x3FB6];
	_ =	sdelay $0x3  }
0x36: {  	p1 =	seq.s32 s10, $0x1;
	s10 =	sld [smem:$0x3FB7];
	_ =	sdelay $0x3  }
0x37: {  	[smem:$0x3FB7] =	sst s10  }
0x38: {  	s10 =	sld [smem:$0x3FB8]  }
0x39: {  	_ = 	snop;
	(pc) =	sbr.ind lr, $3  }
0x3a: {  	_ = 	snop  }
0x3b: {  	_ = 	snop  }
0x3c: {  	p2 =	seq.s32 s10, $0x1;
	s10 =	sld [smem:$0x3FB7]  }
0x3d: {  	_ =	shalt  }
0x3e: {  	_ =	shalt  }
0x3f: {  	_ =	shalt  }
0x40: {  	_ =	shalt  }
0x41: {  	_ =	shalt  }
0x42: {  	_ =	shalt  }
0x43: {  	_ =	shalt  }
0x44: {  	_ =	shalt  }
0x45: {  	_ =	shalt  }
0x46: {  	_ =	shalt  }
0x47: {  	_ =	shalt  }
0x48: {  	_ =	shalt  }
0x49: {  	_ =	shalt  }
0x4a: {  	_ =	shalt  }
0x4b: {  	_ =	shalt  }
0x4c: {  	_ =	shalt  }
0x4d: {  	_ =	shalt  }
0x4e: {  	_ =	shalt  }
0x4f: {  	_ =	shalt  }
0x50: {  	_ =	shalt  }
0x51: {  	_ =	shalt  }
0x52: {  	_ =	shalt  }
0x53: {  	_ =	shalt  }
0x54: {  	_ =	shalt  }
0x55: {  	_ =	shalt  }
0x56: {  	_ =	shalt  }
0x57: {  	_ =	shalt  }
0x58: {  	_ =	shalt  }
0x59: {  	_ =	shalt  }
0x5a: {  	_ =	shalt  }
0x5b: {  	_ =	shalt  }
0x5c: {  	_ =	shalt  }
0x5d: {  	_ =	shalt  }
0x5e: {  	_ =	shalt  }
0x5f: {  	_ =	shalt  }
0x60: {  	_ =	shalt  }
0x61: {  	_ =	shalt  }
0x62: {  	_ =	shalt  }
0x63: {  	_ =	shalt  }
0x64: {  	_ =	shalt  }
0x65: {  	_ =	shalt  }
0x66: {  	_ =	shalt  }
0x67: {  	_ =	shalt  }
0x68: {  	_ =	shalt  }
0x69: {  	_ =	shalt  }
0x6a: {  	_ =	shalt  }
0x6b: {  	_ =	shalt  }
0x6c: {  	_ =	shalt  }
0x6d: {  	_ =	shalt  }
0x6e: {  	_ =	shalt  }
0x6f: {  	_ =	shalt  }
0x70: {  	_ =	shalt  }
0x71: {  	_ =	shalt  }
0x72: {  	_ =	shalt  }
0x73: {  	_ =	shalt  }
0x74: {  	_ =	shalt  }
0x75: {  	_ =	shalt  }
0x76: {  	_ =	shalt  }
0x77: {  	_ =	shalt  }
0x78: {  	_ =	shalt  }
0x79: {  	_ =	shalt  }
0x7a: {  	_ =	shalt  }
0x7b: {  	_ =	shalt  }
0x7c: {  	_ =	shalt  }
0x7d: {  	_ =	shalt  }
0x7e: {  	_ =	shalt  }
0x7f: {  	_ =	shalt  }
0x80: {  	_ =	shalt  }
0x81: {  	_ =	shalt  }
0x82: {  	_ =	shalt  }
0x83: {  	_ =	shalt  }
0x84: {  	_ =	shalt  }
0x85: {  	_ =	shalt  }
0x86: {  	_ =	shalt  }
0x87: {  	_ =	shalt  }
.Lfunc_end0:
.L_simem_size_0:
called_computation_lowered:
.L_overlay_start_0:
0x88: {  	s2 =	sld [smem:$0x3FD9]  }
0x89: {  	s3 =	sld [smem:$0x3FFE];
	_ =	sdelay $0x1  }
0x8a: {  	s1 =	srdreg.scid  }
0x8b: {  	s0 =	sand.u32 $0x1, s1  }
0x8c: {  	s17 =	sshll.u32 s0, $0xA;
	s2 =	sadd.s32 s3, s2  }
0x8d: {  	s2 =	sadd.s32 s2, s17  }
0x8e: {  	[smem:$0x3FC3] =	sst s2  }
0x8f: {  	_ = 	snop  }
0x90: {  	s2 =	sld [smem:$0x3FD0];
	(tm) =	ssettm $0x1  }
0x91: {  	s18 =	sld [smem:$0x3FFB];
	_ =	sdelay $0x3  }
0x92: {  	_ =	strace s18  }
0x93: {  	s3 =	sld [smem:$0x3FFC];
	_ =	sdelay $0x3  }
0x94: {  	_ =	strace s3  }
0x95: {  	s3 =	sld [smem:$0x3FFD];
	_ =	sdelay $0x3  }
0x96: {  	_ =	strace s3  }
0x97: {  	_ =	strace $0x8FFFFFFF  }
0x98: {  	s19 =	sld [smem:$0x3FDB];
	_ =	sdelay $0x1  }
0x99: {  	s4 =	simm.s32 $_scs_section_size  }
0x9a: {  	s5 =	simm.s32 $_size__tile_overlayer_lowered;
	s6 =	simm.s32 $_tile_overlayer_lowered  }
0x9b: {  	s22 =	simm.s32 $0x1BFF;
	s21 =	sshll.u32 s6, $0x1;
	s3 =	sadd.s32 s4, s19  }
0x9c: {  	s7 =	simm.s32 $0x0;
	s20 =	sshll.u32 s5, $0x1;
	s5 =	sadd.s32 s21, s3  }
0x9d: {  	[timem:s7], [sflag:s22] =	dma.local [hbm:s5], s20  }
0x9e: {  	_ =	swait.ge [sflag:s22], s20  }
0x9f: {  	s4 =	ssub.s32 $0x0, s20;
	[sflag:s22] =	ssyncset.done $0x0  }
0xa0: {  	[sflag:s22] =	ssyncadd.s32 s4;
	_ =	sdelay $0x1  }
0xa1: {  	s23 =	simm.s32 $0x1B8B  }
0xa2: {  	_ =	swait.ge [sflag:s23], $0x1  }
0xa3: {  	[sflag:s23] =	ssyncset.done $0x0  }
0xa4: {  	s25 =	simm.s32 $0x1B8E;
	s24 =	sld [smem:$0x3FFE];
	[sflag:s23] =	ssyncadd.s32 $0xFFFFFFFF  }
0xa5: {  	s26 =	simm.s32 $execute0_lowered;
	[smem:$0x3FD2] =	sst s25  }
0xa6: {  	s5 =	sshll.u32 s26, $0x1;
	_ =	strace $0x80000046;
	[dreg:$0x1] =	wrdreg $0xFFFFFFFF  }
0xa7: {  	s28 =	simm.s32 $_size_execute0_lowered;
	s3 =	sadd.s32 s3, s5;
	[dreg:$0x0] =	wrdreg $0x0  }
0xa8: {  	s5 =	sshll.u32 s28, $0x1;
	[dreg:$0x2] =	wrdreg s3  }
0xa9: {  	[dreg:$0x3] =	wrdreg s5  }
0xaa: {  	[dreg:$0x4] =	wrdreg $0xC0  }
0xab: {  	_ =	task [dreg:s7], $0x5FFFF  }
0xac: {  	[dreg:$0x1] =	wrdreg $0xFFFFFFFF  }
0xad: {  	[dreg:$0x0] =	wrdreg $0x60  }
0xae: {  	[dreg:$0x2] =	wrdreg s2  }
0xaf: {  	[dreg:$0x3] =	wrdreg s24  }
0xb0: {  	[dreg:$0x4] =	wrdreg $0x86000  }
0xb1: {  	[dreg:$0x5] =	wrdreg $0x9  }
0xb2: {  	_ =	task.clear_ibuf [dreg:s7], $0x6FFFF;
	_ =	strace $0x90000046  }
0xb3: {  	s29 =	simm.s32 $0x9;
	_ =	strace $0x80000048  }
0xb4: {  	_ =	swait.ge [sflag:s29], $0x1  }
0xb5: {  	[sflag:s29] =	ssyncadd.s32 $0xFFFFFFFF  }
0xb6: {  	_ =	strace $0x90000048  }
0xb7: {  	_ =	sfence  }
0xb8: {  	s30 =	sld [smem:$0x0];
	_ =	sdelay $0x2  }
0xb9: {  	s31 =	sshll.u32 s1, $0xD;
	s1 =	sshrl.u32 s1, $0x2  }
0xba: {  	s3 =	sand.u32 $0x4000, s31;
	s1 =	sadd.s32 s1, s30  }
0xbb: {  	s0 =	sor.u32 s3, s0;
	s1 =	sshll.u32 s1, $0x11  }
0xbc: {  	s0 =	sor.u32 s1, s0  }
0xbd: {  	s0 =	sadd.s32 $0x8F2B, s0  }
0xbe: {  	[sflag:s0] =	ssyncadd.remote.s32 $0x1  }
0xbf: {  	_ =	sfence.sel $0xFFFF  }
0xc0: {  	[dreg:$0x0] =	wrdreg $0xFFFFFFFF;
	(pc) =	sbr.abs _section_cstart, $3  }
0xc1: {  	[dreg:$0x1] =	wrdreg $0xFFFFFFFF  }
0xc2: {  	_ =	task.clear_ibuf [dreg:s7], $0x2FFFF;
	_ =	strace $0x9FFFFFFF  }
0xc3: {  	(tm) =	ssettm $0x7FFFFFFF  }
tec
execute0_lowered:
.L_overlay_start_1:
0x0: {  	(tag) =	ssettag $0x1  }
0x1: {  	s1 =	rddreg [dreg:$0x0]  }
0x2: {  	s0 =	rddreg [dreg:$0x1]  }
0x3: {  	s2 =	rddreg [dreg:$0x2];
	s3 =	simm.s32 $0x0  }
0x4: {  	s10 =	srdreg.scid;
	s11 =	stileid.u32;
	s28 =	simm.s32 $0x200  }
0x5: {  	s29 =	simm.s32 $0x400;
	s30 =	simm.s32 $0x280;
	s31 =	simm.s32 $0x80  }
0x6: {  	[smem:$0x7FF] =	sst s3;
	s3 =	sand.u32 $0x1, s10;
	s4 =	sshll.u32 s11, $0x1  }
0x7: {  	s5 =	sadd.s32 $0x15200, s0;
	s6 =	sadd.s32 $0xB000, s0;
	s14 =	smul.u32 $0x4E000, s11  }
0x8: {  	s7 =	sadd.s32 $0xE00, s0;
	s17 =	smul.u32 $0x13800, s11;
	s4 =	sor.u32 s3, s4  }
0x9: {  	s0 =	sadd.s32 $0x1F400, s0;
	p0 =	sne.s32 s11, $0xF;
	s10 =	smul.u32 $0x500, s4  }
0xa: {  	_ =	strace $0x80000047;
	s8 =	ssub.s32 $0x2, s3;
	s3 =	smul.u32 $0x138800, s3  }
0xb: {  	s9 =	sshrl.u32 s8, $0x1;
	s4 =	smul.u32 $0x50, s4;
	s12 =	sadd.s32 s5, s10  }
0xc: {  	s8 =	ssub.s32 s8, s9;
	s13 =	sadd.s32 s6, s10;
	[dreg:$0x4] =	wrdreg s12  }
0xd: {  	s9 =	sshrl.u32 s14, $0x2;
	s22 =	sor.u32 $0x2, s4;
	[dreg:$0x5] =	wrdreg s13  }
0xe: {  	s14 =	simm.s32 $0x500;
	s23 =	sor.u32 $0x3, s4;
	[dreg:$0xf] =	wrdreg s22  }
0xf: {  	s24 =	sor.u32 $0x4, s4;
	s25 =	sor.u32 $0x5, s4;
	[dreg:$0x10] =	wrdreg s23  }
0x10: {  	s26 =	smax.u32 s8, $0x1;
	s8 =	simm.s32 $0x600;
	[dreg:$0x12] =	wrdreg s24  }
0x11: {  	s12 =	sadd.s32 s7, s10;
	s10 =	sor.u32 $0x10, s10;
	[dreg:$0x13] =	wrdreg s25  }
0x12: {  	[dreg:$0x15] =	wrdreg s26;
	s23 =	simm.s32 $0x300;
	s24 =	simm.s32 $0x3  }
0x13: {  	s25 =	simm.s32 $0x6;
	[dreg:$0x6] =	wrdreg s12;
	s15 =	sadd.s32 s5, s10  }
0x14: {  	s26 =	simm.s32 $0x4;
	s16 =	sadd.s32 s6, s10;
	[dreg:$0x7] =	wrdreg s15  }
0x15: {  	s13 =	simm.s32 $0x0;
	s10 =	sadd.s32 s7, s10;
	[dreg:$0x8] =	wrdreg s16  }
0x16: {  	s12 =	sadd.s32 s9, s2;
	s9 =	sadd.s32 s17, s3;
	[dreg:$0xa] =	wrdreg s10  }
0x17: {  	s3 =	sshrl.u32 s3, $0x3;
	s18 =	sadd.s32 $0x4000, s12;
	[dreg:$0x9] =	wrdreg s12  }
0x18: {  	s17 =	simm.s32 $0x380;
	s19 =	sadd.s32 $0x8000, s12;
	[dreg:$0xb] =	wrdreg s18  }
0x19: {  	s20 =	sadd.s32 $0xC000, s12;
	s21 =	sadd.s32 $0x10000, s12;
	[dreg:$0xc] =	wrdreg s19  }
0x1a: {  	s9 =	sshrl.u32 s9, $0x3;
	s10 =	simm.s32 $0x7;
	[dreg:$0xd] =	wrdreg s20  }
0x1b: {  	s15 =	simm.s32 $0x2;
	s16 =	simm.s32 $0x5;
	[dreg:$0xe] =	wrdreg s21  }
0x1c: {  	s9 =	sadd.s32 s0, s9;
	s0 =	sadd.s32 s0, s3;
	s19 =	sadd.s32 $0x138000, s2  }
0x1d: {  	s3 =	simm.s32 $0x1;
	s18 =	simm.s32 $0x180;
	[dreg:$0x11] =	wrdreg s9  }
0x1e: {  	s21 =	simm.s32 $0x580;
	s0 =	sadd.s32 $0x27000, s0;
	[dreg:$0x16] =	wrdreg s19  }
0x1f: {  	v0 =	vimm.f32 $0.0e+00;
	s9 =	simm.s32 $0x4600;
	[dreg:$0x14] =	wrdreg s0;
	s0 =	simm.s32 $0x480  }
.LBB2_1:
0x20: {  	[dreg:$0x17] =	wrdreg s13  }
0x21: {  	s4 =	simm.s32 $0x0;
	s11 =	rddreg [dreg:$0x4]  }
0x22: {  	[tilespmem:s28], [sflag:$0x1] =	stream.linear.gather [hbm4b:s11+s4], $0x80, $0x38;
	[tilespmem:$0x1BE80] =	vst v63  }
0x23: {  	s20 =	rddreg [dreg:$0x5]  }
0x24: {  	[tilespmem:s4], [sflag:$0x1] =	stream.linear.gather [hbm4b:s20+s4], $0x80, $0x38;
	[tilespmem:$0x1BE80] =	vst v63  }
0x25: {  	s22 =	rddreg [dreg:$0x6]  }
0x26: {  	[tilespmem:s29], [sflag:$0x1] =	stream.linear.gather [hbm4b:s22+s4], $0x80, $0x38;
	[tilespmem:$0x1BE80] =	vst v63  }
0x27: {  	s13 =	rddreg [dreg:$0x7]  }
0x28: {  	[tilespmem:s30], [sflag:$0x2] =	stream.linear.gather [hbm4b:s13+s4], $0x80, $0x38;
	[tilespmem:$0x1BE80] =	vst v63  }
0x29: {  	s20 =	rddreg [dreg:$0x8]  }
0x2a: {  	[tilespmem:s31], [sflag:$0x2] =	stream.linear.gather [hbm4b:s20+s4], $0x80, $0x38;
	[tilespmem:$0x1BE80] =	vst v63  }
0x2b: {  	s22 =	rddreg [dreg:$0xa]  }
0x2c: {  	[tilespmem:s0], [sflag:$0x2] =	stream.linear.gather [hbm4b:s22+s4], $0x80, $0x38;
	[tilespmem:$0x1BE80] =	vst v63  }
0x2d: {  	_ =	swait.ge [sflag:s3], $0x80  }
0x2e: {  	[sflag:s3] =	ssyncset.done $0x0  }
0x2f: {  	[sflag:s3] =	ssyncadd.s32 $0xFFFFFF80  }
0x30: {  	_ =	swait.ge [sflag:s3], $0x80  }
0x31: {  	[sflag:s3] =	ssyncset.done $0x0  }
0x32: {  	[sflag:s3] =	ssyncadd.s32 $0xFFFFFF80  }
0x33: {  	_ =	swait.ge [sflag:s3], $0x80  }
0x34: {  	[sflag:s3] =	ssyncset.done $0x0  }
0x35: {  	[sflag:s3] =	ssyncadd.s32 $0xFFFFFF80  }
0x36: {  	[tilespmem:s8], [sflag:$0x5] =	stream.indirect.gather [hbm4b:s1+s31], $0x80, s4, s31, $0xb8;
	[tilespmem:$0x1BE80] =	vst v63  }
0x37: {  	s13 =	simm.s32 $0x200;
	s4 =	simm.s32 $0x0  }
.LBB2_2:
0x38: {  	p1 =	sne.s32 s13, $0xFE00;
	[tilespmem:s4+$0x4670] =	vst v0  }
0x39: {  	[tilespmem:s4+$0x4600] =	vst v0  }
0x3a: {  	[tilespmem:s4+$0x4610] =	vst v0  }
.Ltmp0:
0x3b: {  	[tilespmem:s4+$0x4620] =	vst v0;
	(pc) =	sbr.rel @p1 .LBB2_2-.Ltmp0, $4  }
0x3c: {  	[tilespmem:s4+$0x4630] =	vst v0  }
0x3d: {  	[tilespmem:s4+$0x4640] =	vst v0  }
0x3e: {  	[tilespmem:s4+$0x4650] =	vst v0  }
0x3f: {  	[tilespmem:s4+$0x4660] =	vst v0;
	s4 =	sshra.s32 s13, $0x2;
	s13 =	sadd.s32 $0x200, s13  }
0x40: {  	[tilespmem:s4+$0x4670] =	vst v0  }
0x41: {  	[tilespmem:s4+$0x4600] =	vst v0  }
0x42: {  	[tilespmem:s4+$0x4610] =	vst v0  }
0x43: {  	[tilespmem:s4+$0x4620] =	vst v0  }
0x44: {  	[tilespmem:s4+$0x4630] =	vst v0  }
0x45: {  	[tilespmem:s4+$0x4640] =	vst v0  }
0x46: {  	[tilespmem:s4+$0x4650] =	vst v0  }
0x47: {  	[tilespmem:s4+$0x4660] =	vst v0  }
0x48: {  	[spmem:s12] =	stream.linear.scatter [tilespmem:s9], [sflag:$0x7], $0x4000, $0x38;
	[tilespmem:$0x1BE80] =	vst v63  }
0x49: {  	_ =	swait.ge [sflag:s10], $0x4000  }
0x4a: {  	[sflag:s10] =	ssyncset.done $0x0  }
0x4b: {  	s12 =	rddreg [dreg:$0xb];
	[sflag:s10] =	ssyncadd.s32 $0xFFFFC000  }
0x4c: {  	[spmem:s12] =	stream.linear.scatter [tilespmem:s9], [sflag:$0x7], $0x4000, $0x38;
	[tilespmem:$0x1BE80] =	vst v63  }
0x4d: {  	_ =	swait.ge [sflag:s10], $0x4000  }
0x4e: {  	[sflag:s10] =	ssyncset.done $0x0  }
0x4f: {  	s13 =	rddreg [dreg:$0xc];
	[sflag:s10] =	ssyncadd.s32 $0xFFFFC000  }
0x50: {  	[spmem:s13] =	stream.linear.scatter [tilespmem:s9], [sflag:$0x7], $0x4000, $0x38;
	[tilespmem:$0x1BE80] =	vst v63  }
0x51: {  	_ =	swait.ge [sflag:s10], $0x4000  }
0x52: {  	[sflag:s10] =	ssyncset.done $0x0  }
0x53: {  	s20 =	rddreg [dreg:$0xd];
	[sflag:s10] =	ssyncadd.s32 $0xFFFFC000  }
0x54: {  	[spmem:s20] =	stream.linear.scatter [tilespmem:s9], [sflag:$0x7], $0x4000, $0x38;
	[tilespmem:$0x1BE80] =	vst v63  }
0x55: {  	_ =	swait.ge [sflag:s10], $0x4000  }
0x56: {  	[sflag:s10] =	ssyncset.done $0x0  }
0x57: {  	s22 =	rddreg [dreg:$0xe];
	[sflag:s10] =	ssyncadd.s32 $0xFFFFC000  }
0x58: {  	[spmem:s22] =	stream.linear.scatter [tilespmem:s9], [sflag:$0x7], $0x3800, $0x38;
	[tilespmem:$0x1BE80] =	vst v63  }
0x59: {  	_ =	swait.ge [sflag:s10], $0x3800  }
0x5a: {  	[sflag:s10] =	ssyncset.done $0x0  }
0x5b: {  	s4 =	simm.s32 @!p0 $0x4600;
	[sflag:s10] =	ssyncadd.s32 $0xFFFFC800  }
0x5c: {  	[spmem:s19] =	stream.linear.scatter @!p0 [tilespmem:s4], [sflag:$0x7], $0x800, $0x38;
	[tilespmem:$0x1BE80] =	vst v63  }
0x5d: {  	s4 =	simm.s32 @!p0 $0x7  }
0x5e: {  	_ =	swait.ge @!p0 [sflag:s4], $0x800  }
0x5f: {  	[sflag:s4] =	ssyncset.done @!p0 $0x0  }
0x60: {  	[sflag:s4] =	ssyncadd.s32 @!p0 $0xFFFFF800  }
0x61: {  	s13 =	simm.s32 $0x0;
	s4 =	simm.s32 $0x0;
	[bflag:$0x0] =	sbarrier.arrive $0xFFFF  }
.LBB2_4:
0x62: {  	s19 =	sshll.u32 s13, $0x2;
	s11 =	rddreg [dreg:$0xf]  }
0x63: {  	s20 =	sadd.s32 s19, s11  }
0x64: {  	s20 =	sshll.u32 s20, $0x4  }
0x65: {  	s20 =	sand.u32 $0x1FFFFFE0, s20  }
0x66: {  	s22 =	sadd.s32 s5, s20  }
0x67: {  	[tilespmem:s23], [sflag:$0x3] =	stream.linear.gather [hbm4b:s22+s4], $0x80, $0x38;
	[tilespmem:$0x1BE80] =	vst v63  }
0x68: {  	s12 =	sadd.s32 s6, s20;
	s23 =	simm.s32 $0x100  }
0x69: {  	[tilespmem:s23], [sflag:$0x3] =	stream.linear.gather [hbm4b:s12+s4], $0x80, $0x38;
	[tilespmem:$0x1BE80] =	vst v63  }
0x6a: {  	s20 =	sadd.s32 s7, s20  }
0x6b: {  	[tilespmem:s14], [sflag:$0x3] =	stream.linear.gather [hbm4b:s20+s4], $0x80, $0x38;
	[tilespmem:$0x1BE80] =	vst v63  }
0x6c: {  	_ =	swait.ge [sflag:s15], $0x80  }
0x6d: {  	[sflag:s15] =	ssyncset.done $0x0  }
0x6e: {  	[sflag:s15] =	ssyncadd.s32 $0xFFFFFF80  }
0x6f: {  	_ =	swait.ge [sflag:s15], $0x80  }
0x70: {  	[sflag:s15] =	ssyncset.done $0x0  }
0x71: {  	v1 =	vmov s4;
	s11 =	simm.s32 $0x6;
	[sflag:s15] =	ssyncadd.s32 $0xFFFFFF80  }
0x72: {  	v1 =	vand.u32 $0xFFFFFFF8, v1;
	v2 =	vmov s11;
	_ =	swait.ge [sflag:s15], $0x80  }
0x73: {  	v1 =	vbroadcast v1, $0x0;
	v2 =	vand.u32 $0xFFFFFFFE, v2;
	[sflag:s15] =	ssyncset.done $0x0  }
0x74: {  	v2 =	vbroadcast v2, $0x0;
	[sflag:s15] =	ssyncadd.s32 $0xFFFFFF80  }
0x75: {  	[tilespmem:s9], [sflag:$0x6] =	stream.indirect.gather [hbm4b:s1+s31], $0x80, s31, s31, $0xb8;
	[tilespmem:$0x1BE80] =	vst v63  }
0x76: {  	_ =	swait.ge [sflag:s16], $0x4000  }
0x77: {  	[sflag:s16] =	ssyncset.done $0x0  }
0x78: {  	[sflag:s16] =	ssyncadd.s32 $0xFFFFC000  }
0x79: {  	v1 =	vld.idx.msk [tilespmem:v1+s29+$0x0], $0xffff  }
0x7a: {  	s12 =	simm.s32 $0x1;
	s20 =	simm.s32 $0x800;
	v2 =	vld.idx.msk [tilespmem:v2+s29+$0x0], $0xffff  }
0x7b: {  	v3 =	vmov s12;
	v4 =	vld [tilespmem:s20+$0x170]  }
0x7c: {  	v3 =	vand.u32 $0xFFFFFFF9, v3;
	v5 =	vld [tilespmem:s20+$0xFFFFFE00]  }
0x7d: {  	v3 =	vbroadcast v3, $0x0;
	v6 =	vld [tilespmem:s20+$0xFFFFFE10]  }
0x7e: {  	v7 =	vld [tilespmem:s20+$0xFFFFFE20]  }
0x7f: {  	v8 =	vld [tilespmem:s20+$0xFFFFFE30]  }
0x80: {  	v9 =	vld [tilespmem:s20+$0xFFFFFE40]  }
0x81: {  	v10 =	vld [tilespmem:s20+$0xFFFFFE50]  }
0x82: {  	v11 =	vld [tilespmem:s20+$0xFFFFFE60]  }
0x83: {  	v3 =	vld.idx.msk [tilespmem:v3+s29+$0x0], $0xffff  }
0x84: {  	v12 =	vld [tilespmem:s20+$0xFFFFFE70]  }
0x85: {  	v13 =	vld [tilespmem:s20+$0xFFFFFE80];
	v5 =	vmul.f32 v5, v1  }
0x86: {  	v14 =	vld [tilespmem:s20+$0xFFFFFE90];
	v4 =	vmul.f32 v4, v2  }
0x87: {  	v15 =	vld [tilespmem:s20+$0xFFFFFEA0];
	v6 =	vmul.f32 v6, v1;
	[tilespmem:s20+$0xFFFFFE00] =	vst v5  }
0x88: {  	s23 =	simm.s32 $0x2;
	v16 =	vld [tilespmem:s20+$0xFFFFFEB0];
	v8 =	vmul.f32 v8, v1;
	[tilespmem:s20+$0x170] =	vst v4  }
0x89: {  	v9 =	vmul.f32 v9, v1;
	v5 =	vmov s23;
	v4 =	vmul.f32 v7, v1;
	v7 =	vld [tilespmem:s20+$0xFFFFFEC0];
	[tilespmem:s20+$0xFFFFFE10] =	vst v6  }
0x8a: {  	v6 =	vmul.f32 v13, v3;
	v13 =	vld [tilespmem:s20+$0xFFFFFED0];
	[tilespmem:s20+$0xFFFFFE30] =	vst v8;
	v5 =	vand.u32 $0xFFFFFFFA, v5  }
0x8b: {  	v8 =	vmul.f32 v10, v1;
	v10 =	vld [tilespmem:s20+$0xFFFFFEF0];
	[tilespmem:s20+$0xFFFFFE40] =	vst v9;
	v5 =	vbroadcast v5, $0x0  }
0x8c: {  	v9 =	vmul.f32 v11, v1;
	v11 =	vld [tilespmem:s20+$0xFFFFFF00];
	[tilespmem:s20+$0xFFFFFE20] =	vst v4  }
0x8d: {  	v1 =	vmul.f32 v12, v1;
	v12 =	vld [tilespmem:s20+$0xFFFFFF20];
	[tilespmem:s20+$0xFFFFFE80] =	vst v6  }
0x8e: {  	s11 =	simm.s32 $0x3;
	v4 =	vld [tilespmem:s20+$0xFFFFFEE0];
	[tilespmem:s20+$0xFFFFFE50] =	vst v8  }
0x8f: {  	v6 =	vmov s11;
	v8 =	vld [tilespmem:s20+$0xFFFFFF10];
	[tilespmem:s20+$0xFFFFFE60] =	vst v9;
	v9 =	vmul.f32 v14, v3  }
0x90: {  	[tilespmem:s20+$0xFFFFFE70] =	vst v1;
	v1 =	vmul.f32 v15, v3;
	v14 =	vld [tilespmem:s20+$0xFFFFFF30];
	v6 =	vand.u32 $0xFFFFFFFB, v6  }
0x91: {  	v6 =	vbroadcast v6, $0x0;
	[tilespmem:s20+$0xFFFFFE90] =	vst v9;
	v9 =	vmul.f32 v16, v3;
	v5 =	vld.idx.msk [tilespmem:v5+s29+$0x0], $0xffff  }
0x92: {  	v15 =	vld [tilespmem:s20+$0xFFFFFF40];
	[tilespmem:s20+$0xFFFFFEA0] =	vst v1;
	v7 =	vmul.f32 v7, v3  }
0x93: {  	v13 =	vmul.f32 v13, v3;
	[tilespmem:s20+$0xFFFFFEB0] =	vst v9;
	v9 =	vld [tilespmem:s20+$0xFFFFFF60]  }
0x94: {  	[tilespmem:s20+$0xFFFFFEC0] =	vst v7;
	v4 =	vmul.f32 v4, v3;
	v7 =	vld [tilespmem:s20+$0xFFFFFF70]  }
0x95: {  	[tilespmem:s20+$0xFFFFFED0] =	vst v13;
	v3 =	vmul.f32 v10, v3;
	v10 =	vld [tilespmem:s20+$0xFFFFFF80]  }
0x96: {  	v13 =	vld [tilespmem:s20+$0xFFFFFFB0];
	[tilespmem:s20+$0xFFFFFEE0] =	vst v4;
	v1 =	vmul.f32 v11, v5  }
0x97: {  	[tilespmem:s20+$0xFFFFFEF0] =	vst v3;
	v6 =	vld.idx.msk [tilespmem:v6+s29+$0x0], $0xffff;
	v4 =	vmul.f32 v8, v5  }
0x98: {  	s12 =	simm.s32 $0x4;
	v11 =	vld [tilespmem:s20+$0xFFFFFF50];
	v3 =	vmul.f32 v12, v5;
	[tilespmem:s20+$0xFFFFFF00] =	vst v1  }
0x99: {  	v8 =	vld [tilespmem:s20+$0xFFFFFF90];
	v9 =	vmul.f32 v9, v5;
	v1 =	vmov s12;
	[tilespmem:s20+$0xFFFFFF10] =	vst v4  }
0x9a: {  	v12 =	vld [tilespmem:s20+$0xFFFFFFA0];
	v4 =	vmul.f32 v14, v5;
	[tilespmem:s20+$0xFFFFFF20] =	vst v3;
	v1 =	vand.u32 $0xFFFFFFFC, v1  }
0x9b: {  	v3 =	vmul.f32 v15, v5;
	v14 =	vld [tilespmem:s20+$0xFFFFFFC0];
	[tilespmem:s20+$0xFFFFFF60] =	vst v9;
	v1 =	vbroadcast v1, $0x0  }
0x9c: {  	v9 =	vld [tilespmem:s20+$0x0];
	[tilespmem:s20+$0xFFFFFF30] =	vst v4;
	v4 =	vmul.f32 v10, v6  }
0x9d: {  	s23 =	simm.s32 $0x5;
	v10 =	vld [tilespmem:s20+$0xFFFFFFD0];
	[tilespmem:s20+$0xFFFFFF40] =	vst v3;
	v11 =	vmul.f32 v11, v5  }
0x9e: {  	v3 =	vld [tilespmem:s20+$0xFFFFFFE0];
	v5 =	vmul.f32 v7, v5;
	[tilespmem:s20+$0xFFFFFF80] =	vst v4;
	v4 =	vmov s23  }
0x9f: {  	v7 =	vld [tilespmem:s20+$0xFFFFFFF0];
	v8 =	vmul.f32 v8, v6;
	[tilespmem:s20+$0xFFFFFF50] =	vst v11;
	v4 =	vand.u32 $0xFFFFFFFD, v4  }
0xa0: {  	[tilespmem:s20+$0xFFFFFF70] =	vst v5;
	v5 =	vmul.f32 v12, v6;
	v11 =	vld [tilespmem:s20+$0x10];
	v4 =	vbroadcast v4, $0x0  }
0xa1: {  	[tilespmem:s20+$0xFFFFFF90] =	vst v8;
	v8 =	vmul.f32 v13, v6;
	v1 =	vld.idx.msk [tilespmem:v1+s29+$0x0], $0xffff  }
0xa2: {  	v12 =	vld [tilespmem:s20+$0x20];
	[tilespmem:s20+$0xFFFFFFA0] =	vst v5;
	v5 =	vmul.f32 v14, v6  }
0xa3: {  	v13 =	vld [tilespmem:s20+$0x30];
	[tilespmem:s20+$0xFFFFFFB0] =	vst v8;
	v8 =	vmul.f32 v10, v6  }
0xa4: {  	v10 =	vld [tilespmem:s20+$0x40];
	v3 =	vmul.f32 v3, v6;
	[tilespmem:s20+$0xFFFFFFC0] =	vst v5  }
0xa5: {  	v6 =	vmul.f32 v7, v6;
	[tilespmem:s20+$0xFFFFFFD0] =	vst v8;
	v8 =	vld [tilespmem:s20+$0x60]  }
0xa6: {  	[tilespmem:s20+$0xFFFFFFE0] =	vst v3;
	v4 =	vld.idx.msk [tilespmem:v4+s29+$0x0], $0xffff;
	v5 =	vmul.f32 v9, v1  }
0xa7: {  	[tilespmem:s20+$0xFFFFFFF0] =	vst v6;
	v9 =	vld [tilespmem:s20+$0x50];
	v6 =	vmul.f32 v12, v1  }
0xa8: {  	v3 =	vmul.f32 v11, v1;
	v11 =	vld [tilespmem:s20+$0x90];
	[tilespmem:s20+$0x0] =	vst v5  }
0xa9: {  	v7 =	vld [tilespmem:s20+$0x80];
	[tilespmem:s20+$0x20] =	vst v6;
	v6 =	vmul.f32 v10, v1  }
0xaa: {  	v5 =	vld [tilespmem:s20+$0x70];
	[tilespmem:s20+$0x10] =	vst v3;
	v3 =	vmul.f32 v13, v1  }
0xab: {  	v10 =	vld [tilespmem:s20+$0xA0];
	[tilespmem:s20+$0x40] =	vst v6;
	v6 =	vmul.f32 v8, v1  }
0xac: {  	[tilespmem:s20+$0x30] =	vst v3;
	v8 =	vld [tilespmem:s20+$0xC0];
	v3 =	vmul.f32 v9, v1  }
0xad: {  	v9 =	vld [tilespmem:s20+$0xB0];
	v11 =	vmul.f32 v11, v4;
	[tilespmem:s20+$0x60] =	vst v6  }
0xae: {  	s11 =	simm.s32 $0x7;
	v6 =	vld [tilespmem:s20+$0xE0];
	[tilespmem:s20+$0x50] =	vst v3;
	v3 =	vmul.f32 v7, v4  }
0xaf: {  	v12 =	vmov s11;
	v7 =	vld [tilespmem:s20+$0xD0];
	v5 =	vmul.f32 v5, v1;
	[tilespmem:s20+$0x90] =	vst v11  }
0xb0: {  	v11 =	vld [tilespmem:s20+$0x150];
	[tilespmem:s20+$0x80] =	vst v3  }
0xb1: {  	[tilespmem:s20+$0x70] =	vst v5;
	v3 =	vmul.f32 v10, v4;
	v5 =	vld [tilespmem:s20+$0xF0]  }
0xb2: {  	v10 =	vld [tilespmem:s20+$0x100];
	v9 =	vmul.f32 v9, v4  }
0xb3: {  	[tilespmem:s20+$0xA0] =	vst v3;
	v3 =	vmul.f32 v8, v4;
	v8 =	vld [tilespmem:s20+$0x110]  }
0xb4: {  	v1 =	vld.idx.msk [tilespmem:v12+s29+$0x0], $0xffff;
	[tilespmem:s20+$0xB0] =	vst v9;
	v7 =	vmul.f32 v7, v4  }
0xb5: {  	v9 =	vld [tilespmem:s20+$0x120];
	v11 =	vmul.f32 v11, v2;
	[tilespmem:s20+$0xC0] =	vst v3  }
0xb6: {  	s11 =	simm.s32 $0x9;
	v3 =	vmul.f32 v6, v4;
	v6 =	vld [tilespmem:s20+$0x130];
	[tilespmem:s20+$0xD0] =	vst v7;
	v4 =	vmul.f32 v5, v4  }
0xb7: {  	s12 =	simm.s32 $0x8;
	v12 =	vmov s11;
	v5 =	vld [tilespmem:s20+$0x140];
	[tilespmem:s20+$0x150] =	vst v11  }
0xb8: {  	s23 =	simm.s32 $0xF;
	v7 =	vmov s12;
	v10 =	vmul.f32 v10, v2;
	s12 =	simm.s32 $0xA;
	[tilespmem:s20+$0xF0] =	vst v4;
	v4 =	vmul.f32 v8, v2;
	v8 =	vld [tilespmem:s20+$0x160]  }
0xb9: {  	v14 =	vld [tilespmem:s20+$0x180];
	[tilespmem:s20+$0xE0] =	vst v3;
	v7 =	vand.u32 $0xFFFFFFF8, v7;
	v3 =	vmov s23;
	v13 =	vmov s12;
	s23 =	simm.s32 $0xB;
	s12 =	simm.s32 $0xC  }
0xba: {  	v17 =	vld [tilespmem:s20+$0x190];
	[tilespmem:s20+$0x100] =	vst v10;
	v10 =	vmov s23;
	v15 =	vmov s12;
	s23 =	simm.s32 $0xD;
	v9 =	vmul.f32 v9, v2  }
0xbb: {  	v18 =	vmov s23;
	[tilespmem:s20+$0x110] =	vst v4;
	v16 =	vmul.f32 v6, v2;
	v4 =	vbroadcast v7, $0x0;
	v6 =	vld [tilespmem:s20+$0x1A0]  }
0xbc: {  	v7 =	vld [tilespmem:s20+$0x1B0];
	[tilespmem:s20+$0x120] =	vst v9;
	v9 =	vmul.f32 v5, v2;
	v5 =	vand.u32 $0xFFFFFFF9, v12;
	v12 =	vand.u32 $0xFFFFFFFA, v13  }
0xbd: {  	v13 =	vand.u32 $0xFFFFFFFB, v10;
	[tilespmem:s20+$0x130] =	vst v16;
	v5 =	vbroadcast v5, $0x0;
	v16 =	vmul.f32 v8, v2;
	v8 =	vld [tilespmem:s20+$0x1C0]  }
0xbe: {  	v10 =	vbroadcast v12, $0x0;
	[tilespmem:s20+$0x140] =	vst v9;
	v2 =	vand.u32 $0xFFFFFFFC, v15;
	v15 =	vmul.f32 v14, v1;
	v9 =	vld [tilespmem:s20+$0x1D0]  }
0xbf: {  	s22 =	simm.s32 $0x10;
	v11 =	vld [tilespmem:s20+$0x1E0];
	s23 =	simm.s32 $0xE;
	v12 =	vbroadcast v13, $0x0;
	v13 =	vmul.f32 v17, v1;
	v14 =	vand.u32 $0xFFFFFFFD, v18;
	[tilespmem:s20+$0x160] =	vst v16  }
.LBB2_5:
0xc0: {  	p1 =	slt.u32 s22, $0x78;
	v2 =	vbroadcast v2, $0x0;
	v16 =	vmov s23;
	[tilespmem:s20+$0x180] =	vst v15;
	v6 =	vmul.f32 v6, v1;
	v15 =	vld [tilespmem:s20+$0x1F0]  }
0xc1: {  	v14 =	vbroadcast v14, $0x0;
	v16 =	vand.u32 $0xFFFFFFFE, v16;
	v17 =	vld.idx.msk [tilespmem:v3+s29+$0x0], $0xffff;
	[tilespmem:s20+$0x190] =	vst v13;
	v3 =	vmul.f32 v7, v1  }
0xc2: {  	v7 =	vld.idx.msk [tilespmem:v4+s29+$0x0], $0xffff;
	v13 =	vbroadcast v16, $0x0;
	[tilespmem:s20+$0x1A0] =	vst v6;
	v4 =	vmul.f32 v8, v1  }
0xc3: {  	v6 =	vld.idx.msk [tilespmem:v5+s29+$0x0], $0xffff;
	[tilespmem:s20+$0x1B0] =	vst v3;
	v3 =	vmul.f32 v9, v1  }
0xc4: {  	v8 =	vld.idx.msk [tilespmem:v10+s29+$0x0], $0xffff;
	[tilespmem:s20+$0x1C0] =	vst v4;
	v9 =	vmul.f32 v11, v1  }
0xc5: {  	v5 =	vld.idx.msk [tilespmem:v12+s29+$0x0], $0xffff;
	[tilespmem:s20+$0x1D0] =	vst v3;
	v10 =	vmul.f32 v15, v1  }
0xc6: {  	v4 =	vld.idx.msk [tilespmem:v2+s29+$0x0], $0xffff;
	[tilespmem:s20+$0x1E0] =	vst v9  }
0xc7: {  	v1 =	vmov v17;
	v3 =	vld.idx.msk [tilespmem:v14+s29+$0x0], $0xffff;
	[tilespmem:s20+$0x1F0] =	vst v10  }
0xc8: {  	s20 =	sadd.s32 $0x400, s20;
	v2 =	vld.idx.msk [tilespmem:v13+s29+$0x0], $0xffff  }
0xc9: {  	v9 =	vld [tilespmem:s20+$0x170]  }
0xca: {  	v10 =	vld [tilespmem:s20+$0xFFFFFE00]  }
0xcb: {  	v11 =	vld [tilespmem:s20+$0xFFFFFE10]  }
0xcc: {  	v12 =	vld [tilespmem:s20+$0xFFFFFE20]  }
0xcd: {  	v13 =	vld [tilespmem:s20+$0xFFFFFE30]  }
0xce: {  	v14 =	vld [tilespmem:s20+$0xFFFFFE40];
	v9 =	vmul.f32 v9, v2  }
0xcf: {  	v10 =	vmul.f32 v10, v7;
	v15 =	vld [tilespmem:s20+$0xFFFFFE50]  }
0xd0: {  	v11 =	vmul.f32 v11, v7;
	v16 =	vld [tilespmem:s20+$0xFFFFFE60];
	[tilespmem:s20+$0x170] =	vst v9  }
0xd1: {  	[tilespmem:s20+$0xFFFFFE00] =	vst v10;
	v9 =	vmul.f32 v12, v7;
	v10 =	vld [tilespmem:s20+$0xFFFFFE70]  }
0xd2: {  	[tilespmem:s20+$0xFFFFFE10] =	vst v11;
	v11 =	vmul.f32 v13, v7;
	v12 =	vld [tilespmem:s20+$0xFFFFFE80]  }
0xd3: {  	[tilespmem:s20+$0xFFFFFE20] =	vst v9;
	v9 =	vmul.f32 v14, v7;
	v13 =	vld [tilespmem:s20+$0xFFFFFE90]  }
0xd4: {  	[tilespmem:s20+$0xFFFFFE30] =	vst v11;
	v11 =	vmul.f32 v15, v7;
	v14 =	vld [tilespmem:s20+$0xFFFFFEA0]  }
0xd5: {  	[tilespmem:s20+$0xFFFFFE40] =	vst v9;
	v9 =	vmul.f32 v16, v7;
	v15 =	vld [tilespmem:s20+$0xFFFFFEB0]  }
0xd6: {  	[tilespmem:s20+$0xFFFFFE50] =	vst v11;
	v7 =	vmul.f32 v10, v7;
	v10 =	vld [tilespmem:s20+$0xFFFFFEC0]  }
0xd7: {  	[tilespmem:s20+$0xFFFFFE60] =	vst v9;
	v9 =	vmul.f32 v12, v6;
	v11 =	vld [tilespmem:s20+$0xFFFFFED0]  }
0xd8: {  	[tilespmem:s20+$0xFFFFFE70] =	vst v7;
	v7 =	vmul.f32 v13, v6;
	v12 =	vld [tilespmem:s20+$0xFFFFFEE0]  }
0xd9: {  	[tilespmem:s20+$0xFFFFFE80] =	vst v9;
	v9 =	vmul.f32 v14, v6;
	v13 =	vld [tilespmem:s20+$0xFFFFFEF0]  }
0xda: {  	[tilespmem:s20+$0xFFFFFE90] =	vst v7;
	v7 =	vmul.f32 v15, v6;
	v14 =	vld [tilespmem:s20+$0xFFFFFF00]  }
0xdb: {  	[tilespmem:s20+$0xFFFFFEA0] =	vst v9;
	v9 =	vmul.f32 v10, v6;
	v10 =	vld [tilespmem:s20+$0xFFFFFF10]  }
0xdc: {  	[tilespmem:s20+$0xFFFFFEB0] =	vst v7;
	v7 =	vmul.f32 v11, v6;
	v11 =	vld [tilespmem:s20+$0xFFFFFF20]  }
0xdd: {  	[tilespmem:s20+$0xFFFFFEC0] =	vst v9;
	v9 =	vmul.f32 v12, v6;
	v12 =	vld [tilespmem:s20+$0xFFFFFF30]  }
0xde: {  	[tilespmem:s20+$0xFFFFFED0] =	vst v7;
	v6 =	vmul.f32 v13, v6;
	v7 =	vld [tilespmem:s20+$0xFFFFFF40]  }
0xdf: {  	[tilespmem:s20+$0xFFFFFEE0] =	vst v9;
	v9 =	vmul.f32 v14, v8;
	v13 =	vld [tilespmem:s20+$0xFFFFFF50]  }
0xe0: {  	[tilespmem:s20+$0xFFFFFEF0] =	vst v6;
	v6 =	vmul.f32 v10, v8;
	v10 =	vld [tilespmem:s20+$0xFFFFFF60]  }
0xe1: {  	[tilespmem:s20+$0xFFFFFF00] =	vst v9;
	v9 =	vmul.f32 v11, v8;
	v11 =	vld [tilespmem:s20+$0xFFFFFF70]  }
0xe2: {  	[tilespmem:s20+$0xFFFFFF10] =	vst v6;
	v6 =	vmul.f32 v12, v8;
	v12 =	vld [tilespmem:s20+$0xFFFFFF80]  }
0xe3: {  	[tilespmem:s20+$0xFFFFFF20] =	vst v9;
	v7 =	vmul.f32 v7, v8;
	v9 =	vld [tilespmem:s20+$0xFFFFFF90]  }
0xe4: {  	[tilespmem:s20+$0xFFFFFF30] =	vst v6;
	v6 =	vmul.f32 v13, v8;
	v13 =	vld [tilespmem:s20+$0xFFFFFFA0]  }
0xe5: {  	[tilespmem:s20+$0xFFFFFF40] =	vst v7;
	v7 =	vmul.f32 v10, v8;
	v10 =	vld [tilespmem:s20+$0xFFFFFFB0]  }
0xe6: {  	[tilespmem:s20+$0xFFFFFF50] =	vst v6;
	v6 =	vmul.f32 v11, v8;
	v8 =	vld [tilespmem:s20+$0xFFFFFFC0]  }
0xe7: {  	[tilespmem:s20+$0xFFFFFF60] =	vst v7;
	v7 =	vmul.f32 v12, v5;
	v11 =	vld [tilespmem:s20+$0xFFFFFFD0]  }
0xe8: {  	[tilespmem:s20+$0xFFFFFF70] =	vst v6;
	v6 =	vmul.f32 v9, v5;
	v9 =	vld [tilespmem:s20+$0xFFFFFFE0]  }
0xe9: {  	[tilespmem:s20+$0xFFFFFF80] =	vst v7;
	v7 =	vmul.f32 v13, v5;
	v12 =	vld [tilespmem:s20+$0xFFFFFFF0]  }
0xea: {  	[tilespmem:s20+$0xFFFFFF90] =	vst v6;
	v6 =	vmul.f32 v10, v5;
	v10 =	vld [tilespmem:s20+$0x0]  }
0xeb: {  	[tilespmem:s20+$0xFFFFFFA0] =	vst v7;
	v7 =	vmul.f32 v8, v5;
	v8 =	vld [tilespmem:s20+$0x10]  }
0xec: {  	[tilespmem:s20+$0xFFFFFFB0] =	vst v6;
	v6 =	vmul.f32 v11, v5;
	v11 =	vld [tilespmem:s20+$0x20]  }
0xed: {  	[tilespmem:s20+$0xFFFFFFC0] =	vst v7;
	v7 =	vmul.f32 v9, v5;
	v9 =	vld [tilespmem:s20+$0x30]  }
0xee: {  	[tilespmem:s20+$0xFFFFFFD0] =	vst v6;
	v5 =	vmul.f32 v12, v5;
	v6 =	vld [tilespmem:s20+$0x40]  }
0xef: {  	[tilespmem:s20+$0xFFFFFFE0] =	vst v7;
	v7 =	vmul.f32 v10, v4;
	v10 =	vld [tilespmem:s20+$0x50]  }
0xf0: {  	[tilespmem:s20+$0xFFFFFFF0] =	vst v5;
	v5 =	vmul.f32 v8, v4;
	v8 =	vld [tilespmem:s20+$0x60]  }
0xf1: {  	[tilespmem:s20+$0x0] =	vst v7;
	v7 =	vmul.f32 v11, v4;
	v11 =	vld [tilespmem:s20+$0x70]  }
0xf2: {  	[tilespmem:s20+$0x10] =	vst v5;
	v5 =	vmul.f32 v9, v4;
	v9 =	vld [tilespmem:s20+$0x80]  }
0xf3: {  	[tilespmem:s20+$0x20] =	vst v7;
	v6 =	vmul.f32 v6, v4;
	v7 =	vld [tilespmem:s20+$0x90]  }
0xf4: {  	[tilespmem:s20+$0x30] =	vst v5;
	v5 =	vmul.f32 v10, v4;
	v10 =	vld [tilespmem:s20+$0xA0]  }
0xf5: {  	[tilespmem:s20+$0x40] =	vst v6;
	v6 =	vmul.f32 v8, v4;
	v8 =	vld [tilespmem:s20+$0xB0]  }
0xf6: {  	[tilespmem:s20+$0x50] =	vst v5;
	v4 =	vmul.f32 v11, v4;
	v5 =	vld [tilespmem:s20+$0xC0]  }
0xf7: {  	[tilespmem:s20+$0x60] =	vst v6;
	v6 =	vmul.f32 v9, v3;
	v9 =	vld [tilespmem:s20+$0xD0]  }
0xf8: {  	[tilespmem:s20+$0x70] =	vst v4;
	v4 =	vmul.f32 v7, v3;
	v7 =	vld [tilespmem:s20+$0xE0]  }
0xf9: {  	[tilespmem:s20+$0x80] =	vst v6;
	v6 =	vmul.f32 v10, v3;
	v10 =	vld [tilespmem:s20+$0xF0]  }
0xfa: {  	[tilespmem:s20+$0x90] =	vst v4;
	v4 =	vmul.f32 v8, v3;
	v8 =	vld [tilespmem:s20+$0x100]  }
0xfb: {  	[tilespmem:s20+$0xA0] =	vst v6;
	v5 =	vmul.f32 v5, v3;
	v6 =	vld [tilespmem:s20+$0x110]  }
0xfc: {  	[tilespmem:s20+$0xB0] =	vst v4;
	v4 =	vmul.f32 v9, v3;
	v9 =	vld [tilespmem:s20+$0x120]  }
0xfd: {  	[tilespmem:s20+$0xC0] =	vst v5;
	v5 =	vmul.f32 v7, v3;
	v7 =	vld [tilespmem:s20+$0x130]  }
0xfe: {  	[tilespmem:s20+$0xD0] =	vst v4;
	v4 =	vmul.f32 v10, v3;
	v10 =	vld [tilespmem:s20+$0x140]  }
0xff: {  	s11 =	sadd.s32 $0x7, s22;
	v3 =	vmov s22;
	[tilespmem:s20+$0xE0] =	vst v5;
	v5 =	vmul.f32 v8, v2;
	v8 =	vld [tilespmem:s20+$0x150]  }
0x100: {  	s23 =	sadd.s32 $0x1, s22;
	s12 =	sadd.s32 $0x2, s22;
	v11 =	vand.u32 $0xFFFFFFF8, v3;
	v3 =	vmov s11;
	[tilespmem:s20+$0xF0] =	vst v4;
	v4 =	vmul.f32 v6, v2;
	v12 =	vld [tilespmem:s20+$0x160]  }
0x101: {  	v14 =	vmov s12;
	s12 =	sadd.s32 $0x4, s22;
	v13 =	vmov s23;
	s11 =	sadd.s32 $0x3, s22;
	[tilespmem:s20+$0x100] =	vst v5;
	v5 =	vmul.f32 v9, v2;
	v9 =	vld [tilespmem:s20+$0x180]  }
0x102: {  	v16 =	vmov s12;
	v15 =	vmov s11;
	s11 =	sadd.s32 $0x5, s22;
	[tilespmem:s20+$0x110] =	vst v4;
	v7 =	vmul.f32 v7, v2;
	v17 =	vld [tilespmem:s20+$0x190]  }
.Ltmp1:
0x103: {  	v4 =	vbroadcast v11, $0x0;
	v11 =	vmov s11;
	[tilespmem:s20+$0x120] =	vst v5;
	v10 =	vmul.f32 v10, v2;
	v6 =	vld [tilespmem:s20+$0x1A0];
	(pc) =	sbr.rel @p1 .LBB2_5-.Ltmp1, $4  }
0x104: {  	v5 =	vand.u32 $0xFFFFFFF9, v13;
	v13 =	vand.u32 $0xFFFFFFFA, v14;
	[tilespmem:s20+$0x130] =	vst v7;
	v14 =	vmul.f32 v8, v2;
	v7 =	vld [tilespmem:s20+$0x1B0]  }
0x105: {  	v18 =	vand.u32 $0xFFFFFFFB, v15;
	v5 =	vbroadcast v5, $0x0;
	[tilespmem:s20+$0x140] =	vst v10;
	v19 =	vmul.f32 v12, v2;
	v8 =	vld [tilespmem:s20+$0x1C0]  }
0x106: {  	v10 =	vbroadcast v13, $0x0;
	v2 =	vand.u32 $0xFFFFFFFC, v16;
	[tilespmem:s20+$0x150] =	vst v14;
	v15 =	vmul.f32 v9, v1;
	v9 =	vld [tilespmem:s20+$0x1D0]  }
0x107: {  	s23 =	sadd.s32 $0x6, s22;
	s22 =	sadd.s32 $0x8, s22;
	v12 =	vbroadcast v18, $0x0;
	v14 =	vand.u32 $0xFFFFFFFD, v11;
	[tilespmem:s20+$0x160] =	vst v19;
	v13 =	vmul.f32 v17, v1;
	v11 =	vld [tilespmem:s20+$0x1E0]  }
0x108: {  	_ =	sdelay $0x2  }
0x109: {  	v16 =	vld [tilespmem:s20+$0x1F0]  }
0x10a: {  	v18 =	vld.idx.msk [tilespmem:v4+s29+$0x0], $0xffff  }
0x10b: {  	[tilespmem:s20+$0x180] =	vst v15;
	v15 =	vbroadcast v2, $0x0;
	v2 =	vmov s23;
	v10 =	vld.idx.msk [tilespmem:v10+s29+$0x0], $0xffff  }
0x10c: {  	v17 =	vand.u32 $0xFFFFFFFE, v2;
	v2 =	vld.idx.msk [tilespmem:v3+s29+$0x0], $0xffff  }
0x10d: {  	s22 =	sadd.s32 $0x400, s20;
	v12 =	vld.idx.msk [tilespmem:v12+s29+$0x0], $0xffff  }
0x10e: {  	v14 =	vbroadcast v14, $0x0;
	v6 =	vmul.f32 v6, v1;
	[tilespmem:s20+$0x190] =	vst v13;
	v13 =	vld [tilespmem:s22+$0x170]  }
0x10f: {  	v7 =	vmul.f32 v7, v1;
	v3 =	vbroadcast v17, $0x0;
	v17 =	vld.idx.msk [tilespmem:v5+s29+$0x0], $0xffff  }
0x110: {  	[tilespmem:s20+$0x1A0] =	vst v6;
	v6 =	vmul.f32 v8, v1;
	v8 =	vld [tilespmem:s22+$0xFFFFFE00]  }
0x111: {  	[tilespmem:s20+$0x1B0] =	vst v7;
	v7 =	vmul.f32 v9, v1;
	v9 =	vld [tilespmem:s22+$0xFFFFFE10]  }
0x112: {  	[tilespmem:s20+$0x1C0] =	vst v6;
	v6 =	vmul.f32 v11, v1;
	v11 =	vld [tilespmem:s22+$0xFFFFFE20]  }
0x113: {  	[tilespmem:s20+$0x1D0] =	vst v7;
	v7 =	vld [tilespmem:s22+$0xFFFFFE30]  }
0x114: {  	v5 =	vld.idx.msk [tilespmem:v15+s29+$0x0], $0xffff  }
0x115: {  	v1 =	vmul.f32 v16, v1;
	v4 =	vld.idx.msk [tilespmem:v14+s29+$0x0], $0xffff  }
0x116: {  	[tilespmem:s20+$0x1E0] =	vst v6;
	v6 =	vld [tilespmem:s22+$0xFFFFFE40]  }
0x117: {  	[tilespmem:s20+$0x1F0] =	vst v1;
	v1 =	vmul.f32 v8, v18;
	v3 =	vld.idx.msk [tilespmem:v3+s29+$0x0], $0xffff  }
0x118: {  	v8 =	vld [tilespmem:s22+$0xFFFFFE50];
	v9 =	vmul.f32 v9, v18  }
0x119: {  	v14 =	vld [tilespmem:s22+$0xFFFFFE60];
	[tilespmem:s22+$0xFFFFFE00] =	vst v1;
	v1 =	vmul.f32 v11, v18  }
0x11a: {  	v11 =	vld [tilespmem:s22+$0xFFFFFE70];
	[tilespmem:s22+$0xFFFFFE10] =	vst v9;
	v7 =	vmul.f32 v7, v18  }
0x11b: {  	v9 =	vld [tilespmem:s22+$0xFFFFFE80];
	[tilespmem:s22+$0xFFFFFE20] =	vst v1;
	v1 =	vmul.f32 v6, v18  }
0x11c: {  	v6 =	vld [tilespmem:s22+$0xFFFFFE90];
	[tilespmem:s22+$0xFFFFFE30] =	vst v7;
	v13 =	vmul.f32 v13, v3  }
0x11d: {  	v7 =	vmul.f32 v8, v18;
	v8 =	vld [tilespmem:s22+$0xFFFFFEA0];
	[tilespmem:s22+$0xFFFFFE40] =	vst v1  }
0x11e: {  	v1 =	vmul.f32 v14, v18;
	[tilespmem:s22+$0x170] =	vst v13;
	v13 =	vld [tilespmem:s22+$0xFFFFFEB0]  }
0x11f: {  	[tilespmem:s22+$0xFFFFFE50] =	vst v7;
	v7 =	vmul.f32 v11, v18;
	v11 =	vld [tilespmem:s22+$0xFFFFFEC0]  }
0x120: {  	[tilespmem:s22+$0xFFFFFE60] =	vst v1;
	v1 =	vmul.f32 v9, v17;
	v9 =	vld [tilespmem:s22+$0xFFFFFED0]  }
0x121: {  	[tilespmem:s22+$0xFFFFFE70] =	vst v7;
	v6 =	vmul.f32 v6, v17;
	v7 =	vld [tilespmem:s22+$0xFFFFFEE0]  }
0x122: {  	[tilespmem:s22+$0xFFFFFE80] =	vst v1;
	v1 =	vmul.f32 v8, v17;
	v8 =	vld [tilespmem:s22+$0xFFFFFEF0]  }
0x123: {  	[tilespmem:s22+$0xFFFFFE90] =	vst v6;
	v6 =	vmul.f32 v13, v17;
	v13 =	vld [tilespmem:s22+$0xFFFFFF00]  }
0x124: {  	[tilespmem:s22+$0xFFFFFEA0] =	vst v1;
	v1 =	vmul.f32 v11, v17;
	v11 =	vld [tilespmem:s22+$0xFFFFFF10]  }
0x125: {  	[tilespmem:s22+$0xFFFFFEB0] =	vst v6;
	v6 =	vmul.f32 v9, v17;
	v9 =	vld [tilespmem:s22+$0xFFFFFF20]  }
0x126: {  	[tilespmem:s22+$0xFFFFFEC0] =	vst v1;
	v1 =	vmul.f32 v7, v17;
	v7 =	vld [tilespmem:s22+$0xFFFFFF30]  }
0x127: {  	[tilespmem:s22+$0xFFFFFED0] =	vst v6;
	v6 =	vmul.f32 v8, v17;
	v8 =	vld [tilespmem:s22+$0xFFFFFF40]  }
0x128: {  	[tilespmem:s22+$0xFFFFFEE0] =	vst v1;
	v1 =	vmul.f32 v13, v10;
	v13 =	vld [tilespmem:s22+$0xFFFFFF50]  }
0x129: {  	[tilespmem:s22+$0xFFFFFEF0] =	vst v6;
	v6 =	vmul.f32 v11, v10;
	v11 =	vld [tilespmem:s22+$0xFFFFFF60]  }
0x12a: {  	[tilespmem:s22+$0xFFFFFF00] =	vst v1;
	v1 =	vmul.f32 v9, v10;
	v9 =	vld [tilespmem:s22+$0xFFFFFF70]  }
0x12b: {  	[tilespmem:s22+$0xFFFFFF10] =	vst v6;
	v6 =	vmul.f32 v7, v10;
	v7 =	vld [tilespmem:s22+$0xFFFFFF80]  }
0x12c: {  	[tilespmem:s22+$0xFFFFFF20] =	vst v1;
	v1 =	vmul.f32 v8, v10;
	v8 =	vld [tilespmem:s22+$0xFFFFFF90]  }
0x12d: {  	[tilespmem:s22+$0xFFFFFF30] =	vst v6;
	v6 =	vmul.f32 v13, v10;
	v13 =	vld [tilespmem:s22+$0xFFFFFFA0]  }
0x12e: {  	[tilespmem:s22+$0xFFFFFF40] =	vst v1;
	v1 =	vmul.f32 v11, v10;
	v11 =	vld [tilespmem:s22+$0xFFFFFFB0]  }
0x12f: {  	[tilespmem:s22+$0xFFFFFF50] =	vst v6;
	v6 =	vmul.f32 v9, v10;
	v9 =	vld [tilespmem:s22+$0xFFFFFFC0]  }
0x130: {  	[tilespmem:s22+$0xFFFFFF60] =	vst v1;
	v1 =	vmul.f32 v7, v12;
	v7 =	vld [tilespmem:s22+$0xFFFFFFD0]  }
0x131: {  	[tilespmem:s22+$0xFFFFFF70] =	vst v6;
	v6 =	vmul.f32 v8, v12;
	v8 =	vld [tilespmem:s22+$0xFFFFFFE0]  }
0x132: {  	v10 =	vld [tilespmem:s22+$0xFFFFFFF0];
	[tilespmem:s22+$0xFFFFFF80] =	vst v1;
	v1 =	vmul.f32 v13, v12  }
0x133: {  	[tilespmem:s22+$0xFFFFFF90] =	vst v6;
	v6 =	vmul.f32 v11, v12;
	v11 =	vld [tilespmem:s22+$0x0]  }
0x134: {  	[tilespmem:s22+$0xFFFFFFA0] =	vst v1;
	v1 =	vmul.f32 v9, v12;
	v9 =	vld [tilespmem:s22+$0x10]  }
0x135: {  	[tilespmem:s22+$0xFFFFFFB0] =	vst v6;
	v6 =	vmul.f32 v7, v12;
	v7 =	vld [tilespmem:s22+$0x20]  }
0x136: {  	[tilespmem:s22+$0xFFFFFFC0] =	vst v1;
	v1 =	vmul.f32 v8, v12;
	v8 =	vld [tilespmem:s22+$0x30]  }
0x137: {  	[tilespmem:s22+$0xFFFFFFD0] =	vst v6;
	v6 =	vmul.f32 v10, v12;
	v10 =	vld [tilespmem:s22+$0x40]  }
0x138: {  	[tilespmem:s22+$0xFFFFFFE0] =	vst v1;
	v1 =	vmul.f32 v11, v5;
	v11 =	vld [tilespmem:s22+$0x50]  }
0x139: {  	[tilespmem:s22+$0xFFFFFFF0] =	vst v6;
	v6 =	vmul.f32 v9, v5;
	v9 =	vld [tilespmem:s22+$0x60]  }
0x13a: {  	[tilespmem:s22+$0x0] =	vst v1;
	v1 =	vmul.f32 v7, v5;
	v7 =	vld [tilespmem:s22+$0x70]  }
0x13b: {  	[tilespmem:s22+$0x10] =	vst v6;
	v6 =	vmul.f32 v8, v5;
	v8 =	vld [tilespmem:s22+$0x80]  }
0x13c: {  	[tilespmem:s22+$0x20] =	vst v1;
	v1 =	vmul.f32 v10, v5;
	v10 =	vld [tilespmem:s22+$0x90]  }
0x13d: {  	[tilespmem:s22+$0x30] =	vst v6;
	v6 =	vmul.f32 v11, v5;
	v11 =	vld [tilespmem:s22+$0xA0]  }
0x13e: {  	[tilespmem:s22+$0x40] =	vst v1;
	v1 =	vmul.f32 v9, v5;
	v9 =	vld [tilespmem:s22+$0xB0]  }
0x13f: {  	[tilespmem:s22+$0x50] =	vst v6;
	v5 =	vmul.f32 v7, v5;
	v6 =	vld [tilespmem:s22+$0xC0]  }
0x140: {  	v7 =	vld [tilespmem:s22+$0xD0];
	[tilespmem:s22+$0x60] =	vst v1;
	v1 =	vmul.f32 v8, v4  }
0x141: {  	v8 =	vld [tilespmem:s22+$0xE0];
	[tilespmem:s22+$0x70] =	vst v5;
	v5 =	vmul.f32 v10, v4  }
0x142: {  	v10 =	vld [tilespmem:s22+$0xF0];
	[tilespmem:s22+$0x80] =	vst v1;
	v1 =	vmul.f32 v11, v4  }
0x143: {  	[tilespmem:s22+$0x90] =	vst v5;
	v5 =	vmul.f32 v9, v4;
	v9 =	vld [tilespmem:s22+$0x100]  }
0x144: {  	[tilespmem:s22+$0xA0] =	vst v1;
	v1 =	vmul.f32 v6, v4;
	v6 =	vld [tilespmem:s22+$0x110]  }
0x145: {  	[tilespmem:s22+$0xB0] =	vst v5;
	v5 =	vmul.f32 v7, v4;
	v7 =	vld [tilespmem:s22+$0x120]  }
0x146: {  	[tilespmem:s22+$0xC0] =	vst v1;
	v1 =	vmul.f32 v8, v4;
	v8 =	vld [tilespmem:s22+$0x130]  }
0x147: {  	v4 =	vmul.f32 v10, v4;
	[tilespmem:s22+$0xD0] =	vst v5;
	v5 =	vld [tilespmem:s22+$0x140]  }
0x148: {  	[tilespmem:s22+$0xE0] =	vst v1;
	v1 =	vmul.f32 v9, v3;
	v9 =	vld [tilespmem:s22+$0x150]  }
0x149: {  	[tilespmem:s22+$0xF0] =	vst v4;
	v4 =	vmul.f32 v6, v3;
	v6 =	vld [tilespmem:s22+$0x160]  }
0x14a: {  	[tilespmem:s22+$0x100] =	vst v1;
	v1 =	vmul.f32 v7, v3;
	v7 =	vld [tilespmem:s22+$0x180]  }
0x14b: {  	[tilespmem:s22+$0x110] =	vst v4;
	v4 =	vmul.f32 v8, v3;
	v8 =	vld [tilespmem:s22+$0x190]  }
0x14c: {  	[tilespmem:s22+$0x120] =	vst v1;
	v1 =	vmul.f32 v5, v3;
	v5 =	vld [tilespmem:s22+$0x1A0]  }
0x14d: {  	[tilespmem:s22+$0x130] =	vst v4;
	v4 =	vmul.f32 v9, v3;
	v9 =	vld [tilespmem:s22+$0x1B0]  }
0x14e: {  	[tilespmem:s22+$0x140] =	vst v1;
	v1 =	vmul.f32 v6, v3;
	v3 =	vld [tilespmem:s22+$0x1C0]  }
0x14f: {  	v6 =	vld [tilespmem:s22+$0x1D0];
	[tilespmem:s22+$0x150] =	vst v4;
	v4 =	vmul.f32 v7, v2  }
0x150: {  	v7 =	vld [tilespmem:s22+$0x1E0];
	[tilespmem:s22+$0x160] =	vst v1;
	v1 =	vmul.f32 v8, v2  }
0x151: {  	[tilespmem:s22+$0x180] =	vst v4;
	v4 =	vmul.f32 v5, v2;
	v5 =	vld [tilespmem:s22+$0x1F0]  }
0x152: {  	[tilespmem:s22+$0x190] =	vst v1;
	v1 =	vmul.f32 v9, v2  }
0x153: {  	[tilespmem:s22+$0x1A0] =	vst v4;
	v3 =	vmul.f32 v3, v2  }
0x154: {  	[tilespmem:s22+$0x1B0] =	vst v1;
	v1 =	vmul.f32 v6, v2  }
0x155: {  	[tilespmem:s22+$0x1C0] =	vst v3;
	v3 =	vmul.f32 v7, v2  }
0x156: {  	[tilespmem:s22+$0x1D0] =	vst v1;
	v1 =	vmul.f32 v5, v2  }
0x157: {  	[tilespmem:s22+$0x1E0] =	vst v3  }
0x158: {  	[tilespmem:s22+$0x1F0] =	vst v1  }
0x159: {  	[spmem:s2] =	stream.indirect.scatter.add.f32 [tilespmem:s8], [sflag:$0x7], $0x80, s28, s31, $0xb8;
	[tilespmem:$0x1BE80] =	vst v63  }
0x15a: {  	s11 =	rddreg [dreg:$0x10]  }
0x15b: {  	s11 =	sadd.s32 s19, s11  }
0x15c: {  	_ =	swait.ge [sflag:s10], $0x4000;
	s11 =	sshll.u32 s11, $0x4  }
0x15d: {  	[sflag:s10] =	ssyncset.done $0x0;
	s11 =	sand.u32 $0x1FFFFFF0, s11  }
0x15e: {  	s22 =	simm.s32 $0x0;
	[sflag:s10] =	ssyncadd.s32 $0xFFFFC000;
	s12 =	sadd.s32 s5, s11  }
0x15f: {  	[tilespmem:s17], [sflag:$0x4] =	stream.linear.gather [hbm4b:s12+s22], $0x80, $0x38;
	[tilespmem:$0x1BE80] =	vst v63  }
0x160: {  	s23 =	sadd.s32 s6, s11  }
0x161: {  	[tilespmem:s18], [sflag:$0x4] =	stream.linear.gather [hbm4b:s23+s22], $0x80, $0x38;
	[tilespmem:$0x1BE80] =	vst v63  }
0x162: {  	s11 =	sadd.s32 s7, s11  }
0x163: {  	[tilespmem:s21], [sflag:$0x4] =	stream.linear.gather [hbm4b:s11+s22], $0x80, $0x38;
	[tilespmem:$0x1BE80] =	vst v63  }
0x164: {  	_ =	swait.ge [sflag:s24], $0x80  }
0x165: {  	[sflag:s24] =	ssyncset.done $0x0  }
0x166: {  	[sflag:s24] =	ssyncadd.s32 $0xFFFFFF80  }
0x167: {  	_ =	swait.ge [sflag:s24], $0x80  }
0x168: {  	[sflag:s24] =	ssyncset.done $0x0  }
0x169: {  	s20 =	simm.s32 $0x6;
	v1 =	vmov s22;
	[sflag:s24] =	ssyncadd.s32 $0xFFFFFF80  }
0x16a: {  	v2 =	vmov s20;
	v1 =	vand.u32 $0xFFFFFFF8, v1;
	_ =	swait.ge [sflag:s24], $0x80  }
0x16b: {  	v2 =	vand.u32 $0xFFFFFFFE, v2;
	v1 =	vbroadcast v1, $0x0;
	[sflag:s24] =	ssyncset.done $0x0  }
0x16c: {  	v2 =	vbroadcast v2, $0x0;
	s22 =	simm.s32 $0x100;
	[sflag:s24] =	ssyncadd.s32 $0xFFFFFF80  }
0x16d: {  	[tilespmem:s8], [sflag:$0x5] =	stream.indirect.gather [hbm4b:s1+s31], $0x80, s22, s31, $0xb8;
	[tilespmem:$0x1BE80] =	vst v63  }
0x16e: {  	_ =	swait.ge [sflag:s25], $0x4000  }
0x16f: {  	[sflag:s25] =	ssyncset.done $0x0  }
0x170: {  	[sflag:s25] =	ssyncadd.s32 $0xFFFFC000  }
0x171: {  	v1 =	vld.idx.msk [tilespmem:v1+s0+$0x0], $0xffff  }
0x172: {  	s20 =	simm.s32 $0x49F0;
	s23 =	simm.s32 $0x1;
	v2 =	vld.idx.msk [tilespmem:v2+s0+$0x0], $0xffff  }
0x173: {  	v3 =	vmov s23;
	v4 =	vld [tilespmem:s20+$0xFFFFFF80]  }
0x174: {  	v3 =	vand.u32 $0xFFFFFFF9, v3;
	v5 =	vld [tilespmem:s20+$0xFFFFFC10]  }
0x175: {  	v3 =	vbroadcast v3, $0x0;
	v6 =	vld [tilespmem:s20+$0xFFFFFC20]  }
0x176: {  	v7 =	vld [tilespmem:s20+$0xFFFFFC30]  }
0x177: {  	v8 =	vld [tilespmem:s20+$0xFFFFFC40]  }
0x178: {  	v9 =	vld [tilespmem:s20+$0xFFFFFC50]  }
0x179: {  	v10 =	vld [tilespmem:s20+$0xFFFFFC60]  }
0x17a: {  	v11 =	vld [tilespmem:s20+$0xFFFFFC70]  }
0x17b: {  	v3 =	vld.idx.msk [tilespmem:v3+s0+$0x0], $0xffff  }
0x17c: {  	v12 =	vld [tilespmem:s20+$0xFFFFFC80]  }
0x17d: {  	v13 =	vld [tilespmem:s20+$0xFFFFFC90];
	v5 =	vmul.f32 v5, v1  }
0x17e: {  	v14 =	vld [tilespmem:s20+$0xFFFFFCA0];
	v4 =	vmul.f32 v4, v2  }
0x17f: {  	v15 =	vld [tilespmem:s20+$0xFFFFFCB0];
	v6 =	vmul.f32 v6, v1;
	[tilespmem:s20+$0xFFFFFC10] =	vst v5  }
0x180: {  	s12 =	simm.s32 $0x2;
	v16 =	vld [tilespmem:s20+$0xFFFFFCC0];
	v8 =	vmul.f32 v8, v1;
	[tilespmem:s20+$0xFFFFFF80] =	vst v4  }
0x181: {  	v9 =	vmul.f32 v9, v1;
	v5 =	vmov s12;
	v4 =	vmul.f32 v7, v1;
	v7 =	vld [tilespmem:s20+$0xFFFFFCD0];
	[tilespmem:s20+$0xFFFFFC20] =	vst v6  }
0x182: {  	v6 =	vmul.f32 v13, v3;
	v13 =	vld [tilespmem:s20+$0xFFFFFCE0];
	[tilespmem:s20+$0xFFFFFC40] =	vst v8;
	v5 =	vand.u32 $0xFFFFFFFA, v5  }
0x183: {  	v8 =	vmul.f32 v10, v1;
	v10 =	vld [tilespmem:s20+$0xFFFFFD00];
	[tilespmem:s20+$0xFFFFFC50] =	vst v9;
	v5 =	vbroadcast v5, $0x0  }
0x184: {  	v9 =	vmul.f32 v11, v1;
	v11 =	vld [tilespmem:s20+$0xFFFFFD10];
	[tilespmem:s20+$0xFFFFFC30] =	vst v4  }
0x185: {  	v1 =	vmul.f32 v12, v1;
	v12 =	vld [tilespmem:s20+$0xFFFFFD30];
	[tilespmem:s20+$0xFFFFFC90] =	vst v6  }
0x186: {  	s22 =	simm.s32 $0x3;
	v4 =	vld [tilespmem:s20+$0xFFFFFCF0];
	[tilespmem:s20+$0xFFFFFC60] =	vst v8  }
0x187: {  	v6 =	vmov s22;
	v8 =	vld [tilespmem:s20+$0xFFFFFD20];
	[tilespmem:s20+$0xFFFFFC70] =	vst v9;
	v9 =	vmul.f32 v14, v3  }
0x188: {  	[tilespmem:s20+$0xFFFFFC80] =	vst v1;
	v1 =	vmul.f32 v15, v3;
	v14 =	vld [tilespmem:s20+$0xFFFFFD40];
	v6 =	vand.u32 $0xFFFFFFFB, v6  }
0x189: {  	v6 =	vbroadcast v6, $0x0;
	[tilespmem:s20+$0xFFFFFCA0] =	vst v9;
	v9 =	vmul.f32 v16, v3;
	v5 =	vld.idx.msk [tilespmem:v5+s0+$0x0], $0xffff  }
0x18a: {  	v15 =	vld [tilespmem:s20+$0xFFFFFD50];
	[tilespmem:s20+$0xFFFFFCB0] =	vst v1;
	v7 =	vmul.f32 v7, v3  }
0x18b: {  	v13 =	vmul.f32 v13, v3;
	[tilespmem:s20+$0xFFFFFCC0] =	vst v9;
	v9 =	vld [tilespmem:s20+$0xFFFFFD70]  }
0x18c: {  	[tilespmem:s20+$0xFFFFFCD0] =	vst v7;
	v4 =	vmul.f32 v4, v3;
	v7 =	vld [tilespmem:s20+$0xFFFFFD80]  }
0x18d: {  	[tilespmem:s20+$0xFFFFFCE0] =	vst v13;
	v3 =	vmul.f32 v10, v3;
	v10 =	vld [tilespmem:s20+$0xFFFFFD90]  }
0x18e: {  	v13 =	vld [tilespmem:s20+$0xFFFFFDC0];
	[tilespmem:s20+$0xFFFFFCF0] =	vst v4;
	v1 =	vmul.f32 v11, v5  }
0x18f: {  	[tilespmem:s20+$0xFFFFFD00] =	vst v3;
	v6 =	vld.idx.msk [tilespmem:v6+s0+$0x0], $0xffff;
	v4 =	vmul.f32 v8, v5  }
0x190: {  	s23 =	simm.s32 $0x4;
	v11 =	vld [tilespmem:s20+$0xFFFFFD60];
	v3 =	vmul.f32 v12, v5;
	[tilespmem:s20+$0xFFFFFD10] =	vst v1  }
0x191: {  	v8 =	vld [tilespmem:s20+$0xFFFFFDA0];
	v9 =	vmul.f32 v9, v5;
	v1 =	vmov s23;
	[tilespmem:s20+$0xFFFFFD20] =	vst v4  }
0x192: {  	v12 =	vld [tilespmem:s20+$0xFFFFFDB0];
	v4 =	vmul.f32 v14, v5;
	[tilespmem:s20+$0xFFFFFD30] =	vst v3;
	v1 =	vand.u32 $0xFFFFFFFC, v1  }
0x193: {  	v3 =	vmul.f32 v15, v5;
	v14 =	vld [tilespmem:s20+$0xFFFFFDD0];
	[tilespmem:s20+$0xFFFFFD70] =	vst v9;
	v1 =	vbroadcast v1, $0x0  }
0x194: {  	v9 =	vld [tilespmem:s20+$0xFFFFFE10];
	[tilespmem:s20+$0xFFFFFD40] =	vst v4;
	v4 =	vmul.f32 v10, v6  }
0x195: {  	s12 =	simm.s32 $0x5;
	v10 =	vld [tilespmem:s20+$0xFFFFFDE0];
	[tilespmem:s20+$0xFFFFFD50] =	vst v3;
	v11 =	vmul.f32 v11, v5  }
0x196: {  	v3 =	vld [tilespmem:s20+$0xFFFFFDF0];
	v5 =	vmul.f32 v7, v5;
	[tilespmem:s20+$0xFFFFFD90] =	vst v4;
	v4 =	vmov s12  }
0x197: {  	v7 =	vld [tilespmem:s20+$0xFFFFFE00];
	v8 =	vmul.f32 v8, v6;
	[tilespmem:s20+$0xFFFFFD60] =	vst v11;
	v4 =	vand.u32 $0xFFFFFFFD, v4  }
0x198: {  	[tilespmem:s20+$0xFFFFFD80] =	vst v5;
	v5 =	vmul.f32 v12, v6;
	v11 =	vld [tilespmem:s20+$0xFFFFFE20];
	v4 =	vbroadcast v4, $0x0  }
0x199: {  	[tilespmem:s20+$0xFFFFFDA0] =	vst v8;
	v8 =	vmul.f32 v13, v6;
	v1 =	vld.idx.msk [tilespmem:v1+s0+$0x0], $0xffff  }
0x19a: {  	v12 =	vld [tilespmem:s20+$0xFFFFFE30];
	[tilespmem:s20+$0xFFFFFDB0] =	vst v5;
	v5 =	vmul.f32 v14, v6  }
0x19b: {  	v13 =	vld [tilespmem:s20+$0xFFFFFE40];
	[tilespmem:s20+$0xFFFFFDC0] =	vst v8;
	v8 =	vmul.f32 v10, v6  }
0x19c: {  	v10 =	vld [tilespmem:s20+$0xFFFFFE50];
	v3 =	vmul.f32 v3, v6;
	[tilespmem:s20+$0xFFFFFDD0] =	vst v5  }
0x19d: {  	v6 =	vmul.f32 v7, v6;
	[tilespmem:s20+$0xFFFFFDE0] =	vst v8;
	v8 =	vld [tilespmem:s20+$0xFFFFFE70]  }
0x19e: {  	[tilespmem:s20+$0xFFFFFDF0] =	vst v3;
	v4 =	vld.idx.msk [tilespmem:v4+s0+$0x0], $0xffff;
	v5 =	vmul.f32 v9, v1  }
0x19f: {  	[tilespmem:s20+$0xFFFFFE00] =	vst v6;
	v9 =	vld [tilespmem:s20+$0xFFFFFE60];
	v6 =	vmul.f32 v12, v1  }
0x1a0: {  	v3 =	vmul.f32 v11, v1;
	v11 =	vld [tilespmem:s20+$0xFFFFFEA0];
	[tilespmem:s20+$0xFFFFFE10] =	vst v5  }
0x1a1: {  	v7 =	vld [tilespmem:s20+$0xFFFFFE90];
	[tilespmem:s20+$0xFFFFFE30] =	vst v6;
	v6 =	vmul.f32 v10, v1  }
0x1a2: {  	v5 =	vld [tilespmem:s20+$0xFFFFFE80];
	[tilespmem:s20+$0xFFFFFE20] =	vst v3;
	v3 =	vmul.f32 v13, v1  }
0x1a3: {  	v10 =	vld [tilespmem:s20+$0xFFFFFEB0];
	[tilespmem:s20+$0xFFFFFE50] =	vst v6;
	v6 =	vmul.f32 v8, v1  }
0x1a4: {  	[tilespmem:s20+$0xFFFFFE40] =	vst v3;
	v8 =	vld [tilespmem:s20+$0xFFFFFED0];
	v3 =	vmul.f32 v9, v1  }
0x1a5: {  	v9 =	vld [tilespmem:s20+$0xFFFFFEC0];
	v11 =	vmul.f32 v11, v4;
	[tilespmem:s20+$0xFFFFFE70] =	vst v6  }
0x1a6: {  	s22 =	simm.s32 $0x7;
	v6 =	vld [tilespmem:s20+$0xFFFFFEF0];
	[tilespmem:s20+$0xFFFFFE60] =	vst v3;
	v3 =	vmul.f32 v7, v4  }
0x1a7: {  	v12 =	vmov s22;
	v7 =	vld [tilespmem:s20+$0xFFFFFEE0];
	v5 =	vmul.f32 v5, v1;
	[tilespmem:s20+$0xFFFFFEA0] =	vst v11  }
0x1a8: {  	v11 =	vld [tilespmem:s20+$0xFFFFFF60];
	[tilespmem:s20+$0xFFFFFE90] =	vst v3  }
0x1a9: {  	[tilespmem:s20+$0xFFFFFE80] =	vst v5;
	v3 =	vmul.f32 v10, v4;
	v5 =	vld [tilespmem:s20+$0xFFFFFF00]  }
0x1aa: {  	v10 =	vld [tilespmem:s20+$0xFFFFFF10];
	v9 =	vmul.f32 v9, v4  }
0x1ab: {  	[tilespmem:s20+$0xFFFFFEB0] =	vst v3;
	v3 =	vmul.f32 v8, v4;
	v8 =	vld [tilespmem:s20+$0xFFFFFF20]  }
0x1ac: {  	v1 =	vld.idx.msk [tilespmem:v12+s0+$0x0], $0xffff;
	[tilespmem:s20+$0xFFFFFEC0] =	vst v9;
	v7 =	vmul.f32 v7, v4  }
0x1ad: {  	v9 =	vld [tilespmem:s20+$0xFFFFFF30];
	v11 =	vmul.f32 v11, v2;
	[tilespmem:s20+$0xFFFFFED0] =	vst v3  }
0x1ae: {  	s22 =	simm.s32 $0x9;
	v3 =	vmul.f32 v6, v4;
	v6 =	vld [tilespmem:s20+$0xFFFFFF40];
	[tilespmem:s20+$0xFFFFFEE0] =	vst v7;
	v4 =	vmul.f32 v5, v4  }
0x1af: {  	s23 =	simm.s32 $0x8;
	v12 =	vmov s22;
	v5 =	vld [tilespmem:s20+$0xFFFFFF50];
	[tilespmem:s20+$0xFFFFFF60] =	vst v11  }
0x1b0: {  	s12 =	simm.s32 $0xF;
	s22 =	simm.s32 $0xC;
	v7 =	vmov s23;
	v10 =	vmul.f32 v10, v2;
	[tilespmem:s20+$0xFFFFFF00] =	vst v4;
	v4 =	vmul.f32 v8, v2;
	v8 =	vld [tilespmem:s20+$0xFFFFFF70]  }
0x1b1: {  	v14 =	vld [tilespmem:s20+$0xFFFFFF90];
	v15 =	vmov s22;
	s23 =	simm.s32 $0xA;
	[tilespmem:s20+$0xFFFFFEF0] =	vst v3;
	v7 =	vand.u32 $0xFFFFFFF8, v7;
	v3 =	vmov s12;
	s12 =	simm.s32 $0xB  }
0x1b2: {  	v17 =	vld [tilespmem:s20+$0xFFFFFFA0];
	v13 =	vmov s23;
	s23 =	simm.s32 $0xD;
	[tilespmem:s20+$0xFFFFFF10] =	vst v10;
	v10 =	vmov s12;
	v9 =	vmul.f32 v9, v2  }
0x1b3: {  	v63 =	vmov s23;
	[tilespmem:s20+$0xFFFFFF20] =	vst v4;
	v16 =	vmul.f32 v6, v2;
	v4 =	vbroadcast v7, $0x0;
	v6 =	vld [tilespmem:s20+$0xFFFFFFB0]  }
0x1b4: {  	v7 =	vld [tilespmem:s20+$0xFFFFFFC0];
	[tilespmem:s20+$0xFFFFFF30] =	vst v9;
	v9 =	vmul.f32 v5, v2;
	v5 =	vand.u32 $0xFFFFFFF9, v12;
	v12 =	vand.u32 $0xFFFFFFFA, v13  }
0x1b5: {  	v13 =	vand.u32 $0xFFFFFFFB, v10;
	[tilespmem:s20+$0xFFFFFF40] =	vst v16;
	v5 =	vbroadcast v5, $0x0;
	v16 =	vmul.f32 v8, v2;
	v8 =	vld [tilespmem:s20+$0xFFFFFFD0]  }
0x1b6: {  	v10 =	vbroadcast v12, $0x0;
	[tilespmem:s20+$0xFFFFFF50] =	vst v9;
	v2 =	vand.u32 $0xFFFFFFFC, v15;
	v15 =	vmul.f32 v14, v1;
	v9 =	vld [tilespmem:s20+$0xFFFFFFE0]  }
0x1b7: {  	s22 =	simm.s32 $0x10;
	v11 =	vld [tilespmem:s20+$0xFFFFFFF0];
	s23 =	simm.s32 $0xE;
	v12 =	vbroadcast v13, $0x0;
	v13 =	vmul.f32 v17, v1;
	v14 =	vand.u32 $0xFFFFFFFD, v63;
	[tilespmem:s20+$0xFFFFFF70] =	vst v16  }
.LBB2_7:
0x1b8: {  	p1 =	slt.u32 s22, $0x78;
	v2 =	vbroadcast v2, $0x0;
	v16 =	vmov s23;
	[tilespmem:s20+$0xFFFFFF90] =	vst v15;
	v6 =	vmul.f32 v6, v1;
	v15 =	vld [tilespmem:s20+$0x0]  }
0x1b9: {  	v14 =	vbroadcast v14, $0x0;
	v16 =	vand.u32 $0xFFFFFFFE, v16;
	v17 =	vld.idx.msk [tilespmem:v3+s0+$0x0], $0xffff;
	[tilespmem:s20+$0xFFFFFFA0] =	vst v13;
	v3 =	vmul.f32 v7, v1  }
0x1ba: {  	v7 =	vld.idx.msk [tilespmem:v4+s0+$0x0], $0xffff;
	v13 =	vbroadcast v16, $0x0;
	[tilespmem:s20+$0xFFFFFFB0] =	vst v6;
	v4 =	vmul.f32 v8, v1  }
0x1bb: {  	v6 =	vld.idx.msk [tilespmem:v5+s0+$0x0], $0xffff;
	[tilespmem:s20+$0xFFFFFFC0] =	vst v3;
	v3 =	vmul.f32 v9, v1  }
0x1bc: {  	v8 =	vld.idx.msk [tilespmem:v10+s0+$0x0], $0xffff;
	[tilespmem:s20+$0xFFFFFFD0] =	vst v4;
	v9 =	vmul.f32 v11, v1  }
0x1bd: {  	v5 =	vld.idx.msk [tilespmem:v12+s0+$0x0], $0xffff;
	[tilespmem:s20+$0xFFFFFFE0] =	vst v3;
	v10 =	vmul.f32 v15, v1  }
0x1be: {  	v4 =	vld.idx.msk [tilespmem:v2+s0+$0x0], $0xffff;
	[tilespmem:s20+$0xFFFFFFF0] =	vst v9  }
0x1bf: {  	v1 =	vmov v17;
	v3 =	vld.idx.msk [tilespmem:v14+s0+$0x0], $0xffff;
	[tilespmem:s20+$0x0] =	vst v10  }
0x1c0: {  	s20 =	sadd.s32 $0x400, s20;
	v2 =	vld.idx.msk [tilespmem:v13+s0+$0x0], $0xffff  }
0x1c1: {  	v9 =	vld [tilespmem:s20+$0xFFFFFF80]  }
0x1c2: {  	v10 =	vld [tilespmem:s20+$0xFFFFFC10]  }
0x1c3: {  	v11 =	vld [tilespmem:s20+$0xFFFFFC20]  }
0x1c4: {  	v12 =	vld [tilespmem:s20+$0xFFFFFC30]  }
0x1c5: {  	v13 =	vld [tilespmem:s20+$0xFFFFFC40]  }
0x1c6: {  	v14 =	vld [tilespmem:s20+$0xFFFFFC50];
	v9 =	vmul.f32 v9, v2  }
0x1c7: {  	v10 =	vmul.f32 v10, v7;
	v15 =	vld [tilespmem:s20+$0xFFFFFC60]  }
0x1c8: {  	v11 =	vmul.f32 v11, v7;
	v16 =	vld [tilespmem:s20+$0xFFFFFC70];
	[tilespmem:s20+$0xFFFFFF80] =	vst v9  }
0x1c9: {  	[tilespmem:s20+$0xFFFFFC10] =	vst v10;
	v9 =	vmul.f32 v12, v7;
	v10 =	vld [tilespmem:s20+$0xFFFFFC80]  }
0x1ca: {  	[tilespmem:s20+$0xFFFFFC20] =	vst v11;
	v11 =	vmul.f32 v13, v7;
	v12 =	vld [tilespmem:s20+$0xFFFFFC90]  }
0x1cb: {  	[tilespmem:s20+$0xFFFFFC30] =	vst v9;
	v9 =	vmul.f32 v14, v7;
	v13 =	vld [tilespmem:s20+$0xFFFFFCA0]  }
0x1cc: {  	[tilespmem:s20+$0xFFFFFC40] =	vst v11;
	v11 =	vmul.f32 v15, v7;
	v14 =	vld [tilespmem:s20+$0xFFFFFCB0]  }
0x1cd: {  	[tilespmem:s20+$0xFFFFFC50] =	vst v9;
	v9 =	vmul.f32 v16, v7;
	v15 =	vld [tilespmem:s20+$0xFFFFFCC0]  }
0x1ce: {  	[tilespmem:s20+$0xFFFFFC60] =	vst v11;
	v7 =	vmul.f32 v10, v7;
	v10 =	vld [tilespmem:s20+$0xFFFFFCD0]  }
0x1cf: {  	[tilespmem:s20+$0xFFFFFC70] =	vst v9;
	v9 =	vmul.f32 v12, v6;
	v11 =	vld [tilespmem:s20+$0xFFFFFCE0]  }
0x1d0: {  	[tilespmem:s20+$0xFFFFFC80] =	vst v7;
	v7 =	vmul.f32 v13, v6;
	v12 =	vld [tilespmem:s20+$0xFFFFFCF0]  }
0x1d1: {  	[tilespmem:s20+$0xFFFFFC90] =	vst v9;
	v9 =	vmul.f32 v14, v6;
	v13 =	vld [tilespmem:s20+$0xFFFFFD00]  }
0x1d2: {  	[tilespmem:s20+$0xFFFFFCA0] =	vst v7;
	v7 =	vmul.f32 v15, v6;
	v14 =	vld [tilespmem:s20+$0xFFFFFD10]  }
0x1d3: {  	[tilespmem:s20+$0xFFFFFCB0] =	vst v9;
	v9 =	vmul.f32 v10, v6;
	v10 =	vld [tilespmem:s20+$0xFFFFFD20]  }
0x1d4: {  	[tilespmem:s20+$0xFFFFFCC0] =	vst v7;
	v7 =	vmul.f32 v11, v6;
	v11 =	vld [tilespmem:s20+$0xFFFFFD30]  }
0x1d5: {  	[tilespmem:s20+$0xFFFFFCD0] =	vst v9;
	v9 =	vmul.f32 v12, v6;
	v12 =	vld [tilespmem:s20+$0xFFFFFD40]  }
0x1d6: {  	[tilespmem:s20+$0xFFFFFCE0] =	vst v7;
	v6 =	vmul.f32 v13, v6;
	v7 =	vld [tilespmem:s20+$0xFFFFFD50]  }
0x1d7: {  	[tilespmem:s20+$0xFFFFFCF0] =	vst v9;
	v9 =	vmul.f32 v14, v8;
	v13 =	vld [tilespmem:s20+$0xFFFFFD60]  }
0x1d8: {  	[tilespmem:s20+$0xFFFFFD00] =	vst v6;
	v6 =	vmul.f32 v10, v8;
	v10 =	vld [tilespmem:s20+$0xFFFFFD70]  }
0x1d9: {  	[tilespmem:s20+$0xFFFFFD10] =	vst v9;
	v9 =	vmul.f32 v11, v8;
	v11 =	vld [tilespmem:s20+$0xFFFFFD80]  }
0x1da: {  	[tilespmem:s20+$0xFFFFFD20] =	vst v6;
	v6 =	vmul.f32 v12, v8;
	v12 =	vld [tilespmem:s20+$0xFFFFFD90]  }
0x1db: {  	[tilespmem:s20+$0xFFFFFD30] =	vst v9;
	v7 =	vmul.f32 v7, v8;
	v9 =	vld [tilespmem:s20+$0xFFFFFDA0]  }
0x1dc: {  	[tilespmem:s20+$0xFFFFFD40] =	vst v6;
	v6 =	vmul.f32 v13, v8;
	v13 =	vld [tilespmem:s20+$0xFFFFFDB0]  }
0x1dd: {  	[tilespmem:s20+$0xFFFFFD50] =	vst v7;
	v7 =	vmul.f32 v10, v8;
	v10 =	vld [tilespmem:s20+$0xFFFFFDC0]  }
0x1de: {  	[tilespmem:s20+$0xFFFFFD60] =	vst v6;
	v6 =	vmul.f32 v11, v8;
	v8 =	vld [tilespmem:s20+$0xFFFFFDD0]  }
0x1df: {  	[tilespmem:s20+$0xFFFFFD70] =	vst v7;
	v7 =	vmul.f32 v12, v5;
	v11 =	vld [tilespmem:s20+$0xFFFFFDE0]  }
0x1e0: {  	[tilespmem:s20+$0xFFFFFD80] =	vst v6;
	v6 =	vmul.f32 v9, v5;
	v9 =	vld [tilespmem:s20+$0xFFFFFDF0]  }
0x1e1: {  	[tilespmem:s20+$0xFFFFFD90] =	vst v7;
	v7 =	vmul.f32 v13, v5;
	v12 =	vld [tilespmem:s20+$0xFFFFFE00]  }
0x1e2: {  	[tilespmem:s20+$0xFFFFFDA0] =	vst v6;
	v6 =	vmul.f32 v10, v5;
	v10 =	vld [tilespmem:s20+$0xFFFFFE10]  }
0x1e3: {  	[tilespmem:s20+$0xFFFFFDB0] =	vst v7;
	v7 =	vmul.f32 v8, v5;
	v8 =	vld [tilespmem:s20+$0xFFFFFE20]  }
0x1e4: {  	[tilespmem:s20+$0xFFFFFDC0] =	vst v6;
	v6 =	vmul.f32 v11, v5;
	v11 =	vld [tilespmem:s20+$0xFFFFFE30]  }
0x1e5: {  	[tilespmem:s20+$0xFFFFFDD0] =	vst v7;
	v7 =	vmul.f32 v9, v5;
	v9 =	vld [tilespmem:s20+$0xFFFFFE40]  }
0x1e6: {  	[tilespmem:s20+$0xFFFFFDE0] =	vst v6;
	v5 =	vmul.f32 v12, v5;
	v6 =	vld [tilespmem:s20+$0xFFFFFE50]  }
0x1e7: {  	[tilespmem:s20+$0xFFFFFDF0] =	vst v7;
	v7 =	vmul.f32 v10, v4;
	v10 =	vld [tilespmem:s20+$0xFFFFFE60]  }
0x1e8: {  	[tilespmem:s20+$0xFFFFFE00] =	vst v5;
	v5 =	vmul.f32 v8, v4;
	v8 =	vld [tilespmem:s20+$0xFFFFFE70]  }
0x1e9: {  	[tilespmem:s20+$0xFFFFFE10] =	vst v7;
	v7 =	vmul.f32 v11, v4;
	v11 =	vld [tilespmem:s20+$0xFFFFFE80]  }
0x1ea: {  	[tilespmem:s20+$0xFFFFFE20] =	vst v5;
	v5 =	vmul.f32 v9, v4;
	v9 =	vld [tilespmem:s20+$0xFFFFFE90]  }
0x1eb: {  	[tilespmem:s20+$0xFFFFFE30] =	vst v7;
	v6 =	vmul.f32 v6, v4;
	v7 =	vld [tilespmem:s20+$0xFFFFFEA0]  }
0x1ec: {  	[tilespmem:s20+$0xFFFFFE40] =	vst v5;
	v5 =	vmul.f32 v10, v4;
	v10 =	vld [tilespmem:s20+$0xFFFFFEB0]  }
0x1ed: {  	[tilespmem:s20+$0xFFFFFE50] =	vst v6;
	v6 =	vmul.f32 v8, v4;
	v8 =	vld [tilespmem:s20+$0xFFFFFEC0]  }
0x1ee: {  	[tilespmem:s20+$0xFFFFFE60] =	vst v5;
	v4 =	vmul.f32 v11, v4;
	v5 =	vld [tilespmem:s20+$0xFFFFFED0]  }
0x1ef: {  	[tilespmem:s20+$0xFFFFFE70] =	vst v6;
	v6 =	vmul.f32 v9, v3;
	v9 =	vld [tilespmem:s20+$0xFFFFFEE0]  }
0x1f0: {  	[tilespmem:s20+$0xFFFFFE80] =	vst v4;
	v4 =	vmul.f32 v7, v3;
	v7 =	vld [tilespmem:s20+$0xFFFFFEF0]  }
0x1f1: {  	[tilespmem:s20+$0xFFFFFE90] =	vst v6;
	v6 =	vmul.f32 v10, v3;
	v10 =	vld [tilespmem:s20+$0xFFFFFF00]  }
0x1f2: {  	[tilespmem:s20+$0xFFFFFEA0] =	vst v4;
	v4 =	vmul.f32 v8, v3;
	v8 =	vld [tilespmem:s20+$0xFFFFFF10]  }
0x1f3: {  	[tilespmem:s20+$0xFFFFFEB0] =	vst v6;
	v5 =	vmul.f32 v5, v3;
	v6 =	vld [tilespmem:s20+$0xFFFFFF20]  }
0x1f4: {  	[tilespmem:s20+$0xFFFFFEC0] =	vst v4;
	v4 =	vmul.f32 v9, v3;
	v9 =	vld [tilespmem:s20+$0xFFFFFF30]  }
0x1f5: {  	[tilespmem:s20+$0xFFFFFED0] =	vst v5;
	v5 =	vmul.f32 v7, v3;
	v7 =	vld [tilespmem:s20+$0xFFFFFF40]  }
0x1f6: {  	[tilespmem:s20+$0xFFFFFEE0] =	vst v4;
	v4 =	vmul.f32 v10, v3;
	v10 =	vld [tilespmem:s20+$0xFFFFFF50]  }
0x1f7: {  	s11 =	sadd.s32 $0x7, s22;
	v3 =	vmov s22;
	[tilespmem:s20+$0xFFFFFEF0] =	vst v5;
	v5 =	vmul.f32 v8, v2;
	v8 =	vld [tilespmem:s20+$0xFFFFFF60]  }
0x1f8: {  	s12 =	sadd.s32 $0x1, s22;
	s23 =	sadd.s32 $0x2, s22;
	v11 =	vand.u32 $0xFFFFFFF8, v3;
	v3 =	vmov s11;
	[tilespmem:s20+$0xFFFFFF00] =	vst v4;
	v4 =	vmul.f32 v6, v2;
	v12 =	vld [tilespmem:s20+$0xFFFFFF70]  }
0x1f9: {  	v14 =	vmov s23;
	v13 =	vmov s12;
	s12 =	sadd.s32 $0x4, s22;
	s11 =	sadd.s32 $0x3, s22;
	[tilespmem:s20+$0xFFFFFF10] =	vst v5;
	v5 =	vmul.f32 v9, v2;
	v9 =	vld [tilespmem:s20+$0xFFFFFF90]  }
0x1fa: {  	v16 =	vmov s12;
	v15 =	vmov s11;
	s11 =	sadd.s32 $0x5, s22;
	[tilespmem:s20+$0xFFFFFF20] =	vst v4;
	v7 =	vmul.f32 v7, v2;
	v17 =	vld [tilespmem:s20+$0xFFFFFFA0]  }
.Ltmp2:
0x1fb: {  	v4 =	vbroadcast v11, $0x0;
	v11 =	vmov s11;
	[tilespmem:s20+$0xFFFFFF30] =	vst v5;
	v10 =	vmul.f32 v10, v2;
	v6 =	vld [tilespmem:s20+$0xFFFFFFB0];
	(pc) =	sbr.rel @p1 .LBB2_7-.Ltmp2, $4  }
0x1fc: {  	v5 =	vand.u32 $0xFFFFFFF9, v13;
	v13 =	vand.u32 $0xFFFFFFFA, v14;
	[tilespmem:s20+$0xFFFFFF40] =	vst v7;
	v14 =	vmul.f32 v8, v2;
	v7 =	vld [tilespmem:s20+$0xFFFFFFC0]  }
0x1fd: {  	v18 =	vand.u32 $0xFFFFFFFB, v15;
	v5 =	vbroadcast v5, $0x0;
	[tilespmem:s20+$0xFFFFFF50] =	vst v10;
	v19 =	vmul.f32 v12, v2;
	v8 =	vld [tilespmem:s20+$0xFFFFFFD0]  }
0x1fe: {  	v10 =	vbroadcast v13, $0x0;
	v2 =	vand.u32 $0xFFFFFFFC, v16;
	[tilespmem:s20+$0xFFFFFF60] =	vst v14;
	v15 =	vmul.f32 v9, v1;
	v9 =	vld [tilespmem:s20+$0xFFFFFFE0]  }
0x1ff: {  	s23 =	sadd.s32 $0x6, s22;
	s22 =	sadd.s32 $0x8, s22;
	v12 =	vbroadcast v18, $0x0;
	v14 =	vand.u32 $0xFFFFFFFD, v11;
	[tilespmem:s20+$0xFFFFFF70] =	vst v19;
	v13 =	vmul.f32 v17, v1;
	v11 =	vld [tilespmem:s20+$0xFFFFFFF0]  }
0x200: {  	_ =	sdelay $0x2  }
0x201: {  	v16 =	vld [tilespmem:s20+$0x0]  }
0x202: {  	v18 =	vld.idx.msk [tilespmem:v4+s0+$0x0], $0xffff  }
0x203: {  	[tilespmem:s20+$0xFFFFFF90] =	vst v15;
	v15 =	vbroadcast v2, $0x0;
	v2 =	vmov s23;
	v10 =	vld.idx.msk [tilespmem:v10+s0+$0x0], $0xffff  }
0x204: {  	v17 =	vand.u32 $0xFFFFFFFE, v2;
	v2 =	vld.idx.msk [tilespmem:v3+s0+$0x0], $0xffff  }
0x205: {  	s22 =	sadd.s32 $0x400, s20;
	v12 =	vld.idx.msk [tilespmem:v12+s0+$0x0], $0xffff  }
0x206: {  	v14 =	vbroadcast v14, $0x0;
	v6 =	vmul.f32 v6, v1;
	[tilespmem:s20+$0xFFFFFFA0] =	vst v13;
	v13 =	vld [tilespmem:s22+$0xFFFFFF80]  }
0x207: {  	v7 =	vmul.f32 v7, v1;
	v3 =	vbroadcast v17, $0x0;
	v17 =	vld.idx.msk [tilespmem:v5+s0+$0x0], $0xffff  }
0x208: {  	[tilespmem:s20+$0xFFFFFFB0] =	vst v6;
	v6 =	vmul.f32 v8, v1;
	v8 =	vld [tilespmem:s22+$0xFFFFFC10]  }
0x209: {  	[tilespmem:s20+$0xFFFFFFC0] =	vst v7;
	v7 =	vmul.f32 v9, v1;
	v9 =	vld [tilespmem:s22+$0xFFFFFC20]  }
0x20a: {  	[tilespmem:s20+$0xFFFFFFD0] =	vst v6;
	v6 =	vmul.f32 v11, v1;
	v11 =	vld [tilespmem:s22+$0xFFFFFC30]  }
0x20b: {  	[tilespmem:s20+$0xFFFFFFE0] =	vst v7;
	v7 =	vld [tilespmem:s22+$0xFFFFFC40]  }
0x20c: {  	v5 =	vld.idx.msk [tilespmem:v15+s0+$0x0], $0xffff  }
0x20d: {  	v1 =	vmul.f32 v16, v1;
	v4 =	vld.idx.msk [tilespmem:v14+s0+$0x0], $0xffff  }
0x20e: {  	[tilespmem:s20+$0xFFFFFFF0] =	vst v6;
	v6 =	vld [tilespmem:s22+$0xFFFFFC50]  }
0x20f: {  	[tilespmem:s20+$0x0] =	vst v1;
	v1 =	vmul.f32 v8, v18;
	v3 =	vld.idx.msk [tilespmem:v3+s0+$0x0], $0xffff  }
0x210: {  	v8 =	vld [tilespmem:s22+$0xFFFFFC60];
	v9 =	vmul.f32 v9, v18  }
0x211: {  	v14 =	vld [tilespmem:s22+$0xFFFFFC70];
	[tilespmem:s22+$0xFFFFFC10] =	vst v1;
	v1 =	vmul.f32 v11, v18  }
0x212: {  	v11 =	vld [tilespmem:s22+$0xFFFFFC80];
	[tilespmem:s22+$0xFFFFFC20] =	vst v9;
	v7 =	vmul.f32 v7, v18  }
0x213: {  	v9 =	vld [tilespmem:s22+$0xFFFFFC90];
	[tilespmem:s22+$0xFFFFFC30] =	vst v1;
	v1 =	vmul.f32 v6, v18  }
0x214: {  	v6 =	vld [tilespmem:s22+$0xFFFFFCA0];
	[tilespmem:s22+$0xFFFFFC40] =	vst v7;
	v13 =	vmul.f32 v13, v3  }
0x215: {  	v7 =	vmul.f32 v8, v18;
	v8 =	vld [tilespmem:s22+$0xFFFFFCB0];
	[tilespmem:s22+$0xFFFFFC50] =	vst v1  }
0x216: {  	v1 =	vmul.f32 v14, v18;
	[tilespmem:s22+$0xFFFFFF80] =	vst v13;
	v13 =	vld [tilespmem:s22+$0xFFFFFCC0]  }
0x217: {  	[tilespmem:s22+$0xFFFFFC60] =	vst v7;
	v7 =	vmul.f32 v11, v18;
	v11 =	vld [tilespmem:s22+$0xFFFFFCD0]  }
0x218: {  	[tilespmem:s22+$0xFFFFFC70] =	vst v1;
	v1 =	vmul.f32 v9, v17;
	v9 =	vld [tilespmem:s22+$0xFFFFFCE0]  }
0x219: {  	[tilespmem:s22+$0xFFFFFC80] =	vst v7;
	v6 =	vmul.f32 v6, v17;
	v7 =	vld [tilespmem:s22+$0xFFFFFCF0]  }
0x21a: {  	[tilespmem:s22+$0xFFFFFC90] =	vst v1;
	v1 =	vmul.f32 v8, v17;
	v8 =	vld [tilespmem:s22+$0xFFFFFD00]  }
0x21b: {  	[tilespmem:s22+$0xFFFFFCA0] =	vst v6;
	v6 =	vmul.f32 v13, v17;
	v13 =	vld [tilespmem:s22+$0xFFFFFD10]  }
0x21c: {  	[tilespmem:s22+$0xFFFFFCB0] =	vst v1;
	v1 =	vmul.f32 v11, v17;
	v11 =	vld [tilespmem:s22+$0xFFFFFD20]  }
0x21d: {  	[tilespmem:s22+$0xFFFFFCC0] =	vst v6;
	v6 =	vmul.f32 v9, v17;
	v9 =	vld [tilespmem:s22+$0xFFFFFD30]  }
0x21e: {  	[tilespmem:s22+$0xFFFFFCD0] =	vst v1;
	v1 =	vmul.f32 v7, v17;
	v7 =	vld [tilespmem:s22+$0xFFFFFD40]  }
0x21f: {  	[tilespmem:s22+$0xFFFFFCE0] =	vst v6;
	v6 =	vmul.f32 v8, v17;
	v8 =	vld [tilespmem:s22+$0xFFFFFD50]  }
0x220: {  	[tilespmem:s22+$0xFFFFFCF0] =	vst v1;
	v1 =	vmul.f32 v13, v10;
	v13 =	vld [tilespmem:s22+$0xFFFFFD60]  }
0x221: {  	[tilespmem:s22+$0xFFFFFD00] =	vst v6;
	v6 =	vmul.f32 v11, v10;
	v11 =	vld [tilespmem:s22+$0xFFFFFD70]  }
0x222: {  	[tilespmem:s22+$0xFFFFFD10] =	vst v1;
	v1 =	vmul.f32 v9, v10;
	v9 =	vld [tilespmem:s22+$0xFFFFFD80]  }
0x223: {  	[tilespmem:s22+$0xFFFFFD20] =	vst v6;
	v6 =	vmul.f32 v7, v10;
	v7 =	vld [tilespmem:s22+$0xFFFFFD90]  }
0x224: {  	[tilespmem:s22+$0xFFFFFD30] =	vst v1;
	v1 =	vmul.f32 v8, v10;
	v8 =	vld [tilespmem:s22+$0xFFFFFDA0]  }
0x225: {  	[tilespmem:s22+$0xFFFFFD40] =	vst v6;
	v6 =	vmul.f32 v13, v10;
	v13 =	vld [tilespmem:s22+$0xFFFFFDB0]  }
0x226: {  	[tilespmem:s22+$0xFFFFFD50] =	vst v1;
	v1 =	vmul.f32 v11, v10;
	v11 =	vld [tilespmem:s22+$0xFFFFFDC0]  }
0x227: {  	[tilespmem:s22+$0xFFFFFD60] =	vst v6;
	v6 =	vmul.f32 v9, v10;
	v9 =	vld [tilespmem:s22+$0xFFFFFDD0]  }
0x228: {  	[tilespmem:s22+$0xFFFFFD70] =	vst v1;
	v1 =	vmul.f32 v7, v12;
	v7 =	vld [tilespmem:s22+$0xFFFFFDE0]  }
0x229: {  	[tilespmem:s22+$0xFFFFFD80] =	vst v6;
	v6 =	vmul.f32 v8, v12;
	v8 =	vld [tilespmem:s22+$0xFFFFFDF0]  }
0x22a: {  	v10 =	vld [tilespmem:s22+$0xFFFFFE00];
	[tilespmem:s22+$0xFFFFFD90] =	vst v1;
	v1 =	vmul.f32 v13, v12  }
0x22b: {  	[tilespmem:s22+$0xFFFFFDA0] =	vst v6;
	v6 =	vmul.f32 v11, v12;
	v11 =	vld [tilespmem:s22+$0xFFFFFE10]  }
0x22c: {  	[tilespmem:s22+$0xFFFFFDB0] =	vst v1;
	v1 =	vmul.f32 v9, v12;
	v9 =	vld [tilespmem:s22+$0xFFFFFE20]  }
0x22d: {  	[tilespmem:s22+$0xFFFFFDC0] =	vst v6;
	v6 =	vmul.f32 v7, v12;
	v7 =	vld [tilespmem:s22+$0xFFFFFE30]  }
0x22e: {  	[tilespmem:s22+$0xFFFFFDD0] =	vst v1;
	v1 =	vmul.f32 v8, v12;
	v8 =	vld [tilespmem:s22+$0xFFFFFE40]  }
0x22f: {  	[tilespmem:s22+$0xFFFFFDE0] =	vst v6;
	v6 =	vmul.f32 v10, v12;
	v10 =	vld [tilespmem:s22+$0xFFFFFE50]  }
0x230: {  	[tilespmem:s22+$0xFFFFFDF0] =	vst v1;
	v1 =	vmul.f32 v11, v5;
	v11 =	vld [tilespmem:s22+$0xFFFFFE60]  }
0x231: {  	[tilespmem:s22+$0xFFFFFE00] =	vst v6;
	v6 =	vmul.f32 v9, v5;
	v9 =	vld [tilespmem:s22+$0xFFFFFE70]  }
0x232: {  	[tilespmem:s22+$0xFFFFFE10] =	vst v1;
	v1 =	vmul.f32 v7, v5;
	v7 =	vld [tilespmem:s22+$0xFFFFFE80]  }
0x233: {  	[tilespmem:s22+$0xFFFFFE20] =	vst v6;
	v6 =	vmul.f32 v8, v5;
	v8 =	vld [tilespmem:s22+$0xFFFFFE90]  }
0x234: {  	[tilespmem:s22+$0xFFFFFE30] =	vst v1;
	v1 =	vmul.f32 v10, v5;
	v10 =	vld [tilespmem:s22+$0xFFFFFEA0]  }
0x235: {  	[tilespmem:s22+$0xFFFFFE40] =	vst v6;
	v6 =	vmul.f32 v11, v5;
	v11 =	vld [tilespmem:s22+$0xFFFFFEB0]  }
0x236: {  	[tilespmem:s22+$0xFFFFFE50] =	vst v1;
	v1 =	vmul.f32 v9, v5;
	v9 =	vld [tilespmem:s22+$0xFFFFFEC0]  }
0x237: {  	[tilespmem:s22+$0xFFFFFE60] =	vst v6;
	v5 =	vmul.f32 v7, v5;
	v6 =	vld [tilespmem:s22+$0xFFFFFED0]  }
0x238: {  	v7 =	vld [tilespmem:s22+$0xFFFFFEE0];
	[tilespmem:s22+$0xFFFFFE70] =	vst v1;
	v1 =	vmul.f32 v8, v4  }
0x239: {  	v8 =	vld [tilespmem:s22+$0xFFFFFEF0];
	[tilespmem:s22+$0xFFFFFE80] =	vst v5;
	v5 =	vmul.f32 v10, v4  }
0x23a: {  	v10 =	vld [tilespmem:s22+$0xFFFFFF00];
	[tilespmem:s22+$0xFFFFFE90] =	vst v1;
	v1 =	vmul.f32 v11, v4  }
0x23b: {  	[tilespmem:s22+$0xFFFFFEA0] =	vst v5;
	v5 =	vmul.f32 v9, v4;
	v9 =	vld [tilespmem:s22+$0xFFFFFF10]  }
0x23c: {  	[tilespmem:s22+$0xFFFFFEB0] =	vst v1;
	v1 =	vmul.f32 v6, v4;
	v6 =	vld [tilespmem:s22+$0xFFFFFF20]  }
0x23d: {  	[tilespmem:s22+$0xFFFFFEC0] =	vst v5;
	v5 =	vmul.f32 v7, v4;
	v7 =	vld [tilespmem:s22+$0xFFFFFF30]  }
0x23e: {  	[tilespmem:s22+$0xFFFFFED0] =	vst v1;
	v1 =	vmul.f32 v8, v4;
	v8 =	vld [tilespmem:s22+$0xFFFFFF40]  }
0x23f: {  	v4 =	vmul.f32 v10, v4;
	[tilespmem:s22+$0xFFFFFEE0] =	vst v5;
	v5 =	vld [tilespmem:s22+$0xFFFFFF50]  }
0x240: {  	[tilespmem:s22+$0xFFFFFEF0] =	vst v1;
	v1 =	vmul.f32 v9, v3;
	v9 =	vld [tilespmem:s22+$0xFFFFFF60]  }
0x241: {  	[tilespmem:s22+$0xFFFFFF00] =	vst v4;
	v4 =	vmul.f32 v6, v3;
	v6 =	vld [tilespmem:s22+$0xFFFFFF70]  }
0x242: {  	[tilespmem:s22+$0xFFFFFF10] =	vst v1;
	v1 =	vmul.f32 v7, v3;
	v7 =	vld [tilespmem:s22+$0xFFFFFF90]  }
0x243: {  	[tilespmem:s22+$0xFFFFFF20] =	vst v4;
	v4 =	vmul.f32 v8, v3;
	v8 =	vld [tilespmem:s22+$0xFFFFFFA0]  }
0x244: {  	[tilespmem:s22+$0xFFFFFF30] =	vst v1;
	v1 =	vmul.f32 v5, v3;
	v5 =	vld [tilespmem:s22+$0xFFFFFFB0]  }
0x245: {  	[tilespmem:s22+$0xFFFFFF40] =	vst v4;
	v4 =	vmul.f32 v9, v3;
	v9 =	vld [tilespmem:s22+$0xFFFFFFC0]  }
0x246: {  	[tilespmem:s22+$0xFFFFFF50] =	vst v1;
	v1 =	vmul.f32 v6, v3;
	v3 =	vld [tilespmem:s22+$0xFFFFFFD0]  }
0x247: {  	v6 =	vld [tilespmem:s22+$0xFFFFFFE0];
	[tilespmem:s22+$0xFFFFFF60] =	vst v4;
	v4 =	vmul.f32 v7, v2  }
0x248: {  	v7 =	vld [tilespmem:s22+$0xFFFFFFF0];
	[tilespmem:s22+$0xFFFFFF70] =	vst v1;
	v1 =	vmul.f32 v8, v2  }
0x249: {  	[tilespmem:s22+$0xFFFFFF90] =	vst v4;
	v4 =	vmul.f32 v5, v2;
	v5 =	vld [tilespmem:s22+$0x0]  }
0x24a: {  	[tilespmem:s22+$0xFFFFFFA0] =	vst v1;
	v1 =	vmul.f32 v9, v2  }
0x24b: {  	[tilespmem:s22+$0xFFFFFFB0] =	vst v4;
	v3 =	vmul.f32 v3, v2  }
0x24c: {  	[tilespmem:s22+$0xFFFFFFC0] =	vst v1;
	v1 =	vmul.f32 v6, v2  }
0x24d: {  	[tilespmem:s22+$0xFFFFFFD0] =	vst v3;
	v3 =	vmul.f32 v7, v2  }
0x24e: {  	[tilespmem:s22+$0xFFFFFFE0] =	vst v1;
	v1 =	vmul.f32 v5, v2  }
0x24f: {  	[tilespmem:s22+$0xFFFFFFF0] =	vst v3  }
0x250: {  	[tilespmem:s22+$0x0] =	vst v1  }
0x251: {  	[spmem:s2] =	stream.indirect.scatter.add.f32 [tilespmem:s9], [sflag:$0x7], $0x80, s30, s31, $0xb8;
	[tilespmem:$0x1BE80] =	vst v63  }
0x252: {  	s11 =	rddreg [dreg:$0x12]  }
0x253: {  	s11 =	sadd.s32 s19, s11  }
0x254: {  	_ =	swait.ge [sflag:s10], $0x4000;
	s11 =	sshll.u32 s11, $0x4  }
0x255: {  	[sflag:s10] =	ssyncset.done $0x0;
	s11 =	sand.u32 $0x1FFFFFC0, s11  }
0x256: {  	s22 =	simm.s32 $0x0;
	[sflag:s10] =	ssyncadd.s32 $0xFFFFC000;
	s12 =	sadd.s32 s5, s11  }
0x257: {  	[tilespmem:s28], [sflag:$0x1] =	stream.linear.gather [hbm4b:s12+s22], $0x80, $0x38;
	[tilespmem:$0x1BE80] =	vst v63  }
0x258: {  	s23 =	sadd.s32 s6, s11  }
0x259: {  	[tilespmem:s22], [sflag:$0x1] =	stream.linear.gather [hbm4b:s23+s22], $0x80, $0x38;
	[tilespmem:$0x1BE80] =	vst v63  }
0x25a: {  	s11 =	sadd.s32 s7, s11  }
0x25b: {  	[tilespmem:s29], [sflag:$0x1] =	stream.linear.gather [hbm4b:s11+s22], $0x80, $0x38;
	[tilespmem:$0x1BE80] =	vst v63  }
0x25c: {  	_ =	swait.ge [sflag:s26], $0x80  }
0x25d: {  	[sflag:s26] =	ssyncset.done $0x0  }
0x25e: {  	[sflag:s26] =	ssyncadd.s32 $0xFFFFFF80  }
0x25f: {  	_ =	swait.ge [sflag:s26], $0x80  }
0x260: {  	[sflag:s26] =	ssyncset.done $0x0  }
0x261: {  	v1 =	vmov s22;
	s22 =	simm.s32 $0x6;
	[sflag:s26] =	ssyncadd.s32 $0xFFFFFF80  }
0x262: {  	v1 =	vand.u32 $0xFFFFFFF8, v1;
	v2 =	vmov s22;
	_ =	swait.ge [sflag:s26], $0x80  }
0x263: {  	v1 =	vbroadcast v1, $0x0;
	v2 =	vand.u32 $0xFFFFFFFE, v2;
	[sflag:s26] =	ssyncset.done $0x0  }
0x264: {  	v2 =	vbroadcast v2, $0x0;
	[sflag:s26] =	ssyncadd.s32 $0xFFFFFF80  }
0x265: {  	[tilespmem:s9], [sflag:$0x6] =	stream.indirect.gather [hbm4b:s1+s31], $0x80, s18, s31, $0xb8;
	[tilespmem:$0x1BE80] =	vst v63  }
0x266: {  	_ =	swait.ge [sflag:s16], $0x4000  }
0x267: {  	[sflag:s16] =	ssyncset.done $0x0  }
0x268: {  	[sflag:s16] =	ssyncadd.s32 $0xFFFFC000  }
0x269: {  	v1 =	vld.idx.msk [tilespmem:v1+s14+$0x0], $0xffff  }
0x26a: {  	s20 =	simm.s32 $0x800;
	s23 =	simm.s32 $0x1;
	v2 =	vld.idx.msk [tilespmem:v2+s14+$0x0], $0xffff  }
0x26b: {  	v3 =	vmov s23;
	v4 =	vld [tilespmem:s20+$0x170]  }
0x26c: {  	v3 =	vand.u32 $0xFFFFFFF9, v3;
	v5 =	vld [tilespmem:s20+$0xFFFFFE00]  }
0x26d: {  	v3 =	vbroadcast v3, $0x0;
	v6 =	vld [tilespmem:s20+$0xFFFFFE10]  }
0x26e: {  	v7 =	vld [tilespmem:s20+$0xFFFFFE20]  }
0x26f: {  	v8 =	vld [tilespmem:s20+$0xFFFFFE30]  }
0x270: {  	v9 =	vld [tilespmem:s20+$0xFFFFFE40]  }
0x271: {  	v10 =	vld [tilespmem:s20+$0xFFFFFE50]  }
0x272: {  	v11 =	vld [tilespmem:s20+$0xFFFFFE60]  }
0x273: {  	v3 =	vld.idx.msk [tilespmem:v3+s14+$0x0], $0xffff  }
0x274: {  	v12 =	vld [tilespmem:s20+$0xFFFFFE70]  }
0x275: {  	v13 =	vld [tilespmem:s20+$0xFFFFFE80];
	v5 =	vmul.f32 v5, v1  }
0x276: {  	v14 =	vld [tilespmem:s20+$0xFFFFFE90];
	v4 =	vmul.f32 v4, v2  }
0x277: {  	v15 =	vld [tilespmem:s20+$0xFFFFFEA0];
	v6 =	vmul.f32 v6, v1;
	[tilespmem:s20+$0xFFFFFE00] =	vst v5  }
0x278: {  	s12 =	simm.s32 $0x2;
	v16 =	vld [tilespmem:s20+$0xFFFFFEB0];
	v8 =	vmul.f32 v8, v1;
	[tilespmem:s20+$0x170] =	vst v4  }
0x279: {  	v9 =	vmul.f32 v9, v1;
	v5 =	vmov s12;
	v4 =	vmul.f32 v7, v1;
	v7 =	vld [tilespmem:s20+$0xFFFFFEC0];
	[tilespmem:s20+$0xFFFFFE10] =	vst v6  }
0x27a: {  	v6 =	vmul.f32 v13, v3;
	v13 =	vld [tilespmem:s20+$0xFFFFFED0];
	[tilespmem:s20+$0xFFFFFE30] =	vst v8;
	v5 =	vand.u32 $0xFFFFFFFA, v5  }
0x27b: {  	v8 =	vmul.f32 v10, v1;
	v10 =	vld [tilespmem:s20+$0xFFFFFEF0];
	[tilespmem:s20+$0xFFFFFE40] =	vst v9;
	v5 =	vbroadcast v5, $0x0  }
0x27c: {  	v9 =	vmul.f32 v11, v1;
	v11 =	vld [tilespmem:s20+$0xFFFFFF00];
	[tilespmem:s20+$0xFFFFFE20] =	vst v4  }
0x27d: {  	v1 =	vmul.f32 v12, v1;
	v12 =	vld [tilespmem:s20+$0xFFFFFF20];
	[tilespmem:s20+$0xFFFFFE80] =	vst v6  }
0x27e: {  	s22 =	simm.s32 $0x3;
	v4 =	vld [tilespmem:s20+$0xFFFFFEE0];
	[tilespmem:s20+$0xFFFFFE50] =	vst v8  }
0x27f: {  	v6 =	vmov s22;
	v8 =	vld [tilespmem:s20+$0xFFFFFF10];
	[tilespmem:s20+$0xFFFFFE60] =	vst v9;
	v9 =	vmul.f32 v14, v3  }
0x280: {  	[tilespmem:s20+$0xFFFFFE70] =	vst v1;
	v1 =	vmul.f32 v15, v3;
	v14 =	vld [tilespmem:s20+$0xFFFFFF30];
	v6 =	vand.u32 $0xFFFFFFFB, v6  }
0x281: {  	v6 =	vbroadcast v6, $0x0;
	[tilespmem:s20+$0xFFFFFE90] =	vst v9;
	v9 =	vmul.f32 v16, v3;
	v5 =	vld.idx.msk [tilespmem:v5+s14+$0x0], $0xffff  }
0x282: {  	v15 =	vld [tilespmem:s20+$0xFFFFFF40];
	[tilespmem:s20+$0xFFFFFEA0] =	vst v1;
	v7 =	vmul.f32 v7, v3  }
0x283: {  	v13 =	vmul.f32 v13, v3;
	[tilespmem:s20+$0xFFFFFEB0] =	vst v9;
	v9 =	vld [tilespmem:s20+$0xFFFFFF60]  }
0x284: {  	[tilespmem:s20+$0xFFFFFEC0] =	vst v7;
	v4 =	vmul.f32 v4, v3;
	v7 =	vld [tilespmem:s20+$0xFFFFFF70]  }
0x285: {  	[tilespmem:s20+$0xFFFFFED0] =	vst v13;
	v3 =	vmul.f32 v10, v3;
	v10 =	vld [tilespmem:s20+$0xFFFFFF80]  }
0x286: {  	v13 =	vld [tilespmem:s20+$0xFFFFFFB0];
	[tilespmem:s20+$0xFFFFFEE0] =	vst v4;
	v1 =	vmul.f32 v11, v5  }
0x287: {  	[tilespmem:s20+$0xFFFFFEF0] =	vst v3;
	v6 =	vld.idx.msk [tilespmem:v6+s14+$0x0], $0xffff;
	v4 =	vmul.f32 v8, v5  }
0x288: {  	s23 =	simm.s32 $0x4;
	v11 =	vld [tilespmem:s20+$0xFFFFFF50];
	v3 =	vmul.f32 v12, v5;
	[tilespmem:s20+$0xFFFFFF00] =	vst v1  }
0x289: {  	v8 =	vld [tilespmem:s20+$0xFFFFFF90];
	v9 =	vmul.f32 v9, v5;
	v1 =	vmov s23;
	[tilespmem:s20+$0xFFFFFF10] =	vst v4  }
0x28a: {  	v12 =	vld [tilespmem:s20+$0xFFFFFFA0];
	v4 =	vmul.f32 v14, v5;
	[tilespmem:s20+$0xFFFFFF20] =	vst v3;
	v1 =	vand.u32 $0xFFFFFFFC, v1  }
0x28b: {  	v3 =	vmul.f32 v15, v5;
	v14 =	vld [tilespmem:s20+$0xFFFFFFC0];
	[tilespmem:s20+$0xFFFFFF60] =	vst v9;
	v1 =	vbroadcast v1, $0x0  }
0x28c: {  	v9 =	vld [tilespmem:s20+$0x0];
	[tilespmem:s20+$0xFFFFFF30] =	vst v4;
	v4 =	vmul.f32 v10, v6  }
0x28d: {  	s12 =	simm.s32 $0x5;
	v10 =	vld [tilespmem:s20+$0xFFFFFFD0];
	[tilespmem:s20+$0xFFFFFF40] =	vst v3;
	v11 =	vmul.f32 v11, v5  }
0x28e: {  	v3 =	vld [tilespmem:s20+$0xFFFFFFE0];
	v5 =	vmul.f32 v7, v5;
	[tilespmem:s20+$0xFFFFFF80] =	vst v4;
	v4 =	vmov s12  }
0x28f: {  	v7 =	vld [tilespmem:s20+$0xFFFFFFF0];
	v8 =	vmul.f32 v8, v6;
	[tilespmem:s20+$0xFFFFFF50] =	vst v11;
	v4 =	vand.u32 $0xFFFFFFFD, v4  }
0x290: {  	[tilespmem:s20+$0xFFFFFF70] =	vst v5;
	v5 =	vmul.f32 v12, v6;
	v11 =	vld [tilespmem:s20+$0x10];
	v4 =	vbroadcast v4, $0x0  }
0x291: {  	[tilespmem:s20+$0xFFFFFF90] =	vst v8;
	v8 =	vmul.f32 v13, v6;
	v1 =	vld.idx.msk [tilespmem:v1+s14+$0x0], $0xffff  }
0x292: {  	v12 =	vld [tilespmem:s20+$0x20];
	[tilespmem:s20+$0xFFFFFFA0] =	vst v5;
	v5 =	vmul.f32 v14, v6  }
0x293: {  	v13 =	vld [tilespmem:s20+$0x30];
	[tilespmem:s20+$0xFFFFFFB0] =	vst v8;
	v8 =	vmul.f32 v10, v6  }
0x294: {  	v10 =	vld [tilespmem:s20+$0x40];
	v3 =	vmul.f32 v3, v6;
	[tilespmem:s20+$0xFFFFFFC0] =	vst v5  }
0x295: {  	v6 =	vmul.f32 v7, v6;
	[tilespmem:s20+$0xFFFFFFD0] =	vst v8;
	v8 =	vld [tilespmem:s20+$0x60]  }
0x296: {  	[tilespmem:s20+$0xFFFFFFE0] =	vst v3;
	v4 =	vld.idx.msk [tilespmem:v4+s14+$0x0], $0xffff;
	v5 =	vmul.f32 v9, v1  }
0x297: {  	[tilespmem:s20+$0xFFFFFFF0] =	vst v6;
	v9 =	vld [tilespmem:s20+$0x50];
	v6 =	vmul.f32 v12, v1  }
0x298: {  	v3 =	vmul.f32 v11, v1;
	v11 =	vld [tilespmem:s20+$0x90];
	[tilespmem:s20+$0x0] =	vst v5  }
0x299: {  	v7 =	vld [tilespmem:s20+$0x80];
	[tilespmem:s20+$0x20] =	vst v6;
	v6 =	vmul.f32 v10, v1  }
0x29a: {  	v5 =	vld [tilespmem:s20+$0x70];
	[tilespmem:s20+$0x10] =	vst v3;
	v3 =	vmul.f32 v13, v1  }
0x29b: {  	v10 =	vld [tilespmem:s20+$0xA0];
	[tilespmem:s20+$0x40] =	vst v6;
	v6 =	vmul.f32 v8, v1  }
0x29c: {  	[tilespmem:s20+$0x30] =	vst v3;
	v8 =	vld [tilespmem:s20+$0xC0];
	v3 =	vmul.f32 v9, v1  }
0x29d: {  	v9 =	vld [tilespmem:s20+$0xB0];
	v11 =	vmul.f32 v11, v4;
	[tilespmem:s20+$0x60] =	vst v6  }
0x29e: {  	s22 =	simm.s32 $0x7;
	v6 =	vld [tilespmem:s20+$0xE0];
	[tilespmem:s20+$0x50] =	vst v3;
	v3 =	vmul.f32 v7, v4  }
0x29f: {  	v12 =	vmov s22;
	v7 =	vld [tilespmem:s20+$0xD0];
	v5 =	vmul.f32 v5, v1;
	[tilespmem:s20+$0x90] =	vst v11  }
0x2a0: {  	v11 =	vld [tilespmem:s20+$0x150];
	[tilespmem:s20+$0x80] =	vst v3  }
0x2a1: {  	[tilespmem:s20+$0x70] =	vst v5;
	v3 =	vmul.f32 v10, v4;
	v5 =	vld [tilespmem:s20+$0xF0]  }
0x2a2: {  	v10 =	vld [tilespmem:s20+$0x100];
	v9 =	vmul.f32 v9, v4  }
0x2a3: {  	[tilespmem:s20+$0xA0] =	vst v3;
	v3 =	vmul.f32 v8, v4;
	v8 =	vld [tilespmem:s20+$0x110]  }
0x2a4: {  	v1 =	vld.idx.msk [tilespmem:v12+s14+$0x0], $0xffff;
	[tilespmem:s20+$0xB0] =	vst v9;
	v7 =	vmul.f32 v7, v4  }
0x2a5: {  	v9 =	vld [tilespmem:s20+$0x120];
	v11 =	vmul.f32 v11, v2;
	[tilespmem:s20+$0xC0] =	vst v3  }
0x2a6: {  	s22 =	simm.s32 $0x9;
	v3 =	vmul.f32 v6, v4;
	v6 =	vld [tilespmem:s20+$0x130];
	[tilespmem:s20+$0xD0] =	vst v7;
	v4 =	vmul.f32 v5, v4  }
0x2a7: {  	s23 =	simm.s32 $0x8;
	v12 =	vmov s22;
	v5 =	vld [tilespmem:s20+$0x140];
	[tilespmem:s20+$0x150] =	vst v11  }
0x2a8: {  	s12 =	simm.s32 $0xF;
	s22 =	simm.s32 $0xC;
	v7 =	vmov s23;
	v10 =	vmul.f32 v10, v2;
	[tilespmem:s20+$0xF0] =	vst v4;
	v4 =	vmul.f32 v8, v2;
	v8 =	vld [tilespmem:s20+$0x160]  }
0x2a9: {  	v14 =	vld [tilespmem:s20+$0x180];
	v15 =	vmov s22;
	s23 =	simm.s32 $0xA;
	[tilespmem:s20+$0xE0] =	vst v3;
	v7 =	vand.u32 $0xFFFFFFF8, v7;
	v3 =	vmov s12;
	s12 =	simm.s32 $0xB  }
0x2aa: {  	v17 =	vld [tilespmem:s20+$0x190];
	v13 =	vmov s23;
	s23 =	simm.s32 $0xD;
	[tilespmem:s20+$0x100] =	vst v10;
	v10 =	vmov s12;
	v9 =	vmul.f32 v9, v2  }
0x2ab: {  	v63 =	vmov s23;
	[tilespmem:s20+$0x110] =	vst v4;
	v16 =	vmul.f32 v6, v2;
	v4 =	vbroadcast v7, $0x0;
	v6 =	vld [tilespmem:s20+$0x1A0]  }
0x2ac: {  	v7 =	vld [tilespmem:s20+$0x1B0];
	[tilespmem:s20+$0x120] =	vst v9;
	v9 =	vmul.f32 v5, v2;
	v5 =	vand.u32 $0xFFFFFFF9, v12;
	v12 =	vand.u32 $0xFFFFFFFA, v13  }
0x2ad: {  	v13 =	vand.u32 $0xFFFFFFFB, v10;
	[tilespmem:s20+$0x130] =	vst v16;
	v5 =	vbroadcast v5, $0x0;
	v16 =	vmul.f32 v8, v2;
	v8 =	vld [tilespmem:s20+$0x1C0]  }
0x2ae: {  	v10 =	vbroadcast v12, $0x0;
	[tilespmem:s20+$0x140] =	vst v9;
	v2 =	vand.u32 $0xFFFFFFFC, v15;
	v15 =	vmul.f32 v14, v1;
	v9 =	vld [tilespmem:s20+$0x1D0]  }
0x2af: {  	s22 =	simm.s32 $0x10;
	v11 =	vld [tilespmem:s20+$0x1E0];
	s23 =	simm.s32 $0xE;
	v12 =	vbroadcast v13, $0x0;
	v13 =	vmul.f32 v17, v1;
	v14 =	vand.u32 $0xFFFFFFFD, v63;
	[tilespmem:s20+$0x160] =	vst v16  }
.LBB2_9:
0x2b0: {  	p1 =	slt.u32 s22, $0x78;
	v2 =	vbroadcast v2, $0x0;
	v16 =	vmov s23;
	[tilespmem:s20+$0x180] =	vst v15;
	v6 =	vmul.f32 v6, v1;
	v15 =	vld [tilespmem:s20+$0x1F0]  }
0x2b1: {  	v14 =	vbroadcast v14, $0x0;
	v16 =	vand.u32 $0xFFFFFFFE, v16;
	v17 =	vld.idx.msk [tilespmem:v3+s14+$0x0], $0xffff;
	[tilespmem:s20+$0x190] =	vst v13;
	v3 =	vmul.f32 v7, v1  }
0x2b2: {  	v7 =	vld.idx.msk [tilespmem:v4+s14+$0x0], $0xffff;
	v13 =	vbroadcast v16, $0x0;
	[tilespmem:s20+$0x1A0] =	vst v6;
	v4 =	vmul.f32 v8, v1  }
0x2b3: {  	v6 =	vld.idx.msk [tilespmem:v5+s14+$0x0], $0xffff;
	[tilespmem:s20+$0x1B0] =	vst v3;
	v3 =	vmul.f32 v9, v1  }
0x2b4: {  	v8 =	vld.idx.msk [tilespmem:v10+s14+$0x0], $0xffff;
	[tilespmem:s20+$0x1C0] =	vst v4;
	v9 =	vmul.f32 v11, v1  }
0x2b5: {  	v5 =	vld.idx.msk [tilespmem:v12+s14+$0x0], $0xffff;
	[tilespmem:s20+$0x1D0] =	vst v3;
	v10 =	vmul.f32 v15, v1  }
0x2b6: {  	v4 =	vld.idx.msk [tilespmem:v2+s14+$0x0], $0xffff;
	[tilespmem:s20+$0x1E0] =	vst v9  }
0x2b7: {  	v1 =	vmov v17;
	v3 =	vld.idx.msk [tilespmem:v14+s14+$0x0], $0xffff;
	[tilespmem:s20+$0x1F0] =	vst v10  }
0x2b8: {  	s20 =	sadd.s32 $0x400, s20;
	v2 =	vld.idx.msk [tilespmem:v13+s14+$0x0], $0xffff  }
0x2b9: {  	v9 =	vld [tilespmem:s20+$0x170]  }
0x2ba: {  	v10 =	vld [tilespmem:s20+$0xFFFFFE00]  }
0x2bb: {  	v11 =	vld [tilespmem:s20+$0xFFFFFE10]  }
0x2bc: {  	v12 =	vld [tilespmem:s20+$0xFFFFFE20]  }
0x2bd: {  	v13 =	vld [tilespmem:s20+$0xFFFFFE30]  }
0x2be: {  	v14 =	vld [tilespmem:s20+$0xFFFFFE40];
	v9 =	vmul.f32 v9, v2  }
0x2bf: {  	v10 =	vmul.f32 v10, v7;
	v15 =	vld [tilespmem:s20+$0xFFFFFE50]  }
0x2c0: {  	v11 =	vmul.f32 v11, v7;
	v16 =	vld [tilespmem:s20+$0xFFFFFE60];
	[tilespmem:s20+$0x170] =	vst v9  }
0x2c1: {  	[tilespmem:s20+$0xFFFFFE00] =	vst v10;
	v9 =	vmul.f32 v12, v7;
	v10 =	vld [tilespmem:s20+$0xFFFFFE70]  }
0x2c2: {  	[tilespmem:s20+$0xFFFFFE10] =	vst v11;
	v11 =	vmul.f32 v13, v7;
	v12 =	vld [tilespmem:s20+$0xFFFFFE80]  }
0x2c3: {  	[tilespmem:s20+$0xFFFFFE20] =	vst v9;
	v9 =	vmul.f32 v14, v7;
	v13 =	vld [tilespmem:s20+$0xFFFFFE90]  }
0x2c4: {  	[tilespmem:s20+$0xFFFFFE30] =	vst v11;
	v11 =	vmul.f32 v15, v7;
	v14 =	vld [tilespmem:s20+$0xFFFFFEA0]  }
0x2c5: {  	[tilespmem:s20+$0xFFFFFE40] =	vst v9;
	v9 =	vmul.f32 v16, v7;
	v15 =	vld [tilespmem:s20+$0xFFFFFEB0]  }
0x2c6: {  	[tilespmem:s20+$0xFFFFFE50] =	vst v11;
	v7 =	vmul.f32 v10, v7;
	v10 =	vld [tilespmem:s20+$0xFFFFFEC0]  }
0x2c7: {  	[tilespmem:s20+$0xFFFFFE60] =	vst v9;
	v9 =	vmul.f32 v12, v6;
	v11 =	vld [tilespmem:s20+$0xFFFFFED0]  }
0x2c8: {  	[tilespmem:s20+$0xFFFFFE70] =	vst v7;
	v7 =	vmul.f32 v13, v6;
	v12 =	vld [tilespmem:s20+$0xFFFFFEE0]  }
0x2c9: {  	[tilespmem:s20+$0xFFFFFE80] =	vst v9;
	v9 =	vmul.f32 v14, v6;
	v13 =	vld [tilespmem:s20+$0xFFFFFEF0]  }
0x2ca: {  	[tilespmem:s20+$0xFFFFFE90] =	vst v7;
	v7 =	vmul.f32 v15, v6;
	v14 =	vld [tilespmem:s20+$0xFFFFFF00]  }
0x2cb: {  	[tilespmem:s20+$0xFFFFFEA0] =	vst v9;
	v9 =	vmul.f32 v10, v6;
	v10 =	vld [tilespmem:s20+$0xFFFFFF10]  }
0x2cc: {  	[tilespmem:s20+$0xFFFFFEB0] =	vst v7;
	v7 =	vmul.f32 v11, v6;
	v11 =	vld [tilespmem:s20+$0xFFFFFF20]  }
0x2cd: {  	[tilespmem:s20+$0xFFFFFEC0] =	vst v9;
	v9 =	vmul.f32 v12, v6;
	v12 =	vld [tilespmem:s20+$0xFFFFFF30]  }
0x2ce: {  	[tilespmem:s20+$0xFFFFFED0] =	vst v7;
	v6 =	vmul.f32 v13, v6;
	v7 =	vld [tilespmem:s20+$0xFFFFFF40]  }
0x2cf: {  	[tilespmem:s20+$0xFFFFFEE0] =	vst v9;
	v9 =	vmul.f32 v14, v8;
	v13 =	vld [tilespmem:s20+$0xFFFFFF50]  }
0x2d0: {  	[tilespmem:s20+$0xFFFFFEF0] =	vst v6;
	v6 =	vmul.f32 v10, v8;
	v10 =	vld [tilespmem:s20+$0xFFFFFF60]  }
0x2d1: {  	[tilespmem:s20+$0xFFFFFF00] =	vst v9;
	v9 =	vmul.f32 v11, v8;
	v11 =	vld [tilespmem:s20+$0xFFFFFF70]  }
0x2d2: {  	[tilespmem:s20+$0xFFFFFF10] =	vst v6;
	v6 =	vmul.f32 v12, v8;
	v12 =	vld [tilespmem:s20+$0xFFFFFF80]  }
0x2d3: {  	[tilespmem:s20+$0xFFFFFF20] =	vst v9;
	v7 =	vmul.f32 v7, v8;
	v9 =	vld [tilespmem:s20+$0xFFFFFF90]  }
0x2d4: {  	[tilespmem:s20+$0xFFFFFF30] =	vst v6;
	v6 =	vmul.f32 v13, v8;
	v13 =	vld [tilespmem:s20+$0xFFFFFFA0]  }
0x2d5: {  	[tilespmem:s20+$0xFFFFFF40] =	vst v7;
	v7 =	vmul.f32 v10, v8;
	v10 =	vld [tilespmem:s20+$0xFFFFFFB0]  }
0x2d6: {  	[tilespmem:s20+$0xFFFFFF50] =	vst v6;
	v6 =	vmul.f32 v11, v8;
	v8 =	vld [tilespmem:s20+$0xFFFFFFC0]  }
0x2d7: {  	[tilespmem:s20+$0xFFFFFF60] =	vst v7;
	v7 =	vmul.f32 v12, v5;
	v11 =	vld [tilespmem:s20+$0xFFFFFFD0]  }
0x2d8: {  	[tilespmem:s20+$0xFFFFFF70] =	vst v6;
	v6 =	vmul.f32 v9, v5;
	v9 =	vld [tilespmem:s20+$0xFFFFFFE0]  }
0x2d9: {  	[tilespmem:s20+$0xFFFFFF80] =	vst v7;
	v7 =	vmul.f32 v13, v5;
	v12 =	vld [tilespmem:s20+$0xFFFFFFF0]  }
0x2da: {  	[tilespmem:s20+$0xFFFFFF90] =	vst v6;
	v6 =	vmul.f32 v10, v5;
	v10 =	vld [tilespmem:s20+$0x0]  }
0x2db: {  	[tilespmem:s20+$0xFFFFFFA0] =	vst v7;
	v7 =	vmul.f32 v8, v5;
	v8 =	vld [tilespmem:s20+$0x10]  }
0x2dc: {  	[tilespmem:s20+$0xFFFFFFB0] =	vst v6;
	v6 =	vmul.f32 v11, v5;
	v11 =	vld [tilespmem:s20+$0x20]  }
0x2dd: {  	[tilespmem:s20+$0xFFFFFFC0] =	vst v7;
	v7 =	vmul.f32 v9, v5;
	v9 =	vld [tilespmem:s20+$0x30]  }
0x2de: {  	[tilespmem:s20+$0xFFFFFFD0] =	vst v6;
	v5 =	vmul.f32 v12, v5;
	v6 =	vld [tilespmem:s20+$0x40]  }
0x2df: {  	[tilespmem:s20+$0xFFFFFFE0] =	vst v7;
	v7 =	vmul.f32 v10, v4;
	v10 =	vld [tilespmem:s20+$0x50]  }
0x2e0: {  	[tilespmem:s20+$0xFFFFFFF0] =	vst v5;
	v5 =	vmul.f32 v8, v4;
	v8 =	vld [tilespmem:s20+$0x60]  }
0x2e1: {  	[tilespmem:s20+$0x0] =	vst v7;
	v7 =	vmul.f32 v11, v4;
	v11 =	vld [tilespmem:s20+$0x70]  }
0x2e2: {  	[tilespmem:s20+$0x10] =	vst v5;
	v5 =	vmul.f32 v9, v4;
	v9 =	vld [tilespmem:s20+$0x80]  }
0x2e3: {  	[tilespmem:s20+$0x20] =	vst v7;
	v6 =	vmul.f32 v6, v4;
	v7 =	vld [tilespmem:s20+$0x90]  }
0x2e4: {  	[tilespmem:s20+$0x30] =	vst v5;
	v5 =	vmul.f32 v10, v4;
	v10 =	vld [tilespmem:s20+$0xA0]  }
0x2e5: {  	[tilespmem:s20+$0x40] =	vst v6;
	v6 =	vmul.f32 v8, v4;
	v8 =	vld [tilespmem:s20+$0xB0]  }
0x2e6: {  	[tilespmem:s20+$0x50] =	vst v5;
	v4 =	vmul.f32 v11, v4;
	v5 =	vld [tilespmem:s20+$0xC0]  }
0x2e7: {  	[tilespmem:s20+$0x60] =	vst v6;
	v6 =	vmul.f32 v9, v3;
	v9 =	vld [tilespmem:s20+$0xD0]  }
0x2e8: {  	[tilespmem:s20+$0x70] =	vst v4;
	v4 =	vmul.f32 v7, v3;
	v7 =	vld [tilespmem:s20+$0xE0]  }
0x2e9: {  	[tilespmem:s20+$0x80] =	vst v6;
	v6 =	vmul.f32 v10, v3;
	v10 =	vld [tilespmem:s20+$0xF0]  }
0x2ea: {  	[tilespmem:s20+$0x90] =	vst v4;
	v4 =	vmul.f32 v8, v3;
	v8 =	vld [tilespmem:s20+$0x100]  }
0x2eb: {  	[tilespmem:s20+$0xA0] =	vst v6;
	v5 =	vmul.f32 v5, v3;
	v6 =	vld [tilespmem:s20+$0x110]  }
0x2ec: {  	[tilespmem:s20+$0xB0] =	vst v4;
	v4 =	vmul.f32 v9, v3;
	v9 =	vld [tilespmem:s20+$0x120]  }
0x2ed: {  	[tilespmem:s20+$0xC0] =	vst v5;
	v5 =	vmul.f32 v7, v3;
	v7 =	vld [tilespmem:s20+$0x130]  }
0x2ee: {  	[tilespmem:s20+$0xD0] =	vst v4;
	v4 =	vmul.f32 v10, v3;
	v10 =	vld [tilespmem:s20+$0x140]  }
0x2ef: {  	s11 =	sadd.s32 $0x7, s22;
	v3 =	vmov s22;
	[tilespmem:s20+$0xE0] =	vst v5;
	v5 =	vmul.f32 v8, v2;
	v8 =	vld [tilespmem:s20+$0x150]  }
0x2f0: {  	s12 =	sadd.s32 $0x1, s22;
	s23 =	sadd.s32 $0x2, s22;
	v11 =	vand.u32 $0xFFFFFFF8, v3;
	v3 =	vmov s11;
	[tilespmem:s20+$0xF0] =	vst v4;
	v4 =	vmul.f32 v6, v2;
	v12 =	vld [tilespmem:s20+$0x160]  }
0x2f1: {  	v14 =	vmov s23;
	v13 =	vmov s12;
	s12 =	sadd.s32 $0x4, s22;
	s11 =	sadd.s32 $0x3, s22;
	[tilespmem:s20+$0x100] =	vst v5;
	v5 =	vmul.f32 v9, v2;
	v9 =	vld [tilespmem:s20+$0x180]  }
0x2f2: {  	v16 =	vmov s12;
	v15 =	vmov s11;
	s11 =	sadd.s32 $0x5, s22;
	[tilespmem:s20+$0x110] =	vst v4;
	v7 =	vmul.f32 v7, v2;
	v17 =	vld [tilespmem:s20+$0x190]  }
.Ltmp3:
0x2f3: {  	v4 =	vbroadcast v11, $0x0;
	v11 =	vmov s11;
	[tilespmem:s20+$0x120] =	vst v5;
	v10 =	vmul.f32 v10, v2;
	v6 =	vld [tilespmem:s20+$0x1A0];
	(pc) =	sbr.rel @p1 .LBB2_9-.Ltmp3, $4  }
0x2f4: {  	v5 =	vand.u32 $0xFFFFFFF9, v13;
	v13 =	vand.u32 $0xFFFFFFFA, v14;
	[tilespmem:s20+$0x130] =	vst v7;
	v14 =	vmul.f32 v8, v2;
	v7 =	vld [tilespmem:s20+$0x1B0]  }
0x2f5: {  	v18 =	vand.u32 $0xFFFFFFFB, v15;
	v5 =	vbroadcast v5, $0x0;
	[tilespmem:s20+$0x140] =	vst v10;
	v19 =	vmul.f32 v12, v2;
	v8 =	vld [tilespmem:s20+$0x1C0]  }
0x2f6: {  	v10 =	vbroadcast v13, $0x0;
	v2 =	vand.u32 $0xFFFFFFFC, v16;
	[tilespmem:s20+$0x150] =	vst v14;
	v15 =	vmul.f32 v9, v1;
	v9 =	vld [tilespmem:s20+$0x1D0]  }
0x2f7: {  	s23 =	sadd.s32 $0x6, s22;
	s22 =	sadd.s32 $0x8, s22;
	v12 =	vbroadcast v18, $0x0;
	v14 =	vand.u32 $0xFFFFFFFD, v11;
	[tilespmem:s20+$0x160] =	vst v19;
	v13 =	vmul.f32 v17, v1;
	v11 =	vld [tilespmem:s20+$0x1E0]  }
0x2f8: {  	_ =	sdelay $0x2  }
0x2f9: {  	v16 =	vld [tilespmem:s20+$0x1F0]  }
0x2fa: {  	v18 =	vld.idx.msk [tilespmem:v4+s14+$0x0], $0xffff  }
0x2fb: {  	[tilespmem:s20+$0x180] =	vst v15;
	v15 =	vbroadcast v2, $0x0;
	v2 =	vmov s23;
	v10 =	vld.idx.msk [tilespmem:v10+s14+$0x0], $0xffff  }
0x2fc: {  	v17 =	vand.u32 $0xFFFFFFFE, v2;
	v2 =	vld.idx.msk [tilespmem:v3+s14+$0x0], $0xffff  }
0x2fd: {  	s22 =	sadd.s32 $0x400, s20;
	v12 =	vld.idx.msk [tilespmem:v12+s14+$0x0], $0xffff  }
0x2fe: {  	v14 =	vbroadcast v14, $0x0;
	v6 =	vmul.f32 v6, v1;
	[tilespmem:s20+$0x190] =	vst v13;
	v13 =	vld [tilespmem:s22+$0x170]  }
0x2ff: {  	v7 =	vmul.f32 v7, v1;
	v3 =	vbroadcast v17, $0x0;
	v17 =	vld.idx.msk [tilespmem:v5+s14+$0x0], $0xffff  }
0x300: {  	[tilespmem:s20+$0x1A0] =	vst v6;
	v6 =	vmul.f32 v8, v1;
	v8 =	vld [tilespmem:s22+$0xFFFFFE00]  }
0x301: {  	[tilespmem:s20+$0x1B0] =	vst v7;
	v7 =	vmul.f32 v9, v1;
	v9 =	vld [tilespmem:s22+$0xFFFFFE10]  }
0x302: {  	[tilespmem:s20+$0x1C0] =	vst v6;
	v6 =	vmul.f32 v11, v1;
	v11 =	vld [tilespmem:s22+$0xFFFFFE20]  }
0x303: {  	[tilespmem:s20+$0x1D0] =	vst v7;
	v7 =	vld [tilespmem:s22+$0xFFFFFE30]  }
0x304: {  	v5 =	vld.idx.msk [tilespmem:v15+s14+$0x0], $0xffff  }
0x305: {  	v1 =	vmul.f32 v16, v1;
	v4 =	vld.idx.msk [tilespmem:v14+s14+$0x0], $0xffff  }
0x306: {  	[tilespmem:s20+$0x1E0] =	vst v6;
	v6 =	vld [tilespmem:s22+$0xFFFFFE40]  }
0x307: {  	[tilespmem:s20+$0x1F0] =	vst v1;
	v1 =	vmul.f32 v8, v18;
	v3 =	vld.idx.msk [tilespmem:v3+s14+$0x0], $0xffff  }
0x308: {  	v8 =	vld [tilespmem:s22+$0xFFFFFE50];
	v9 =	vmul.f32 v9, v18  }
0x309: {  	v14 =	vld [tilespmem:s22+$0xFFFFFE60];
	[tilespmem:s22+$0xFFFFFE00] =	vst v1;
	v1 =	vmul.f32 v11, v18  }
0x30a: {  	v11 =	vld [tilespmem:s22+$0xFFFFFE70];
	[tilespmem:s22+$0xFFFFFE10] =	vst v9;
	v7 =	vmul.f32 v7, v18  }
0x30b: {  	v9 =	vld [tilespmem:s22+$0xFFFFFE80];
	[tilespmem:s22+$0xFFFFFE20] =	vst v1;
	v1 =	vmul.f32 v6, v18  }
0x30c: {  	v6 =	vld [tilespmem:s22+$0xFFFFFE90];
	[tilespmem:s22+$0xFFFFFE30] =	vst v7;
	v13 =	vmul.f32 v13, v3  }
0x30d: {  	v7 =	vmul.f32 v8, v18;
	v8 =	vld [tilespmem:s22+$0xFFFFFEA0];
	[tilespmem:s22+$0xFFFFFE40] =	vst v1  }
0x30e: {  	v1 =	vmul.f32 v14, v18;
	[tilespmem:s22+$0x170] =	vst v13;
	v13 =	vld [tilespmem:s22+$0xFFFFFEB0]  }
0x30f: {  	[tilespmem:s22+$0xFFFFFE50] =	vst v7;
	v7 =	vmul.f32 v11, v18;
	v11 =	vld [tilespmem:s22+$0xFFFFFEC0]  }
0x310: {  	[tilespmem:s22+$0xFFFFFE60] =	vst v1;
	v1 =	vmul.f32 v9, v17;
	v9 =	vld [tilespmem:s22+$0xFFFFFED0]  }
0x311: {  	[tilespmem:s22+$0xFFFFFE70] =	vst v7;
	v6 =	vmul.f32 v6, v17;
	v7 =	vld [tilespmem:s22+$0xFFFFFEE0]  }
0x312: {  	[tilespmem:s22+$0xFFFFFE80] =	vst v1;
	v1 =	vmul.f32 v8, v17;
	v8 =	vld [tilespmem:s22+$0xFFFFFEF0]  }
0x313: {  	[tilespmem:s22+$0xFFFFFE90] =	vst v6;
	v6 =	vmul.f32 v13, v17;
	v13 =	vld [tilespmem:s22+$0xFFFFFF00]  }
0x314: {  	[tilespmem:s22+$0xFFFFFEA0] =	vst v1;
	v1 =	vmul.f32 v11, v17;
	v11 =	vld [tilespmem:s22+$0xFFFFFF10]  }
0x315: {  	[tilespmem:s22+$0xFFFFFEB0] =	vst v6;
	v6 =	vmul.f32 v9, v17;
	v9 =	vld [tilespmem:s22+$0xFFFFFF20]  }
0x316: {  	[tilespmem:s22+$0xFFFFFEC0] =	vst v1;
	v1 =	vmul.f32 v7, v17;
	v7 =	vld [tilespmem:s22+$0xFFFFFF30]  }
0x317: {  	[tilespmem:s22+$0xFFFFFED0] =	vst v6;
	v6 =	vmul.f32 v8, v17;
	v8 =	vld [tilespmem:s22+$0xFFFFFF40]  }
0x318: {  	[tilespmem:s22+$0xFFFFFEE0] =	vst v1;
	v1 =	vmul.f32 v13, v10;
	v13 =	vld [tilespmem:s22+$0xFFFFFF50]  }
0x319: {  	[tilespmem:s22+$0xFFFFFEF0] =	vst v6;
	v6 =	vmul.f32 v11, v10;
	v11 =	vld [tilespmem:s22+$0xFFFFFF60]  }
0x31a: {  	[tilespmem:s22+$0xFFFFFF00] =	vst v1;
	v1 =	vmul.f32 v9, v10;
	v9 =	vld [tilespmem:s22+$0xFFFFFF70]  }
0x31b: {  	[tilespmem:s22+$0xFFFFFF10] =	vst v6;
	v6 =	vmul.f32 v7, v10;
	v7 =	vld [tilespmem:s22+$0xFFFFFF80]  }
0x31c: {  	[tilespmem:s22+$0xFFFFFF20] =	vst v1;
	v1 =	vmul.f32 v8, v10;
	v8 =	vld [tilespmem:s22+$0xFFFFFF90]  }
0x31d: {  	[tilespmem:s22+$0xFFFFFF30] =	vst v6;
	v6 =	vmul.f32 v13, v10;
	v13 =	vld [tilespmem:s22+$0xFFFFFFA0]  }
0x31e: {  	[tilespmem:s22+$0xFFFFFF40] =	vst v1;
	v1 =	vmul.f32 v11, v10;
	v11 =	vld [tilespmem:s22+$0xFFFFFFB0]  }
0x31f: {  	[tilespmem:s22+$0xFFFFFF50] =	vst v6;
	v6 =	vmul.f32 v9, v10;
	v9 =	vld [tilespmem:s22+$0xFFFFFFC0]  }
0x320: {  	[tilespmem:s22+$0xFFFFFF60] =	vst v1;
	v1 =	vmul.f32 v7, v12;
	v7 =	vld [tilespmem:s22+$0xFFFFFFD0]  }
0x321: {  	[tilespmem:s22+$0xFFFFFF70] =	vst v6;
	v6 =	vmul.f32 v8, v12;
	v8 =	vld [tilespmem:s22+$0xFFFFFFE0]  }
0x322: {  	v10 =	vld [tilespmem:s22+$0xFFFFFFF0];
	[tilespmem:s22+$0xFFFFFF80] =	vst v1;
	v1 =	vmul.f32 v13, v12  }
0x323: {  	[tilespmem:s22+$0xFFFFFF90] =	vst v6;
	v6 =	vmul.f32 v11, v12;
	v11 =	vld [tilespmem:s22+$0x0]  }
0x324: {  	[tilespmem:s22+$0xFFFFFFA0] =	vst v1;
	v1 =	vmul.f32 v9, v12;
	v9 =	vld [tilespmem:s22+$0x10]  }
0x325: {  	[tilespmem:s22+$0xFFFFFFB0] =	vst v6;
	v6 =	vmul.f32 v7, v12;
	v7 =	vld [tilespmem:s22+$0x20]  }
0x326: {  	[tilespmem:s22+$0xFFFFFFC0] =	vst v1;
	v1 =	vmul.f32 v8, v12;
	v8 =	vld [tilespmem:s22+$0x30]  }
0x327: {  	[tilespmem:s22+$0xFFFFFFD0] =	vst v6;
	v6 =	vmul.f32 v10, v12;
	v10 =	vld [tilespmem:s22+$0x40]  }
0x328: {  	[tilespmem:s22+$0xFFFFFFE0] =	vst v1;
	v1 =	vmul.f32 v11, v5;
	v11 =	vld [tilespmem:s22+$0x50]  }
0x329: {  	[tilespmem:s22+$0xFFFFFFF0] =	vst v6;
	v6 =	vmul.f32 v9, v5;
	v9 =	vld [tilespmem:s22+$0x60]  }
0x32a: {  	[tilespmem:s22+$0x0] =	vst v1;
	v1 =	vmul.f32 v7, v5;
	v7 =	vld [tilespmem:s22+$0x70]  }
0x32b: {  	[tilespmem:s22+$0x10] =	vst v6;
	v6 =	vmul.f32 v8, v5;
	v8 =	vld [tilespmem:s22+$0x80]  }
0x32c: {  	[tilespmem:s22+$0x20] =	vst v1;
	v1 =	vmul.f32 v10, v5;
	v10 =	vld [tilespmem:s22+$0x90]  }
0x32d: {  	[tilespmem:s22+$0x30] =	vst v6;
	v6 =	vmul.f32 v11, v5;
	v11 =	vld [tilespmem:s22+$0xA0]  }
0x32e: {  	[tilespmem:s22+$0x40] =	vst v1;
	v1 =	vmul.f32 v9, v5;
	v9 =	vld [tilespmem:s22+$0xB0]  }
0x32f: {  	[tilespmem:s22+$0x50] =	vst v6;
	v5 =	vmul.f32 v7, v5;
	v6 =	vld [tilespmem:s22+$0xC0]  }
0x330: {  	v7 =	vld [tilespmem:s22+$0xD0];
	[tilespmem:s22+$0x60] =	vst v1;
	v1 =	vmul.f32 v8, v4  }
0x331: {  	v8 =	vld [tilespmem:s22+$0xE0];
	[tilespmem:s22+$0x70] =	vst v5;
	v5 =	vmul.f32 v10, v4  }
0x332: {  	v10 =	vld [tilespmem:s22+$0xF0];
	[tilespmem:s22+$0x80] =	vst v1;
	v1 =	vmul.f32 v11, v4  }
0x333: {  	[tilespmem:s22+$0x90] =	vst v5;
	v5 =	vmul.f32 v9, v4;
	v9 =	vld [tilespmem:s22+$0x100]  }
0x334: {  	[tilespmem:s22+$0xA0] =	vst v1;
	v1 =	vmul.f32 v6, v4;
	v6 =	vld [tilespmem:s22+$0x110]  }
0x335: {  	[tilespmem:s22+$0xB0] =	vst v5;
	v5 =	vmul.f32 v7, v4;
	v7 =	vld [tilespmem:s22+$0x120]  }
0x336: {  	[tilespmem:s22+$0xC0] =	vst v1;
	v1 =	vmul.f32 v8, v4;
	v8 =	vld [tilespmem:s22+$0x130]  }
0x337: {  	v4 =	vmul.f32 v10, v4;
	[tilespmem:s22+$0xD0] =	vst v5;
	v5 =	vld [tilespmem:s22+$0x140]  }
0x338: {  	[tilespmem:s22+$0xE0] =	vst v1;
	v1 =	vmul.f32 v9, v3;
	v9 =	vld [tilespmem:s22+$0x150]  }
0x339: {  	[tilespmem:s22+$0xF0] =	vst v4;
	v4 =	vmul.f32 v6, v3;
	v6 =	vld [tilespmem:s22+$0x160]  }
0x33a: {  	[tilespmem:s22+$0x100] =	vst v1;
	v1 =	vmul.f32 v7, v3;
	v7 =	vld [tilespmem:s22+$0x180]  }
0x33b: {  	[tilespmem:s22+$0x110] =	vst v4;
	v4 =	vmul.f32 v8, v3;
	v8 =	vld [tilespmem:s22+$0x190]  }
0x33c: {  	[tilespmem:s22+$0x120] =	vst v1;
	v1 =	vmul.f32 v5, v3;
	v5 =	vld [tilespmem:s22+$0x1A0]  }
0x33d: {  	[tilespmem:s22+$0x130] =	vst v4;
	v4 =	vmul.f32 v9, v3;
	v9 =	vld [tilespmem:s22+$0x1B0]  }
0x33e: {  	[tilespmem:s22+$0x140] =	vst v1;
	v1 =	vmul.f32 v6, v3;
	v3 =	vld [tilespmem:s22+$0x1C0]  }
0x33f: {  	v6 =	vld [tilespmem:s22+$0x1D0];
	[tilespmem:s22+$0x150] =	vst v4;
	v4 =	vmul.f32 v7, v2  }
0x340: {  	v7 =	vld [tilespmem:s22+$0x1E0];
	[tilespmem:s22+$0x160] =	vst v1;
	v1 =	vmul.f32 v8, v2  }
0x341: {  	[tilespmem:s22+$0x180] =	vst v4;
	v4 =	vmul.f32 v5, v2;
	v5 =	vld [tilespmem:s22+$0x1F0]  }
0x342: {  	[tilespmem:s22+$0x190] =	vst v1;
	v1 =	vmul.f32 v9, v2  }
0x343: {  	[tilespmem:s22+$0x1A0] =	vst v4;
	v3 =	vmul.f32 v3, v2  }
0x344: {  	[tilespmem:s22+$0x1B0] =	vst v1;
	v1 =	vmul.f32 v6, v2  }
0x345: {  	[tilespmem:s22+$0x1C0] =	vst v3;
	v3 =	vmul.f32 v7, v2  }
0x346: {  	[tilespmem:s22+$0x1D0] =	vst v1;
	v1 =	vmul.f32 v5, v2  }
0x347: {  	[tilespmem:s22+$0x1E0] =	vst v3  }
0x348: {  	s23 =	simm.s32 $0x300;
	[tilespmem:s22+$0x1F0] =	vst v1  }
0x349: {  	[spmem:s2] =	stream.indirect.scatter.add.f32 [tilespmem:s8], [sflag:$0x7], $0x80, s23, s31, $0xb8;
	[tilespmem:$0x1BE80] =	vst v63  }
0x34a: {  	s11 =	rddreg [dreg:$0x13]  }
0x34b: {  	s11 =	sadd.s32 s19, s11  }
0x34c: {  	_ =	swait.ge [sflag:s10], $0x4000;
	s11 =	sshll.u32 s11, $0x4  }
0x34d: {  	[sflag:s10] =	ssyncset.done $0x0;
	s11 =	sand.u32 $0x1FFFFFD0, s11  }
0x34e: {  	s19 =	simm.s32 $0x0;
	[sflag:s10] =	ssyncadd.s32 $0xFFFFC000;
	s12 =	sadd.s32 s5, s11  }
0x34f: {  	[tilespmem:s30], [sflag:$0x2] =	stream.linear.gather [hbm4b:s12+s19], $0x80, $0x38;
	[tilespmem:$0x1BE80] =	vst v63  }
0x350: {  	s22 =	sadd.s32 s6, s11  }
0x351: {  	[tilespmem:s31], [sflag:$0x2] =	stream.linear.gather [hbm4b:s22+s19], $0x80, $0x38;
	[tilespmem:$0x1BE80] =	vst v63  }
0x352: {  	s11 =	sadd.s32 s7, s11  }
0x353: {  	[tilespmem:s0], [sflag:$0x2] =	stream.linear.gather [hbm4b:s11+s19], $0x80, $0x38;
	[tilespmem:$0x1BE80] =	vst v63  }
0x354: {  	_ =	swait.ge [sflag:s3], $0x80  }
0x355: {  	[sflag:s3] =	ssyncset.done $0x0  }
0x356: {  	[sflag:s3] =	ssyncadd.s32 $0xFFFFFF80  }
0x357: {  	_ =	swait.ge [sflag:s3], $0x80  }
0x358: {  	[sflag:s3] =	ssyncset.done $0x0  }
0x359: {  	s20 =	simm.s32 $0x6;
	v1 =	vmov s19;
	[sflag:s3] =	ssyncadd.s32 $0xFFFFFF80  }
0x35a: {  	v2 =	vmov s20;
	v1 =	vand.u32 $0xFFFFFFF8, v1;
	_ =	swait.ge [sflag:s3], $0x80  }
0x35b: {  	v2 =	vand.u32 $0xFFFFFFFE, v2;
	v1 =	vbroadcast v1, $0x0;
	[sflag:s3] =	ssyncset.done $0x0  }
0x35c: {  	v2 =	vbroadcast v2, $0x0;
	[sflag:s3] =	ssyncadd.s32 $0xFFFFFF80  }
0x35d: {  	[tilespmem:s8], [sflag:$0x5] =	stream.indirect.gather [hbm4b:s1+s31], $0x80, s19, s31, $0xb8;
	[tilespmem:$0x1BE80] =	vst v63  }
0x35e: {  	_ =	swait.ge [sflag:s25], $0x4000  }
0x35f: {  	[sflag:s25] =	ssyncset.done $0x0  }
0x360: {  	[sflag:s25] =	ssyncadd.s32 $0xFFFFC000  }
0x361: {  	v1 =	vld.idx.msk [tilespmem:v1+s21+$0x0], $0xffff  }
0x362: {  	s22 =	simm.s32 $0x1;
	s19 =	simm.s32 $0x49F0;
	v2 =	vld.idx.msk [tilespmem:v2+s21+$0x0], $0xffff  }
0x363: {  	v3 =	vmov s22;
	v4 =	vld [tilespmem:s19+$0xFFFFFF80]  }
0x364: {  	v3 =	vand.u32 $0xFFFFFFF9, v3;
	v5 =	vld [tilespmem:s19+$0xFFFFFC10]  }
0x365: {  	v3 =	vbroadcast v3, $0x0;
	v6 =	vld [tilespmem:s19+$0xFFFFFC20]  }
0x366: {  	v7 =	vld [tilespmem:s19+$0xFFFFFC30]  }
0x367: {  	v8 =	vld [tilespmem:s19+$0xFFFFFC40]  }
0x368: {  	v9 =	vld [tilespmem:s19+$0xFFFFFC50]  }
0x369: {  	v10 =	vld [tilespmem:s19+$0xFFFFFC60]  }
0x36a: {  	v11 =	vld [tilespmem:s19+$0xFFFFFC70]  }
0x36b: {  	v3 =	vld.idx.msk [tilespmem:v3+s21+$0x0], $0xffff  }
0x36c: {  	v12 =	vld [tilespmem:s19+$0xFFFFFC80]  }
0x36d: {  	v13 =	vld [tilespmem:s19+$0xFFFFFC90];
	v5 =	vmul.f32 v5, v1  }
0x36e: {  	v14 =	vld [tilespmem:s19+$0xFFFFFCA0];
	v4 =	vmul.f32 v4, v2  }
0x36f: {  	v15 =	vld [tilespmem:s19+$0xFFFFFCB0];
	v6 =	vmul.f32 v6, v1;
	[tilespmem:s19+$0xFFFFFC10] =	vst v5  }
0x370: {  	s12 =	simm.s32 $0x2;
	v16 =	vld [tilespmem:s19+$0xFFFFFCC0];
	v8 =	vmul.f32 v8, v1;
	[tilespmem:s19+$0xFFFFFF80] =	vst v4  }
0x371: {  	v9 =	vmul.f32 v9, v1;
	v5 =	vmov s12;
	v4 =	vmul.f32 v7, v1;
	v7 =	vld [tilespmem:s19+$0xFFFFFCD0];
	[tilespmem:s19+$0xFFFFFC20] =	vst v6  }
0x372: {  	v6 =	vmul.f32 v13, v3;
	v13 =	vld [tilespmem:s19+$0xFFFFFCE0];
	[tilespmem:s19+$0xFFFFFC40] =	vst v8;
	v5 =	vand.u32 $0xFFFFFFFA, v5  }
0x373: {  	v8 =	vmul.f32 v10, v1;
	v10 =	vld [tilespmem:s19+$0xFFFFFD00];
	[tilespmem:s19+$0xFFFFFC50] =	vst v9;
	v5 =	vbroadcast v5, $0x0  }
0x374: {  	v9 =	vmul.f32 v11, v1;
	v11 =	vld [tilespmem:s19+$0xFFFFFD10];
	[tilespmem:s19+$0xFFFFFC30] =	vst v4  }
0x375: {  	v1 =	vmul.f32 v12, v1;
	v12 =	vld [tilespmem:s19+$0xFFFFFD30];
	[tilespmem:s19+$0xFFFFFC90] =	vst v6  }
0x376: {  	s20 =	simm.s32 $0x3;
	v4 =	vld [tilespmem:s19+$0xFFFFFCF0];
	[tilespmem:s19+$0xFFFFFC60] =	vst v8  }
0x377: {  	v6 =	vmov s20;
	v8 =	vld [tilespmem:s19+$0xFFFFFD20];
	[tilespmem:s19+$0xFFFFFC70] =	vst v9;
	v9 =	vmul.f32 v14, v3  }
0x378: {  	[tilespmem:s19+$0xFFFFFC80] =	vst v1;
	v1 =	vmul.f32 v15, v3;
	v14 =	vld [tilespmem:s19+$0xFFFFFD40];
	v6 =	vand.u32 $0xFFFFFFFB, v6  }
0x379: {  	v6 =	vbroadcast v6, $0x0;
	[tilespmem:s19+$0xFFFFFCA0] =	vst v9;
	v9 =	vmul.f32 v16, v3;
	v5 =	vld.idx.msk [tilespmem:v5+s21+$0x0], $0xffff  }
0x37a: {  	v15 =	vld [tilespmem:s19+$0xFFFFFD50];
	[tilespmem:s19+$0xFFFFFCB0] =	vst v1;
	v7 =	vmul.f32 v7, v3  }
0x37b: {  	v13 =	vmul.f32 v13, v3;
	[tilespmem:s19+$0xFFFFFCC0] =	vst v9;
	v9 =	vld [tilespmem:s19+$0xFFFFFD70]  }
0x37c: {  	[tilespmem:s19+$0xFFFFFCD0] =	vst v7;
	v4 =	vmul.f32 v4, v3;
	v7 =	vld [tilespmem:s19+$0xFFFFFD80]  }
0x37d: {  	[tilespmem:s19+$0xFFFFFCE0] =	vst v13;
	v3 =	vmul.f32 v10, v3;
	v10 =	vld [tilespmem:s19+$0xFFFFFD90]  }
0x37e: {  	v13 =	vld [tilespmem:s19+$0xFFFFFDC0];
	[tilespmem:s19+$0xFFFFFCF0] =	vst v4;
	v1 =	vmul.f32 v11, v5  }
0x37f: {  	[tilespmem:s19+$0xFFFFFD00] =	vst v3;
	v6 =	vld.idx.msk [tilespmem:v6+s21+$0x0], $0xffff;
	v4 =	vmul.f32 v8, v5  }
0x380: {  	s22 =	simm.s32 $0x4;
	v11 =	vld [tilespmem:s19+$0xFFFFFD60];
	v3 =	vmul.f32 v12, v5;
	[tilespmem:s19+$0xFFFFFD10] =	vst v1  }
0x381: {  	v8 =	vld [tilespmem:s19+$0xFFFFFDA0];
	v9 =	vmul.f32 v9, v5;
	v1 =	vmov s22;
	[tilespmem:s19+$0xFFFFFD20] =	vst v4  }
0x382: {  	v12 =	vld [tilespmem:s19+$0xFFFFFDB0];
	v4 =	vmul.f32 v14, v5;
	[tilespmem:s19+$0xFFFFFD30] =	vst v3;
	v1 =	vand.u32 $0xFFFFFFFC, v1  }
0x383: {  	v3 =	vmul.f32 v15, v5;
	v14 =	vld [tilespmem:s19+$0xFFFFFDD0];
	[tilespmem:s19+$0xFFFFFD70] =	vst v9;
	v1 =	vbroadcast v1, $0x0  }
0x384: {  	v9 =	vld [tilespmem:s19+$0xFFFFFE10];
	[tilespmem:s19+$0xFFFFFD40] =	vst v4;
	v4 =	vmul.f32 v10, v6  }
0x385: {  	s12 =	simm.s32 $0x5;
	v10 =	vld [tilespmem:s19+$0xFFFFFDE0];
	[tilespmem:s19+$0xFFFFFD50] =	vst v3;
	v11 =	vmul.f32 v11, v5  }
0x386: {  	v3 =	vld [tilespmem:s19+$0xFFFFFDF0];
	v5 =	vmul.f32 v7, v5;
	[tilespmem:s19+$0xFFFFFD90] =	vst v4;
	v4 =	vmov s12  }
0x387: {  	v7 =	vld [tilespmem:s19+$0xFFFFFE00];
	v8 =	vmul.f32 v8, v6;
	[tilespmem:s19+$0xFFFFFD60] =	vst v11;
	v4 =	vand.u32 $0xFFFFFFFD, v4  }
0x388: {  	[tilespmem:s19+$0xFFFFFD80] =	vst v5;
	v5 =	vmul.f32 v12, v6;
	v11 =	vld [tilespmem:s19+$0xFFFFFE20];
	v4 =	vbroadcast v4, $0x0  }
0x389: {  	[tilespmem:s19+$0xFFFFFDA0] =	vst v8;
	v8 =	vmul.f32 v13, v6;
	v1 =	vld.idx.msk [tilespmem:v1+s21+$0x0], $0xffff  }
0x38a: {  	v12 =	vld [tilespmem:s19+$0xFFFFFE30];
	[tilespmem:s19+$0xFFFFFDB0] =	vst v5;
	v5 =	vmul.f32 v14, v6  }
0x38b: {  	v13 =	vld [tilespmem:s19+$0xFFFFFE40];
	[tilespmem:s19+$0xFFFFFDC0] =	vst v8;
	v8 =	vmul.f32 v10, v6  }
0x38c: {  	v10 =	vld [tilespmem:s19+$0xFFFFFE50];
	v3 =	vmul.f32 v3, v6;
	[tilespmem:s19+$0xFFFFFDD0] =	vst v5  }
0x38d: {  	v6 =	vmul.f32 v7, v6;
	[tilespmem:s19+$0xFFFFFDE0] =	vst v8;
	v8 =	vld [tilespmem:s19+$0xFFFFFE70]  }
0x38e: {  	[tilespmem:s19+$0xFFFFFDF0] =	vst v3;
	v4 =	vld.idx.msk [tilespmem:v4+s21+$0x0], $0xffff;
	v5 =	vmul.f32 v9, v1  }
0x38f: {  	[tilespmem:s19+$0xFFFFFE00] =	vst v6;
	v9 =	vld [tilespmem:s19+$0xFFFFFE60];
	v6 =	vmul.f32 v12, v1  }
0x390: {  	v3 =	vmul.f32 v11, v1;
	v11 =	vld [tilespmem:s19+$0xFFFFFEA0];
	[tilespmem:s19+$0xFFFFFE10] =	vst v5  }
0x391: {  	v7 =	vld [tilespmem:s19+$0xFFFFFE90];
	[tilespmem:s19+$0xFFFFFE30] =	vst v6;
	v6 =	vmul.f32 v10, v1  }
0x392: {  	v5 =	vld [tilespmem:s19+$0xFFFFFE80];
	[tilespmem:s19+$0xFFFFFE20] =	vst v3;
	v3 =	vmul.f32 v13, v1  }
0x393: {  	v10 =	vld [tilespmem:s19+$0xFFFFFEB0];
	[tilespmem:s19+$0xFFFFFE50] =	vst v6;
	v6 =	vmul.f32 v8, v1  }
0x394: {  	[tilespmem:s19+$0xFFFFFE40] =	vst v3;
	v8 =	vld [tilespmem:s19+$0xFFFFFED0];
	v3 =	vmul.f32 v9, v1  }
0x395: {  	v9 =	vld [tilespmem:s19+$0xFFFFFEC0];
	v11 =	vmul.f32 v11, v4;
	[tilespmem:s19+$0xFFFFFE70] =	vst v6  }
0x396: {  	s20 =	simm.s32 $0x7;
	v6 =	vld [tilespmem:s19+$0xFFFFFEF0];
	[tilespmem:s19+$0xFFFFFE60] =	vst v3;
	v3 =	vmul.f32 v7, v4  }
0x397: {  	v12 =	vmov s20;
	v7 =	vld [tilespmem:s19+$0xFFFFFEE0];
	v5 =	vmul.f32 v5, v1;
	[tilespmem:s19+$0xFFFFFEA0] =	vst v11  }
0x398: {  	v11 =	vld [tilespmem:s19+$0xFFFFFF60];
	[tilespmem:s19+$0xFFFFFE90] =	vst v3  }
0x399: {  	[tilespmem:s19+$0xFFFFFE80] =	vst v5;
	v3 =	vmul.f32 v10, v4;
	v5 =	vld [tilespmem:s19+$0xFFFFFF00]  }
0x39a: {  	v10 =	vld [tilespmem:s19+$0xFFFFFF10];
	v9 =	vmul.f32 v9, v4  }
0x39b: {  	[tilespmem:s19+$0xFFFFFEB0] =	vst v3;
	v3 =	vmul.f32 v8, v4;
	v8 =	vld [tilespmem:s19+$0xFFFFFF20]  }
0x39c: {  	v1 =	vld.idx.msk [tilespmem:v12+s21+$0x0], $0xffff;
	[tilespmem:s19+$0xFFFFFEC0] =	vst v9;
	v7 =	vmul.f32 v7, v4  }
0x39d: {  	v9 =	vld [tilespmem:s19+$0xFFFFFF30];
	v11 =	vmul.f32 v11, v2;
	[tilespmem:s19+$0xFFFFFED0] =	vst v3  }
0x39e: {  	s20 =	simm.s32 $0x9;
	v3 =	vmul.f32 v6, v4;
	v6 =	vld [tilespmem:s19+$0xFFFFFF40];
	[tilespmem:s19+$0xFFFFFEE0] =	vst v7;
	v4 =	vmul.f32 v5, v4  }
0x39f: {  	s22 =	simm.s32 $0x8;
	v12 =	vmov s20;
	v5 =	vld [tilespmem:s19+$0xFFFFFF50];
	[tilespmem:s19+$0xFFFFFF60] =	vst v11  }
0x3a0: {  	s12 =	simm.s32 $0xF;
	s20 =	simm.s32 $0xC;
	v7 =	vmov s22;
	v10 =	vmul.f32 v10, v2;
	[tilespmem:s19+$0xFFFFFF00] =	vst v4;
	v4 =	vmul.f32 v8, v2;
	v8 =	vld [tilespmem:s19+$0xFFFFFF70]  }
0x3a1: {  	v14 =	vld [tilespmem:s19+$0xFFFFFF90];
	v15 =	vmov s20;
	s22 =	simm.s32 $0xA;
	[tilespmem:s19+$0xFFFFFEF0] =	vst v3;
	v7 =	vand.u32 $0xFFFFFFF8, v7;
	v3 =	vmov s12;
	s12 =	simm.s32 $0xB  }
0x3a2: {  	v17 =	vld [tilespmem:s19+$0xFFFFFFA0];
	v13 =	vmov s22;
	s22 =	simm.s32 $0xD;
	[tilespmem:s19+$0xFFFFFF10] =	vst v10;
	v10 =	vmov s12;
	v9 =	vmul.f32 v9, v2  }
0x3a3: {  	v63 =	vmov s22;
	[tilespmem:s19+$0xFFFFFF20] =	vst v4;
	v16 =	vmul.f32 v6, v2;
	v4 =	vbroadcast v7, $0x0;
	v6 =	vld [tilespmem:s19+$0xFFFFFFB0]  }
0x3a4: {  	v7 =	vld [tilespmem:s19+$0xFFFFFFC0];
	[tilespmem:s19+$0xFFFFFF30] =	vst v9;
	v9 =	vmul.f32 v5, v2;
	v5 =	vand.u32 $0xFFFFFFF9, v12;
	v12 =	vand.u32 $0xFFFFFFFA, v13  }
0x3a5: {  	v13 =	vand.u32 $0xFFFFFFFB, v10;
	[tilespmem:s19+$0xFFFFFF40] =	vst v16;
	v5 =	vbroadcast v5, $0x0;
	v16 =	vmul.f32 v8, v2;
	v8 =	vld [tilespmem:s19+$0xFFFFFFD0]  }
0x3a6: {  	v10 =	vbroadcast v12, $0x0;
	[tilespmem:s19+$0xFFFFFF50] =	vst v9;
	v2 =	vand.u32 $0xFFFFFFFC, v15;
	v15 =	vmul.f32 v14, v1;
	v9 =	vld [tilespmem:s19+$0xFFFFFFE0]  }
0x3a7: {  	s20 =	simm.s32 $0x10;
	v11 =	vld [tilespmem:s19+$0xFFFFFFF0];
	s22 =	simm.s32 $0xE;
	v12 =	vbroadcast v13, $0x0;
	v13 =	vmul.f32 v17, v1;
	v14 =	vand.u32 $0xFFFFFFFD, v63;
	[tilespmem:s19+$0xFFFFFF70] =	vst v16  }
.LBB2_11:
0x3a8: {  	p1 =	slt.u32 s20, $0x78;
	v2 =	vbroadcast v2, $0x0;
	v16 =	vmov s22;
	[tilespmem:s19+$0xFFFFFF90] =	vst v15;
	v6 =	vmul.f32 v6, v1;
	v15 =	vld [tilespmem:s19+$0x0]  }
0x3a9: {  	v14 =	vbroadcast v14, $0x0;
	v16 =	vand.u32 $0xFFFFFFFE, v16;
	v17 =	vld.idx.msk [tilespmem:v3+s21+$0x0], $0xffff;
	[tilespmem:s19+$0xFFFFFFA0] =	vst v13;
	v3 =	vmul.f32 v7, v1  }
0x3aa: {  	v7 =	vld.idx.msk [tilespmem:v4+s21+$0x0], $0xffff;
	v13 =	vbroadcast v16, $0x0;
	[tilespmem:s19+$0xFFFFFFB0] =	vst v6;
	v4 =	vmul.f32 v8, v1  }
0x3ab: {  	v6 =	vld.idx.msk [tilespmem:v5+s21+$0x0], $0xffff;
	[tilespmem:s19+$0xFFFFFFC0] =	vst v3;
	v3 =	vmul.f32 v9, v1  }
0x3ac: {  	v8 =	vld.idx.msk [tilespmem:v10+s21+$0x0], $0xffff;
	[tilespmem:s19+$0xFFFFFFD0] =	vst v4;
	v9 =	vmul.f32 v11, v1  }
0x3ad: {  	v5 =	vld.idx.msk [tilespmem:v12+s21+$0x0], $0xffff;
	[tilespmem:s19+$0xFFFFFFE0] =	vst v3;
	v10 =	vmul.f32 v15, v1  }
0x3ae: {  	v4 =	vld.idx.msk [tilespmem:v2+s21+$0x0], $0xffff;
	[tilespmem:s19+$0xFFFFFFF0] =	vst v9  }
0x3af: {  	v1 =	vmov v17;
	v3 =	vld.idx.msk [tilespmem:v14+s21+$0x0], $0xffff;
	[tilespmem:s19+$0x0] =	vst v10  }
0x3b0: {  	s19 =	sadd.s32 $0x400, s19;
	v2 =	vld.idx.msk [tilespmem:v13+s21+$0x0], $0xffff  }
0x3b1: {  	v9 =	vld [tilespmem:s19+$0xFFFFFF80]  }
0x3b2: {  	v10 =	vld [tilespmem:s19+$0xFFFFFC10]  }
0x3b3: {  	v11 =	vld [tilespmem:s19+$0xFFFFFC20]  }
0x3b4: {  	v12 =	vld [tilespmem:s19+$0xFFFFFC30]  }
0x3b5: {  	v13 =	vld [tilespmem:s19+$0xFFFFFC40]  }
0x3b6: {  	v14 =	vld [tilespmem:s19+$0xFFFFFC50];
	v9 =	vmul.f32 v9, v2  }
0x3b7: {  	v10 =	vmul.f32 v10, v7;
	v15 =	vld [tilespmem:s19+$0xFFFFFC60]  }
0x3b8: {  	v11 =	vmul.f32 v11, v7;
	v16 =	vld [tilespmem:s19+$0xFFFFFC70];
	[tilespmem:s19+$0xFFFFFF80] =	vst v9  }
0x3b9: {  	[tilespmem:s19+$0xFFFFFC10] =	vst v10;
	v9 =	vmul.f32 v12, v7;
	v10 =	vld [tilespmem:s19+$0xFFFFFC80]  }
0x3ba: {  	[tilespmem:s19+$0xFFFFFC20] =	vst v11;
	v11 =	vmul.f32 v13, v7;
	v12 =	vld [tilespmem:s19+$0xFFFFFC90]  }
0x3bb: {  	[tilespmem:s19+$0xFFFFFC30] =	vst v9;
	v9 =	vmul.f32 v14, v7;
	v13 =	vld [tilespmem:s19+$0xFFFFFCA0]  }
0x3bc: {  	[tilespmem:s19+$0xFFFFFC40] =	vst v11;
	v11 =	vmul.f32 v15, v7;
	v14 =	vld [tilespmem:s19+$0xFFFFFCB0]  }
0x3bd: {  	[tilespmem:s19+$0xFFFFFC50] =	vst v9;
	v9 =	vmul.f32 v16, v7;
	v15 =	vld [tilespmem:s19+$0xFFFFFCC0]  }
0x3be: {  	[tilespmem:s19+$0xFFFFFC60] =	vst v11;
	v7 =	vmul.f32 v10, v7;
	v10 =	vld [tilespmem:s19+$0xFFFFFCD0]  }
0x3bf: {  	[tilespmem:s19+$0xFFFFFC70] =	vst v9;
	v9 =	vmul.f32 v12, v6;
	v11 =	vld [tilespmem:s19+$0xFFFFFCE0]  }
0x3c0: {  	[tilespmem:s19+$0xFFFFFC80] =	vst v7;
	v7 =	vmul.f32 v13, v6;
	v12 =	vld [tilespmem:s19+$0xFFFFFCF0]  }
0x3c1: {  	[tilespmem:s19+$0xFFFFFC90] =	vst v9;
	v9 =	vmul.f32 v14, v6;
	v13 =	vld [tilespmem:s19+$0xFFFFFD00]  }
0x3c2: {  	[tilespmem:s19+$0xFFFFFCA0] =	vst v7;
	v7 =	vmul.f32 v15, v6;
	v14 =	vld [tilespmem:s19+$0xFFFFFD10]  }
0x3c3: {  	[tilespmem:s19+$0xFFFFFCB0] =	vst v9;
	v9 =	vmul.f32 v10, v6;
	v10 =	vld [tilespmem:s19+$0xFFFFFD20]  }
0x3c4: {  	[tilespmem:s19+$0xFFFFFCC0] =	vst v7;
	v7 =	vmul.f32 v11, v6;
	v11 =	vld [tilespmem:s19+$0xFFFFFD30]  }
0x3c5: {  	[tilespmem:s19+$0xFFFFFCD0] =	vst v9;
	v9 =	vmul.f32 v12, v6;
	v12 =	vld [tilespmem:s19+$0xFFFFFD40]  }
0x3c6: {  	[tilespmem:s19+$0xFFFFFCE0] =	vst v7;
	v6 =	vmul.f32 v13, v6;
	v7 =	vld [tilespmem:s19+$0xFFFFFD50]  }
0x3c7: {  	[tilespmem:s19+$0xFFFFFCF0] =	vst v9;
	v9 =	vmul.f32 v14, v8;
	v13 =	vld [tilespmem:s19+$0xFFFFFD60]  }
0x3c8: {  	[tilespmem:s19+$0xFFFFFD00] =	vst v6;
	v6 =	vmul.f32 v10, v8;
	v10 =	vld [tilespmem:s19+$0xFFFFFD70]  }
0x3c9: {  	[tilespmem:s19+$0xFFFFFD10] =	vst v9;
	v9 =	vmul.f32 v11, v8;
	v11 =	vld [tilespmem:s19+$0xFFFFFD80]  }
0x3ca: {  	[tilespmem:s19+$0xFFFFFD20] =	vst v6;
	v6 =	vmul.f32 v12, v8;
	v12 =	vld [tilespmem:s19+$0xFFFFFD90]  }
0x3cb: {  	[tilespmem:s19+$0xFFFFFD30] =	vst v9;
	v7 =	vmul.f32 v7, v8;
	v9 =	vld [tilespmem:s19+$0xFFFFFDA0]  }
0x3cc: {  	[tilespmem:s19+$0xFFFFFD40] =	vst v6;
	v6 =	vmul.f32 v13, v8;
	v13 =	vld [tilespmem:s19+$0xFFFFFDB0]  }
0x3cd: {  	[tilespmem:s19+$0xFFFFFD50] =	vst v7;
	v7 =	vmul.f32 v10, v8;
	v10 =	vld [tilespmem:s19+$0xFFFFFDC0]  }
0x3ce: {  	[tilespmem:s19+$0xFFFFFD60] =	vst v6;
	v6 =	vmul.f32 v11, v8;
	v8 =	vld [tilespmem:s19+$0xFFFFFDD0]  }
0x3cf: {  	[tilespmem:s19+$0xFFFFFD70] =	vst v7;
	v7 =	vmul.f32 v12, v5;
	v11 =	vld [tilespmem:s19+$0xFFFFFDE0]  }
0x3d0: {  	[tilespmem:s19+$0xFFFFFD80] =	vst v6;
	v6 =	vmul.f32 v9, v5;
	v9 =	vld [tilespmem:s19+$0xFFFFFDF0]  }
0x3d1: {  	[tilespmem:s19+$0xFFFFFD90] =	vst v7;
	v7 =	vmul.f32 v13, v5;
	v12 =	vld [tilespmem:s19+$0xFFFFFE00]  }
0x3d2: {  	[tilespmem:s19+$0xFFFFFDA0] =	vst v6;
	v6 =	vmul.f32 v10, v5;
	v10 =	vld [tilespmem:s19+$0xFFFFFE10]  }
0x3d3: {  	[tilespmem:s19+$0xFFFFFDB0] =	vst v7;
	v7 =	vmul.f32 v8, v5;
	v8 =	vld [tilespmem:s19+$0xFFFFFE20]  }
0x3d4: {  	[tilespmem:s19+$0xFFFFFDC0] =	vst v6;
	v6 =	vmul.f32 v11, v5;
	v11 =	vld [tilespmem:s19+$0xFFFFFE30]  }
0x3d5: {  	[tilespmem:s19+$0xFFFFFDD0] =	vst v7;
	v7 =	vmul.f32 v9, v5;
	v9 =	vld [tilespmem:s19+$0xFFFFFE40]  }
0x3d6: {  	[tilespmem:s19+$0xFFFFFDE0] =	vst v6;
	v5 =	vmul.f32 v12, v5;
	v6 =	vld [tilespmem:s19+$0xFFFFFE50]  }
0x3d7: {  	[tilespmem:s19+$0xFFFFFDF0] =	vst v7;
	v7 =	vmul.f32 v10, v4;
	v10 =	vld [tilespmem:s19+$0xFFFFFE60]  }
0x3d8: {  	[tilespmem:s19+$0xFFFFFE00] =	vst v5;
	v5 =	vmul.f32 v8, v4;
	v8 =	vld [tilespmem:s19+$0xFFFFFE70]  }
0x3d9: {  	[tilespmem:s19+$0xFFFFFE10] =	vst v7;
	v7 =	vmul.f32 v11, v4;
	v11 =	vld [tilespmem:s19+$0xFFFFFE80]  }
0x3da: {  	[tilespmem:s19+$0xFFFFFE20] =	vst v5;
	v5 =	vmul.f32 v9, v4;
	v9 =	vld [tilespmem:s19+$0xFFFFFE90]  }
0x3db: {  	[tilespmem:s19+$0xFFFFFE30] =	vst v7;
	v6 =	vmul.f32 v6, v4;
	v7 =	vld [tilespmem:s19+$0xFFFFFEA0]  }
0x3dc: {  	[tilespmem:s19+$0xFFFFFE40] =	vst v5;
	v5 =	vmul.f32 v10, v4;
	v10 =	vld [tilespmem:s19+$0xFFFFFEB0]  }
0x3dd: {  	[tilespmem:s19+$0xFFFFFE50] =	vst v6;
	v6 =	vmul.f32 v8, v4;
	v8 =	vld [tilespmem:s19+$0xFFFFFEC0]  }
0x3de: {  	[tilespmem:s19+$0xFFFFFE60] =	vst v5;
	v4 =	vmul.f32 v11, v4;
	v5 =	vld [tilespmem:s19+$0xFFFFFED0]  }
0x3df: {  	[tilespmem:s19+$0xFFFFFE70] =	vst v6;
	v6 =	vmul.f32 v9, v3;
	v9 =	vld [tilespmem:s19+$0xFFFFFEE0]  }
0x3e0: {  	[tilespmem:s19+$0xFFFFFE80] =	vst v4;
	v4 =	vmul.f32 v7, v3;
	v7 =	vld [tilespmem:s19+$0xFFFFFEF0]  }
0x3e1: {  	[tilespmem:s19+$0xFFFFFE90] =	vst v6;
	v6 =	vmul.f32 v10, v3;
	v10 =	vld [tilespmem:s19+$0xFFFFFF00]  }
0x3e2: {  	[tilespmem:s19+$0xFFFFFEA0] =	vst v4;
	v4 =	vmul.f32 v8, v3;
	v8 =	vld [tilespmem:s19+$0xFFFFFF10]  }
0x3e3: {  	[tilespmem:s19+$0xFFFFFEB0] =	vst v6;
	v5 =	vmul.f32 v5, v3;
	v6 =	vld [tilespmem:s19+$0xFFFFFF20]  }
0x3e4: {  	[tilespmem:s19+$0xFFFFFEC0] =	vst v4;
	v4 =	vmul.f32 v9, v3;
	v9 =	vld [tilespmem:s19+$0xFFFFFF30]  }
0x3e5: {  	[tilespmem:s19+$0xFFFFFED0] =	vst v5;
	v5 =	vmul.f32 v7, v3;
	v7 =	vld [tilespmem:s19+$0xFFFFFF40]  }
0x3e6: {  	[tilespmem:s19+$0xFFFFFEE0] =	vst v4;
	v4 =	vmul.f32 v10, v3;
	v10 =	vld [tilespmem:s19+$0xFFFFFF50]  }
0x3e7: {  	s11 =	sadd.s32 $0x7, s20;
	v3 =	vmov s20;
	[tilespmem:s19+$0xFFFFFEF0] =	vst v5;
	v5 =	vmul.f32 v8, v2;
	v8 =	vld [tilespmem:s19+$0xFFFFFF60]  }
0x3e8: {  	s12 =	sadd.s32 $0x1, s20;
	s22 =	sadd.s32 $0x2, s20;
	v11 =	vand.u32 $0xFFFFFFF8, v3;
	v3 =	vmov s11;
	[tilespmem:s19+$0xFFFFFF00] =	vst v4;
	v4 =	vmul.f32 v6, v2;
	v12 =	vld [tilespmem:s19+$0xFFFFFF70]  }
0x3e9: {  	v14 =	vmov s22;
	v13 =	vmov s12;
	s12 =	sadd.s32 $0x4, s20;
	s11 =	sadd.s32 $0x3, s20;
	[tilespmem:s19+$0xFFFFFF10] =	vst v5;
	v5 =	vmul.f32 v9, v2;
	v9 =	vld [tilespmem:s19+$0xFFFFFF90]  }
0x3ea: {  	v16 =	vmov s12;
	v15 =	vmov s11;
	s11 =	sadd.s32 $0x5, s20;
	[tilespmem:s19+$0xFFFFFF20] =	vst v4;
	v7 =	vmul.f32 v7, v2;
	v17 =	vld [tilespmem:s19+$0xFFFFFFA0]  }
.Ltmp4:
0x3eb: {  	v4 =	vbroadcast v11, $0x0;
	v11 =	vmov s11;
	[tilespmem:s19+$0xFFFFFF30] =	vst v5;
	v10 =	vmul.f32 v10, v2;
	v6 =	vld [tilespmem:s19+$0xFFFFFFB0];
	(pc) =	sbr.rel @p1 .LBB2_11-.Ltmp4, $4  }
0x3ec: {  	v5 =	vand.u32 $0xFFFFFFF9, v13;
	v13 =	vand.u32 $0xFFFFFFFA, v14;
	[tilespmem:s19+$0xFFFFFF40] =	vst v7;
	v14 =	vmul.f32 v8, v2;
	v7 =	vld [tilespmem:s19+$0xFFFFFFC0]  }
0x3ed: {  	v18 =	vand.u32 $0xFFFFFFFB, v15;
	v5 =	vbroadcast v5, $0x0;
	[tilespmem:s19+$0xFFFFFF50] =	vst v10;
	v19 =	vmul.f32 v12, v2;
	v8 =	vld [tilespmem:s19+$0xFFFFFFD0]  }
0x3ee: {  	v10 =	vbroadcast v13, $0x0;
	v2 =	vand.u32 $0xFFFFFFFC, v16;
	[tilespmem:s19+$0xFFFFFF60] =	vst v14;
	v15 =	vmul.f32 v9, v1;
	v9 =	vld [tilespmem:s19+$0xFFFFFFE0]  }
0x3ef: {  	s22 =	sadd.s32 $0x6, s20;
	s20 =	sadd.s32 $0x8, s20;
	v12 =	vbroadcast v18, $0x0;
	v14 =	vand.u32 $0xFFFFFFFD, v11;
	[tilespmem:s19+$0xFFFFFF70] =	vst v19;
	v13 =	vmul.f32 v17, v1;
	v11 =	vld [tilespmem:s19+$0xFFFFFFF0]  }
0x3f0: {  	_ =	sdelay $0x2  }
0x3f1: {  	v16 =	vld [tilespmem:s19+$0x0]  }
0x3f2: {  	v18 =	vld.idx.msk [tilespmem:v4+s21+$0x0], $0xffff  }
0x3f3: {  	v23 =	vld.idx.msk [tilespmem:v5+s21+$0x0], $0xffff  }
0x3f4: {  	v22 =	vbroadcast v2, $0x0;
	v2 =	vmov s22;
	v10 =	vld.idx.msk [tilespmem:v10+s21+$0x0], $0xffff  }
0x3f5: {  	v17 =	vand.u32 $0xFFFFFFFE, v2;
	v2 =	vld.idx.msk [tilespmem:v3+s21+$0x0], $0xffff  }
0x3f6: {  	s20 =	sadd.s32 $0x400, s19;
	v12 =	vld.idx.msk [tilespmem:v12+s21+$0x0], $0xffff  }
0x3f7: {  	v24 =	vld [tilespmem:s20+$0xFFFFFF80]  }
0x3f8: {  	v26 =	vld [tilespmem:s20+$0xFFFFFC10]  }
0x3f9: {  	v28 =	vld [tilespmem:s20+$0xFFFFFC20]  }
0x3fa: {  	[tilespmem:s19+$0xFFFFFF90] =	vst v15;
	v6 =	vmul.f32 v6, v1;
	v30 =	vld [tilespmem:s20+$0xFFFFFC30]  }
0x3fb: {  	[tilespmem:s19+$0xFFFFFFA0] =	vst v13;
	v7 =	vmul.f32 v7, v1;
	v31 =	vld [tilespmem:s20+$0xFFFFFC40]  }
0x3fc: {  	v32 =	vld [tilespmem:s20+$0xFFFFFC50];
	[tilespmem:s19+$0xFFFFFFB0] =	vst v6;
	v25 =	vmul.f32 v8, v1  }
0x3fd: {  	v33 =	vld [tilespmem:s20+$0xFFFFFC60];
	[tilespmem:s19+$0xFFFFFFC0] =	vst v7;
	v27 =	vmul.f32 v9, v1  }
0x3fe: {  	v34 =	vld [tilespmem:s20+$0xFFFFFC70];
	[tilespmem:s19+$0xFFFFFFD0] =	vst v25;
	v29 =	vmul.f32 v11, v1  }
0x3ff: {  	v35 =	vld [tilespmem:s20+$0xFFFFFC80];
	[tilespmem:s19+$0xFFFFFFE0] =	vst v27;
	v1 =	vmul.f32 v16, v1  }
0x400: {  	v36 =	vld [tilespmem:s20+$0xFFFFFC90];
	[tilespmem:s19+$0xFFFFFFF0] =	vst v29;
	v9 =	vmul.f32 v28, v18  }
0x401: {  	v37 =	vld [tilespmem:s20+$0xFFFFFCA0];
	[tilespmem:s19+$0x0] =	vst v1;
	v1 =	vmul.f32 v26, v18  }
0x402: {  	v39 =	vld [tilespmem:s20+$0xFFFFFCB0];
	v7 =	vmul.f32 v31, v18;
	[tilespmem:s20+$0xFFFFFC20] =	vst v9  }
0x403: {  	v40 =	vld [tilespmem:s20+$0xFFFFFCC0];
	[tilespmem:s20+$0xFFFFFC10] =	vst v1;
	v1 =	vmul.f32 v30, v18  }
0x404: {  	v42 =	vld [tilespmem:s20+$0xFFFFFCD0];
	v38 =	vmul.f32 v33, v18;
	[tilespmem:s20+$0xFFFFFC40] =	vst v7  }
0x405: {  	v43 =	vld [tilespmem:s20+$0xFFFFFCE0];
	[tilespmem:s20+$0xFFFFFC30] =	vst v1;
	v1 =	vmul.f32 v32, v18  }
0x406: {  	v44 =	vld [tilespmem:s20+$0xFFFFFCF0];
	v41 =	vmul.f32 v35, v18;
	[tilespmem:s20+$0xFFFFFC60] =	vst v38  }
0x407: {  	v45 =	vld [tilespmem:s20+$0xFFFFFD00];
	[tilespmem:s20+$0xFFFFFC50] =	vst v1;
	v1 =	vmul.f32 v34, v18  }
0x408: {  	v47 =	vld [tilespmem:s20+$0xFFFFFD10];
	v6 =	vmul.f32 v37, v23;
	[tilespmem:s20+$0xFFFFFC80] =	vst v41  }
0x409: {  	v48 =	vld [tilespmem:s20+$0xFFFFFD20];
	[tilespmem:s20+$0xFFFFFC70] =	vst v1;
	v1 =	vmul.f32 v36, v23  }
0x40a: {  	v50 =	vld [tilespmem:s20+$0xFFFFFD30];
	v46 =	vmul.f32 v40, v23;
	[tilespmem:s20+$0xFFFFFCA0] =	vst v6  }
0x40b: {  	v51 =	vld [tilespmem:s20+$0xFFFFFD40];
	[tilespmem:s20+$0xFFFFFC90] =	vst v1;
	v1 =	vmul.f32 v39, v23  }
0x40c: {  	v53 =	vld [tilespmem:s20+$0xFFFFFD50];
	v49 =	vmul.f32 v43, v23;
	[tilespmem:s20+$0xFFFFFCC0] =	vst v46  }
0x40d: {  	v54 =	vld [tilespmem:s20+$0xFFFFFD60];
	[tilespmem:s20+$0xFFFFFCB0] =	vst v1;
	v1 =	vmul.f32 v42, v23  }
0x40e: {  	v56 =	vld [tilespmem:s20+$0xFFFFFD70];
	v52 =	vmul.f32 v45, v23;
	[tilespmem:s20+$0xFFFFFCE0] =	vst v49  }
0x40f: {  	v57 =	vld [tilespmem:s20+$0xFFFFFD80];
	[tilespmem:s20+$0xFFFFFCD0] =	vst v1;
	v1 =	vmul.f32 v44, v23  }
0x410: {  	v14 =	vbroadcast v14, $0x0;
	v59 =	vld [tilespmem:s20+$0xFFFFFD90];
	v55 =	vmul.f32 v48, v10;
	[tilespmem:s20+$0xFFFFFD00] =	vst v52  }
0x411: {  	v60 =	vld [tilespmem:s20+$0xFFFFFDA0];
	[tilespmem:s20+$0xFFFFFCF0] =	vst v1;
	v1 =	vmul.f32 v47, v10  }
0x412: {  	v62 =	vld [tilespmem:s20+$0xFFFFFDB0];
	v58 =	vmul.f32 v51, v10;
	[tilespmem:s20+$0xFFFFFD20] =	vst v55  }
0x413: {  	v63 =	vld [tilespmem:s20+$0xFFFFFDC0];
	v3 =	vbroadcast v17, $0x0;
	[tilespmem:s20+$0xFFFFFD10] =	vst v1;
	v1 =	vmul.f32 v50, v10  }
0x414: {  	v15 =	vld [tilespmem:s20+$0xFFFFFDD0];
	v61 =	vmul.f32 v54, v10;
	[tilespmem:s20+$0xFFFFFD40] =	vst v58  }
0x415: {  	v19 =	vld [tilespmem:s20+$0xFFFFFE00];
	[tilespmem:s20+$0xFFFFFD30] =	vst v1;
	v1 =	vmul.f32 v53, v10  }
0x416: {  	v4 =	vld.idx.msk [tilespmem:v14+s21+$0x0], $0xffff;
	v14 =	vmul.f32 v57, v10;
	[tilespmem:s20+$0xFFFFFD60] =	vst v61  }
0x417: {  	v5 =	vld.idx.msk [tilespmem:v22+s21+$0x0], $0xffff;
	[tilespmem:s20+$0xFFFFFD50] =	vst v1;
	v1 =	vmul.f32 v56, v10  }
0x418: {  	v17 =	vmul.f32 v60, v12;
	v22 =	vld [tilespmem:s20+$0xFFFFFE20];
	[tilespmem:s20+$0xFFFFFD80] =	vst v14  }
0x419: {  	v3 =	vld.idx.msk [tilespmem:v3+s21+$0x0], $0xffff;
	[tilespmem:s20+$0xFFFFFD70] =	vst v1;
	v1 =	vmul.f32 v59, v12  }
0x41a: {  	v20 =	vmul.f32 v63, v12;
	[tilespmem:s20+$0xFFFFFDA0] =	vst v17;
	v18 =	vld [tilespmem:s20+$0xFFFFFDF0]  }
0x41b: {  	v25 =	vld [tilespmem:s20+$0xFFFFFE40];
	[tilespmem:s20+$0xFFFFFD90] =	vst v1;
	v1 =	vmul.f32 v62, v12  }
0x41c: {  	v21 =	vld [tilespmem:s20+$0xFFFFFE10];
	v26 =	vmul.f32 v19, v12;
	[tilespmem:s20+$0xFFFFFDC0] =	vst v20  }
0x41d: {  	v28 =	vld [tilespmem:s20+$0xFFFFFE60];
	[tilespmem:s20+$0xFFFFFDB0] =	vst v1;
	v1 =	vmul.f32 v15, v12  }
0x41e: {  	[tilespmem:s20+$0xFFFFFE00] =	vst v26;
	v29 =	vmul.f32 v22, v5;
	v13 =	vmul.f32 v24, v3;
	v24 =	vld [tilespmem:s20+$0xFFFFFE30]  }
0x41f: {  	v37 =	vld [tilespmem:s20+$0xFFFFFEC0];
	[tilespmem:s20+$0xFFFFFDD0] =	vst v1;
	v1 =	vmul.f32 v18, v12  }
0x420: {  	v27 =	vld [tilespmem:s20+$0xFFFFFE50];
	v32 =	vmul.f32 v25, v5;
	[tilespmem:s20+$0xFFFFFE20] =	vst v29  }
0x421: {  	[tilespmem:s20+$0xFFFFFDF0] =	vst v1;
	v1 =	vmul.f32 v21, v5  }
0x422: {  	v30 =	vld [tilespmem:s20+$0xFFFFFE70];
	v35 =	vmul.f32 v28, v5;
	[tilespmem:s20+$0xFFFFFE40] =	vst v32  }
0x423: {  	v45 =	vld [tilespmem:s20+$0xFFFFFF20];
	[tilespmem:s20+$0xFFFFFE10] =	vst v1;
	v1 =	vmul.f32 v24, v5  }
0x424: {  	v33 =	vld [tilespmem:s20+$0xFFFFFE90];
	v43 =	vmul.f32 v37, v4;
	[tilespmem:s20+$0xFFFFFE60] =	vst v35  }
0x425: {  	v48 =	vld [tilespmem:s20+$0xFFFFFF40];
	[tilespmem:s20+$0xFFFFFE30] =	vst v1;
	v1 =	vmul.f32 v27, v5  }
0x426: {  	[tilespmem:s20+$0xFFFFFEC0] =	vst v43;
	v36 =	vld [tilespmem:s20+$0xFFFFFEB0]  }
0x427: {  	v34 =	vld [tilespmem:s20+$0xFFFFFEA0];
	[tilespmem:s20+$0xFFFFFE50] =	vst v1;
	v1 =	vmul.f32 v30, v5  }
0x428: {  	v38 =	vld [tilespmem:s20+$0xFFFFFED0];
	v51 =	vmul.f32 v45, v3;
	[tilespmem:s20+$0xFFFFFF80] =	vst v13  }
0x429: {  	v16 =	vld [tilespmem:s20+$0xFFFFFDE0];
	[tilespmem:s20+$0xFFFFFE70] =	vst v1;
	v1 =	vmul.f32 v33, v4  }
0x42a: {  	v41 =	vld [tilespmem:s20+$0xFFFFFEF0];
	v54 =	vmul.f32 v48, v3;
	[tilespmem:s20+$0xFFFFFF20] =	vst v51  }
0x42b: {  	v39 =	vld [tilespmem:s20+$0xFFFFFEE0];
	[tilespmem:s20+$0xFFFFFE90] =	vst v1;
	v1 =	vmul.f32 v36, v4  }
0x42c: {  	[tilespmem:s20+$0xFFFFFF40] =	vst v54;
	v40 =	vmul.f32 v34, v4;
	v44 =	vld [tilespmem:s20+$0xFFFFFF10]  }
0x42d: {  	v50 =	vld [tilespmem:s20+$0xFFFFFF60];
	[tilespmem:s20+$0xFFFFFEB0] =	vst v1;
	v1 =	vmul.f32 v38, v4  }
0x42e: {  	[tilespmem:s20+$0xFFFFFEA0] =	vst v40;
	v23 =	vmul.f32 v16, v12;
	v47 =	vld [tilespmem:s20+$0xFFFFFF30]  }
0x42f: {  	v53 =	vld [tilespmem:s20+$0xFFFFFF90];
	[tilespmem:s20+$0xFFFFFED0] =	vst v1;
	v1 =	vmul.f32 v41, v4  }
0x430: {  	v49 =	vld [tilespmem:s20+$0xFFFFFF50];
	v46 =	vmul.f32 v39, v4;
	[tilespmem:s20+$0xFFFFFDE0] =	vst v23  }
0x431: {  	v56 =	vld [tilespmem:s20+$0xFFFFFFB0];
	[tilespmem:s20+$0xFFFFFEF0] =	vst v1;
	v1 =	vmul.f32 v44, v3  }
0x432: {  	v52 =	vld [tilespmem:s20+$0xFFFFFF70];
	[tilespmem:s20+$0xFFFFFEE0] =	vst v46;
	v57 =	vmul.f32 v50, v3  }
0x433: {  	v31 =	vld [tilespmem:s20+$0xFFFFFE80];
	[tilespmem:s20+$0xFFFFFF10] =	vst v1;
	v1 =	vmul.f32 v47, v3  }
0x434: {  	v55 =	vld [tilespmem:s20+$0xFFFFFFA0];
	[tilespmem:s20+$0xFFFFFF60] =	vst v57;
	v59 =	vmul.f32 v53, v2  }
0x435: {  	v42 =	vld [tilespmem:s20+$0xFFFFFF00];
	[tilespmem:s20+$0xFFFFFF30] =	vst v1;
	v1 =	vmul.f32 v49, v3  }
0x436: {  	v58 =	vld [tilespmem:s20+$0xFFFFFFC0];
	[tilespmem:s20+$0xFFFFFF90] =	vst v59;
	v62 =	vmul.f32 v56, v2  }
0x437: {  	[tilespmem:s20+$0xFFFFFF50] =	vst v1;
	v1 =	vmul.f32 v52, v3;
	v3 =	vld [tilespmem:s20+$0xFFFFFFD0]  }
0x438: {  	v60 =	vld [tilespmem:s20+$0xFFFFFFE0];
	[tilespmem:s20+$0xFFFFFFB0] =	vst v62;
	v5 =	vmul.f32 v31, v5  }
0x439: {  	v61 =	vld [tilespmem:s20+$0xFFFFFFF0];
	[tilespmem:s20+$0xFFFFFF70] =	vst v1;
	v1 =	vmul.f32 v55, v2  }
0x43a: {  	v63 =	vld [tilespmem:s20+$0x0];
	[tilespmem:s20+$0xFFFFFE80] =	vst v5;
	v4 =	vmul.f32 v42, v4  }
0x43b: {  	[tilespmem:s20+$0xFFFFFFA0] =	vst v1;
	v1 =	vmul.f32 v58, v2  }
0x43c: {  	[tilespmem:s20+$0xFFFFFF00] =	vst v4;
	v3 =	vmul.f32 v3, v2  }
0x43d: {  	[tilespmem:s20+$0xFFFFFFC0] =	vst v1;
	v1 =	vmul.f32 v60, v2  }
0x43e: {  	[tilespmem:s20+$0xFFFFFFD0] =	vst v3;
	v3 =	vmul.f32 v61, v2  }
0x43f: {  	s13 =	sadd.s32 $0x1, s13;
	[tilespmem:s20+$0xFFFFFFE0] =	vst v1;
	v1 =	vmul.f32 v63, v2  }
0x440: {  	p1 =	sne.s32 s13, $0x14;
	[tilespmem:s20+$0xFFFFFFF0] =	vst v3  }
.Ltmp5:
0x441: {  	[tilespmem:s20+$0x0] =	vst v1;
	(pc) =	sbr.rel @p1 .LBB2_4-.Ltmp5, $4  }
0x442: {  	[spmem:s2] =	stream.indirect.scatter.add.f32 [tilespmem:s9], [sflag:$0x7], $0x80, s17, s31, $0xb8;
	[tilespmem:$0x1BE80] =	vst v63  }
0x443: {  	_ =	swait.ge [sflag:s10], $0x4000  }
0x444: {  	[sflag:s10] =	ssyncset.done $0x0  }
0x445: {  	[sflag:s10] =	ssyncadd.s32 $0xFFFFC000  }
0x446: {  	_ =	swait.ge [sflag:s15], $0x80  }
0x447: {  	[sflag:s15] =	ssyncset.done $0x0  }
0x448: {  	[sflag:s15] =	ssyncadd.s32 $0xFFFFFF80  }
0x449: {  	_ =	swait.ge [sflag:s15], $0x80  }
0x44a: {  	[sflag:s15] =	ssyncset.done $0x0  }
0x44b: {  	[sflag:s15] =	ssyncadd.s32 $0xFFFFFF80  }
0x44c: {  	_ =	swait.ge [sflag:s15], $0x80  }
0x44d: {  	[sflag:s15] =	ssyncset.done $0x0  }
0x44e: {  	[sflag:s15] =	ssyncadd.s32 $0xFFFFFF80  }
0x44f: {  	_ =	swait.ge [sflag:s16], $0x4000  }
0x450: {  	[sflag:s16] =	ssyncset.done $0x0  }
0x451: {  	[sflag:s16] =	ssyncadd.s32 $0xFFFFC000  }
0x452: {  	s4 =	stileid.u32;
	[bflag:$0x0] =	sbarrier.arrive $0xFFFF  }
0x453: {  	s4 =	sshll.u32 s4, $0x6;
	s12 =	rddreg [dreg:$0x9]  }
0x454: {  	s4 =	sor.u32 $0x1C07, s4;
	s13 =	rddreg [dreg:$0x11];
	s11 =	sshrl.u32 s12, $0x3  }
0x455: {  	[hbm:s13], [sflag:s4] =	dma.local [spmem:s11], $0x2700  }
0x456: {  	_ =	swait.ge [sflag:s10], $0x2700  }
0x457: {  	[sflag:s10] =	ssyncset.done $0x0;
	s19 =	rddreg [dreg:$0x16]  }
0x458: {  	s13 =	rddreg [dreg:$0x14];
	[sflag:s10] =	ssyncadd.s32 $0xFFFFD900;
	s11 =	sshrl.u32 @!p0 s19, $0x3  }
0x459: {  	[hbm:s13], [sflag:s4] =	dma.local @!p0 [spmem:s11], $0x100  }
0x45a: {  	s4 =	simm.s32 @!p0 $0x7  }
0x45b: {  	_ =	swait.ge @!p0 [sflag:s4], $0x100  }
0x45c: {  	s20 =	rddreg [dreg:$0x17]  }
0x45d: {  	s22 =	rddreg [dreg:$0x15];
	s13 =	sadd.s32 $0x1, s20  }
0x45e: {  	p1 =	sne.s32 s13, s22  }
.Ltmp6:
0x45f: {  	_ = 	snop;
	(pc) =	sbr.rel @p1 .LBB2_1-.Ltmp6, $3  }
0x460: {  	_ =	sdelay $0x1  }
0x461: {  	[sflag:s4] =	ssyncset.done @!p0 $0x0  }
0x462: {  	[sflag:s4] =	ssyncadd.s32 @!p0 $0xFFFFFF00  }
0x463: {  	_ =	sfence.sel $0x180000  }
0x464: {  	[bflag:$0x0] =	sbarrier.arrive $0xFFFF  }
0x465: {  	_ =	strace $0x90000047  }
0x466: {  	s0 =	stileid.u32;
	[bflag:$0x2] =	sbarrier.arrive $0xFFFF  }
0x467: {  	p0 =	sne.s32 s0, $0x0;
	s0 =	rddreg [dreg:$0x3]  }
0x468: {  	s0 =	sadd.s32 @!p0 $0x100000, s0  }
0x469: {  	[sflag:s0] =	ssyncadd.tile.s32 @!p0 $0x1;
	_ =	shalt  }
.Lfunc_end2:
_tile_overlayer_lowered:
.L_overlay_start_2:
0x46a: {  	(tag) =	ssettag $0x2  }
0x46b: {  	s0 =	rddreg [dreg:$0x0];
	s2 =	stileid.u32  }
0x46c: {  	s1 =	rddreg [dreg:$0x1];
	p0 =	sne.s32 s2, $0x0  }
0x46d: {  	s3 =	rddreg [dreg:$0x2];
	[bflag:$0x3] =	sbarrier.arrive $0xFFFF;
	s2 =	simm.s32 @!p0 $0x1C07  }
0x46e: {  	[timem:s3], [sflag:s2] =	dma.local @!p0 [hbm:s0], s1  }
0x46f: {  	s0 =	simm.s32 @!p0 $0x7  }
0x470: {  	_ =	swait.ge @!p0 [sflag:s0], s1  }
0x471: {  	s1 =	ssub.s32 @!p0 $0x0, s1;
	[sflag:s0] =	ssyncset.done @!p0 $0x0  }
0x472: {  	[sflag:s0] =	ssyncadd.s32 @!p0 s1  }
0x473: {  	[bflag:$0x3] =	sbarrier.arrive $0xFFFF  }
0x474: {  	_ =	shalt  }

</sc_bundles>
